<compile_context>
chip_gen: v7x
topology: tpu7x:2x2x1
jax: 0.10.2.dev20260603
libtpu: 0.0.44.dev20260713+nightly
codegen_flags: <defaults>
</compile_context>

<pallas_src>
import dataclasses
import functools

import jax
import jax.numpy as jnp
from jax import lax
from jax.experimental import pallas as pl
from jax.experimental.pallas import tpu as pltpu
from jax.experimental.pallas import tpu_sc as plsc

N_NODES = 10000
N_EDGES = 320000
D_IN = 128
D_H = 128
NC = 2
NS = 16
NW = NC * NS
LANES = 16
C = 40
NPT = N_EDGES // (NW * C)
S_ROWS = 10240
ZB = S_ROWS // C
H_ROWS = 80
HIGH = jax.lax.Precision.HIGHEST

_sc_mesh = plsc.VectorSubcoreMesh(
    core_axis_name="c", subcore_axis_name="s", num_cores=NC, num_subcores=NS)

_sc_params = pltpu.CompilerParams()
_flds = pltpu.CompilerParams.__dataclass_fields__
if "needs_layout_passes" in _flds:
    _sc_params = dataclasses.replace(_sc_params, needs_layout_passes=False)



@functools.partial(
    pl.kernel,
    out_type=(jax.ShapeDtypeStruct((NC, S_ROWS, D_H), jnp.float32),
              jax.ShapeDtypeStruct((NC, H_ROWS, D_H), jnp.float32)),
    mesh=_sc_mesh,
    compiler_params=_sc_params,
    scratch_types=[
        pltpu.VMEM((C,), jnp.int32), pltpu.VMEM((C,), jnp.int32),
        pltpu.VMEM((C,), jnp.int32), pltpu.VMEM((C,), jnp.int32),
        pltpu.VMEM((C,), jnp.int32), pltpu.VMEM((C,), jnp.int32),
        pltpu.VMEM((C,), jnp.int32), pltpu.VMEM((C,), jnp.int32),
        pltpu.VMEM((C, D_H), jnp.float32), pltpu.VMEM((C, D_H), jnp.float32),
        pltpu.VMEM((C, D_H), jnp.float32), pltpu.VMEM((C, D_H), jnp.float32),
        pltpu.VMEM((H_ROWS, D_H), jnp.float32),
        pltpu.VMEM((H_ROWS,), jnp.int32),
        pltpu.SemaphoreType.DMA, pltpu.SemaphoreType.DMA,
        pltpu.SemaphoreType.DMA, pltpu.SemaphoreType.DMA,
        pltpu.SemaphoreType.DMA, pltpu.SemaphoreType.DMA,
        pltpu.SemaphoreType.DMA, pltpu.SemaphoreType.DMA,
        pltpu.VMEM_SHARED((S_ROWS, D_H), jnp.float32),
        pltpu.VMEM_SHARED((H_ROWS, D_H), jnp.float32),
    ],
)
def _sc_segment_kernel(p_hbm, e_hbm, ei_hbm, s_out, cnt_out,
                       cb0, cb1, cb2, cb3, rb0, rb1, rb2, rb3,
                       pbA, pbB, ebA, ebB, histbuf, iotabuf,
                       dsA, dsB, cs0, cs1, cs2, cs3, ssA, ssB,
                       s_shared, cnt_shared):
    cid = lax.axis_index("c")
    sid = lax.axis_index("s")
    wid = sid * NC + cid
    zeros16 = jnp.zeros((LANES,), jnp.float32)
    ones16 = jnp.ones((LANES,), jnp.float32)
    lane16 = lax.iota(jnp.int32, 16)

    @pl.loop(0, C)
    def _(r):
        for k in range(D_H // LANES):
            pbA[r, pl.ds(k * LANES, LANES)] = zeros16

    @pl.loop(0, H_ROWS)
    def _(r):
        for k in range(D_H // LANES):
            histbuf[r, pl.ds(k * LANES, LANES)] = zeros16

    for k in range(H_ROWS // LANES):
        iotabuf[pl.ds(k * LANES, LANES)] = lane16 + (k * LANES)

    @pl.loop(sid, ZB, step=NS)
    def _(b):
        pltpu.sync_copy(pbA, s_shared.at[pl.ds(b * C, C)])

    @pl.when(sid == 1)
    def _():
        pltpu.sync_copy(histbuf, cnt_shared)

    plsc.subcore_barrier()

    cbs = (cb0, cb1, cb2, cb3)
    rbs = (rb0, rb1, rb2, rb3)
    css = (cs0, cs1, cs2, cs3)

    def fetch_colrow(chunk, q):
        base = chunk * C
        pltpu.async_copy(ei_hbm.at[pl.ds(N_EDGES + base, C)], cbs[q], css[q])
        pltpu.async_copy(ei_hbm.at[pl.ds(base, C)], rbs[q], css[q])

    def do_chunk(j, t):
        chunk = wid + NW * j
        pb, eb, ds, ss = ((pbA, ebA, dsA, ssA) if t % 2 == 0
                          else (pbB, ebB, dsB, ssB))
        npb, neb, nds, nss = ((pbA, ebA, dsA, ssA) if t % 2 == 1
                             else (pbB, ebB, dsB, ssB))
        q, nq, q2 = t % 4, (t + 1) % 4, (t + 2) % 4

        pltpu.make_async_copy(p_hbm.at[cbs[q]], pb, ds).wait()
        pltpu.make_async_copy(e_hbm.at[pl.ds(0, C)], eb, ds).wait()

        @pl.when(j >= 1)
        def _():
            pltpu.make_async_copy(npb, s_shared.at[rbs[q]], nss).wait()

        @pl.when(j + 1 < NPT)
        def _():
            pltpu.make_async_copy(ei_hbm.at[pl.ds(0, C)], cbs[nq],
                                  css[nq]).wait()
            pltpu.make_async_copy(ei_hbm.at[pl.ds(0, C)], rbs[nq],
                                  css[nq]).wait()
            pltpu.async_copy(p_hbm.at[cbs[nq]], npb, nds)
            pltpu.async_copy(e_hbm.at[pl.ds((chunk + NW) * C, C)], neb, nds)

        @pl.when(j + 2 < NPT)
        def _():
            fetch_colrow(chunk + 2 * NW, q2)

        @plsc.parallel_loop(0, C, unroll=4)
        def _(r):
            for k in range(D_H // LANES):
                sl = pl.ds(k * LANES, LANES)
                pb[r, sl] = jnp.maximum(pb[r, sl] + eb[r, sl], 0.0)

        for k in range(C // LANES):
            rv = rbs[q][pl.ds(k * LANES, LANES)]
            plsc.addupdate_scatter(
                histbuf, [lax.shift_right_logical(rv, 7),
                          lax.bitwise_and(rv, 127)], ones16)
        if C % LANES:
            rv = rbs[q][pl.ds(C - LANES, LANES)]
            plsc.addupdate_scatter(
                histbuf, [lax.shift_right_logical(rv, 7),
                          lax.bitwise_and(rv, 127)], ones16,
                mask=lane16 >= (LANES - C % LANES))

        pltpu.async_copy(pb, s_shared.at[rbs[q]], ss, add=True)

    pltpu.sync_copy(ei_hbm.at[pl.ds(N_EDGES + wid * C, C)], cb0)
    pltpu.sync_copy(ei_hbm.at[pl.ds(wid * C, C)], rb0)
    pltpu.async_copy(p_hbm.at[cb0], pbA, dsA)
    pltpu.async_copy(e_hbm.at[pl.ds(wid * C, C)], ebA, dsA)
    fetch_colrow(wid + NW, 1)

    @pl.loop(0, NPT - 2, step=4)
    def _(jj):
        do_chunk(jj, 0)
        do_chunk(jj + 1, 1)
        do_chunk(jj + 2, 2)
        do_chunk(jj + 3, 3)

    do_chunk(NPT - 2, 0)
    do_chunk(NPT - 1, 1)

    pltpu.make_async_copy(pbB, s_shared.at[rb1], ssB).wait()

    pltpu.sync_copy(histbuf, cnt_shared.at[iotabuf], add=True)

    plsc.subcore_barrier()

    @pl.loop(sid, ZB, step=NS)
    def _(b):
        pltpu.sync_copy(s_shared.at[pl.ds(b * C, C)],
                        s_out.at[cid].at[pl.ds(b * C, C)])

    @pl.when(sid == 1)
    def _():
        pltpu.sync_copy(cnt_shared, cnt_out.at[cid])


def _node_proj_body(nf_ref, w_ref, b_ref, out_ref):
    out_ref[...] = lax.dot_general(
        nf_ref[...], w_ref[...], (((1,), (0,)), ((), ())),
        preferred_element_type=jnp.float32) + b_ref[...]


def _edge_proj_body(ea_ref, w_ref, out_ref):
    out_ref[...] = lax.dot_general(
        ea_ref[...].astype(jnp.bfloat16), w_ref[...].astype(jnp.bfloat16),
        (((0,), (0,)), ((), ())), preferred_element_type=jnp.float32)


def _final_body(p0_ref, p1_ref, c0_ref, c1_ref, nf_ref, w2_ref, b2_ref,
                w3n_ref, w3m_ref, b3_ref, w4_ref, b4_ref, out_ref):
    s = p0_ref[0] + p1_ref[0]
    h = c0_ref[0] + c1_ref[0]
    nb, hb = s.shape[0], h.shape[0]
    r_id = lax.broadcasted_iota(jnp.int32, (nb, hb), 0) // D_H
    onehot_r = (r_id == lax.broadcasted_iota(jnp.int32, (nb, hb), 1))
    m = lax.dot_general(onehot_r.astype(jnp.float32), h,
                        (((1,), (0,)), ((), ())),
                        preferred_element_type=jnp.float32, precision=HIGH)
    lane = lax.broadcasted_iota(jnp.int32, (nb, D_H), 1)
    nmod = lax.broadcasted_iota(jnp.int32, (nb, D_H), 0) % D_H
    cnt = jnp.sum(jnp.where(lane == nmod, m, 0.0), axis=1, keepdims=True)
    sum_t = lax.dot_general(s, w2_ref[...], (((1,), (0,)), ((), ())),
                            preferred_element_type=jnp.float32) \
        + cnt * b2_ref[...]
    agg = sum_t / jnp.maximum(cnt, 1.0)
    u = lax.dot_general(nf_ref[...], w3n_ref[...], (((1,), (0,)), ((), ())),
                        preferred_element_type=jnp.float32)
    u = u + lax.dot_general(agg, w3m_ref[...], (((1,), (0,)), ((), ())),
                            preferred_element_type=jnp.float32) + b3_ref[...]
    u = jnp.maximum(u, 0.0)
    out_ref[...] = lax.dot_general(
        u, w4_ref[...], (((1,), (0,)), ((), ())),
        preferred_element_type=jnp.float32) + b4_ref[...]


def kernel(node_feat, edge_index, edge_attr, W1, b1, W2, b2, W3, b3, W4, b4):
    w1n, w1e = W1[:D_IN], W1[D_IN:]
    w3n, w3m = W3[:D_IN], W3[D_IN:]
    ea_t = edge_attr.T

    p = pl.pallas_call(
        _node_proj_body,
        out_shape=jax.ShapeDtypeStruct((N_NODES, D_H), jnp.float32),
    )(node_feat, w1n, b1.reshape(1, D_H))

    eb = 12800
    e = pl.pallas_call(
        _edge_proj_body,
        grid=(N_EDGES // eb,),
        in_specs=[pl.BlockSpec((16, eb), lambda i: (0, i)),
                  pl.BlockSpec((16, D_H), lambda i: (0, 0))],
        out_specs=pl.BlockSpec((eb, D_H), lambda i: (i, 0)),
        out_shape=jax.ShapeDtypeStruct((N_EDGES, D_H), jnp.float32),
    )(ea_t, w1e)

    partials, counts = _sc_segment_kernel(p, e, edge_index.reshape(-1))
    nf_pad = jnp.concatenate(
        [node_feat, jnp.zeros((S_ROWS - N_NODES, D_IN), jnp.float32)])

    nb = 1024
    hb = nb // D_H
    out = pl.pallas_call(
        _final_body,
        grid=(S_ROWS // nb,),
        in_specs=[pl.BlockSpec((1, nb, D_H), lambda i: (0, i, 0)),
                  pl.BlockSpec((1, nb, D_H), lambda i: (1, i, 0)),
                  pl.BlockSpec((1, hb, D_H), lambda i: (0, i, 0)),
                  pl.BlockSpec((1, hb, D_H), lambda i: (1, i, 0)),
                  pl.BlockSpec((nb, D_IN), lambda i: (i, 0)),
                  pl.BlockSpec((D_H, D_H), lambda i: (0, 0)),
                  pl.BlockSpec((1, D_H), lambda i: (0, 0)),
                  pl.BlockSpec((D_IN, D_H), lambda i: (0, 0)),
                  pl.BlockSpec((D_H, D_H), lambda i: (0, 0)),
                  pl.BlockSpec((1, D_H), lambda i: (0, 0)),
                  pl.BlockSpec((D_H, D_H), lambda i: (0, 0)),
                  pl.BlockSpec((1, D_H), lambda i: (0, 0))],
        out_specs=pl.BlockSpec((nb, D_H), lambda i: (i, 0)),
        out_shape=jax.ShapeDtypeStruct((S_ROWS, D_H), jnp.float32),
    )(partials, partials, counts, counts, nf_pad, W2,
      b2.reshape(1, D_H), w3n, w3m, b3.reshape(1, D_H), W4,
      b4.reshape(1, D_H))

    return out[:N_NODES]

# --- scband reference (transcript-rebuilt; emitter-appended) ---
"""Pipeline reference for scband-node-model-14628658610613 (READ-ONLY COPY).

The authoritative reference and input builder live on the scoring server;
editing this copy changes nothing except your own understanding.
"""

import jax, jax.numpy as jnp
import numpy as np

N_NODES = 10000
N_EDGES = 320000
D_IN = 128
D_EDGE = 16
D_H = 128
D_OUT = 128


def setup_inputs(seed: int = 0) -> dict:
    key = jax.random.key(seed)
    ks = jax.random.split(key, 12)
    node_feat = jax.random.normal(ks[0], (N_NODES, D_IN), dtype=jnp.float32)
    edge_index = jax.random.randint(ks[1], (2, N_EDGES), 0, N_NODES)
    edge_attr = jax.random.normal(ks[2], (N_EDGES, D_EDGE), dtype=jnp.float32)
    W1 = jax.random.normal(ks[3], (D_EDGE + D_IN, D_H), dtype=jnp.float32) * 0.05
    b1 = jnp.zeros((D_H,), dtype=jnp.float32)
    W2 = jax.random.normal(ks[4], (D_H, D_H), dtype=jnp.float32) * 0.05
    b2 = jnp.zeros((D_H,), dtype=jnp.float32)
    W3 = jax.random.normal(ks[5], (D_H + D_IN, D_H), dtype=jnp.float32) * 0.05
    b3 = jnp.zeros((D_H,), dtype=jnp.float32)
    W4 = jax.random.normal(ks[6], (D_H, D_OUT), dtype=jnp.float32) * 0.05
    b4 = jnp.zeros((D_OUT,), dtype=jnp.float32)
    return {"node_feat": node_feat, "edge_index": edge_index, "edge_attr": edge_attr,
            "W1": W1, "b1": b1, "W2": W2, "b2": b2, "W3": W3, "b3": b3, "W4": W4, "b4": b4}


def reference(node_feat, edge_index, edge_attr, W1, b1, W2, b2, W3, b3, W4, b4):
    row = edge_index[0]
    col = edge_index[1]
    # message MLP over edges: cat([node_feat[col], edge_attr]) -> Linear -> ReLU -> Linear
    agg_input = jnp.concatenate([jnp.take(node_feat, col, axis=0), edge_attr], axis=1)
    h = jnp.maximum(agg_input @ W1 + b1, 0.0) @ W2 + b2
    # scatter_mean onto destination (row) nodes
    n = node_feat.shape[0]
    sum_t = jax.ops.segment_sum(h, row, num_segments=n)
    cnt = jax.ops.segment_sum(jnp.ones((row.shape[0],), dtype=jnp.float32), row, num_segments=n)
    cnt = jnp.clip(cnt, 1.0, None)
    agg_msg = sum_t / cnt[:, None]
    # node update MLP
    update_feat = jnp.concatenate([node_feat, agg_msg], axis=1)
    out = jnp.maximum(update_feat @ W3 + b3, 0.0) @ W4 + b4
    return out

if __name__ == "__main__":
    import jax
    _d = setup_inputs()
    print(jax.jit(kernel)(*tuple(_d.values())))

</pallas_src>

<mosaic_0001>
#map = affine_map<(d0, d1) -> (0, 0)>
#map1 = affine_map<(d0, d1) -> (0)>
#map2 = affine_map<(d0, d1) -> (0, 0, 0)>
module attributes {stable_mosaic.version = 14 : i64} {
  func.func @_sc_segment_kernel(%arg0: i32, %arg1: i32, %arg2: memref<10000x128xf32, #tpu.memory_space<hbm>>, %arg3: memref<320000x128xf32, #tpu.memory_space<hbm>>, %arg4: memref<640000xi32, #tpu.memory_space<hbm>>, %arg5: memref<2x10240x128xf32, #tpu.memory_space<hbm>>, %arg6: memref<2x80x128xf32, #tpu.memory_space<hbm>>, %arg7: memref<40xi32, #tpu.memory_space<vmem>>, %arg8: memref<40xi32, #tpu.memory_space<vmem>>, %arg9: memref<40xi32, #tpu.memory_space<vmem>>, %arg10: memref<40xi32, #tpu.memory_space<vmem>>, %arg11: memref<40xi32, #tpu.memory_space<vmem>>, %arg12: memref<40xi32, #tpu.memory_space<vmem>>, %arg13: memref<40xi32, #tpu.memory_space<vmem>>, %arg14: memref<40xi32, #tpu.memory_space<vmem>>, %arg15: memref<40x128xf32, #tpu.memory_space<vmem>>, %arg16: memref<40x128xf32, #tpu.memory_space<vmem>>, %arg17: memref<40x128xf32, #tpu.memory_space<vmem>>, %arg18: memref<40x128xf32, #tpu.memory_space<vmem>>, %arg19: memref<80x128xf32, #tpu.memory_space<vmem>>, %arg20: memref<80xi32, #tpu.memory_space<vmem>>, %arg21: memref<!tpu.dma_semaphore, #tpu.memory_space<semaphore_mem>>, %arg22: memref<!tpu.dma_semaphore, #tpu.memory_space<semaphore_mem>>, %arg23: memref<!tpu.dma_semaphore, #tpu.memory_space<semaphore_mem>>, %arg24: memref<!tpu.dma_semaphore, #tpu.memory_space<semaphore_mem>>, %arg25: memref<!tpu.dma_semaphore, #tpu.memory_space<semaphore_mem>>, %arg26: memref<!tpu.dma_semaphore, #tpu.memory_space<semaphore_mem>>, %arg27: memref<!tpu.dma_semaphore, #tpu.memory_space<semaphore_mem>>, %arg28: memref<!tpu.dma_semaphore, #tpu.memory_space<semaphore_mem>>, %arg29: memref<10240x128xf32, #tpu.memory_space<vmem_shared>>, %arg30: memref<80x128xf32, #tpu.memory_space<vmem_shared>>) attributes {dimension_semantics = [#tpu.dimension_semantics<core_parallel>, #tpu.dimension_semantics<subcore_parallel>], iteration_bounds = array<i64: 2, 16>, scalar_prefetch = 0 : i64, scratch_operands = 24 : i64, tpu.core_type = #tpu.core_type<sc_vector_subcore>, window_params = [{transform_indices = #map}, {transform_indices = #map}, {transform_indices = #map1}, {transform_indices = #map2}, {transform_indices = #map2}]} {
    %mul3A = arith.constant 2 : i32
    %mul3A_0 = arith.muli %arg1, %mul3A : i32
    %add3A = arith.addi %mul3A_0, %arg0 : i32
    %broadcast_in_dim3A = arith.constant 0.000000e+00 : f32
    %broadcast_in_dim3A_1 = vector.broadcast %broadcast_in_dim3A : f32 to vector<16xf32>
    %broadcast_in_dim3A_2 = arith.constant 1.000000e+00 : f32
    %broadcast_in_dim3A_3 = vector.broadcast %broadcast_in_dim3A_2 : f32 to vector<16xf32>
    %iota3A = tpu.iota {dimensions = array<i32: 0>} : vector<16xi32>
    %scan3A = arith.constant 0 : i32
    %scan3A_4 = arith.constant 40 : i32
    %scan3A_5 = arith.addi %scan3A, %scan3A_4 : i32
    %scan3A_6 = arith.constant 1 : i32
    scf.for %scan3A_217 = %scan3A to %scan3A_5 step %scan3A_6  : i32 {
      %mul3A_218 = arith.constant 1 : i32
      %mul3A_219 = arith.muli %scan3A_217, %mul3A_218 : i32
      %add3A_220 = arith.constant 0 : i32
      %add3A_221 = arith.addi %add3A_220, %mul3A_219 : i32
      %swap3A_222 = arith.index_cast %add3A_221 : i32 to index
      %swap3A_223 = arith.constant 0 : index
      %swap3A_224 = tpu.vector_load %arg15[%swap3A_222, %swap3A_223] {strides = array<i32>} : memref<40x128xf32, #tpu.memory_space<vmem>>, vector<16xf32>,
      tpu.vector_store %arg15[%swap3A_222, %swap3A_223], %broadcast_in_dim3A_1 {strides = array<i32>} : memref<40x128xf32, #tpu.memory_space<vmem>>, vector<16xf32>,
      %swap3A_225 = arith.index_cast %add3A_221 : i32 to index
      %swap3A_226 = arith.constant 16 : index
      %swap3A_227 = tpu.vector_load %arg15[%swap3A_225, %swap3A_226] {strides = array<i32>} : memref<40x128xf32, #tpu.memory_space<vmem>>, vector<16xf32>,
      tpu.vector_store %arg15[%swap3A_225, %swap3A_226], %broadcast_in_dim3A_1 {strides = array<i32>} : memref<40x128xf32, #tpu.memory_space<vmem>>, vector<16xf32>,
      %swap3A_228 = arith.index_cast %add3A_221 : i32 to index
      %swap3A_229 = arith.constant 32 : index
      %swap3A_230 = tpu.vector_load %arg15[%swap3A_228, %swap3A_229] {strides = array<i32>} : memref<40x128xf32, #tpu.memory_space<vmem>>, vector<16xf32>,
      tpu.vector_store %arg15[%swap3A_228, %swap3A_229], %broadcast_in_dim3A_1 {strides = array<i32>} : memref<40x128xf32, #tpu.memory_space<vmem>>, vector<16xf32>,
      %swap3A_231 = arith.index_cast %add3A_221 : i32 to index
      %swap3A_232 = arith.constant 48 : index
      %swap3A_233 = tpu.vector_load %arg15[%swap3A_231, %swap3A_232] {strides = array<i32>} : memref<40x128xf32, #tpu.memory_space<vmem>>, vector<16xf32>,
      tpu.vector_store %arg15[%swap3A_231, %swap3A_232], %broadcast_in_dim3A_1 {strides = array<i32>} : memref<40x128xf32, #tpu.memory_space<vmem>>, vector<16xf32>,
      %swap3A_234 = arith.index_cast %add3A_221 : i32 to index
      %swap3A_235 = arith.constant 64 : index
      %swap3A_236 = tpu.vector_load %arg15[%swap3A_234, %swap3A_235] {strides = array<i32>} : memref<40x128xf32, #tpu.memory_space<vmem>>, vector<16xf32>,
      tpu.vector_store %arg15[%swap3A_234, %swap3A_235], %broadcast_in_dim3A_1 {strides = array<i32>} : memref<40x128xf32, #tpu.memory_space<vmem>>, vector<16xf32>,
      %swap3A_237 = arith.index_cast %add3A_221 : i32 to index
      %swap3A_238 = arith.constant 80 : index
      %swap3A_239 = tpu.vector_load %arg15[%swap3A_237, %swap3A_238] {strides = array<i32>} : memref<40x128xf32, #tpu.memory_space<vmem>>, vector<16xf32>,
      tpu.vector_store %arg15[%swap3A_237, %swap3A_238], %broadcast_in_dim3A_1 {strides = array<i32>} : memref<40x128xf32, #tpu.memory_space<vmem>>, vector<16xf32>,
      %swap3A_240 = arith.index_cast %add3A_221 : i32 to index
      %swap3A_241 = arith.constant 96 : index
      %swap3A_242 = tpu.vector_load %arg15[%swap3A_240, %swap3A_241] {strides = array<i32>} : memref<40x128xf32, #tpu.memory_space<vmem>>, vector<16xf32>,
      tpu.vector_store %arg15[%swap3A_240, %swap3A_241], %broadcast_in_dim3A_1 {strides = array<i32>} : memref<40x128xf32, #tpu.memory_space<vmem>>, vector<16xf32>,
      %swap3A_243 = arith.index_cast %add3A_221 : i32 to index
      %swap3A_244 = arith.constant 112 : index
      %swap3A_245 = tpu.vector_load %arg15[%swap3A_243, %swap3A_244] {strides = array<i32>} : memref<40x128xf32, #tpu.memory_space<vmem>>, vector<16xf32>,
      tpu.vector_store %arg15[%swap3A_243, %swap3A_244], %broadcast_in_dim3A_1 {strides = array<i32>} : memref<40x128xf32, #tpu.memory_space<vmem>>, vector<16xf32>,
    }
    %scan3A_7 = arith.constant 40 : i32
    %scan3A_8 = arith.constant 0 : i32
    %scan3A_9 = arith.constant 80 : i32
    %scan3A_10 = arith.addi %scan3A_8, %scan3A_9 : i32
    %scan3A_11 = arith.constant 1 : i32
    scf.for %scan3A_217 = %scan3A_8 to %scan3A_10 step %scan3A_11  : i32 {
      %mul3A_218 = arith.constant 1 : i32
      %mul3A_219 = arith.muli %scan3A_217, %mul3A_218 : i32
      %add3A_220 = arith.constant 0 : i32
      %add3A_221 = arith.addi %add3A_220, %mul3A_219 : i32
      %swap3A_222 = arith.index_cast %add3A_221 : i32 to index
      %swap3A_223 = arith.constant 0 : index
      %swap3A_224 = tpu.vector_load %arg19[%swap3A_222, %swap3A_223] {strides = array<i32>} : memref<80x128xf32, #tpu.memory_space<vmem>>, vector<16xf32>,
      tpu.vector_store %arg19[%swap3A_222, %swap3A_223], %broadcast_in_dim3A_1 {strides = array<i32>} : memref<80x128xf32, #tpu.memory_space<vmem>>, vector<16xf32>,
      %swap3A_225 = arith.index_cast %add3A_221 : i32 to index
      %swap3A_226 = arith.constant 16 : index
      %swap3A_227 = tpu.vector_load %arg19[%swap3A_225, %swap3A_226] {strides = array<i32>} : memref<80x128xf32, #tpu.memory_space<vmem>>, vector<16xf32>,
      tpu.vector_store %arg19[%swap3A_225, %swap3A_226], %broadcast_in_dim3A_1 {strides = array<i32>} : memref<80x128xf32, #tpu.memory_space<vmem>>, vector<16xf32>,
      %swap3A_228 = arith.index_cast %add3A_221 : i32 to index
      %swap3A_229 = arith.constant 32 : index
      %swap3A_230 = tpu.vector_load %arg19[%swap3A_228, %swap3A_229] {strides = array<i32>} : memref<80x128xf32, #tpu.memory_space<vmem>>, vector<16xf32>,
      tpu.vector_store %arg19[%swap3A_228, %swap3A_229], %broadcast_in_dim3A_1 {strides = array<i32>} : memref<80x128xf32, #tpu.memory_space<vmem>>, vector<16xf32>,
      %swap3A_231 = arith.index_cast %add3A_221 : i32 to index
      %swap3A_232 = arith.constant 48 : index
      %swap3A_233 = tpu.vector_load %arg19[%swap3A_231, %swap3A_232] {strides = array<i32>} : memref<80x128xf32, #tpu.memory_space<vmem>>, vector<16xf32>,
      tpu.vector_store %arg19[%swap3A_231, %swap3A_232], %broadcast_in_dim3A_1 {strides = array<i32>} : memref<80x128xf32, #tpu.memory_space<vmem>>, vector<16xf32>,
      %swap3A_234 = arith.index_cast %add3A_221 : i32 to index
      %swap3A_235 = arith.constant 64 : index
      %swap3A_236 = tpu.vector_load %arg19[%swap3A_234, %swap3A_235] {strides = array<i32>} : memref<80x128xf32, #tpu.memory_space<vmem>>, vector<16xf32>,
      tpu.vector_store %arg19[%swap3A_234, %swap3A_235], %broadcast_in_dim3A_1 {strides = array<i32>} : memref<80x128xf32, #tpu.memory_space<vmem>>, vector<16xf32>,
      %swap3A_237 = arith.index_cast %add3A_221 : i32 to index
      %swap3A_238 = arith.constant 80 : index
      %swap3A_239 = tpu.vector_load %arg19[%swap3A_237, %swap3A_238] {strides = array<i32>} : memref<80x128xf32, #tpu.memory_space<vmem>>, vector<16xf32>,
      tpu.vector_store %arg19[%swap3A_237, %swap3A_238], %broadcast_in_dim3A_1 {strides = array<i32>} : memref<80x128xf32, #tpu.memory_space<vmem>>, vector<16xf32>,
      %swap3A_240 = arith.index_cast %add3A_221 : i32 to index
      %swap3A_241 = arith.constant 96 : index
      %swap3A_242 = tpu.vector_load %arg19[%swap3A_240, %swap3A_241] {strides = array<i32>} : memref<80x128xf32, #tpu.memory_space<vmem>>, vector<16xf32>,
      tpu.vector_store %arg19[%swap3A_240, %swap3A_241], %broadcast_in_dim3A_1 {strides = array<i32>} : memref<80x128xf32, #tpu.memory_space<vmem>>, vector<16xf32>,
      %swap3A_243 = arith.index_cast %add3A_221 : i32 to index
      %swap3A_244 = arith.constant 112 : index
      %swap3A_245 = tpu.vector_load %arg19[%swap3A_243, %swap3A_244] {strides = array<i32>} : memref<80x128xf32, #tpu.memory_space<vmem>>, vector<16xf32>,
      tpu.vector_store %arg19[%swap3A_243, %swap3A_244], %broadcast_in_dim3A_1 {strides = array<i32>} : memref<80x128xf32, #tpu.memory_space<vmem>>, vector<16xf32>,
    }
    %scan3A_12 = arith.constant 80 : i32
    %add3A_13 = arith.constant 0 : i32
    %add3A_14 = vector.broadcast %add3A_13 : i32 to vector<16xi32>
    %add3A_15 = arith.addi %iota3A, %add3A_14 : vector<16xi32>
    %swap3A = arith.constant 0 : index
    %swap3A_16 = tpu.vector_load %arg20[%swap3A] {strides = array<i32>} : memref<80xi32, #tpu.memory_space<vmem>>, vector<16xi32>,
    tpu.vector_store %arg20[%swap3A], %add3A_15 {strides = array<i32>} : memref<80xi32, #tpu.memory_space<vmem>>, vector<16xi32>,
    %add3A_17 = arith.constant 16 : i32
    %add3A_18 = vector.broadcast %add3A_17 : i32 to vector<16xi32>
    %add3A_19 = arith.addi %iota3A, %add3A_18 : vector<16xi32>
    %swap3A_20 = arith.constant 16 : index
    %swap3A_21 = tpu.vector_load %arg20[%swap3A_20] {strides = array<i32>} : memref<80xi32, #tpu.memory_space<vmem>>, vector<16xi32>,
    tpu.vector_store %arg20[%swap3A_20], %add3A_19 {strides = array<i32>} : memref<80xi32, #tpu.memory_space<vmem>>, vector<16xi32>,
    %add3A_22 = arith.constant 32 : i32
    %add3A_23 = vector.broadcast %add3A_22 : i32 to vector<16xi32>
    %add3A_24 = arith.addi %iota3A, %add3A_23 : vector<16xi32>
    %swap3A_25 = arith.constant 32 : index
    %swap3A_26 = tpu.vector_load %arg20[%swap3A_25] {strides = array<i32>} : memref<80xi32, #tpu.memory_space<vmem>>, vector<16xi32>,
    tpu.vector_store %arg20[%swap3A_25], %add3A_24 {strides = array<i32>} : memref<80xi32, #tpu.memory_space<vmem>>, vector<16xi32>,
    %add3A_27 = arith.constant 48 : i32
    %add3A_28 = vector.broadcast %add3A_27 : i32 to vector<16xi32>
    %add3A_29 = arith.addi %iota3A, %add3A_28 : vector<16xi32>
    %swap3A_30 = arith.constant 48 : index
    %swap3A_31 = tpu.vector_load %arg20[%swap3A_30] {strides = array<i32>} : memref<80xi32, #tpu.memory_space<vmem>>, vector<16xi32>,
    tpu.vector_store %arg20[%swap3A_30], %add3A_29 {strides = array<i32>} : memref<80xi32, #tpu.memory_space<vmem>>, vector<16xi32>,
    %add3A_32 = arith.constant 64 : i32
    %add3A_33 = vector.broadcast %add3A_32 : i32 to vector<16xi32>
    %add3A_34 = arith.addi %iota3A, %add3A_33 : vector<16xi32>
    %swap3A_35 = arith.constant 64 : index
    %swap3A_36 = tpu.vector_load %arg20[%swap3A_35] {strides = array<i32>} : memref<80xi32, #tpu.memory_space<vmem>>, vector<16xi32>,
    tpu.vector_store %arg20[%swap3A_35], %add3A_34 {strides = array<i32>} : memref<80xi32, #tpu.memory_space<vmem>>, vector<16xi32>,
    %sub3A = arith.constant 256 : i32
    %sub3A_37 = arith.subi %sub3A, %arg1 : i32
    %sub3A_38 = arith.constant 16 : i32
    %sub3A_39 = arith.constant 1 : i32
    %sub3A_40 = arith.subi %sub3A_38, %sub3A_39 : i32
    %add3A_41 = arith.addi %sub3A_37, %sub3A_40 : i32
    %div3A = arith.constant 16 : i32
    %div3A_42 = arith.divsi %add3A_41, %div3A : i32
    %while3A = arith.constant 16 : i32
    %while3A_43 = arith.constant 0 : i32
    %while3A_44 = arith.subi %div3A_42, %while3A_43 : i32
    %while3A_45 = arith.addi %while3A_43, %while3A_44 : i32
    %while3A_46 = arith.constant 1 : i32
    %while3A_47 = arith.divsi %while3A_44, %while3A_46 : i32
    %while3A_48 = arith.muli %while3A_47, %while3A_46 : i32
    %while3A_49 = arith.addi %while3A_43, %while3A_48 : i32
    %while3A_50 = arith.constant 1 : i32
    scf.for %while3A_217 = %while3A_43 to %while3A_49 step %while3A_50  : i32 {
      %mul3A_218 = arith.muli %while3A_217, %while3A : i32
      %add3A_219 = arith.addi %arg1, %mul3A_218 : i32
      %mul3A_220 = arith.constant 40 : i32
      %mul3A_221 = arith.muli %add3A_219, %mul3A_220 : i32
      "tpu.region"() ({
        %run_scoped3A = tpu.sem_alloc : memref<!tpu.dma_semaphore, #tpu.memory_space<semaphore_mem>>
        %dma_start3A_222 = arith.constant 0 : i32
        %dma_start3A_223 = tpu.memref_slice %arg29[%mul3A_221, %dma_start3A_222] : memref<10240x128xf32, #tpu.memory_space<vmem_shared>> -> memref<40x128xf32, #tpu.memory_space<vmem_shared>>
        %dma_start3A_224 = arith.constant 0 : i32
        %dma_start3A_225 = tpu.memref_slice %arg29[%mul3A_221, %dma_start3A_224] : memref<10240x128xf32, #tpu.memory_space<vmem_shared>> -> memref<40x128xf32, #tpu.memory_space<vmem_shared>>
        tpu.enqueue_dma source(%arg15 : memref<40x128xf32, #tpu.memory_space<vmem>>) target(%dma_start3A_225 : memref<40x128xf32, #tpu.memory_space<vmem_shared>>) target_semaphore(%run_scoped3A : memref<!tpu.dma_semaphore, #tpu.memory_space<semaphore_mem>>)
        %dma_wait3A_226 = arith.constant 0 : i32
        %dma_wait3A_227 = tpu.memref_slice %arg29[%mul3A_221, %dma_wait3A_226] : memref<10240x128xf32, #tpu.memory_space<vmem_shared>> -> memref<40x128xf32, #tpu.memory_space<vmem_shared>>
        %dma_wait3A_228 = arith.constant 0 : i32
        %dma_wait3A_229 = tpu.memref_slice %arg29[%mul3A_221, %dma_wait3A_228] : memref<10240x128xf32, #tpu.memory_space<vmem_shared>> -> memref<40x128xf32, #tpu.memory_space<vmem_shared>>
        tpu.wait_dma2 semaphore(%run_scoped3A : memref<!tpu.dma_semaphore, #tpu.memory_space<semaphore_mem>>) src(%arg15 : memref<40x128xf32, #tpu.memory_space<vmem>>) dst(%dma_wait3A_229 : memref<40x128xf32, #tpu.memory_space<vmem_shared>>)
        tpu.yield
      }) : () -> ()
    }
    %while3A_51 = arith.constant 1 : i32
    scf.for %while3A_217 = %while3A_49 to %while3A_45 step %while3A_51  : i32 {
      %mul3A_218 = arith.muli %while3A_217, %while3A : i32
      %add3A_219 = arith.addi %arg1, %mul3A_218 : i32
      %mul3A_220 = arith.constant 40 : i32
      %mul3A_221 = arith.muli %add3A_219, %mul3A_220 : i32
      "tpu.region"() ({
        %run_scoped3A = tpu.sem_alloc : memref<!tpu.dma_semaphore, #tpu.memory_space<semaphore_mem>>
        %dma_start3A_222 = arith.constant 0 : i32
        %dma_start3A_223 = tpu.memref_slice %arg29[%mul3A_221, %dma_start3A_222] : memref<10240x128xf32, #tpu.memory_space<vmem_shared>> -> memref<40x128xf32, #tpu.memory_space<vmem_shared>>
        %dma_start3A_224 = arith.constant 0 : i32
        %dma_start3A_225 = tpu.memref_slice %arg29[%mul3A_221, %dma_start3A_224] : memref<10240x128xf32, #tpu.memory_space<vmem_shared>> -> memref<40x128xf32, #tpu.memory_space<vmem_shared>>
        tpu.enqueue_dma source(%arg15 : memref<40x128xf32, #tpu.memory_space<vmem>>) target(%dma_start3A_225 : memref<40x128xf32, #tpu.memory_space<vmem_shared>>) target_semaphore(%run_scoped3A : memref<!tpu.dma_semaphore, #tpu.memory_space<semaphore_mem>>)
        %dma_wait3A_226 = arith.constant 0 : i32
        %dma_wait3A_227 = tpu.memref_slice %arg29[%mul3A_221, %dma_wait3A_226] : memref<10240x128xf32, #tpu.memory_space<vmem_shared>> -> memref<40x128xf32, #tpu.memory_space<vmem_shared>>
        %dma_wait3A_228 = arith.constant 0 : i32
        %dma_wait3A_229 = tpu.memref_slice %arg29[%mul3A_221, %dma_wait3A_228] : memref<10240x128xf32, #tpu.memory_space<vmem_shared>> -> memref<40x128xf32, #tpu.memory_space<vmem_shared>>
        tpu.wait_dma2 semaphore(%run_scoped3A : memref<!tpu.dma_semaphore, #tpu.memory_space<semaphore_mem>>) src(%arg15 : memref<40x128xf32, #tpu.memory_space<vmem>>) dst(%dma_wait3A_229 : memref<40x128xf32, #tpu.memory_space<vmem_shared>>)
        tpu.yield
      }) : () -> ()
    }
    %eq3A = arith.constant 1 : i32
    %eq3A_52 = arith.cmpi eq, %arg1, %eq3A : i32
    %convert_element_type3A = arith.extui %eq3A_52 : i1 to i32
    %cond3A = arith.constant 0 : i32
    %cond3A_53 = arith.cmpi ne, %convert_element_type3A, %cond3A : i32
    scf.if %cond3A_53 {
      "tpu.region"() ({
        %run_scoped3A = tpu.sem_alloc : memref<!tpu.dma_semaphore, #tpu.memory_space<semaphore_mem>>
        tpu.enqueue_dma source(%arg19 : memref<80x128xf32, #tpu.memory_space<vmem>>) target(%arg30 : memref<80x128xf32, #tpu.memory_space<vmem_shared>>) target_semaphore(%run_scoped3A : memref<!tpu.dma_semaphore, #tpu.memory_space<semaphore_mem>>)
        tpu.wait_dma2 semaphore(%run_scoped3A : memref<!tpu.dma_semaphore, #tpu.memory_space<semaphore_mem>>) src(%arg19 : memref<80x128xf32, #tpu.memory_space<vmem>>) dst(%arg30 : memref<80x128xf32, #tpu.memory_space<vmem_shared>>)
        tpu.yield
      }) : () -> ()
    } else {
    }
    %barrier3A = arith.constant 0 : index
    tpu.barrier barrier_id(%barrier3A)
    %mul3A_54 = arith.constant 40 : i32
    %mul3A_55 = arith.muli %add3A, %mul3A_54 : i32
    %add3A_56 = arith.constant 320000 : i32
    %add3A_57 = arith.addi %add3A_56, %mul3A_55 : i32
    "tpu.region"() ({
      %run_scoped3A = tpu.sem_alloc : memref<!tpu.dma_semaphore, #tpu.memory_space<semaphore_mem>>
      %dma_start3A_217 = tpu.memref_slice %arg4[%add3A_57] : memref<640000xi32, #tpu.memory_space<hbm>> -> memref<40xi32, #tpu.memory_space<hbm>>
      %dma_start3A_218 = tpu.memref_slice %arg4[%add3A_57] : memref<640000xi32, #tpu.memory_space<hbm>> -> memref<40xi32, #tpu.memory_space<hbm>>
      tpu.enqueue_dma source(%dma_start3A_218 : memref<40xi32, #tpu.memory_space<hbm>>) target(%arg7 : memref<40xi32, #tpu.memory_space<vmem>>) target_semaphore(%run_scoped3A : memref<!tpu.dma_semaphore, #tpu.memory_space<semaphore_mem>>)
      %dma_wait3A_219 = tpu.memref_slice %arg4[%add3A_57] : memref<640000xi32, #tpu.memory_space<hbm>> -> memref<40xi32, #tpu.memory_space<hbm>>
      %dma_wait3A_220 = tpu.memref_slice %arg4[%add3A_57] : memref<640000xi32, #tpu.memory_space<hbm>> -> memref<40xi32, #tpu.memory_space<hbm>>
      tpu.wait_dma2 semaphore(%run_scoped3A : memref<!tpu.dma_semaphore, #tpu.memory_space<semaphore_mem>>) src(%dma_wait3A_220 : memref<40xi32, #tpu.memory_space<hbm>>) dst(%arg7 : memref<40xi32, #tpu.memory_space<vmem>>)
      tpu.yield
    }) : () -> ()
    %mul3A_58 = arith.constant 40 : i32
    %mul3A_59 = arith.muli %add3A, %mul3A_58 : i32
    "tpu.region"() ({
      %run_scoped3A = tpu.sem_alloc : memref<!tpu.dma_semaphore, #tpu.memory_space<semaphore_mem>>
      %dma_start3A_217 = tpu.memref_slice %arg4[%mul3A_59] : memref<640000xi32, #tpu.memory_space<hbm>> -> memref<40xi32, #tpu.memory_space<hbm>>
      %dma_start3A_218 = tpu.memref_slice %arg4[%mul3A_59] : memref<640000xi32, #tpu.memory_space<hbm>> -> memref<40xi32, #tpu.memory_space<hbm>>
      tpu.enqueue_dma source(%dma_start3A_218 : memref<40xi32, #tpu.memory_space<hbm>>) target(%arg11 : memref<40xi32, #tpu.memory_space<vmem>>) target_semaphore(%run_scoped3A : memref<!tpu.dma_semaphore, #tpu.memory_space<semaphore_mem>>)
      %dma_wait3A_219 = tpu.memref_slice %arg4[%mul3A_59] : memref<640000xi32, #tpu.memory_space<hbm>> -> memref<40xi32, #tpu.memory_space<hbm>>
      %dma_wait3A_220 = tpu.memref_slice %arg4[%mul3A_59] : memref<640000xi32, #tpu.memory_space<hbm>> -> memref<40xi32, #tpu.memory_space<hbm>>
      tpu.wait_dma2 semaphore(%run_scoped3A : memref<!tpu.dma_semaphore, #tpu.memory_space<semaphore_mem>>) src(%dma_wait3A_220 : memref<40xi32, #tpu.memory_space<hbm>>) dst(%arg11 : memref<40xi32, #tpu.memory_space<vmem>>)
      tpu.yield
    }) : () -> ()
    %dma_start3A = arith.constant 0 : i32
    %dma_start3A_60 = arith.constant 0 : i32
    %dma_start3A_61 = tpu.memref_slice %arg2[%dma_start3A, %dma_start3A_60] : memref<10000x128xf32, #tpu.memory_space<hbm>> -> memref<10000x128xf32, #tpu.memory_space<hbm>>
    tpu.enqueue_indirect_dma source(%dma_start3A_61 : memref<10000x128xf32, #tpu.memory_space<hbm>>) target(%arg15 : memref<40x128xf32, #tpu.memory_space<vmem>>) offsets(%arg7 : memref<40xi32, #tpu.memory_space<vmem>>) semaphore(%arg21 : memref<!tpu.dma_semaphore, #tpu.memory_space<semaphore_mem>>)
    %mul3A_62 = arith.constant 40 : i32
    %mul3A_63 = arith.muli %add3A, %mul3A_62 : i32
    %dma_start3A_64 = arith.constant 0 : i32
    %dma_start3A_65 = tpu.memref_slice %arg3[%mul3A_63, %dma_start3A_64] : memref<320000x128xf32, #tpu.memory_space<hbm>> -> memref<40x128xf32, #tpu.memory_space<hbm>>
    %dma_start3A_66 = arith.constant 0 : i32
    %dma_start3A_67 = tpu.memref_slice %arg3[%mul3A_63, %dma_start3A_66] : memref<320000x128xf32, #tpu.memory_space<hbm>> -> memref<40x128xf32, #tpu.memory_space<hbm>>
    tpu.enqueue_dma source(%dma_start3A_67 : memref<40x128xf32, #tpu.memory_space<hbm>>) target(%arg17 : memref<40x128xf32, #tpu.memory_space<vmem>>) target_semaphore(%arg21 : memref<!tpu.dma_semaphore, #tpu.memory_space<semaphore_mem>>)
    %add3A_68 = arith.constant 32 : i32
    %add3A_69 = arith.addi %add3A, %add3A_68 : i32
    %mul3A_70 = arith.constant 40 : i32
    %mul3A_71 = arith.muli %add3A_69, %mul3A_70 : i32
    %add3A_72 = arith.constant 320000 : i32
    %add3A_73 = arith.addi %add3A_72, %mul3A_71 : i32
    %dma_start3A_74 = tpu.memref_slice %arg4[%add3A_73] : memref<640000xi32, #tpu.memory_space<hbm>> -> memref<40xi32, #tpu.memory_space<hbm>>
    %dma_start3A_75 = tpu.memref_slice %arg4[%add3A_73] : memref<640000xi32, #tpu.memory_space<hbm>> -> memref<40xi32, #tpu.memory_space<hbm>>
    tpu.enqueue_dma source(%dma_start3A_75 : memref<40xi32, #tpu.memory_space<hbm>>) target(%arg8 : memref<40xi32, #tpu.memory_space<vmem>>) target_semaphore(%arg24 : memref<!tpu.dma_semaphore, #tpu.memory_space<semaphore_mem>>)
    %dma_start3A_76 = tpu.memref_slice %arg4[%mul3A_71] : memref<640000xi32, #tpu.memory_space<hbm>> -> memref<40xi32, #tpu.memory_space<hbm>>
    %dma_start3A_77 = tpu.memref_slice %arg4[%mul3A_71] : memref<640000xi32, #tpu.memory_space<hbm>> -> memref<40xi32, #tpu.memory_space<hbm>>
    tpu.enqueue_dma source(%dma_start3A_77 : memref<40xi32, #tpu.memory_space<hbm>>) target(%arg12 : memref<40xi32, #tpu.memory_space<vmem>>) target_semaphore(%arg24 : memref<!tpu.dma_semaphore, #tpu.memory_space<semaphore_mem>>)
    %scan3A_78 = arith.constant 0 : i32
    %scan3A_79 = arith.constant 62 : i32
    %scan3A_80 = arith.addi %scan3A_78, %scan3A_79 : i32
    %scan3A_81 = arith.constant 1 : i32
    scf.for %scan3A_217 = %scan3A_78 to %scan3A_80 step %scan3A_81  : i32 {
      %mul3A_218 = arith.constant 4 : i32
      %mul3A_219 = arith.muli %scan3A_217, %mul3A_218 : i32
      %add3A_220 = arith.constant 0 : i32
      %add3A_221 = arith.addi %add3A_220, %mul3A_219 : i32
      %mul3A_222 = arith.constant 32 : i32
      %mul3A_223 = arith.muli %mul3A_222, %add3A_221 : i32
      %add3A_224 = arith.addi %add3A, %mul3A_223 : i32
      %dma_wait3A_225 = arith.constant 0 : i32
      %dma_wait3A_226 = arith.constant 0 : i32
      %dma_wait3A_227 = tpu.memref_slice %arg2[%dma_wait3A_225, %dma_wait3A_226] : memref<10000x128xf32, #tpu.memory_space<hbm>> -> memref<10000x128xf32, #tpu.memory_space<hbm>>
      tpu.wait_indirect_dma semaphore(%arg21 : memref<!tpu.dma_semaphore, #tpu.memory_space<semaphore_mem>>) src(%dma_wait3A_227 : memref<10000x128xf32, #tpu.memory_space<hbm>>) dst(%arg15 : memref<40x128xf32, #tpu.memory_space<vmem>>)
      %dma_wait3A_228 = arith.constant 0 : i32
      %dma_wait3A_229 = arith.constant 0 : i32
      %dma_wait3A_230 = tpu.memref_slice %arg3[%dma_wait3A_228, %dma_wait3A_229] : memref<320000x128xf32, #tpu.memory_space<hbm>> -> memref<40x128xf32, #tpu.memory_space<hbm>>
      %dma_wait3A_231 = arith.constant 0 : i32
      %dma_wait3A_232 = arith.constant 0 : i32
      %dma_wait3A_233 = tpu.memref_slice %arg3[%dma_wait3A_231, %dma_wait3A_232] : memref<320000x128xf32, #tpu.memory_space<hbm>> -> memref<40x128xf32, #tpu.memory_space<hbm>>
      tpu.wait_dma2 semaphore(%arg21 : memref<!tpu.dma_semaphore, #tpu.memory_space<semaphore_mem>>) src(%dma_wait3A_233 : memref<40x128xf32, #tpu.memory_space<hbm>>) dst(%arg17 : memref<40x128xf32, #tpu.memory_space<vmem>>)
      %ge3A_234 = arith.constant 1 : i32
      %ge3A_235 = arith.cmpi sge, %add3A_221, %ge3A_234 : i32
      %convert_element_type3A_236 = arith.extui %ge3A_235 : i1 to i32
      %cond3A_237 = arith.constant 0 : i32
      %cond3A_238 = arith.cmpi ne, %convert_element_type3A_236, %cond3A_237 : i32
      scf.if %cond3A_238 {
        %dma_wait3A_483 = arith.constant 0 : i32
        %dma_wait3A_484 = arith.constant 0 : i32
        %dma_wait3A_485 = tpu.memref_slice %arg29[%dma_wait3A_483, %dma_wait3A_484] : memref<10240x128xf32, #tpu.memory_space<vmem_shared>> -> memref<10240x128xf32, #tpu.memory_space<vmem_shared>>
        tpu.wait_indirect_dma semaphore(%arg28 : memref<!tpu.dma_semaphore, #tpu.memory_space<semaphore_mem>>) src(%arg16 : memref<40x128xf32, #tpu.memory_space<vmem>>) dst(%dma_wait3A_485 : memref<10240x128xf32, #tpu.memory_space<vmem_shared>>)
      } else {
      }
      %add3A_239 = arith.constant 1 : i32
      %add3A_240 = arith.addi %add3A_221, %add3A_239 : i32
      %lt3A = arith.constant 250 : i32
      %lt3A_241 = arith.cmpi slt, %add3A_240, %lt3A : i32
      %convert_element_type3A_242 = arith.extui %lt3A_241 : i1 to i32
      %cond3A_243 = arith.constant 0 : i32
      %cond3A_244 = arith.cmpi ne, %convert_element_type3A_242, %cond3A_243 : i32
      scf.if %cond3A_244 {
        %dma_wait3A_483 = arith.constant 0 : i32
        %dma_wait3A_484 = tpu.memref_slice %arg4[%dma_wait3A_483] : memref<640000xi32, #tpu.memory_space<hbm>> -> memref<40xi32, #tpu.memory_space<hbm>>
        %dma_wait3A_485 = arith.constant 0 : i32
        %dma_wait3A_486 = tpu.memref_slice %arg4[%dma_wait3A_485] : memref<640000xi32, #tpu.memory_space<hbm>> -> memref<40xi32, #tpu.memory_space<hbm>>
        tpu.wait_dma2 semaphore(%arg24 : memref<!tpu.dma_semaphore, #tpu.memory_space<semaphore_mem>>) src(%dma_wait3A_486 : memref<40xi32, #tpu.memory_space<hbm>>) dst(%arg8 : memref<40xi32, #tpu.memory_space<vmem>>)
        %dma_wait3A_487 = arith.constant 0 : i32
        %dma_wait3A_488 = tpu.memref_slice %arg4[%dma_wait3A_487] : memref<640000xi32, #tpu.memory_space<hbm>> -> memref<40xi32, #tpu.memory_space<hbm>>
        %dma_wait3A_489 = arith.constant 0 : i32
        %dma_wait3A_490 = tpu.memref_slice %arg4[%dma_wait3A_489] : memref<640000xi32, #tpu.memory_space<hbm>> -> memref<40xi32, #tpu.memory_space<hbm>>
        tpu.wait_dma2 semaphore(%arg24 : memref<!tpu.dma_semaphore, #tpu.memory_space<semaphore_mem>>) src(%dma_wait3A_490 : memref<40xi32, #tpu.memory_space<hbm>>) dst(%arg12 : memref<40xi32, #tpu.memory_space<vmem>>)
        %dma_start3A_491 = arith.constant 0 : i32
        %dma_start3A_492 = arith.constant 0 : i32
        %dma_start3A_493 = tpu.memref_slice %arg2[%dma_start3A_491, %dma_start3A_492] : memref<10000x128xf32, #tpu.memory_space<hbm>> -> memref<10000x128xf32, #tpu.memory_space<hbm>>
        tpu.enqueue_indirect_dma source(%dma_start3A_493 : memref<10000x128xf32, #tpu.memory_space<hbm>>) target(%arg16 : memref<40x128xf32, #tpu.memory_space<vmem>>) offsets(%arg8 : memref<40xi32, #tpu.memory_space<vmem>>) semaphore(%arg22 : memref<!tpu.dma_semaphore, #tpu.memory_space<semaphore_mem>>)
        %add3A_494 = arith.constant 32 : i32
        %add3A_495 = arith.addi %add3A_224, %add3A_494 : i32
        %mul3A_496 = arith.constant 40 : i32
        %mul3A_497 = arith.muli %add3A_495, %mul3A_496 : i32
        %dma_start3A_498 = arith.constant 0 : i32
        %dma_start3A_499 = tpu.memref_slice %arg3[%mul3A_497, %dma_start3A_498] : memref<320000x128xf32, #tpu.memory_space<hbm>> -> memref<40x128xf32, #tpu.memory_space<hbm>>
        %dma_start3A_500 = arith.constant 0 : i32
        %dma_start3A_501 = tpu.memref_slice %arg3[%mul3A_497, %dma_start3A_500] : memref<320000x128xf32, #tpu.memory_space<hbm>> -> memref<40x128xf32, #tpu.memory_space<hbm>>
        tpu.enqueue_dma source(%dma_start3A_501 : memref<40x128xf32, #tpu.memory_space<hbm>>) target(%arg18 : memref<40x128xf32, #tpu.memory_space<vmem>>) target_semaphore(%arg22 : memref<!tpu.dma_semaphore, #tpu.memory_space<semaphore_mem>>)
      } else {
      }
      %add3A_245 = arith.constant 2 : i32
      %add3A_246 = arith.addi %add3A_221, %add3A_245 : i32
      %lt3A_247 = arith.constant 250 : i32
      %lt3A_248 = arith.cmpi slt, %add3A_246, %lt3A_247 : i32
      %convert_element_type3A_249 = arith.extui %lt3A_248 : i1 to i32
      %cond3A_250 = arith.constant 0 : i32
      %cond3A_251 = arith.cmpi ne, %convert_element_type3A_249, %cond3A_250 : i32
      scf.if %cond3A_251 {
        %add3A_483 = arith.constant 64 : i32
        %add3A_484 = arith.addi %add3A_224, %add3A_483 : i32
        %mul3A_485 = arith.constant 40 : i32
        %mul3A_486 = arith.muli %add3A_484, %mul3A_485 : i32
        %add3A_487 = arith.constant 320000 : i32
        %add3A_488 = arith.addi %add3A_487, %mul3A_486 : i32
        %dma_start3A_489 = tpu.memref_slice %arg4[%add3A_488] : memref<640000xi32, #tpu.memory_space<hbm>> -> memref<40xi32, #tpu.memory_space<hbm>>
        %dma_start3A_490 = tpu.memref_slice %arg4[%add3A_488] : memref<640000xi32, #tpu.memory_space<hbm>> -> memref<40xi32, #tpu.memory_space<hbm>>
        tpu.enqueue_dma source(%dma_start3A_490 : memref<40xi32, #tpu.memory_space<hbm>>) target(%arg9 : memref<40xi32, #tpu.memory_space<vmem>>) target_semaphore(%arg25 : memref<!tpu.dma_semaphore, #tpu.memory_space<semaphore_mem>>)
        %dma_start3A_491 = tpu.memref_slice %arg4[%mul3A_486] : memref<640000xi32, #tpu.memory_space<hbm>> -> memref<40xi32, #tpu.memory_space<hbm>>
        %dma_start3A_492 = tpu.memref_slice %arg4[%mul3A_486] : memref<640000xi32, #tpu.memory_space<hbm>> -> memref<40xi32, #tpu.memory_space<hbm>>
        tpu.enqueue_dma source(%dma_start3A_492 : memref<40xi32, #tpu.memory_space<hbm>>) target(%arg13 : memref<40xi32, #tpu.memory_space<vmem>>) target_semaphore(%arg25 : memref<!tpu.dma_semaphore, #tpu.memory_space<semaphore_mem>>)
      } else {
      }
      %parallel_loop3A_252 = arith.constant 0 : i32
      %parallel_loop3A_253 = arith.constant 40 : i32
      %parallel_loop3A_254 = arith.constant 1 : i32
      scf.for %parallel_loop3A_483 = %parallel_loop3A_252 to %parallel_loop3A_253 step %parallel_loop3A_254  : i32 {
        %parallel_loop3A_484 = arith.index_cast %parallel_loop3A_483 : i32 to index
        %parallel_loop3A_485 = arith.constant 0 : index
        %parallel_loop3A_486 = tpu.vector_load %arg15[%parallel_loop3A_484, %parallel_loop3A_485] {strides = array<i32>} : memref<40x128xf32, #tpu.memory_space<vmem>>, vector<16xf32>,
        %parallel_loop3A_487 = arith.index_cast %parallel_loop3A_483 : i32 to index
        %parallel_loop3A_488 = arith.constant 0 : index
        %parallel_loop3A_489 = tpu.vector_load %arg17[%parallel_loop3A_487, %parallel_loop3A_488] {strides = array<i32>} : memref<40x128xf32, #tpu.memory_space<vmem>>, vector<16xf32>,
        %parallel_loop3A_490 = arith.addf %parallel_loop3A_486, %parallel_loop3A_489 : vector<16xf32>
        %parallel_loop3A_491 = arith.constant 0.000000e+00 : f32
        %parallel_loop3A_492 = vector.broadcast %parallel_loop3A_491 : f32 to vector<16xf32>
        %parallel_loop3A_493 = arith.maximumf %parallel_loop3A_490, %parallel_loop3A_492 : vector<16xf32>
        %parallel_loop3A_494 = arith.index_cast %parallel_loop3A_483 : i32 to index
        %parallel_loop3A_495 = arith.constant 0 : index
        %parallel_loop3A_496 = tpu.vector_load %arg15[%parallel_loop3A_494, %parallel_loop3A_495] {strides = array<i32>} : memref<40x128xf32, #tpu.memory_space<vmem>>, vector<16xf32>,
        tpu.vector_store %arg15[%parallel_loop3A_494, %parallel_loop3A_495], %parallel_loop3A_493 {strides = array<i32>} : memref<40x128xf32, #tpu.memory_space<vmem>>, vector<16xf32>,
        %parallel_loop3A_497 = arith.index_cast %parallel_loop3A_483 : i32 to index
        %parallel_loop3A_498 = arith.constant 16 : index
        %parallel_loop3A_499 = tpu.vector_load %arg15[%parallel_loop3A_497, %parallel_loop3A_498] {strides = array<i32>} : memref<40x128xf32, #tpu.memory_space<vmem>>, vector<16xf32>,
        %parallel_loop3A_500 = arith.index_cast %parallel_loop3A_483 : i32 to index
        %parallel_loop3A_501 = arith.constant 16 : index
        %parallel_loop3A_502 = tpu.vector_load %arg17[%parallel_loop3A_500, %parallel_loop3A_501] {strides = array<i32>} : memref<40x128xf32, #tpu.memory_space<vmem>>, vector<16xf32>,
        %parallel_loop3A_503 = arith.addf %parallel_loop3A_499, %parallel_loop3A_502 : vector<16xf32>
        %parallel_loop3A_504 = arith.constant 0.000000e+00 : f32
        %parallel_loop3A_505 = vector.broadcast %parallel_loop3A_504 : f32 to vector<16xf32>
        %parallel_loop3A_506 = arith.maximumf %parallel_loop3A_503, %parallel_loop3A_505 : vector<16xf32>
        %parallel_loop3A_507 = arith.index_cast %parallel_loop3A_483 : i32 to index
        %parallel_loop3A_508 = arith.constant 16 : index
        %parallel_loop3A_509 = tpu.vector_load %arg15[%parallel_loop3A_507, %parallel_loop3A_508] {strides = array<i32>} : memref<40x128xf32, #tpu.memory_space<vmem>>, vector<16xf32>,
        tpu.vector_store %arg15[%parallel_loop3A_507, %parallel_loop3A_508], %parallel_loop3A_506 {strides = array<i32>} : memref<40x128xf32, #tpu.memory_space<vmem>>, vector<16xf32>,
        %parallel_loop3A_510 = arith.index_cast %parallel_loop3A_483 : i32 to index
        %parallel_loop3A_511 = arith.constant 32 : index
        %parallel_loop3A_512 = tpu.vector_load %arg15[%parallel_loop3A_510, %parallel_loop3A_511] {strides = array<i32>} : memref<40x128xf32, #tpu.memory_space<vmem>>, vector<16xf32>,
        %parallel_loop3A_513 = arith.index_cast %parallel_loop3A_483 : i32 to index
        %parallel_loop3A_514 = arith.constant 32 : index
        %parallel_loop3A_515 = tpu.vector_load %arg17[%parallel_loop3A_513, %parallel_loop3A_514] {strides = array<i32>} : memref<40x128xf32, #tpu.memory_space<vmem>>, vector<16xf32>,
        %parallel_loop3A_516 = arith.addf %parallel_loop3A_512, %parallel_loop3A_515 : vector<16xf32>
        %parallel_loop3A_517 = arith.constant 0.000000e+00 : f32
        %parallel_loop3A_518 = vector.broadcast %parallel_loop3A_517 : f32 to vector<16xf32>
        %parallel_loop3A_519 = arith.maximumf %parallel_loop3A_516, %parallel_loop3A_518 : vector<16xf32>
        %parallel_loop3A_520 = arith.index_cast %parallel_loop3A_483 : i32 to index
        %parallel_loop3A_521 = arith.constant 32 : index
        %parallel_loop3A_522 = tpu.vector_load %arg15[%parallel_loop3A_520, %parallel_loop3A_521] {strides = array<i32>} : memref<40x128xf32, #tpu.memory_space<vmem>>, vector<16xf32>,
        tpu.vector_store %arg15[%parallel_loop3A_520, %parallel_loop3A_521], %parallel_loop3A_519 {strides = array<i32>} : memref<40x128xf32, #tpu.memory_space<vmem>>, vector<16xf32>,
        %parallel_loop3A_523 = arith.index_cast %parallel_loop3A_483 : i32 to index
        %parallel_loop3A_524 = arith.constant 48 : index
        %parallel_loop3A_525 = tpu.vector_load %arg15[%parallel_loop3A_523, %parallel_loop3A_524] {strides = array<i32>} : memref<40x128xf32, #tpu.memory_space<vmem>>, vector<16xf32>,
        %parallel_loop3A_526 = arith.index_cast %parallel_loop3A_483 : i32 to index
        %parallel_loop3A_527 = arith.constant 48 : index
        %parallel_loop3A_528 = tpu.vector_load %arg17[%parallel_loop3A_526, %parallel_loop3A_527] {strides = array<i32>} : memref<40x128xf32, #tpu.memory_space<vmem>>, vector<16xf32>,
        %parallel_loop3A_529 = arith.addf %parallel_loop3A_525, %parallel_loop3A_528 : vector<16xf32>
        %parallel_loop3A_530 = arith.constant 0.000000e+00 : f32
        %parallel_loop3A_531 = vector.broadcast %parallel_loop3A_530 : f32 to vector<16xf32>
        %parallel_loop3A_532 = arith.maximumf %parallel_loop3A_529, %parallel_loop3A_531 : vector<16xf32>
        %parallel_loop3A_533 = arith.index_cast %parallel_loop3A_483 : i32 to index
        %parallel_loop3A_534 = arith.constant 48 : index
        %parallel_loop3A_535 = tpu.vector_load %arg15[%parallel_loop3A_533, %parallel_loop3A_534] {strides = array<i32>} : memref<40x128xf32, #tpu.memory_space<vmem>>, vector<16xf32>,
        tpu.vector_store %arg15[%parallel_loop3A_533, %parallel_loop3A_534], %parallel_loop3A_532 {strides = array<i32>} : memref<40x128xf32, #tpu.memory_space<vmem>>, vector<16xf32>,
        %parallel_loop3A_536 = arith.index_cast %parallel_loop3A_483 : i32 to index
        %parallel_loop3A_537 = arith.constant 64 : index
        %parallel_loop3A_538 = tpu.vector_load %arg15[%parallel_loop3A_536, %parallel_loop3A_537] {strides = array<i32>} : memref<40x128xf32, #tpu.memory_space<vmem>>, vector<16xf32>,
        %parallel_loop3A_539 = arith.index_cast %parallel_loop3A_483 : i32 to index
        %parallel_loop3A_540 = arith.constant 64 : index
        %parallel_loop3A_541 = tpu.vector_load %arg17[%parallel_loop3A_539, %parallel_loop3A_540] {strides = array<i32>} : memref<40x128xf32, #tpu.memory_space<vmem>>, vector<16xf32>,
        %parallel_loop3A_542 = arith.addf %parallel_loop3A_538, %parallel_loop3A_541 : vector<16xf32>
        %parallel_loop3A_543 = arith.constant 0.000000e+00 : f32
        %parallel_loop3A_544 = vector.broadcast %parallel_loop3A_543 : f32 to vector<16xf32>
        %parallel_loop3A_545 = arith.maximumf %parallel_loop3A_542, %parallel_loop3A_544 : vector<16xf32>
        %parallel_loop3A_546 = arith.index_cast %parallel_loop3A_483 : i32 to index
        %parallel_loop3A_547 = arith.constant 64 : index
        %parallel_loop3A_548 = tpu.vector_load %arg15[%parallel_loop3A_546, %parallel_loop3A_547] {strides = array<i32>} : memref<40x128xf32, #tpu.memory_space<vmem>>, vector<16xf32>,
        tpu.vector_store %arg15[%parallel_loop3A_546, %parallel_loop3A_547], %parallel_loop3A_545 {strides = array<i32>} : memref<40x128xf32, #tpu.memory_space<vmem>>, vector<16xf32>,
        %parallel_loop3A_549 = arith.index_cast %parallel_loop3A_483 : i32 to index
        %parallel_loop3A_550 = arith.constant 80 : index
        %parallel_loop3A_551 = tpu.vector_load %arg15[%parallel_loop3A_549, %parallel_loop3A_550] {strides = array<i32>} : memref<40x128xf32, #tpu.memory_space<vmem>>, vector<16xf32>,
        %parallel_loop3A_552 = arith.index_cast %parallel_loop3A_483 : i32 to index
        %parallel_loop3A_553 = arith.constant 80 : index
        %parallel_loop3A_554 = tpu.vector_load %arg17[%parallel_loop3A_552, %parallel_loop3A_553] {strides = array<i32>} : memref<40x128xf32, #tpu.memory_space<vmem>>, vector<16xf32>,
        %parallel_loop3A_555 = arith.addf %parallel_loop3A_551, %parallel_loop3A_554 : vector<16xf32>
        %parallel_loop3A_556 = arith.constant 0.000000e+00 : f32
        %parallel_loop3A_557 = vector.broadcast %parallel_loop3A_556 : f32 to vector<16xf32>
        %parallel_loop3A_558 = arith.maximumf %parallel_loop3A_555, %parallel_loop3A_557 : vector<16xf32>
        %parallel_loop3A_559 = arith.index_cast %parallel_loop3A_483 : i32 to index
        %parallel_loop3A_560 = arith.constant 80 : index
        %parallel_loop3A_561 = tpu.vector_load %arg15[%parallel_loop3A_559, %parallel_loop3A_560] {strides = array<i32>} : memref<40x128xf32, #tpu.memory_space<vmem>>, vector<16xf32>,
        tpu.vector_store %arg15[%parallel_loop3A_559, %parallel_loop3A_560], %parallel_loop3A_558 {strides = array<i32>} : memref<40x128xf32, #tpu.memory_space<vmem>>, vector<16xf32>,
        %parallel_loop3A_562 = arith.index_cast %parallel_loop3A_483 : i32 to index
        %parallel_loop3A_563 = arith.constant 96 : index
        %parallel_loop3A_564 = tpu.vector_load %arg15[%parallel_loop3A_562, %parallel_loop3A_563] {strides = array<i32>} : memref<40x128xf32, #tpu.memory_space<vmem>>, vector<16xf32>,
        %parallel_loop3A_565 = arith.index_cast %parallel_loop3A_483 : i32 to index
        %parallel_loop3A_566 = arith.constant 96 : index
        %parallel_loop3A_567 = tpu.vector_load %arg17[%parallel_loop3A_565, %parallel_loop3A_566] {strides = array<i32>} : memref<40x128xf32, #tpu.memory_space<vmem>>, vector<16xf32>,
        %parallel_loop3A_568 = arith.addf %parallel_loop3A_564, %parallel_loop3A_567 : vector<16xf32>
        %parallel_loop3A_569 = arith.constant 0.000000e+00 : f32
        %parallel_loop3A_570 = vector.broadcast %parallel_loop3A_569 : f32 to vector<16xf32>
        %parallel_loop3A_571 = arith.maximumf %parallel_loop3A_568, %parallel_loop3A_570 : vector<16xf32>
        %parallel_loop3A_572 = arith.index_cast %parallel_loop3A_483 : i32 to index
        %parallel_loop3A_573 = arith.constant 96 : index
        %parallel_loop3A_574 = tpu.vector_load %arg15[%parallel_loop3A_572, %parallel_loop3A_573] {strides = array<i32>} : memref<40x128xf32, #tpu.memory_space<vmem>>, vector<16xf32>,
        tpu.vector_store %arg15[%parallel_loop3A_572, %parallel_loop3A_573], %parallel_loop3A_571 {strides = array<i32>} : memref<40x128xf32, #tpu.memory_space<vmem>>, vector<16xf32>,
        %parallel_loop3A_575 = arith.index_cast %parallel_loop3A_483 : i32 to index
        %parallel_loop3A_576 = arith.constant 112 : index
        %parallel_loop3A_577 = tpu.vector_load %arg15[%parallel_loop3A_575, %parallel_loop3A_576] {strides = array<i32>} : memref<40x128xf32, #tpu.memory_space<vmem>>, vector<16xf32>,
        %parallel_loop3A_578 = arith.index_cast %parallel_loop3A_483 : i32 to index
        %parallel_loop3A_579 = arith.constant 112 : index
        %parallel_loop3A_580 = tpu.vector_load %arg17[%parallel_loop3A_578, %parallel_loop3A_579] {strides = array<i32>} : memref<40x128xf32, #tpu.memory_space<vmem>>, vector<16xf32>,
        %parallel_loop3A_581 = arith.addf %parallel_loop3A_577, %parallel_loop3A_580 : vector<16xf32>
        %parallel_loop3A_582 = arith.constant 0.000000e+00 : f32
        %parallel_loop3A_583 = vector.broadcast %parallel_loop3A_582 : f32 to vector<16xf32>
        %parallel_loop3A_584 = arith.maximumf %parallel_loop3A_581, %parallel_loop3A_583 : vector<16xf32>
        %parallel_loop3A_585 = arith.index_cast %parallel_loop3A_483 : i32 to index
        %parallel_loop3A_586 = arith.constant 112 : index
        %parallel_loop3A_587 = tpu.vector_load %arg15[%parallel_loop3A_585, %parallel_loop3A_586] {strides = array<i32>} : memref<40x128xf32, #tpu.memory_space<vmem>>, vector<16xf32>,
        tpu.vector_store %arg15[%parallel_loop3A_585, %parallel_loop3A_586], %parallel_loop3A_584 {strides = array<i32>} : memref<40x128xf32, #tpu.memory_space<vmem>>, vector<16xf32>,
      } {sc.loop_unroll_factor = 4 : i64, sc.parallel_access}
      %get3A_255 = arith.constant 0 : index
      %get3A_256 = tpu.vector_load %arg11[%get3A_255] {strides = array<i32>} : memref<40xi32, #tpu.memory_space<vmem>>, vector<16xi32>,
      %shift_right_logical3A_257 = arith.constant 7 : i32
      %shift_right_logical3A_258 = vector.broadcast %shift_right_logical3A_257 : i32 to vector<16xi32>
      %shift_right_logical3A_259 = arith.shrui %get3A_256, %shift_right_logical3A_258 : vector<16xi32>
      %and3A_260 = arith.constant 127 : i32
      %and3A_261 = vector.broadcast %and3A_260 : i32 to vector<16xi32>
      %and3A_262 = arith.andi %get3A_256, %and3A_261 : vector<16xi32>
      tpu.vector_store_idx %arg19[%shift_right_logical3A_259, %and3A_262], %broadcast_in_dim3A_3 {add = true} : memref<80x128xf32, #tpu.memory_space<vmem>>[vector<16xi32>, vector<16xi32>], vector<16xf32>,
      %get3A_263 = arith.constant 16 : index
      %get3A_264 = tpu.vector_load %arg11[%get3A_263] {strides = array<i32>} : memref<40xi32, #tpu.memory_space<vmem>>, vector<16xi32>,
      %shift_right_logical3A_265 = arith.constant 7 : i32
      %shift_right_logical3A_266 = vector.broadcast %shift_right_logical3A_265 : i32 to vector<16xi32>
      %shift_right_logical3A_267 = arith.shrui %get3A_264, %shift_right_logical3A_266 : vector<16xi32>
      %and3A_268 = arith.constant 127 : i32
      %and3A_269 = vector.broadcast %and3A_268 : i32 to vector<16xi32>
      %and3A_270 = arith.andi %get3A_264, %and3A_269 : vector<16xi32>
      tpu.vector_store_idx %arg19[%shift_right_logical3A_267, %and3A_270], %broadcast_in_dim3A_3 {add = true} : memref<80x128xf32, #tpu.memory_space<vmem>>[vector<16xi32>, vector<16xi32>], vector<16xf32>,
      %get3A_271 = arith.constant 24 : index
      %get3A_272 = tpu.vector_load %arg11[%get3A_271] {strides = array<i32>} : memref<40xi32, #tpu.memory_space<vmem>>, vector<16xi32>,
      %shift_right_logical3A_273 = arith.constant 7 : i32
      %shift_right_logical3A_274 = vector.broadcast %shift_right_logical3A_273 : i32 to vector<16xi32>
      %shift_right_logical3A_275 = arith.shrui %get3A_272, %shift_right_logical3A_274 : vector<16xi32>
      %and3A_276 = arith.constant 127 : i32
      %and3A_277 = vector.broadcast %and3A_276 : i32 to vector<16xi32>
      %and3A_278 = arith.andi %get3A_272, %and3A_277 : vector<16xi32>
      %ge3A_279 = arith.constant 8 : i32
      %ge3A_280 = vector.broadcast %ge3A_279 : i32 to vector<16xi32>
      %ge3A_281 = arith.cmpi sge, %iota3A, %ge3A_280 : vector<16xi32>
      tpu.vector_store_idx %arg19[%shift_right_logical3A_275, %and3A_278], %broadcast_in_dim3A_3 masked %ge3A_281 {add = true} : memref<80x128xf32, #tpu.memory_space<vmem>>[vector<16xi32>, vector<16xi32>], vector<16xf32>, vector<16xi1>
      %dma_start3A_282 = arith.constant 0 : i32
      %dma_start3A_283 = arith.constant 0 : i32
      %dma_start3A_284 = tpu.memref_slice %arg29[%dma_start3A_282, %dma_start3A_283] : memref<10240x128xf32, #tpu.memory_space<vmem_shared>> -> memref<10240x128xf32, #tpu.memory_space<vmem_shared>>
      tpu.enqueue_indirect_dma source(%arg15 : memref<40x128xf32, #tpu.memory_space<vmem>>) target(%dma_start3A_284 : memref<10240x128xf32, #tpu.memory_space<vmem_shared>>) offsets(%arg11 : memref<40xi32, #tpu.memory_space<vmem>>) semaphore(%arg27 : memref<!tpu.dma_semaphore, #tpu.memory_space<semaphore_mem>>) {add = true}
      %add3A_285 = arith.constant 1 : i32
      %add3A_286 = arith.addi %add3A_221, %add3A_285 : i32
      %mul3A_287 = arith.constant 32 : i32
      %mul3A_288 = arith.muli %mul3A_287, %add3A_286 : i32
      %add3A_289 = arith.addi %add3A, %mul3A_288 : i32
      %dma_wait3A_290 = arith.constant 0 : i32
      %dma_wait3A_291 = arith.constant 0 : i32
      %dma_wait3A_292 = tpu.memref_slice %arg2[%dma_wait3A_290, %dma_wait3A_291] : memref<10000x128xf32, #tpu.memory_space<hbm>> -> memref<10000x128xf32, #tpu.memory_space<hbm>>
      tpu.wait_indirect_dma semaphore(%arg22 : memref<!tpu.dma_semaphore, #tpu.memory_space<semaphore_mem>>) src(%dma_wait3A_292 : memref<10000x128xf32, #tpu.memory_space<hbm>>) dst(%arg16 : memref<40x128xf32, #tpu.memory_space<vmem>>)
      %dma_wait3A_293 = arith.constant 0 : i32
      %dma_wait3A_294 = arith.constant 0 : i32
      %dma_wait3A_295 = tpu.memref_slice %arg3[%dma_wait3A_293, %dma_wait3A_294] : memref<320000x128xf32, #tpu.memory_space<hbm>> -> memref<40x128xf32, #tpu.memory_space<hbm>>
      %dma_wait3A_296 = arith.constant 0 : i32
      %dma_wait3A_297 = arith.constant 0 : i32
      %dma_wait3A_298 = tpu.memref_slice %arg3[%dma_wait3A_296, %dma_wait3A_297] : memref<320000x128xf32, #tpu.memory_space<hbm>> -> memref<40x128xf32, #tpu.memory_space<hbm>>
      tpu.wait_dma2 semaphore(%arg22 : memref<!tpu.dma_semaphore, #tpu.memory_space<semaphore_mem>>) src(%dma_wait3A_298 : memref<40x128xf32, #tpu.memory_space<hbm>>) dst(%arg18 : memref<40x128xf32, #tpu.memory_space<vmem>>)
      %ge3A_299 = arith.constant 1 : i32
      %ge3A_300 = arith.cmpi sge, %add3A_286, %ge3A_299 : i32
      %convert_element_type3A_301 = arith.extui %ge3A_300 : i1 to i32
      %cond3A_302 = arith.constant 0 : i32
      %cond3A_303 = arith.cmpi ne, %convert_element_type3A_301, %cond3A_302 : i32
      scf.if %cond3A_303 {
        %dma_wait3A_483 = arith.constant 0 : i32
        %dma_wait3A_484 = arith.constant 0 : i32
        %dma_wait3A_485 = tpu.memref_slice %arg29[%dma_wait3A_483, %dma_wait3A_484] : memref<10240x128xf32, #tpu.memory_space<vmem_shared>> -> memref<10240x128xf32, #tpu.memory_space<vmem_shared>>
        tpu.wait_indirect_dma semaphore(%arg27 : memref<!tpu.dma_semaphore, #tpu.memory_space<semaphore_mem>>) src(%arg15 : memref<40x128xf32, #tpu.memory_space<vmem>>) dst(%dma_wait3A_485 : memref<10240x128xf32, #tpu.memory_space<vmem_shared>>)
      } else {
      }
      %add3A_304 = arith.constant 1 : i32
      %add3A_305 = arith.addi %add3A_286, %add3A_304 : i32
      %lt3A_306 = arith.constant 250 : i32
      %lt3A_307 = arith.cmpi slt, %add3A_305, %lt3A_306 : i32
      %convert_element_type3A_308 = arith.extui %lt3A_307 : i1 to i32
      %cond3A_309 = arith.constant 0 : i32
      %cond3A_310 = arith.cmpi ne, %convert_element_type3A_308, %cond3A_309 : i32
      scf.if %cond3A_310 {
        %dma_wait3A_483 = arith.constant 0 : i32
        %dma_wait3A_484 = tpu.memref_slice %arg4[%dma_wait3A_483] : memref<640000xi32, #tpu.memory_space<hbm>> -> memref<40xi32, #tpu.memory_space<hbm>>
        %dma_wait3A_485 = arith.constant 0 : i32
        %dma_wait3A_486 = tpu.memref_slice %arg4[%dma_wait3A_485] : memref<640000xi32, #tpu.memory_space<hbm>> -> memref<40xi32, #tpu.memory_space<hbm>>
        tpu.wait_dma2 semaphore(%arg25 : memref<!tpu.dma_semaphore, #tpu.memory_space<semaphore_mem>>) src(%dma_wait3A_486 : memref<40xi32, #tpu.memory_space<hbm>>) dst(%arg9 : memref<40xi32, #tpu.memory_space<vmem>>)
        %dma_wait3A_487 = arith.constant 0 : i32
        %dma_wait3A_488 = tpu.memref_slice %arg4[%dma_wait3A_487] : memref<640000xi32, #tpu.memory_space<hbm>> -> memref<40xi32, #tpu.memory_space<hbm>>
        %dma_wait3A_489 = arith.constant 0 : i32
        %dma_wait3A_490 = tpu.memref_slice %arg4[%dma_wait3A_489] : memref<640000xi32, #tpu.memory_space<hbm>> -> memref<40xi32, #tpu.memory_space<hbm>>
        tpu.wait_dma2 semaphore(%arg25 : memref<!tpu.dma_semaphore, #tpu.memory_space<semaphore_mem>>) src(%dma_wait3A_490 : memref<40xi32, #tpu.memory_space<hbm>>) dst(%arg13 : memref<40xi32, #tpu.memory_space<vmem>>)
        %dma_start3A_491 = arith.constant 0 : i32
        %dma_start3A_492 = arith.constant 0 : i32
        %dma_start3A_493 = tpu.memref_slice %arg2[%dma_start3A_491, %dma_start3A_492] : memref<10000x128xf32, #tpu.memory_space<hbm>> -> memref<10000x128xf32, #tpu.memory_space<hbm>>
        tpu.enqueue_indirect_dma source(%dma_start3A_493 : memref<10000x128xf32, #tpu.memory_space<hbm>>) target(%arg15 : memref<40x128xf32, #tpu.memory_space<vmem>>) offsets(%arg9 : memref<40xi32, #tpu.memory_space<vmem>>) semaphore(%arg21 : memref<!tpu.dma_semaphore, #tpu.memory_space<semaphore_mem>>)
        %add3A_494 = arith.constant 32 : i32
        %add3A_495 = arith.addi %add3A_289, %add3A_494 : i32
        %mul3A_496 = arith.constant 40 : i32
        %mul3A_497 = arith.muli %add3A_495, %mul3A_496 : i32
        %dma_start3A_498 = arith.constant 0 : i32
        %dma_start3A_499 = tpu.memref_slice %arg3[%mul3A_497, %dma_start3A_498] : memref<320000x128xf32, #tpu.memory_space<hbm>> -> memref<40x128xf32, #tpu.memory_space<hbm>>
        %dma_start3A_500 = arith.constant 0 : i32
        %dma_start3A_501 = tpu.memref_slice %arg3[%mul3A_497, %dma_start3A_500] : memref<320000x128xf32, #tpu.memory_space<hbm>> -> memref<40x128xf32, #tpu.memory_space<hbm>>
        tpu.enqueue_dma source(%dma_start3A_501 : memref<40x128xf32, #tpu.memory_space<hbm>>) target(%arg17 : memref<40x128xf32, #tpu.memory_space<vmem>>) target_semaphore(%arg21 : memref<!tpu.dma_semaphore, #tpu.memory_space<semaphore_mem>>)
      } else {
      }
      %add3A_311 = arith.constant 2 : i32
      %add3A_312 = arith.addi %add3A_286, %add3A_311 : i32
      %lt3A_313 = arith.constant 250 : i32
      %lt3A_314 = arith.cmpi slt, %add3A_312, %lt3A_313 : i32
      %convert_element_type3A_315 = arith.extui %lt3A_314 : i1 to i32
      %cond3A_316 = arith.constant 0 : i32
      %cond3A_317 = arith.cmpi ne, %convert_element_type3A_315, %cond3A_316 : i32
      scf.if %cond3A_317 {
        %add3A_483 = arith.constant 64 : i32
        %add3A_484 = arith.addi %add3A_289, %add3A_483 : i32
        %mul3A_485 = arith.constant 40 : i32
        %mul3A_486 = arith.muli %add3A_484, %mul3A_485 : i32
        %add3A_487 = arith.constant 320000 : i32
        %add3A_488 = arith.addi %add3A_487, %mul3A_486 : i32
        %dma_start3A_489 = tpu.memref_slice %arg4[%add3A_488] : memref<640000xi32, #tpu.memory_space<hbm>> -> memref<40xi32, #tpu.memory_space<hbm>>
        %dma_start3A_490 = tpu.memref_slice %arg4[%add3A_488] : memref<640000xi32, #tpu.memory_space<hbm>> -> memref<40xi32, #tpu.memory_space<hbm>>
        tpu.enqueue_dma source(%dma_start3A_490 : memref<40xi32, #tpu.memory_space<hbm>>) target(%arg10 : memref<40xi32, #tpu.memory_space<vmem>>) target_semaphore(%arg26 : memref<!tpu.dma_semaphore, #tpu.memory_space<semaphore_mem>>)
        %dma_start3A_491 = tpu.memref_slice %arg4[%mul3A_486] : memref<640000xi32, #tpu.memory_space<hbm>> -> memref<40xi32, #tpu.memory_space<hbm>>
        %dma_start3A_492 = tpu.memref_slice %arg4[%mul3A_486] : memref<640000xi32, #tpu.memory_space<hbm>> -> memref<40xi32, #tpu.memory_space<hbm>>
        tpu.enqueue_dma source(%dma_start3A_492 : memref<40xi32, #tpu.memory_space<hbm>>) target(%arg14 : memref<40xi32, #tpu.memory_space<vmem>>) target_semaphore(%arg26 : memref<!tpu.dma_semaphore, #tpu.memory_space<semaphore_mem>>)
      } else {
      }
      %parallel_loop3A_318 = arith.constant 0 : i32
      %parallel_loop3A_319 = arith.constant 40 : i32
      %parallel_loop3A_320 = arith.constant 1 : i32
      scf.for %parallel_loop3A_483 = %parallel_loop3A_318 to %parallel_loop3A_319 step %parallel_loop3A_320  : i32 {
        %parallel_loop3A_484 = arith.index_cast %parallel_loop3A_483 : i32 to index
        %parallel_loop3A_485 = arith.constant 0 : index
        %parallel_loop3A_486 = tpu.vector_load %arg16[%parallel_loop3A_484, %parallel_loop3A_485] {strides = array<i32>} : memref<40x128xf32, #tpu.memory_space<vmem>>, vector<16xf32>,
        %parallel_loop3A_487 = arith.index_cast %parallel_loop3A_483 : i32 to index
        %parallel_loop3A_488 = arith.constant 0 : index
        %parallel_loop3A_489 = tpu.vector_load %arg18[%parallel_loop3A_487, %parallel_loop3A_488] {strides = array<i32>} : memref<40x128xf32, #tpu.memory_space<vmem>>, vector<16xf32>,
        %parallel_loop3A_490 = arith.addf %parallel_loop3A_486, %parallel_loop3A_489 : vector<16xf32>
        %parallel_loop3A_491 = arith.constant 0.000000e+00 : f32
        %parallel_loop3A_492 = vector.broadcast %parallel_loop3A_491 : f32 to vector<16xf32>
        %parallel_loop3A_493 = arith.maximumf %parallel_loop3A_490, %parallel_loop3A_492 : vector<16xf32>
        %parallel_loop3A_494 = arith.index_cast %parallel_loop3A_483 : i32 to index
        %parallel_loop3A_495 = arith.constant 0 : index
        %parallel_loop3A_496 = tpu.vector_load %arg16[%parallel_loop3A_494, %parallel_loop3A_495] {strides = array<i32>} : memref<40x128xf32, #tpu.memory_space<vmem>>, vector<16xf32>,
        tpu.vector_store %arg16[%parallel_loop3A_494, %parallel_loop3A_495], %parallel_loop3A_493 {strides = array<i32>} : memref<40x128xf32, #tpu.memory_space<vmem>>, vector<16xf32>,
        %parallel_loop3A_497 = arith.index_cast %parallel_loop3A_483 : i32 to index
        %parallel_loop3A_498 = arith.constant 16 : index
        %parallel_loop3A_499 = tpu.vector_load %arg16[%parallel_loop3A_497, %parallel_loop3A_498] {strides = array<i32>} : memref<40x128xf32, #tpu.memory_space<vmem>>, vector<16xf32>,
        %parallel_loop3A_500 = arith.index_cast %parallel_loop3A_483 : i32 to index
        %parallel_loop3A_501 = arith.constant 16 : index
        %parallel_loop3A_502 = tpu.vector_load %arg18[%parallel_loop3A_500, %parallel_loop3A_501] {strides = array<i32>} : memref<40x128xf32, #tpu.memory_space<vmem>>, vector<16xf32>,
        %parallel_loop3A_503 = arith.addf %parallel_loop3A_499, %parallel_loop3A_502 : vector<16xf32>
        %parallel_loop3A_504 = arith.constant 0.000000e+00 : f32
        %parallel_loop3A_505 = vector.broadcast %parallel_loop3A_504 : f32 to vector<16xf32>
        %parallel_loop3A_506 = arith.maximumf %parallel_loop3A_503, %parallel_loop3A_505 : vector<16xf32>
        %parallel_loop3A_507 = arith.index_cast %parallel_loop3A_483 : i32 to index
        %parallel_loop3A_508 = arith.constant 16 : index
        %parallel_loop3A_509 = tpu.vector_load %arg16[%parallel_loop3A_507, %parallel_loop3A_508] {strides = array<i32>} : memref<40x128xf32, #tpu.memory_space<vmem>>, vector<16xf32>,
        tpu.vector_store %arg16[%parallel_loop3A_507, %parallel_loop3A_508], %parallel_loop3A_506 {strides = array<i32>} : memref<40x128xf32, #tpu.memory_space<vmem>>, vector<16xf32>,
        %parallel_loop3A_510 = arith.index_cast %parallel_loop3A_483 : i32 to index
        %parallel_loop3A_511 = arith.constant 32 : index
        %parallel_loop3A_512 = tpu.vector_load %arg16[%parallel_loop3A_510, %parallel_loop3A_511] {strides = array<i32>} : memref<40x128xf32, #tpu.memory_space<vmem>>, vector<16xf32>,
        %parallel_loop3A_513 = arith.index_cast %parallel_loop3A_483 : i32 to index
        %parallel_loop3A_514 = arith.constant 32 : index
        %parallel_loop3A_515 = tpu.vector_load %arg18[%parallel_loop3A_513, %parallel_loop3A_514] {strides = array<i32>} : memref<40x128xf32, #tpu.memory_space<vmem>>, vector<16xf32>,
        %parallel_loop3A_516 = arith.addf %parallel_loop3A_512, %parallel_loop3A_515 : vector<16xf32>
        %parallel_loop3A_517 = arith.constant 0.000000e+00 : f32
        %parallel_loop3A_518 = vector.broadcast %parallel_loop3A_517 : f32 to vector<16xf32>
        %parallel_loop3A_519 = arith.maximumf %parallel_loop3A_516, %parallel_loop3A_518 : vector<16xf32>
        %parallel_loop3A_520 = arith.index_cast %parallel_loop3A_483 : i32 to index
        %parallel_loop3A_521 = arith.constant 32 : index
        %parallel_loop3A_522 = tpu.vector_load %arg16[%parallel_loop3A_520, %parallel_loop3A_521] {strides = array<i32>} : memref<40x128xf32, #tpu.memory_space<vmem>>, vector<16xf32>,
        tpu.vector_store %arg16[%parallel_loop3A_520, %parallel_loop3A_521], %parallel_loop3A_519 {strides = array<i32>} : memref<40x128xf32, #tpu.memory_space<vmem>>, vector<16xf32>,
        %parallel_loop3A_523 = arith.index_cast %parallel_loop3A_483 : i32 to index
        %parallel_loop3A_524 = arith.constant 48 : index
        %parallel_loop3A_525 = tpu.vector_load %arg16[%parallel_loop3A_523, %parallel_loop3A_524] {strides = array<i32>} : memref<40x128xf32, #tpu.memory_space<vmem>>, vector<16xf32>,
        %parallel_loop3A_526 = arith.index_cast %parallel_loop3A_483 : i32 to index
        %parallel_loop3A_527 = arith.constant 48 : index
        %parallel_loop3A_528 = tpu.vector_load %arg18[%parallel_loop3A_526, %parallel_loop3A_527] {strides = array<i32>} : memref<40x128xf32, #tpu.memory_space<vmem>>, vector<16xf32>,
        %parallel_loop3A_529 = arith.addf %parallel_loop3A_525, %parallel_loop3A_528 : vector<16xf32>
        %parallel_loop3A_530 = arith.constant 0.000000e+00 : f32
        %parallel_loop3A_531 = vector.broadcast %parallel_loop3A_530 : f32 to vector<16xf32>
        %parallel_loop3A_532 = arith.maximumf %parallel_loop3A_529, %parallel_loop3A_531 : vector<16xf32>
        %parallel_loop3A_533 = arith.index_cast %parallel_loop3A_483 : i32 to index
        %parallel_loop3A_534 = arith.constant 48 : index
        %parallel_loop3A_535 = tpu.vector_load %arg16[%parallel_loop3A_533, %parallel_loop3A_534] {strides = array<i32>} : memref<40x128xf32, #tpu.memory_space<vmem>>, vector<16xf32>,
        tpu.vector_store %arg16[%parallel_loop3A_533, %parallel_loop3A_534], %parallel_loop3A_532 {strides = array<i32>} : memref<40x128xf32, #tpu.memory_space<vmem>>, vector<16xf32>,
        %parallel_loop3A_536 = arith.index_cast %parallel_loop3A_483 : i32 to index
        %parallel_loop3A_537 = arith.constant 64 : index
        %parallel_loop3A_538 = tpu.vector_load %arg16[%parallel_loop3A_536, %parallel_loop3A_537] {strides = array<i32>} : memref<40x128xf32, #tpu.memory_space<vmem>>, vector<16xf32>,
        %parallel_loop3A_539 = arith.index_cast %parallel_loop3A_483 : i32 to index
        %parallel_loop3A_540 = arith.constant 64 : index
        %parallel_loop3A_541 = tpu.vector_load %arg18[%parallel_loop3A_539, %parallel_loop3A_540] {strides = array<i32>} : memref<40x128xf32, #tpu.memory_space<vmem>>, vector<16xf32>,
        %parallel_loop3A_542 = arith.addf %parallel_loop3A_538, %parallel_loop3A_541 : vector<16xf32>
        %parallel_loop3A_543 = arith.constant 0.000000e+00 : f32
        %parallel_loop3A_544 = vector.broadcast %parallel_loop3A_543 : f32 to vector<16xf32>
        %parallel_loop3A_545 = arith.maximumf %parallel_loop3A_542, %parallel_loop3A_544 : vector<16xf32>
        %parallel_loop3A_546 = arith.index_cast %parallel_loop3A_483 : i32 to index
        %parallel_loop3A_547 = arith.constant 64 : index
        %parallel_loop3A_548 = tpu.vector_load %arg16[%parallel_loop3A_546, %parallel_loop3A_547] {strides = array<i32>} : memref<40x128xf32, #tpu.memory_space<vmem>>, vector<16xf32>,
        tpu.vector_store %arg16[%parallel_loop3A_546, %parallel_loop3A_547], %parallel_loop3A_545 {strides = array<i32>} : memref<40x128xf32, #tpu.memory_space<vmem>>, vector<16xf32>,
        %parallel_loop3A_549 = arith.index_cast %parallel_loop3A_483 : i32 to index
        %parallel_loop3A_550 = arith.constant 80 : index
        %parallel_loop3A_551 = tpu.vector_load %arg16[%parallel_loop3A_549, %parallel_loop3A_550] {strides = array<i32>} : memref<40x128xf32, #tpu.memory_space<vmem>>, vector<16xf32>,
        %parallel_loop3A_552 = arith.index_cast %parallel_loop3A_483 : i32 to index
        %parallel_loop3A_553 = arith.constant 80 : index
        %parallel_loop3A_554 = tpu.vector_load %arg18[%parallel_loop3A_552, %parallel_loop3A_553] {strides = array<i32>} : memref<40x128xf32, #tpu.memory_space<vmem>>, vector<16xf32>,
        %parallel_loop3A_555 = arith.addf %parallel_loop3A_551, %parallel_loop3A_554 : vector<16xf32>
        %parallel_loop3A_556 = arith.constant 0.000000e+00 : f32
        %parallel_loop3A_557 = vector.broadcast %parallel_loop3A_556 : f32 to vector<16xf32>
        %parallel_loop3A_558 = arith.maximumf %parallel_loop3A_555, %parallel_loop3A_557 : vector<16xf32>
        %parallel_loop3A_559 = arith.index_cast %parallel_loop3A_483 : i32 to index
        %parallel_loop3A_560 = arith.constant 80 : index
        %parallel_loop3A_561 = tpu.vector_load %arg16[%parallel_loop3A_559, %parallel_loop3A_560] {strides = array<i32>} : memref<40x128xf32, #tpu.memory_space<vmem>>, vector<16xf32>,
        tpu.vector_store %arg16[%parallel_loop3A_559, %parallel_loop3A_560], %parallel_loop3A_558 {strides = array<i32>} : memref<40x128xf32, #tpu.memory_space<vmem>>, vector<16xf32>,
        %parallel_loop3A_562 = arith.index_cast %parallel_loop3A_483 : i32 to index
        %parallel_loop3A_563 = arith.constant 96 : index
        %parallel_loop3A_564 = tpu.vector_load %arg16[%parallel_loop3A_562, %parallel_loop3A_563] {strides = array<i32>} : memref<40x128xf32, #tpu.memory_space<vmem>>, vector<16xf32>,
        %parallel_loop3A_565 = arith.index_cast %parallel_loop3A_483 : i32 to index
        %parallel_loop3A_566 = arith.constant 96 : index
        %parallel_loop3A_567 = tpu.vector_load %arg18[%parallel_loop3A_565, %parallel_loop3A_566] {strides = array<i32>} : memref<40x128xf32, #tpu.memory_space<vmem>>, vector<16xf32>,
        %parallel_loop3A_568 = arith.addf %parallel_loop3A_564, %parallel_loop3A_567 : vector<16xf32>
        %parallel_loop3A_569 = arith.constant 0.000000e+00 : f32
        %parallel_loop3A_570 = vector.broadcast %parallel_loop3A_569 : f32 to vector<16xf32>
        %parallel_loop3A_571 = arith.maximumf %parallel_loop3A_568, %parallel_loop3A_570 : vector<16xf32>
        %parallel_loop3A_572 = arith.index_cast %parallel_loop3A_483 : i32 to index
        %parallel_loop3A_573 = arith.constant 96 : index
        %parallel_loop3A_574 = tpu.vector_load %arg16[%parallel_loop3A_572, %parallel_loop3A_573] {strides = array<i32>} : memref<40x128xf32, #tpu.memory_space<vmem>>, vector<16xf32>,
        tpu.vector_store %arg16[%parallel_loop3A_572, %parallel_loop3A_573], %parallel_loop3A_571 {strides = array<i32>} : memref<40x128xf32, #tpu.memory_space<vmem>>, vector<16xf32>,
        %parallel_loop3A_575 = arith.index_cast %parallel_loop3A_483 : i32 to index
        %parallel_loop3A_576 = arith.constant 112 : index
        %parallel_loop3A_577 = tpu.vector_load %arg16[%parallel_loop3A_575, %parallel_loop3A_576] {strides = array<i32>} : memref<40x128xf32, #tpu.memory_space<vmem>>, vector<16xf32>,
        %parallel_loop3A_578 = arith.index_cast %parallel_loop3A_483 : i32 to index
        %parallel_loop3A_579 = arith.constant 112 : index
        %parallel_loop3A_580 = tpu.vector_load %arg18[%parallel_loop3A_578, %parallel_loop3A_579] {strides = array<i32>} : memref<40x128xf32, #tpu.memory_space<vmem>>, vector<16xf32>,
        %parallel_loop3A_581 = arith.addf %parallel_loop3A_577, %parallel_loop3A_580 : vector<16xf32>
        %parallel_loop3A_582 = arith.constant 0.000000e+00 : f32
        %parallel_loop3A_583 = vector.broadcast %parallel_loop3A_582 : f32 to vector<16xf32>
        %parallel_loop3A_584 = arith.maximumf %parallel_loop3A_581, %parallel_loop3A_583 : vector<16xf32>
        %parallel_loop3A_585 = arith.index_cast %parallel_loop3A_483 : i32 to index
        %parallel_loop3A_586 = arith.constant 112 : index
        %parallel_loop3A_587 = tpu.vector_load %arg16[%parallel_loop3A_585, %parallel_loop3A_586] {strides = array<i32>} : memref<40x128xf32, #tpu.memory_space<vmem>>, vector<16xf32>,
        tpu.vector_store %arg16[%parallel_loop3A_585, %parallel_loop3A_586], %parallel_loop3A_584 {strides = array<i32>} : memref<40x128xf32, #tpu.memory_space<vmem>>, vector<16xf32>,
      } {sc.loop_unroll_factor = 4 : i64, sc.parallel_access}
      %get3A_321 = arith.constant 0 : index
      %get3A_322 = tpu.vector_load %arg12[%get3A_321] {strides = array<i32>} : memref<40xi32, #tpu.memory_space<vmem>>, vector<16xi32>,
      %shift_right_logical3A_323 = arith.constant 7 : i32
      %shift_right_logical3A_324 = vector.broadcast %shift_right_logical3A_323 : i32 to vector<16xi32>
      %shift_right_logical3A_325 = arith.shrui %get3A_322, %shift_right_logical3A_324 : vector<16xi32>
      %and3A_326 = arith.constant 127 : i32
      %and3A_327 = vector.broadcast %and3A_326 : i32 to vector<16xi32>
      %and3A_328 = arith.andi %get3A_322, %and3A_327 : vector<16xi32>
      tpu.vector_store_idx %arg19[%shift_right_logical3A_325, %and3A_328], %broadcast_in_dim3A_3 {add = true} : memref<80x128xf32, #tpu.memory_space<vmem>>[vector<16xi32>, vector<16xi32>], vector<16xf32>,
      %get3A_329 = arith.constant 16 : index
      %get3A_330 = tpu.vector_load %arg12[%get3A_329] {strides = array<i32>} : memref<40xi32, #tpu.memory_space<vmem>>, vector<16xi32>,
      %shift_right_logical3A_331 = arith.constant 7 : i32
      %shift_right_logical3A_332 = vector.broadcast %shift_right_logical3A_331 : i32 to vector<16xi32>
      %shift_right_logical3A_333 = arith.shrui %get3A_330, %shift_right_logical3A_332 : vector<16xi32>
      %and3A_334 = arith.constant 127 : i32
      %and3A_335 = vector.broadcast %and3A_334 : i32 to vector<16xi32>
      %and3A_336 = arith.andi %get3A_330, %and3A_335 : vector<16xi32>
      tpu.vector_store_idx %arg19[%shift_right_logical3A_333, %and3A_336], %broadcast_in_dim3A_3 {add = true} : memref<80x128xf32, #tpu.memory_space<vmem>>[vector<16xi32>, vector<16xi32>], vector<16xf32>,
      %get3A_337 = arith.constant 24 : index
      %get3A_338 = tpu.vector_load %arg12[%get3A_337] {strides = array<i32>} : memref<40xi32, #tpu.memory_space<vmem>>, vector<16xi32>,
      %shift_right_logical3A_339 = arith.constant 7 : i32
      %shift_right_logical3A_340 = vector.broadcast %shift_right_logical3A_339 : i32 to vector<16xi32>
      %shift_right_logical3A_341 = arith.shrui %get3A_338, %shift_right_logical3A_340 : vector<16xi32>
      %and3A_342 = arith.constant 127 : i32
      %and3A_343 = vector.broadcast %and3A_342 : i32 to vector<16xi32>
      %and3A_344 = arith.andi %get3A_338, %and3A_343 : vector<16xi32>
      %ge3A_345 = arith.constant 8 : i32
      %ge3A_346 = vector.broadcast %ge3A_345 : i32 to vector<16xi32>
      %ge3A_347 = arith.cmpi sge, %iota3A, %ge3A_346 : vector<16xi32>
      tpu.vector_store_idx %arg19[%shift_right_logical3A_341, %and3A_344], %broadcast_in_dim3A_3 masked %ge3A_347 {add = true} : memref<80x128xf32, #tpu.memory_space<vmem>>[vector<16xi32>, vector<16xi32>], vector<16xf32>, vector<16xi1>
      %dma_start3A_348 = arith.constant 0 : i32
      %dma_start3A_349 = arith.constant 0 : i32
      %dma_start3A_350 = tpu.memref_slice %arg29[%dma_start3A_348, %dma_start3A_349] : memref<10240x128xf32, #tpu.memory_space<vmem_shared>> -> memref<10240x128xf32, #tpu.memory_space<vmem_shared>>
      tpu.enqueue_indirect_dma source(%arg16 : memref<40x128xf32, #tpu.memory_space<vmem>>) target(%dma_start3A_350 : memref<10240x128xf32, #tpu.memory_space<vmem_shared>>) offsets(%arg12 : memref<40xi32, #tpu.memory_space<vmem>>) semaphore(%arg28 : memref<!tpu.dma_semaphore, #tpu.memory_space<semaphore_mem>>) {add = true}
      %add3A_351 = arith.constant 2 : i32
      %add3A_352 = arith.addi %add3A_221, %add3A_351 : i32
      %mul3A_353 = arith.constant 32 : i32
      %mul3A_354 = arith.muli %mul3A_353, %add3A_352 : i32
      %add3A_355 = arith.addi %add3A, %mul3A_354 : i32
      %dma_wait3A_356 = arith.constant 0 : i32
      %dma_wait3A_357 = arith.constant 0 : i32
      %dma_wait3A_358 = tpu.memref_slice %arg2[%dma_wait3A_356, %dma_wait3A_357] : memref<10000x128xf32, #tpu.memory_space<hbm>> -> memref<10000x128xf32, #tpu.memory_space<hbm>>
      tpu.wait_indirect_dma semaphore(%arg21 : memref<!tpu.dma_semaphore, #tpu.memory_space<semaphore_mem>>) src(%dma_wait3A_358 : memref<10000x128xf32, #tpu.memory_space<hbm>>) dst(%arg15 : memref<40x128xf32, #tpu.memory_space<vmem>>)
      %dma_wait3A_359 = arith.constant 0 : i32
      %dma_wait3A_360 = arith.constant 0 : i32
      %dma_wait3A_361 = tpu.memref_slice %arg3[%dma_wait3A_359, %dma_wait3A_360] : memref<320000x128xf32, #tpu.memory_space<hbm>> -> memref<40x128xf32, #tpu.memory_space<hbm>>
      %dma_wait3A_362 = arith.constant 0 : i32
      %dma_wait3A_363 = arith.constant 0 : i32
      %dma_wait3A_364 = tpu.memref_slice %arg3[%dma_wait3A_362, %dma_wait3A_363] : memref<320000x128xf32, #tpu.memory_space<hbm>> -> memref<40x128xf32, #tpu.memory_space<hbm>>
      tpu.wait_dma2 semaphore(%arg21 : memref<!tpu.dma_semaphore, #tpu.memory_space<semaphore_mem>>) src(%dma_wait3A_364 : memref<40x128xf32, #tpu.memory_space<hbm>>) dst(%arg17 : memref<40x128xf32, #tpu.memory_space<vmem>>)
      %ge3A_365 = arith.constant 1 : i32
      %ge3A_366 = arith.cmpi sge, %add3A_352, %ge3A_365 : i32
      %convert_element_type3A_367 = arith.extui %ge3A_366 : i1 to i32
      %cond3A_368 = arith.constant 0 : i32
      %cond3A_369 = arith.cmpi ne, %convert_element_type3A_367, %cond3A_368 : i32
      scf.if %cond3A_369 {
        %dma_wait3A_483 = arith.constant 0 : i32
        %dma_wait3A_484 = arith.constant 0 : i32
        %dma_wait3A_485 = tpu.memref_slice %arg29[%dma_wait3A_483, %dma_wait3A_484] : memref<10240x128xf32, #tpu.memory_space<vmem_shared>> -> memref<10240x128xf32, #tpu.memory_space<vmem_shared>>
        tpu.wait_indirect_dma semaphore(%arg28 : memref<!tpu.dma_semaphore, #tpu.memory_space<semaphore_mem>>) src(%arg16 : memref<40x128xf32, #tpu.memory_space<vmem>>) dst(%dma_wait3A_485 : memref<10240x128xf32, #tpu.memory_space<vmem_shared>>)
      } else {
      }
      %add3A_370 = arith.constant 1 : i32
      %add3A_371 = arith.addi %add3A_352, %add3A_370 : i32
      %lt3A_372 = arith.constant 250 : i32
      %lt3A_373 = arith.cmpi slt, %add3A_371, %lt3A_372 : i32
      %convert_element_type3A_374 = arith.extui %lt3A_373 : i1 to i32
      %cond3A_375 = arith.constant 0 : i32
      %cond3A_376 = arith.cmpi ne, %convert_element_type3A_374, %cond3A_375 : i32
      scf.if %cond3A_376 {
        %dma_wait3A_483 = arith.constant 0 : i32
        %dma_wait3A_484 = tpu.memref_slice %arg4[%dma_wait3A_483] : memref<640000xi32, #tpu.memory_space<hbm>> -> memref<40xi32, #tpu.memory_space<hbm>>
        %dma_wait3A_485 = arith.constant 0 : i32
        %dma_wait3A_486 = tpu.memref_slice %arg4[%dma_wait3A_485] : memref<640000xi32, #tpu.memory_space<hbm>> -> memref<40xi32, #tpu.memory_space<hbm>>
        tpu.wait_dma2 semaphore(%arg26 : memref<!tpu.dma_semaphore, #tpu.memory_space<semaphore_mem>>) src(%dma_wait3A_486 : memref<40xi32, #tpu.memory_space<hbm>>) dst(%arg10 : memref<40xi32, #tpu.memory_space<vmem>>)
        %dma_wait3A_487 = arith.constant 0 : i32
        %dma_wait3A_488 = tpu.memref_slice %arg4[%dma_wait3A_487] : memref<640000xi32, #tpu.memory_space<hbm>> -> memref<40xi32, #tpu.memory_space<hbm>>
        %dma_wait3A_489 = arith.constant 0 : i32
        %dma_wait3A_490 = tpu.memref_slice %arg4[%dma_wait3A_489] : memref<640000xi32, #tpu.memory_space<hbm>> -> memref<40xi32, #tpu.memory_space<hbm>>
        tpu.wait_dma2 semaphore(%arg26 : memref<!tpu.dma_semaphore, #tpu.memory_space<semaphore_mem>>) src(%dma_wait3A_490 : memref<40xi32, #tpu.memory_space<hbm>>) dst(%arg14 : memref<40xi32, #tpu.memory_space<vmem>>)
        %dma_start3A_491 = arith.constant 0 : i32
        %dma_start3A_492 = arith.constant 0 : i32
        %dma_start3A_493 = tpu.memref_slice %arg2[%dma_start3A_491, %dma_start3A_492] : memref<10000x128xf32, #tpu.memory_space<hbm>> -> memref<10000x128xf32, #tpu.memory_space<hbm>>
        tpu.enqueue_indirect_dma source(%dma_start3A_493 : memref<10000x128xf32, #tpu.memory_space<hbm>>) target(%arg16 : memref<40x128xf32, #tpu.memory_space<vmem>>) offsets(%arg10 : memref<40xi32, #tpu.memory_space<vmem>>) semaphore(%arg22 : memref<!tpu.dma_semaphore, #tpu.memory_space<semaphore_mem>>)
        %add3A_494 = arith.constant 32 : i32
        %add3A_495 = arith.addi %add3A_355, %add3A_494 : i32
        %mul3A_496 = arith.constant 40 : i32
        %mul3A_497 = arith.muli %add3A_495, %mul3A_496 : i32
        %dma_start3A_498 = arith.constant 0 : i32
        %dma_start3A_499 = tpu.memref_slice %arg3[%mul3A_497, %dma_start3A_498] : memref<320000x128xf32, #tpu.memory_space<hbm>> -> memref<40x128xf32, #tpu.memory_space<hbm>>
        %dma_start3A_500 = arith.constant 0 : i32
        %dma_start3A_501 = tpu.memref_slice %arg3[%mul3A_497, %dma_start3A_500] : memref<320000x128xf32, #tpu.memory_space<hbm>> -> memref<40x128xf32, #tpu.memory_space<hbm>>
        tpu.enqueue_dma source(%dma_start3A_501 : memref<40x128xf32, #tpu.memory_space<hbm>>) target(%arg18 : memref<40x128xf32, #tpu.memory_space<vmem>>) target_semaphore(%arg22 : memref<!tpu.dma_semaphore, #tpu.memory_space<semaphore_mem>>)
      } else {
      }
      %add3A_377 = arith.constant 2 : i32
      %add3A_378 = arith.addi %add3A_352, %add3A_377 : i32
      %lt3A_379 = arith.constant 250 : i32
      %lt3A_380 = arith.cmpi slt, %add3A_378, %lt3A_379 : i32
      %convert_element_type3A_381 = arith.extui %lt3A_380 : i1 to i32
      %cond3A_382 = arith.constant 0 : i32
      %cond3A_383 = arith.cmpi ne, %convert_element_type3A_381, %cond3A_382 : i32
      scf.if %cond3A_383 {
        %add3A_483 = arith.constant 64 : i32
        %add3A_484 = arith.addi %add3A_355, %add3A_483 : i32
        %mul3A_485 = arith.constant 40 : i32
        %mul3A_486 = arith.muli %add3A_484, %mul3A_485 : i32
        %add3A_487 = arith.constant 320000 : i32
        %add3A_488 = arith.addi %add3A_487, %mul3A_486 : i32
        %dma_start3A_489 = tpu.memref_slice %arg4[%add3A_488] : memref<640000xi32, #tpu.memory_space<hbm>> -> memref<40xi32, #tpu.memory_space<hbm>>
        %dma_start3A_490 = tpu.memref_slice %arg4[%add3A_488] : memref<640000xi32, #tpu.memory_space<hbm>> -> memref<40xi32, #tpu.memory_space<hbm>>
        tpu.enqueue_dma source(%dma_start3A_490 : memref<40xi32, #tpu.memory_space<hbm>>) target(%arg7 : memref<40xi32, #tpu.memory_space<vmem>>) target_semaphore(%arg23 : memref<!tpu.dma_semaphore, #tpu.memory_space<semaphore_mem>>)
        %dma_start3A_491 = tpu.memref_slice %arg4[%mul3A_486] : memref<640000xi32, #tpu.memory_space<hbm>> -> memref<40xi32, #tpu.memory_space<hbm>>
        %dma_start3A_492 = tpu.memref_slice %arg4[%mul3A_486] : memref<640000xi32, #tpu.memory_space<hbm>> -> memref<40xi32, #tpu.memory_space<hbm>>
        tpu.enqueue_dma source(%dma_start3A_492 : memref<40xi32, #tpu.memory_space<hbm>>) target(%arg11 : memref<40xi32, #tpu.memory_space<vmem>>) target_semaphore(%arg23 : memref<!tpu.dma_semaphore, #tpu.memory_space<semaphore_mem>>)
      } else {
      }
      %parallel_loop3A_384 = arith.constant 0 : i32
      %parallel_loop3A_385 = arith.constant 40 : i32
      %parallel_loop3A_386 = arith.constant 1 : i32
      scf.for %parallel_loop3A_483 = %parallel_loop3A_384 to %parallel_loop3A_385 step %parallel_loop3A_386  : i32 {
        %parallel_loop3A_484 = arith.index_cast %parallel_loop3A_483 : i32 to index
        %parallel_loop3A_485 = arith.constant 0 : index
        %parallel_loop3A_486 = tpu.vector_load %arg15[%parallel_loop3A_484, %parallel_loop3A_485] {strides = array<i32>} : memref<40x128xf32, #tpu.memory_space<vmem>>, vector<16xf32>,
        %parallel_loop3A_487 = arith.index_cast %parallel_loop3A_483 : i32 to index
        %parallel_loop3A_488 = arith.constant 0 : index
        %parallel_loop3A_489 = tpu.vector_load %arg17[%parallel_loop3A_487, %parallel_loop3A_488] {strides = array<i32>} : memref<40x128xf32, #tpu.memory_space<vmem>>, vector<16xf32>,
        %parallel_loop3A_490 = arith.addf %parallel_loop3A_486, %parallel_loop3A_489 : vector<16xf32>
        %parallel_loop3A_491 = arith.constant 0.000000e+00 : f32
        %parallel_loop3A_492 = vector.broadcast %parallel_loop3A_491 : f32 to vector<16xf32>
        %parallel_loop3A_493 = arith.maximumf %parallel_loop3A_490, %parallel_loop3A_492 : vector<16xf32>
        %parallel_loop3A_494 = arith.index_cast %parallel_loop3A_483 : i32 to index
        %parallel_loop3A_495 = arith.constant 0 : index
        %parallel_loop3A_496 = tpu.vector_load %arg15[%parallel_loop3A_494, %parallel_loop3A_495] {strides = array<i32>} : memref<40x128xf32, #tpu.memory_space<vmem>>, vector<16xf32>,
        tpu.vector_store %arg15[%parallel_loop3A_494, %parallel_loop3A_495], %parallel_loop3A_493 {strides = array<i32>} : memref<40x128xf32, #tpu.memory_space<vmem>>, vector<16xf32>,
        %parallel_loop3A_497 = arith.index_cast %parallel_loop3A_483 : i32 to index
        %parallel_loop3A_498 = arith.constant 16 : index
        %parallel_loop3A_499 = tpu.vector_load %arg15[%parallel_loop3A_497, %parallel_loop3A_498] {strides = array<i32>} : memref<40x128xf32, #tpu.memory_space<vmem>>, vector<16xf32>,
        %parallel_loop3A_500 = arith.index_cast %parallel_loop3A_483 : i32 to index
        %parallel_loop3A_501 = arith.constant 16 : index
        %parallel_loop3A_502 = tpu.vector_load %arg17[%parallel_loop3A_500, %parallel_loop3A_501] {strides = array<i32>} : memref<40x128xf32, #tpu.memory_space<vmem>>, vector<16xf32>,
        %parallel_loop3A_503 = arith.addf %parallel_loop3A_499, %parallel_loop3A_502 : vector<16xf32>
        %parallel_loop3A_504 = arith.constant 0.000000e+00 : f32
        %parallel_loop3A_505 = vector.broadcast %parallel_loop3A_504 : f32 to vector<16xf32>
        %parallel_loop3A_506 = arith.maximumf %parallel_loop3A_503, %parallel_loop3A_505 : vector<16xf32>
        %parallel_loop3A_507 = arith.index_cast %parallel_loop3A_483 : i32 to index
        %parallel_loop3A_508 = arith.constant 16 : index
        %parallel_loop3A_509 = tpu.vector_load %arg15[%parallel_loop3A_507, %parallel_loop3A_508] {strides = array<i32>} : memref<40x128xf32, #tpu.memory_space<vmem>>, vector<16xf32>,
        tpu.vector_store %arg15[%parallel_loop3A_507, %parallel_loop3A_508], %parallel_loop3A_506 {strides = array<i32>} : memref<40x128xf32, #tpu.memory_space<vmem>>, vector<16xf32>,
        %parallel_loop3A_510 = arith.index_cast %parallel_loop3A_483 : i32 to index
        %parallel_loop3A_511 = arith.constant 32 : index
        %parallel_loop3A_512 = tpu.vector_load %arg15[%parallel_loop3A_510, %parallel_loop3A_511] {strides = array<i32>} : memref<40x128xf32, #tpu.memory_space<vmem>>, vector<16xf32>,
        %parallel_loop3A_513 = arith.index_cast %parallel_loop3A_483 : i32 to index
        %parallel_loop3A_514 = arith.constant 32 : index
        %parallel_loop3A_515 = tpu.vector_load %arg17[%parallel_loop3A_513, %parallel_loop3A_514] {strides = array<i32>} : memref<40x128xf32, #tpu.memory_space<vmem>>, vector<16xf32>,
        %parallel_loop3A_516 = arith.addf %parallel_loop3A_512, %parallel_loop3A_515 : vector<16xf32>
        %parallel_loop3A_517 = arith.constant 0.000000e+00 : f32
        %parallel_loop3A_518 = vector.broadcast %parallel_loop3A_517 : f32 to vector<16xf32>
        %parallel_loop3A_519 = arith.maximumf %parallel_loop3A_516, %parallel_loop3A_518 : vector<16xf32>
        %parallel_loop3A_520 = arith.index_cast %parallel_loop3A_483 : i32 to index
        %parallel_loop3A_521 = arith.constant 32 : index
        %parallel_loop3A_522 = tpu.vector_load %arg15[%parallel_loop3A_520, %parallel_loop3A_521] {strides = array<i32>} : memref<40x128xf32, #tpu.memory_space<vmem>>, vector<16xf32>,
        tpu.vector_store %arg15[%parallel_loop3A_520, %parallel_loop3A_521], %parallel_loop3A_519 {strides = array<i32>} : memref<40x128xf32, #tpu.memory_space<vmem>>, vector<16xf32>,
        %parallel_loop3A_523 = arith.index_cast %parallel_loop3A_483 : i32 to index
        %parallel_loop3A_524 = arith.constant 48 : index
        %parallel_loop3A_525 = tpu.vector_load %arg15[%parallel_loop3A_523, %parallel_loop3A_524] {strides = array<i32>} : memref<40x128xf32, #tpu.memory_space<vmem>>, vector<16xf32>,
        %parallel_loop3A_526 = arith.index_cast %parallel_loop3A_483 : i32 to index
        %parallel_loop3A_527 = arith.constant 48 : index
        %parallel_loop3A_528 = tpu.vector_load %arg17[%parallel_loop3A_526, %parallel_loop3A_527] {strides = array<i32>} : memref<40x128xf32, #tpu.memory_space<vmem>>, vector<16xf32>,
        %parallel_loop3A_529 = arith.addf %parallel_loop3A_525, %parallel_loop3A_528 : vector<16xf32>
        %parallel_loop3A_530 = arith.constant 0.000000e+00 : f32
        %parallel_loop3A_531 = vector.broadcast %parallel_loop3A_530 : f32 to vector<16xf32>
        %parallel_loop3A_532 = arith.maximumf %parallel_loop3A_529, %parallel_loop3A_531 : vector<16xf32>
        %parallel_loop3A_533 = arith.index_cast %parallel_loop3A_483 : i32 to index
        %parallel_loop3A_534 = arith.constant 48 : index
        %parallel_loop3A_535 = tpu.vector_load %arg15[%parallel_loop3A_533, %parallel_loop3A_534] {strides = array<i32>} : memref<40x128xf32, #tpu.memory_space<vmem>>, vector<16xf32>,
        tpu.vector_store %arg15[%parallel_loop3A_533, %parallel_loop3A_534], %parallel_loop3A_532 {strides = array<i32>} : memref<40x128xf32, #tpu.memory_space<vmem>>, vector<16xf32>,
        %parallel_loop3A_536 = arith.index_cast %parallel_loop3A_483 : i32 to index
        %parallel_loop3A_537 = arith.constant 64 : index
        %parallel_loop3A_538 = tpu.vector_load %arg15[%parallel_loop3A_536, %parallel_loop3A_537] {strides = array<i32>} : memref<40x128xf32, #tpu.memory_space<vmem>>, vector<16xf32>,
        %parallel_loop3A_539 = arith.index_cast %parallel_loop3A_483 : i32 to index
        %parallel_loop3A_540 = arith.constant 64 : index
        %parallel_loop3A_541 = tpu.vector_load %arg17[%parallel_loop3A_539, %parallel_loop3A_540] {strides = array<i32>} : memref<40x128xf32, #tpu.memory_space<vmem>>, vector<16xf32>,
        %parallel_loop3A_542 = arith.addf %parallel_loop3A_538, %parallel_loop3A_541 : vector<16xf32>
        %parallel_loop3A_543 = arith.constant 0.000000e+00 : f32
        %parallel_loop3A_544 = vector.broadcast %parallel_loop3A_543 : f32 to vector<16xf32>
        %parallel_loop3A_545 = arith.maximumf %parallel_loop3A_542, %parallel_loop3A_544 : vector<16xf32>
        %parallel_loop3A_546 = arith.index_cast %parallel_loop3A_483 : i32 to index
        %parallel_loop3A_547 = arith.constant 64 : index
        %parallel_loop3A_548 = tpu.vector_load %arg15[%parallel_loop3A_546, %parallel_loop3A_547] {strides = array<i32>} : memref<40x128xf32, #tpu.memory_space<vmem>>, vector<16xf32>,
        tpu.vector_store %arg15[%parallel_loop3A_546, %parallel_loop3A_547], %parallel_loop3A_545 {strides = array<i32>} : memref<40x128xf32, #tpu.memory_space<vmem>>, vector<16xf32>,
        %parallel_loop3A_549 = arith.index_cast %parallel_loop3A_483 : i32 to index
        %parallel_loop3A_550 = arith.constant 80 : index
        %parallel_loop3A_551 = tpu.vector_load %arg15[%parallel_loop3A_549, %parallel_loop3A_550] {strides = array<i32>} : memref<40x128xf32, #tpu.memory_space<vmem>>, vector<16xf32>,
        %parallel_loop3A_552 = arith.index_cast %parallel_loop3A_483 : i32 to index
        %parallel_loop3A_553 = arith.constant 80 : index
        %parallel_loop3A_554 = tpu.vector_load %arg17[%parallel_loop3A_552, %parallel_loop3A_553] {strides = array<i32>} : memref<40x128xf32, #tpu.memory_space<vmem>>, vector<16xf32>,
        %parallel_loop3A_555 = arith.addf %parallel_loop3A_551, %parallel_loop3A_554 : vector<16xf32>
        %parallel_loop3A_556 = arith.constant 0.000000e+00 : f32
        %parallel_loop3A_557 = vector.broadcast %parallel_loop3A_556 : f32 to vector<16xf32>
        %parallel_loop3A_558 = arith.maximumf %parallel_loop3A_555, %parallel_loop3A_557 : vector<16xf32>
        %parallel_loop3A_559 = arith.index_cast %parallel_loop3A_483 : i32 to index
        %parallel_loop3A_560 = arith.constant 80 : index
        %parallel_loop3A_561 = tpu.vector_load %arg15[%parallel_loop3A_559, %parallel_loop3A_560] {strides = array<i32>} : memref<40x128xf32, #tpu.memory_space<vmem>>, vector<16xf32>,
        tpu.vector_store %arg15[%parallel_loop3A_559, %parallel_loop3A_560], %parallel_loop3A_558 {strides = array<i32>} : memref<40x128xf32, #tpu.memory_space<vmem>>, vector<16xf32>,
        %parallel_loop3A_562 = arith.index_cast %parallel_loop3A_483 : i32 to index
        %parallel_loop3A_563 = arith.constant 96 : index
        %parallel_loop3A_564 = tpu.vector_load %arg15[%parallel_loop3A_562, %parallel_loop3A_563] {strides = array<i32>} : memref<40x128xf32, #tpu.memory_space<vmem>>, vector<16xf32>,
        %parallel_loop3A_565 = arith.index_cast %parallel_loop3A_483 : i32 to index
        %parallel_loop3A_566 = arith.constant 96 : index
        %parallel_loop3A_567 = tpu.vector_load %arg17[%parallel_loop3A_565, %parallel_loop3A_566] {strides = array<i32>} : memref<40x128xf32, #tpu.memory_space<vmem>>, vector<16xf32>,
        %parallel_loop3A_568 = arith.addf %parallel_loop3A_564, %parallel_loop3A_567 : vector<16xf32>
        %parallel_loop3A_569 = arith.constant 0.000000e+00 : f32
        %parallel_loop3A_570 = vector.broadcast %parallel_loop3A_569 : f32 to vector<16xf32>
        %parallel_loop3A_571 = arith.maximumf %parallel_loop3A_568, %parallel_loop3A_570 : vector<16xf32>
        %parallel_loop3A_572 = arith.index_cast %parallel_loop3A_483 : i32 to index
        %parallel_loop3A_573 = arith.constant 96 : index
        %parallel_loop3A_574 = tpu.vector_load %arg15[%parallel_loop3A_572, %parallel_loop3A_573] {strides = array<i32>} : memref<40x128xf32, #tpu.memory_space<vmem>>, vector<16xf32>,
        tpu.vector_store %arg15[%parallel_loop3A_572, %parallel_loop3A_573], %parallel_loop3A_571 {strides = array<i32>} : memref<40x128xf32, #tpu.memory_space<vmem>>, vector<16xf32>,
        %parallel_loop3A_575 = arith.index_cast %parallel_loop3A_483 : i32 to index
        %parallel_loop3A_576 = arith.constant 112 : index
        %parallel_loop3A_577 = tpu.vector_load %arg15[%parallel_loop3A_575, %parallel_loop3A_576] {strides = array<i32>} : memref<40x128xf32, #tpu.memory_space<vmem>>, vector<16xf32>,
        %parallel_loop3A_578 = arith.index_cast %parallel_loop3A_483 : i32 to index
        %parallel_loop3A_579 = arith.constant 112 : index
        %parallel_loop3A_580 = tpu.vector_load %arg17[%parallel_loop3A_578, %parallel_loop3A_579] {strides = array<i32>} : memref<40x128xf32, #tpu.memory_space<vmem>>, vector<16xf32>,
        %parallel_loop3A_581 = arith.addf %parallel_loop3A_577, %parallel_loop3A_580 : vector<16xf32>
        %parallel_loop3A_582 = arith.constant 0.000000e+00 : f32
        %parallel_loop3A_583 = vector.broadcast %parallel_loop3A_582 : f32 to vector<16xf32>
        %parallel_loop3A_584 = arith.maximumf %parallel_loop3A_581, %parallel_loop3A_583 : vector<16xf32>
        %parallel_loop3A_585 = arith.index_cast %parallel_loop3A_483 : i32 to index
        %parallel_loop3A_586 = arith.constant 112 : index
        %parallel_loop3A_587 = tpu.vector_load %arg15[%parallel_loop3A_585, %parallel_loop3A_586] {strides = array<i32>} : memref<40x128xf32, #tpu.memory_space<vmem>>, vector<16xf32>,
        tpu.vector_store %arg15[%parallel_loop3A_585, %parallel_loop3A_586], %parallel_loop3A_584 {strides = array<i32>} : memref<40x128xf32, #tpu.memory_space<vmem>>, vector<16xf32>,
      } {sc.loop_unroll_factor = 4 : i64, sc.parallel_access}
      %get3A_387 = arith.constant 0 : index
      %get3A_388 = tpu.vector_load %arg13[%get3A_387] {strides = array<i32>} : memref<40xi32, #tpu.memory_space<vmem>>, vector<16xi32>,
      %shift_right_logical3A_389 = arith.constant 7 : i32
      %shift_right_logical3A_390 = vector.broadcast %shift_right_logical3A_389 : i32 to vector<16xi32>
      %shift_right_logical3A_391 = arith.shrui %get3A_388, %shift_right_logical3A_390 : vector<16xi32>
      %and3A_392 = arith.constant 127 : i32
      %and3A_393 = vector.broadcast %and3A_392 : i32 to vector<16xi32>
      %and3A_394 = arith.andi %get3A_388, %and3A_393 : vector<16xi32>
      tpu.vector_store_idx %arg19[%shift_right_logical3A_391, %and3A_394], %broadcast_in_dim3A_3 {add = true} : memref<80x128xf32, #tpu.memory_space<vmem>>[vector<16xi32>, vector<16xi32>], vector<16xf32>,
      %get3A_395 = arith.constant 16 : index
      %get3A_396 = tpu.vector_load %arg13[%get3A_395] {strides = array<i32>} : memref<40xi32, #tpu.memory_space<vmem>>, vector<16xi32>,
      %shift_right_logical3A_397 = arith.constant 7 : i32
      %shift_right_logical3A_398 = vector.broadcast %shift_right_logical3A_397 : i32 to vector<16xi32>
      %shift_right_logical3A_399 = arith.shrui %get3A_396, %shift_right_logical3A_398 : vector<16xi32>
      %and3A_400 = arith.constant 127 : i32
      %and3A_401 = vector.broadcast %and3A_400 : i32 to vector<16xi32>
      %and3A_402 = arith.andi %get3A_396, %and3A_401 : vector<16xi32>
      tpu.vector_store_idx %arg19[%shift_right_logical3A_399, %and3A_402], %broadcast_in_dim3A_3 {add = true} : memref<80x128xf32, #tpu.memory_space<vmem>>[vector<16xi32>, vector<16xi32>], vector<16xf32>,
      %get3A_403 = arith.constant 24 : index
      %get3A_404 = tpu.vector_load %arg13[%get3A_403] {strides = array<i32>} : memref<40xi32, #tpu.memory_space<vmem>>, vector<16xi32>,
      %shift_right_logical3A_405 = arith.constant 7 : i32
      %shift_right_logical3A_406 = vector.broadcast %shift_right_logical3A_405 : i32 to vector<16xi32>
      %shift_right_logical3A_407 = arith.shrui %get3A_404, %shift_right_logical3A_406 : vector<16xi32>
      %and3A_408 = arith.constant 127 : i32
      %and3A_409 = vector.broadcast %and3A_408 : i32 to vector<16xi32>
      %and3A_410 = arith.andi %get3A_404, %and3A_409 : vector<16xi32>
      %ge3A_411 = arith.constant 8 : i32
      %ge3A_412 = vector.broadcast %ge3A_411 : i32 to vector<16xi32>
      %ge3A_413 = arith.cmpi sge, %iota3A, %ge3A_412 : vector<16xi32>
      tpu.vector_store_idx %arg19[%shift_right_logical3A_407, %and3A_410], %broadcast_in_dim3A_3 masked %ge3A_413 {add = true} : memref<80x128xf32, #tpu.memory_space<vmem>>[vector<16xi32>, vector<16xi32>], vector<16xf32>, vector<16xi1>
      %dma_start3A_414 = arith.constant 0 : i32
      %dma_start3A_415 = arith.constant 0 : i32
      %dma_start3A_416 = tpu.memref_slice %arg29[%dma_start3A_414, %dma_start3A_415] : memref<10240x128xf32, #tpu.memory_space<vmem_shared>> -> memref<10240x128xf32, #tpu.memory_space<vmem_shared>>
      tpu.enqueue_indirect_dma source(%arg15 : memref<40x128xf32, #tpu.memory_space<vmem>>) target(%dma_start3A_416 : memref<10240x128xf32, #tpu.memory_space<vmem_shared>>) offsets(%arg13 : memref<40xi32, #tpu.memory_space<vmem>>) semaphore(%arg27 : memref<!tpu.dma_semaphore, #tpu.memory_space<semaphore_mem>>) {add = true}
      %add3A_417 = arith.constant 3 : i32
      %add3A_418 = arith.addi %add3A_221, %add3A_417 : i32
      %mul3A_419 = arith.constant 32 : i32
      %mul3A_420 = arith.muli %mul3A_419, %add3A_418 : i32
      %add3A_421 = arith.addi %add3A, %mul3A_420 : i32
      %dma_wait3A_422 = arith.constant 0 : i32
      %dma_wait3A_423 = arith.constant 0 : i32
      %dma_wait3A_424 = tpu.memref_slice %arg2[%dma_wait3A_422, %dma_wait3A_423] : memref<10000x128xf32, #tpu.memory_space<hbm>> -> memref<10000x128xf32, #tpu.memory_space<hbm>>
      tpu.wait_indirect_dma semaphore(%arg22 : memref<!tpu.dma_semaphore, #tpu.memory_space<semaphore_mem>>) src(%dma_wait3A_424 : memref<10000x128xf32, #tpu.memory_space<hbm>>) dst(%arg16 : memref<40x128xf32, #tpu.memory_space<vmem>>)
      %dma_wait3A_425 = arith.constant 0 : i32
      %dma_wait3A_426 = arith.constant 0 : i32
      %dma_wait3A_427 = tpu.memref_slice %arg3[%dma_wait3A_425, %dma_wait3A_426] : memref<320000x128xf32, #tpu.memory_space<hbm>> -> memref<40x128xf32, #tpu.memory_space<hbm>>
      %dma_wait3A_428 = arith.constant 0 : i32
      %dma_wait3A_429 = arith.constant 0 : i32
      %dma_wait3A_430 = tpu.memref_slice %arg3[%dma_wait3A_428, %dma_wait3A_429] : memref<320000x128xf32, #tpu.memory_space<hbm>> -> memref<40x128xf32, #tpu.memory_space<hbm>>
      tpu.wait_dma2 semaphore(%arg22 : memref<!tpu.dma_semaphore, #tpu.memory_space<semaphore_mem>>) src(%dma_wait3A_430 : memref<40x128xf32, #tpu.memory_space<hbm>>) dst(%arg18 : memref<40x128xf32, #tpu.memory_space<vmem>>)
      %ge3A_431 = arith.constant 1 : i32
      %ge3A_432 = arith.cmpi sge, %add3A_418, %ge3A_431 : i32
      %convert_element_type3A_433 = arith.extui %ge3A_432 : i1 to i32
      %cond3A_434 = arith.constant 0 : i32
      %cond3A_435 = arith.cmpi ne, %convert_element_type3A_433, %cond3A_434 : i32
      scf.if %cond3A_435 {
        %dma_wait3A_483 = arith.constant 0 : i32
        %dma_wait3A_484 = arith.constant 0 : i32
        %dma_wait3A_485 = tpu.memref_slice %arg29[%dma_wait3A_483, %dma_wait3A_484] : memref<10240x128xf32, #tpu.memory_space<vmem_shared>> -> memref<10240x128xf32, #tpu.memory_space<vmem_shared>>
        tpu.wait_indirect_dma semaphore(%arg27 : memref<!tpu.dma_semaphore, #tpu.memory_space<semaphore_mem>>) src(%arg15 : memref<40x128xf32, #tpu.memory_space<vmem>>) dst(%dma_wait3A_485 : memref<10240x128xf32, #tpu.memory_space<vmem_shared>>)
      } else {
      }
      %add3A_436 = arith.constant 1 : i32
      %add3A_437 = arith.addi %add3A_418, %add3A_436 : i32
      %lt3A_438 = arith.constant 250 : i32
      %lt3A_439 = arith.cmpi slt, %add3A_437, %lt3A_438 : i32
      %convert_element_type3A_440 = arith.extui %lt3A_439 : i1 to i32
      %cond3A_441 = arith.constant 0 : i32
      %cond3A_442 = arith.cmpi ne, %convert_element_type3A_440, %cond3A_441 : i32
      scf.if %cond3A_442 {
        %dma_wait3A_483 = arith.constant 0 : i32
        %dma_wait3A_484 = tpu.memref_slice %arg4[%dma_wait3A_483] : memref<640000xi32, #tpu.memory_space<hbm>> -> memref<40xi32, #tpu.memory_space<hbm>>
        %dma_wait3A_485 = arith.constant 0 : i32
        %dma_wait3A_486 = tpu.memref_slice %arg4[%dma_wait3A_485] : memref<640000xi32, #tpu.memory_space<hbm>> -> memref<40xi32, #tpu.memory_space<hbm>>
        tpu.wait_dma2 semaphore(%arg23 : memref<!tpu.dma_semaphore, #tpu.memory_space<semaphore_mem>>) src(%dma_wait3A_486 : memref<40xi32, #tpu.memory_space<hbm>>) dst(%arg7 : memref<40xi32, #tpu.memory_space<vmem>>)
        %dma_wait3A_487 = arith.constant 0 : i32
        %dma_wait3A_488 = tpu.memref_slice %arg4[%dma_wait3A_487] : memref<640000xi32, #tpu.memory_space<hbm>> -> memref<40xi32, #tpu.memory_space<hbm>>
        %dma_wait3A_489 = arith.constant 0 : i32
        %dma_wait3A_490 = tpu.memref_slice %arg4[%dma_wait3A_489] : memref<640000xi32, #tpu.memory_space<hbm>> -> memref<40xi32, #tpu.memory_space<hbm>>
        tpu.wait_dma2 semaphore(%arg23 : memref<!tpu.dma_semaphore, #tpu.memory_space<semaphore_mem>>) src(%dma_wait3A_490 : memref<40xi32, #tpu.memory_space<hbm>>) dst(%arg11 : memref<40xi32, #tpu.memory_space<vmem>>)
        %dma_start3A_491 = arith.constant 0 : i32
        %dma_start3A_492 = arith.constant 0 : i32
        %dma_start3A_493 = tpu.memref_slice %arg2[%dma_start3A_491, %dma_start3A_492] : memref<10000x128xf32, #tpu.memory_space<hbm>> -> memref<10000x128xf32, #tpu.memory_space<hbm>>
        tpu.enqueue_indirect_dma source(%dma_start3A_493 : memref<10000x128xf32, #tpu.memory_space<hbm>>) target(%arg15 : memref<40x128xf32, #tpu.memory_space<vmem>>) offsets(%arg7 : memref<40xi32, #tpu.memory_space<vmem>>) semaphore(%arg21 : memref<!tpu.dma_semaphore, #tpu.memory_space<semaphore_mem>>)
        %add3A_494 = arith.constant 32 : i32
        %add3A_495 = arith.addi %add3A_421, %add3A_494 : i32
        %mul3A_496 = arith.constant 40 : i32
        %mul3A_497 = arith.muli %add3A_495, %mul3A_496 : i32
        %dma_start3A_498 = arith.constant 0 : i32
        %dma_start3A_499 = tpu.memref_slice %arg3[%mul3A_497, %dma_start3A_498] : memref<320000x128xf32, #tpu.memory_space<hbm>> -> memref<40x128xf32, #tpu.memory_space<hbm>>
        %dma_start3A_500 = arith.constant 0 : i32
        %dma_start3A_501 = tpu.memref_slice %arg3[%mul3A_497, %dma_start3A_500] : memref<320000x128xf32, #tpu.memory_space<hbm>> -> memref<40x128xf32, #tpu.memory_space<hbm>>
        tpu.enqueue_dma source(%dma_start3A_501 : memref<40x128xf32, #tpu.memory_space<hbm>>) target(%arg17 : memref<40x128xf32, #tpu.memory_space<vmem>>) target_semaphore(%arg21 : memref<!tpu.dma_semaphore, #tpu.memory_space<semaphore_mem>>)
      } else {
      }
      %add3A_443 = arith.constant 2 : i32
      %add3A_444 = arith.addi %add3A_418, %add3A_443 : i32
      %lt3A_445 = arith.constant 250 : i32
      %lt3A_446 = arith.cmpi slt, %add3A_444, %lt3A_445 : i32
      %convert_element_type3A_447 = arith.extui %lt3A_446 : i1 to i32
      %cond3A_448 = arith.constant 0 : i32
      %cond3A_449 = arith.cmpi ne, %convert_element_type3A_447, %cond3A_448 : i32
      scf.if %cond3A_449 {
        %add3A_483 = arith.constant 64 : i32
        %add3A_484 = arith.addi %add3A_421, %add3A_483 : i32
        %mul3A_485 = arith.constant 40 : i32
        %mul3A_486 = arith.muli %add3A_484, %mul3A_485 : i32
        %add3A_487 = arith.constant 320000 : i32
        %add3A_488 = arith.addi %add3A_487, %mul3A_486 : i32
        %dma_start3A_489 = tpu.memref_slice %arg4[%add3A_488] : memref<640000xi32, #tpu.memory_space<hbm>> -> memref<40xi32, #tpu.memory_space<hbm>>
        %dma_start3A_490 = tpu.memref_slice %arg4[%add3A_488] : memref<640000xi32, #tpu.memory_space<hbm>> -> memref<40xi32, #tpu.memory_space<hbm>>
        tpu.enqueue_dma source(%dma_start3A_490 : memref<40xi32, #tpu.memory_space<hbm>>) target(%arg8 : memref<40xi32, #tpu.memory_space<vmem>>) target_semaphore(%arg24 : memref<!tpu.dma_semaphore, #tpu.memory_space<semaphore_mem>>)
        %dma_start3A_491 = tpu.memref_slice %arg4[%mul3A_486] : memref<640000xi32, #tpu.memory_space<hbm>> -> memref<40xi32, #tpu.memory_space<hbm>>
        %dma_start3A_492 = tpu.memref_slice %arg4[%mul3A_486] : memref<640000xi32, #tpu.memory_space<hbm>> -> memref<40xi32, #tpu.memory_space<hbm>>
        tpu.enqueue_dma source(%dma_start3A_492 : memref<40xi32, #tpu.memory_space<hbm>>) target(%arg12 : memref<40xi32, #tpu.memory_space<vmem>>) target_semaphore(%arg24 : memref<!tpu.dma_semaphore, #tpu.memory_space<semaphore_mem>>)
      } else {
      }
      %parallel_loop3A_450 = arith.constant 0 : i32
      %parallel_loop3A_451 = arith.constant 40 : i32
      %parallel_loop3A_452 = arith.constant 1 : i32
      scf.for %parallel_loop3A_483 = %parallel_loop3A_450 to %parallel_loop3A_451 step %parallel_loop3A_452  : i32 {
        %parallel_loop3A_484 = arith.index_cast %parallel_loop3A_483 : i32 to index
        %parallel_loop3A_485 = arith.constant 0 : index
        %parallel_loop3A_486 = tpu.vector_load %arg16[%parallel_loop3A_484, %parallel_loop3A_485] {strides = array<i32>} : memref<40x128xf32, #tpu.memory_space<vmem>>, vector<16xf32>,
        %parallel_loop3A_487 = arith.index_cast %parallel_loop3A_483 : i32 to index
        %parallel_loop3A_488 = arith.constant 0 : index
        %parallel_loop3A_489 = tpu.vector_load %arg18[%parallel_loop3A_487, %parallel_loop3A_488] {strides = array<i32>} : memref<40x128xf32, #tpu.memory_space<vmem>>, vector<16xf32>,
        %parallel_loop3A_490 = arith.addf %parallel_loop3A_486, %parallel_loop3A_489 : vector<16xf32>
        %parallel_loop3A_491 = arith.constant 0.000000e+00 : f32
        %parallel_loop3A_492 = vector.broadcast %parallel_loop3A_491 : f32 to vector<16xf32>
        %parallel_loop3A_493 = arith.maximumf %parallel_loop3A_490, %parallel_loop3A_492 : vector<16xf32>
        %parallel_loop3A_494 = arith.index_cast %parallel_loop3A_483 : i32 to index
        %parallel_loop3A_495 = arith.constant 0 : index
        %parallel_loop3A_496 = tpu.vector_load %arg16[%parallel_loop3A_494, %parallel_loop3A_495] {strides = array<i32>} : memref<40x128xf32, #tpu.memory_space<vmem>>, vector<16xf32>,
        tpu.vector_store %arg16[%parallel_loop3A_494, %parallel_loop3A_495], %parallel_loop3A_493 {strides = array<i32>} : memref<40x128xf32, #tpu.memory_space<vmem>>, vector<16xf32>,
        %parallel_loop3A_497 = arith.index_cast %parallel_loop3A_483 : i32 to index
        %parallel_loop3A_498 = arith.constant 16 : index
        %parallel_loop3A_499 = tpu.vector_load %arg16[%parallel_loop3A_497, %parallel_loop3A_498] {strides = array<i32>} : memref<40x128xf32, #tpu.memory_space<vmem>>, vector<16xf32>,
        %parallel_loop3A_500 = arith.index_cast %parallel_loop3A_483 : i32 to index
        %parallel_loop3A_501 = arith.constant 16 : index
        %parallel_loop3A_502 = tpu.vector_load %arg18[%parallel_loop3A_500, %parallel_loop3A_501] {strides = array<i32>} : memref<40x128xf32, #tpu.memory_space<vmem>>, vector<16xf32>,
        %parallel_loop3A_503 = arith.addf %parallel_loop3A_499, %parallel_loop3A_502 : vector<16xf32>
        %parallel_loop3A_504 = arith.constant 0.000000e+00 : f32
        %parallel_loop3A_505 = vector.broadcast %parallel_loop3A_504 : f32 to vector<16xf32>
        %parallel_loop3A_506 = arith.maximumf %parallel_loop3A_503, %parallel_loop3A_505 : vector<16xf32>
        %parallel_loop3A_507 = arith.index_cast %parallel_loop3A_483 : i32 to index
        %parallel_loop3A_508 = arith.constant 16 : index
        %parallel_loop3A_509 = tpu.vector_load %arg16[%parallel_loop3A_507, %parallel_loop3A_508] {strides = array<i32>} : memref<40x128xf32, #tpu.memory_space<vmem>>, vector<16xf32>,
        tpu.vector_store %arg16[%parallel_loop3A_507, %parallel_loop3A_508], %parallel_loop3A_506 {strides = array<i32>} : memref<40x128xf32, #tpu.memory_space<vmem>>, vector<16xf32>,
        %parallel_loop3A_510 = arith.index_cast %parallel_loop3A_483 : i32 to index
        %parallel_loop3A_511 = arith.constant 32 : index
        %parallel_loop3A_512 = tpu.vector_load %arg16[%parallel_loop3A_510, %parallel_loop3A_511] {strides = array<i32>} : memref<40x128xf32, #tpu.memory_space<vmem>>, vector<16xf32>,
        %parallel_loop3A_513 = arith.index_cast %parallel_loop3A_483 : i32 to index
        %parallel_loop3A_514 = arith.constant 32 : index
        %parallel_loop3A_515 = tpu.vector_load %arg18[%parallel_loop3A_513, %parallel_loop3A_514] {strides = array<i32>} : memref<40x128xf32, #tpu.memory_space<vmem>>, vector<16xf32>,
        %parallel_loop3A_516 = arith.addf %parallel_loop3A_512, %parallel_loop3A_515 : vector<16xf32>
        %parallel_loop3A_517 = arith.constant 0.000000e+00 : f32
        %parallel_loop3A_518 = vector.broadcast %parallel_loop3A_517 : f32 to vector<16xf32>
        %parallel_loop3A_519 = arith.maximumf %parallel_loop3A_516, %parallel_loop3A_518 : vector<16xf32>
        %parallel_loop3A_520 = arith.index_cast %parallel_loop3A_483 : i32 to index
        %parallel_loop3A_521 = arith.constant 32 : index
        %parallel_loop3A_522 = tpu.vector_load %arg16[%parallel_loop3A_520, %parallel_loop3A_521] {strides = array<i32>} : memref<40x128xf32, #tpu.memory_space<vmem>>, vector<16xf32>,
        tpu.vector_store %arg16[%parallel_loop3A_520, %parallel_loop3A_521], %parallel_loop3A_519 {strides = array<i32>} : memref<40x128xf32, #tpu.memory_space<vmem>>, vector<16xf32>,
        %parallel_loop3A_523 = arith.index_cast %parallel_loop3A_483 : i32 to index
        %parallel_loop3A_524 = arith.constant 48 : index
        %parallel_loop3A_525 = tpu.vector_load %arg16[%parallel_loop3A_523, %parallel_loop3A_524] {strides = array<i32>} : memref<40x128xf32, #tpu.memory_space<vmem>>, vector<16xf32>,
        %parallel_loop3A_526 = arith.index_cast %parallel_loop3A_483 : i32 to index
        %parallel_loop3A_527 = arith.constant 48 : index
        %parallel_loop3A_528 = tpu.vector_load %arg18[%parallel_loop3A_526, %parallel_loop3A_527] {strides = array<i32>} : memref<40x128xf32, #tpu.memory_space<vmem>>, vector<16xf32>,
        %parallel_loop3A_529 = arith.addf %parallel_loop3A_525, %parallel_loop3A_528 : vector<16xf32>
        %parallel_loop3A_530 = arith.constant 0.000000e+00 : f32
        %parallel_loop3A_531 = vector.broadcast %parallel_loop3A_530 : f32 to vector<16xf32>
        %parallel_loop3A_532 = arith.maximumf %parallel_loop3A_529, %parallel_loop3A_531 : vector<16xf32>
        %parallel_loop3A_533 = arith.index_cast %parallel_loop3A_483 : i32 to index
        %parallel_loop3A_534 = arith.constant 48 : index
        %parallel_loop3A_535 = tpu.vector_load %arg16[%parallel_loop3A_533, %parallel_loop3A_534] {strides = array<i32>} : memref<40x128xf32, #tpu.memory_space<vmem>>, vector<16xf32>,
        tpu.vector_store %arg16[%parallel_loop3A_533, %parallel_loop3A_534], %parallel_loop3A_532 {strides = array<i32>} : memref<40x128xf32, #tpu.memory_space<vmem>>, vector<16xf32>,
        %parallel_loop3A_536 = arith.index_cast %parallel_loop3A_483 : i32 to index
        %parallel_loop3A_537 = arith.constant 64 : index
        %parallel_loop3A_538 = tpu.vector_load %arg16[%parallel_loop3A_536, %parallel_loop3A_537] {strides = array<i32>} : memref<40x128xf32, #tpu.memory_space<vmem>>, vector<16xf32>,
        %parallel_loop3A_539 = arith.index_cast %parallel_loop3A_483 : i32 to index
        %parallel_loop3A_540 = arith.constant 64 : index
        %parallel_loop3A_541 = tpu.vector_load %arg18[%parallel_loop3A_539, %parallel_loop3A_540] {strides = array<i32>} : memref<40x128xf32, #tpu.memory_space<vmem>>, vector<16xf32>,
        %parallel_loop3A_542 = arith.addf %parallel_loop3A_538, %parallel_loop3A_541 : vector<16xf32>
        %parallel_loop3A_543 = arith.constant 0.000000e+00 : f32
        %parallel_loop3A_544 = vector.broadcast %parallel_loop3A_543 : f32 to vector<16xf32>
        %parallel_loop3A_545 = arith.maximumf %parallel_loop3A_542, %parallel_loop3A_544 : vector<16xf32>
        %parallel_loop3A_546 = arith.index_cast %parallel_loop3A_483 : i32 to index
        %parallel_loop3A_547 = arith.constant 64 : index
        %parallel_loop3A_548 = tpu.vector_load %arg16[%parallel_loop3A_546, %parallel_loop3A_547] {strides = array<i32>} : memref<40x128xf32, #tpu.memory_space<vmem>>, vector<16xf32>,
        tpu.vector_store %arg16[%parallel_loop3A_546, %parallel_loop3A_547], %parallel_loop3A_545 {strides = array<i32>} : memref<40x128xf32, #tpu.memory_space<vmem>>, vector<16xf32>,
        %parallel_loop3A_549 = arith.index_cast %parallel_loop3A_483 : i32 to index
        %parallel_loop3A_550 = arith.constant 80 : index
        %parallel_loop3A_551 = tpu.vector_load %arg16[%parallel_loop3A_549, %parallel_loop3A_550] {strides = array<i32>} : memref<40x128xf32, #tpu.memory_space<vmem>>, vector<16xf32>,
        %parallel_loop3A_552 = arith.index_cast %parallel_loop3A_483 : i32 to index
        %parallel_loop3A_553 = arith.constant 80 : index
        %parallel_loop3A_554 = tpu.vector_load %arg18[%parallel_loop3A_552, %parallel_loop3A_553] {strides = array<i32>} : memref<40x128xf32, #tpu.memory_space<vmem>>, vector<16xf32>,
        %parallel_loop3A_555 = arith.addf %parallel_loop3A_551, %parallel_loop3A_554 : vector<16xf32>
        %parallel_loop3A_556 = arith.constant 0.000000e+00 : f32
        %parallel_loop3A_557 = vector.broadcast %parallel_loop3A_556 : f32 to vector<16xf32>
        %parallel_loop3A_558 = arith.maximumf %parallel_loop3A_555, %parallel_loop3A_557 : vector<16xf32>
        %parallel_loop3A_559 = arith.index_cast %parallel_loop3A_483 : i32 to index
        %parallel_loop3A_560 = arith.constant 80 : index
        %parallel_loop3A_561 = tpu.vector_load %arg16[%parallel_loop3A_559, %parallel_loop3A_560] {strides = array<i32>} : memref<40x128xf32, #tpu.memory_space<vmem>>, vector<16xf32>,
        tpu.vector_store %arg16[%parallel_loop3A_559, %parallel_loop3A_560], %parallel_loop3A_558 {strides = array<i32>} : memref<40x128xf32, #tpu.memory_space<vmem>>, vector<16xf32>,
        %parallel_loop3A_562 = arith.index_cast %parallel_loop3A_483 : i32 to index
        %parallel_loop3A_563 = arith.constant 96 : index
        %parallel_loop3A_564 = tpu.vector_load %arg16[%parallel_loop3A_562, %parallel_loop3A_563] {strides = array<i32>} : memref<40x128xf32, #tpu.memory_space<vmem>>, vector<16xf32>,
        %parallel_loop3A_565 = arith.index_cast %parallel_loop3A_483 : i32 to index
        %parallel_loop3A_566 = arith.constant 96 : index
        %parallel_loop3A_567 = tpu.vector_load %arg18[%parallel_loop3A_565, %parallel_loop3A_566] {strides = array<i32>} : memref<40x128xf32, #tpu.memory_space<vmem>>, vector<16xf32>,
        %parallel_loop3A_568 = arith.addf %parallel_loop3A_564, %parallel_loop3A_567 : vector<16xf32>
        %parallel_loop3A_569 = arith.constant 0.000000e+00 : f32
        %parallel_loop3A_570 = vector.broadcast %parallel_loop3A_569 : f32 to vector<16xf32>
        %parallel_loop3A_571 = arith.maximumf %parallel_loop3A_568, %parallel_loop3A_570 : vector<16xf32>
        %parallel_loop3A_572 = arith.index_cast %parallel_loop3A_483 : i32 to index
        %parallel_loop3A_573 = arith.constant 96 : index
        %parallel_loop3A_574 = tpu.vector_load %arg16[%parallel_loop3A_572, %parallel_loop3A_573] {strides = array<i32>} : memref<40x128xf32, #tpu.memory_space<vmem>>, vector<16xf32>,
        tpu.vector_store %arg16[%parallel_loop3A_572, %parallel_loop3A_573], %parallel_loop3A_571 {strides = array<i32>} : memref<40x128xf32, #tpu.memory_space<vmem>>, vector<16xf32>,
        %parallel_loop3A_575 = arith.index_cast %parallel_loop3A_483 : i32 to index
        %parallel_loop3A_576 = arith.constant 112 : index
        %parallel_loop3A_577 = tpu.vector_load %arg16[%parallel_loop3A_575, %parallel_loop3A_576] {strides = array<i32>} : memref<40x128xf32, #tpu.memory_space<vmem>>, vector<16xf32>,
        %parallel_loop3A_578 = arith.index_cast %parallel_loop3A_483 : i32 to index
        %parallel_loop3A_579 = arith.constant 112 : index
        %parallel_loop3A_580 = tpu.vector_load %arg18[%parallel_loop3A_578, %parallel_loop3A_579] {strides = array<i32>} : memref<40x128xf32, #tpu.memory_space<vmem>>, vector<16xf32>,
        %parallel_loop3A_581 = arith.addf %parallel_loop3A_577, %parallel_loop3A_580 : vector<16xf32>
        %parallel_loop3A_582 = arith.constant 0.000000e+00 : f32
        %parallel_loop3A_583 = vector.broadcast %parallel_loop3A_582 : f32 to vector<16xf32>
        %parallel_loop3A_584 = arith.maximumf %parallel_loop3A_581, %parallel_loop3A_583 : vector<16xf32>
        %parallel_loop3A_585 = arith.index_cast %parallel_loop3A_483 : i32 to index
        %parallel_loop3A_586 = arith.constant 112 : index
        %parallel_loop3A_587 = tpu.vector_load %arg16[%parallel_loop3A_585, %parallel_loop3A_586] {strides = array<i32>} : memref<40x128xf32, #tpu.memory_space<vmem>>, vector<16xf32>,
        tpu.vector_store %arg16[%parallel_loop3A_585, %parallel_loop3A_586], %parallel_loop3A_584 {strides = array<i32>} : memref<40x128xf32, #tpu.memory_space<vmem>>, vector<16xf32>,
      } {sc.loop_unroll_factor = 4 : i64, sc.parallel_access}
      %get3A_453 = arith.constant 0 : index
      %get3A_454 = tpu.vector_load %arg14[%get3A_453] {strides = array<i32>} : memref<40xi32, #tpu.memory_space<vmem>>, vector<16xi32>,
      %shift_right_logical3A_455 = arith.constant 7 : i32
      %shift_right_logical3A_456 = vector.broadcast %shift_right_logical3A_455 : i32 to vector<16xi32>
      %shift_right_logical3A_457 = arith.shrui %get3A_454, %shift_right_logical3A_456 : vector<16xi32>
      %and3A_458 = arith.constant 127 : i32
      %and3A_459 = vector.broadcast %and3A_458 : i32 to vector<16xi32>
      %and3A_460 = arith.andi %get3A_454, %and3A_459 : vector<16xi32>
      tpu.vector_store_idx %arg19[%shift_right_logical3A_457, %and3A_460], %broadcast_in_dim3A_3 {add = true} : memref<80x128xf32, #tpu.memory_space<vmem>>[vector<16xi32>, vector<16xi32>], vector<16xf32>,
      %get3A_461 = arith.constant 16 : index
      %get3A_462 = tpu.vector_load %arg14[%get3A_461] {strides = array<i32>} : memref<40xi32, #tpu.memory_space<vmem>>, vector<16xi32>,
      %shift_right_logical3A_463 = arith.constant 7 : i32
      %shift_right_logical3A_464 = vector.broadcast %shift_right_logical3A_463 : i32 to vector<16xi32>
      %shift_right_logical3A_465 = arith.shrui %get3A_462, %shift_right_logical3A_464 : vector<16xi32>
      %and3A_466 = arith.constant 127 : i32
      %and3A_467 = vector.broadcast %and3A_466 : i32 to vector<16xi32>
      %and3A_468 = arith.andi %get3A_462, %and3A_467 : vector<16xi32>
      tpu.vector_store_idx %arg19[%shift_right_logical3A_465, %and3A_468], %broadcast_in_dim3A_3 {add = true} : memref<80x128xf32, #tpu.memory_space<vmem>>[vector<16xi32>, vector<16xi32>], vector<16xf32>,
      %get3A_469 = arith.constant 24 : index
      %get3A_470 = tpu.vector_load %arg14[%get3A_469] {strides = array<i32>} : memref<40xi32, #tpu.memory_space<vmem>>, vector<16xi32>,
      %shift_right_logical3A_471 = arith.constant 7 : i32
      %shift_right_logical3A_472 = vector.broadcast %shift_right_logical3A_471 : i32 to vector<16xi32>
      %shift_right_logical3A_473 = arith.shrui %get3A_470, %shift_right_logical3A_472 : vector<16xi32>
      %and3A_474 = arith.constant 127 : i32
      %and3A_475 = vector.broadcast %and3A_474 : i32 to vector<16xi32>
      %and3A_476 = arith.andi %get3A_470, %and3A_475 : vector<16xi32>
      %ge3A_477 = arith.constant 8 : i32
      %ge3A_478 = vector.broadcast %ge3A_477 : i32 to vector<16xi32>
      %ge3A_479 = arith.cmpi sge, %iota3A, %ge3A_478 : vector<16xi32>
      tpu.vector_store_idx %arg19[%shift_right_logical3A_473, %and3A_476], %broadcast_in_dim3A_3 masked %ge3A_479 {add = true} : memref<80x128xf32, #tpu.memory_space<vmem>>[vector<16xi32>, vector<16xi32>], vector<16xf32>, vector<16xi1>
      %dma_start3A_480 = arith.constant 0 : i32
      %dma_start3A_481 = arith.constant 0 : i32
      %dma_start3A_482 = tpu.memref_slice %arg29[%dma_start3A_480, %dma_start3A_481] : memref<10240x128xf32, #tpu.memory_space<vmem_shared>> -> memref<10240x128xf32, #tpu.memory_space<vmem_shared>>
      tpu.enqueue_indirect_dma source(%arg16 : memref<40x128xf32, #tpu.memory_space<vmem>>) target(%dma_start3A_482 : memref<10240x128xf32, #tpu.memory_space<vmem_shared>>) offsets(%arg14 : memref<40xi32, #tpu.memory_space<vmem>>) semaphore(%arg28 : memref<!tpu.dma_semaphore, #tpu.memory_space<semaphore_mem>>) {add = true}
    }
    %scan3A_82 = arith.constant 62 : i32
    %add3A_83 = arith.constant 7936 : i32
    %add3A_84 = arith.addi %add3A, %add3A_83 : i32
    %dma_wait3A = arith.constant 0 : i32
    %dma_wait3A_85 = arith.constant 0 : i32
    %dma_wait3A_86 = tpu.memref_slice %arg2[%dma_wait3A, %dma_wait3A_85] : memref<10000x128xf32, #tpu.memory_space<hbm>> -> memref<10000x128xf32, #tpu.memory_space<hbm>>
    tpu.wait_indirect_dma semaphore(%arg21 : memref<!tpu.dma_semaphore, #tpu.memory_space<semaphore_mem>>) src(%dma_wait3A_86 : memref<10000x128xf32, #tpu.memory_space<hbm>>) dst(%arg15 : memref<40x128xf32, #tpu.memory_space<vmem>>)
    %dma_wait3A_87 = arith.constant 0 : i32
    %dma_wait3A_88 = arith.constant 0 : i32
    %dma_wait3A_89 = tpu.memref_slice %arg3[%dma_wait3A_87, %dma_wait3A_88] : memref<320000x128xf32, #tpu.memory_space<hbm>> -> memref<40x128xf32, #tpu.memory_space<hbm>>
    %dma_wait3A_90 = arith.constant 0 : i32
    %dma_wait3A_91 = arith.constant 0 : i32
    %dma_wait3A_92 = tpu.memref_slice %arg3[%dma_wait3A_90, %dma_wait3A_91] : memref<320000x128xf32, #tpu.memory_space<hbm>> -> memref<40x128xf32, #tpu.memory_space<hbm>>
    tpu.wait_dma2 semaphore(%arg21 : memref<!tpu.dma_semaphore, #tpu.memory_space<semaphore_mem>>) src(%dma_wait3A_92 : memref<40x128xf32, #tpu.memory_space<hbm>>) dst(%arg17 : memref<40x128xf32, #tpu.memory_space<vmem>>)
    %dma_wait3A_93 = arith.constant 0 : i32
    %dma_wait3A_94 = arith.constant 0 : i32
    %dma_wait3A_95 = tpu.memref_slice %arg29[%dma_wait3A_93, %dma_wait3A_94] : memref<10240x128xf32, #tpu.memory_space<vmem_shared>> -> memref<10240x128xf32, #tpu.memory_space<vmem_shared>>
    tpu.wait_indirect_dma semaphore(%arg28 : memref<!tpu.dma_semaphore, #tpu.memory_space<semaphore_mem>>) src(%arg16 : memref<40x128xf32, #tpu.memory_space<vmem>>) dst(%dma_wait3A_95 : memref<10240x128xf32, #tpu.memory_space<vmem_shared>>)
    %dma_wait3A_96 = arith.constant 0 : i32
    %dma_wait3A_97 = tpu.memref_slice %arg4[%dma_wait3A_96] : memref<640000xi32, #tpu.memory_space<hbm>> -> memref<40xi32, #tpu.memory_space<hbm>>
    %dma_wait3A_98 = arith.constant 0 : i32
    %dma_wait3A_99 = tpu.memref_slice %arg4[%dma_wait3A_98] : memref<640000xi32, #tpu.memory_space<hbm>> -> memref<40xi32, #tpu.memory_space<hbm>>
    tpu.wait_dma2 semaphore(%arg24 : memref<!tpu.dma_semaphore, #tpu.memory_space<semaphore_mem>>) src(%dma_wait3A_99 : memref<40xi32, #tpu.memory_space<hbm>>) dst(%arg8 : memref<40xi32, #tpu.memory_space<vmem>>)
    %dma_wait3A_100 = arith.constant 0 : i32
    %dma_wait3A_101 = tpu.memref_slice %arg4[%dma_wait3A_100] : memref<640000xi32, #tpu.memory_space<hbm>> -> memref<40xi32, #tpu.memory_space<hbm>>
    %dma_wait3A_102 = arith.constant 0 : i32
    %dma_wait3A_103 = tpu.memref_slice %arg4[%dma_wait3A_102] : memref<640000xi32, #tpu.memory_space<hbm>> -> memref<40xi32, #tpu.memory_space<hbm>>
    tpu.wait_dma2 semaphore(%arg24 : memref<!tpu.dma_semaphore, #tpu.memory_space<semaphore_mem>>) src(%dma_wait3A_103 : memref<40xi32, #tpu.memory_space<hbm>>) dst(%arg12 : memref<40xi32, #tpu.memory_space<vmem>>)
    %dma_start3A_104 = arith.constant 0 : i32
    %dma_start3A_105 = arith.constant 0 : i32
    %dma_start3A_106 = tpu.memref_slice %arg2[%dma_start3A_104, %dma_start3A_105] : memref<10000x128xf32, #tpu.memory_space<hbm>> -> memref<10000x128xf32, #tpu.memory_space<hbm>>
    tpu.enqueue_indirect_dma source(%dma_start3A_106 : memref<10000x128xf32, #tpu.memory_space<hbm>>) target(%arg16 : memref<40x128xf32, #tpu.memory_space<vmem>>) offsets(%arg8 : memref<40xi32, #tpu.memory_space<vmem>>) semaphore(%arg22 : memref<!tpu.dma_semaphore, #tpu.memory_space<semaphore_mem>>)
    %add3A_107 = arith.constant 32 : i32
    %add3A_108 = arith.addi %add3A_84, %add3A_107 : i32
    %mul3A_109 = arith.constant 40 : i32
    %mul3A_110 = arith.muli %add3A_108, %mul3A_109 : i32
    %dma_start3A_111 = arith.constant 0 : i32
    %dma_start3A_112 = tpu.memref_slice %arg3[%mul3A_110, %dma_start3A_111] : memref<320000x128xf32, #tpu.memory_space<hbm>> -> memref<40x128xf32, #tpu.memory_space<hbm>>
    %dma_start3A_113 = arith.constant 0 : i32
    %dma_start3A_114 = tpu.memref_slice %arg3[%mul3A_110, %dma_start3A_113] : memref<320000x128xf32, #tpu.memory_space<hbm>> -> memref<40x128xf32, #tpu.memory_space<hbm>>
    tpu.enqueue_dma source(%dma_start3A_114 : memref<40x128xf32, #tpu.memory_space<hbm>>) target(%arg18 : memref<40x128xf32, #tpu.memory_space<vmem>>) target_semaphore(%arg22 : memref<!tpu.dma_semaphore, #tpu.memory_space<semaphore_mem>>)
    %parallel_loop3A = arith.constant 0 : i32
    %parallel_loop3A_115 = arith.constant 40 : i32
    %parallel_loop3A_116 = arith.constant 1 : i32
    scf.for %parallel_loop3A_217 = %parallel_loop3A to %parallel_loop3A_115 step %parallel_loop3A_116  : i32 {
      %parallel_loop3A_218 = arith.index_cast %parallel_loop3A_217 : i32 to index
      %parallel_loop3A_219 = arith.constant 0 : index
      %parallel_loop3A_220 = tpu.vector_load %arg15[%parallel_loop3A_218, %parallel_loop3A_219] {strides = array<i32>} : memref<40x128xf32, #tpu.memory_space<vmem>>, vector<16xf32>,
      %parallel_loop3A_221 = arith.index_cast %parallel_loop3A_217 : i32 to index
      %parallel_loop3A_222 = arith.constant 0 : index
      %parallel_loop3A_223 = tpu.vector_load %arg17[%parallel_loop3A_221, %parallel_loop3A_222] {strides = array<i32>} : memref<40x128xf32, #tpu.memory_space<vmem>>, vector<16xf32>,
      %parallel_loop3A_224 = arith.addf %parallel_loop3A_220, %parallel_loop3A_223 : vector<16xf32>
      %parallel_loop3A_225 = arith.constant 0.000000e+00 : f32
      %parallel_loop3A_226 = vector.broadcast %parallel_loop3A_225 : f32 to vector<16xf32>
      %parallel_loop3A_227 = arith.maximumf %parallel_loop3A_224, %parallel_loop3A_226 : vector<16xf32>
      %parallel_loop3A_228 = arith.index_cast %parallel_loop3A_217 : i32 to index
      %parallel_loop3A_229 = arith.constant 0 : index
      %parallel_loop3A_230 = tpu.vector_load %arg15[%parallel_loop3A_228, %parallel_loop3A_229] {strides = array<i32>} : memref<40x128xf32, #tpu.memory_space<vmem>>, vector<16xf32>,
      tpu.vector_store %arg15[%parallel_loop3A_228, %parallel_loop3A_229], %parallel_loop3A_227 {strides = array<i32>} : memref<40x128xf32, #tpu.memory_space<vmem>>, vector<16xf32>,
      %parallel_loop3A_231 = arith.index_cast %parallel_loop3A_217 : i32 to index
      %parallel_loop3A_232 = arith.constant 16 : index
      %parallel_loop3A_233 = tpu.vector_load %arg15[%parallel_loop3A_231, %parallel_loop3A_232] {strides = array<i32>} : memref<40x128xf32, #tpu.memory_space<vmem>>, vector<16xf32>,
      %parallel_loop3A_234 = arith.index_cast %parallel_loop3A_217 : i32 to index
      %parallel_loop3A_235 = arith.constant 16 : index
      %parallel_loop3A_236 = tpu.vector_load %arg17[%parallel_loop3A_234, %parallel_loop3A_235] {strides = array<i32>} : memref<40x128xf32, #tpu.memory_space<vmem>>, vector<16xf32>,
      %parallel_loop3A_237 = arith.addf %parallel_loop3A_233, %parallel_loop3A_236 : vector<16xf32>
      %parallel_loop3A_238 = arith.constant 0.000000e+00 : f32
      %parallel_loop3A_239 = vector.broadcast %parallel_loop3A_238 : f32 to vector<16xf32>
      %parallel_loop3A_240 = arith.maximumf %parallel_loop3A_237, %parallel_loop3A_239 : vector<16xf32>
      %parallel_loop3A_241 = arith.index_cast %parallel_loop3A_217 : i32 to index
      %parallel_loop3A_242 = arith.constant 16 : index
      %parallel_loop3A_243 = tpu.vector_load %arg15[%parallel_loop3A_241, %parallel_loop3A_242] {strides = array<i32>} : memref<40x128xf32, #tpu.memory_space<vmem>>, vector<16xf32>,
      tpu.vector_store %arg15[%parallel_loop3A_241, %parallel_loop3A_242], %parallel_loop3A_240 {strides = array<i32>} : memref<40x128xf32, #tpu.memory_space<vmem>>, vector<16xf32>,
      %parallel_loop3A_244 = arith.index_cast %parallel_loop3A_217 : i32 to index
      %parallel_loop3A_245 = arith.constant 32 : index
      %parallel_loop3A_246 = tpu.vector_load %arg15[%parallel_loop3A_244, %parallel_loop3A_245] {strides = array<i32>} : memref<40x128xf32, #tpu.memory_space<vmem>>, vector<16xf32>,
      %parallel_loop3A_247 = arith.index_cast %parallel_loop3A_217 : i32 to index
      %parallel_loop3A_248 = arith.constant 32 : index
      %parallel_loop3A_249 = tpu.vector_load %arg17[%parallel_loop3A_247, %parallel_loop3A_248] {strides = array<i32>} : memref<40x128xf32, #tpu.memory_space<vmem>>, vector<16xf32>,
      %parallel_loop3A_250 = arith.addf %parallel_loop3A_246, %parallel_loop3A_249 : vector<16xf32>
      %parallel_loop3A_251 = arith.constant 0.000000e+00 : f32
      %parallel_loop3A_252 = vector.broadcast %parallel_loop3A_251 : f32 to vector<16xf32>
      %parallel_loop3A_253 = arith.maximumf %parallel_loop3A_250, %parallel_loop3A_252 : vector<16xf32>
      %parallel_loop3A_254 = arith.index_cast %parallel_loop3A_217 : i32 to index
      %parallel_loop3A_255 = arith.constant 32 : index
      %parallel_loop3A_256 = tpu.vector_load %arg15[%parallel_loop3A_254, %parallel_loop3A_255] {strides = array<i32>} : memref<40x128xf32, #tpu.memory_space<vmem>>, vector<16xf32>,
      tpu.vector_store %arg15[%parallel_loop3A_254, %parallel_loop3A_255], %parallel_loop3A_253 {strides = array<i32>} : memref<40x128xf32, #tpu.memory_space<vmem>>, vector<16xf32>,
      %parallel_loop3A_257 = arith.index_cast %parallel_loop3A_217 : i32 to index
      %parallel_loop3A_258 = arith.constant 48 : index
      %parallel_loop3A_259 = tpu.vector_load %arg15[%parallel_loop3A_257, %parallel_loop3A_258] {strides = array<i32>} : memref<40x128xf32, #tpu.memory_space<vmem>>, vector<16xf32>,
      %parallel_loop3A_260 = arith.index_cast %parallel_loop3A_217 : i32 to index
      %parallel_loop3A_261 = arith.constant 48 : index
      %parallel_loop3A_262 = tpu.vector_load %arg17[%parallel_loop3A_260, %parallel_loop3A_261] {strides = array<i32>} : memref<40x128xf32, #tpu.memory_space<vmem>>, vector<16xf32>,
      %parallel_loop3A_263 = arith.addf %parallel_loop3A_259, %parallel_loop3A_262 : vector<16xf32>
      %parallel_loop3A_264 = arith.constant 0.000000e+00 : f32
      %parallel_loop3A_265 = vector.broadcast %parallel_loop3A_264 : f32 to vector<16xf32>
      %parallel_loop3A_266 = arith.maximumf %parallel_loop3A_263, %parallel_loop3A_265 : vector<16xf32>
      %parallel_loop3A_267 = arith.index_cast %parallel_loop3A_217 : i32 to index
      %parallel_loop3A_268 = arith.constant 48 : index
      %parallel_loop3A_269 = tpu.vector_load %arg15[%parallel_loop3A_267, %parallel_loop3A_268] {strides = array<i32>} : memref<40x128xf32, #tpu.memory_space<vmem>>, vector<16xf32>,
      tpu.vector_store %arg15[%parallel_loop3A_267, %parallel_loop3A_268], %parallel_loop3A_266 {strides = array<i32>} : memref<40x128xf32, #tpu.memory_space<vmem>>, vector<16xf32>,
      %parallel_loop3A_270 = arith.index_cast %parallel_loop3A_217 : i32 to index
      %parallel_loop3A_271 = arith.constant 64 : index
      %parallel_loop3A_272 = tpu.vector_load %arg15[%parallel_loop3A_270, %parallel_loop3A_271] {strides = array<i32>} : memref<40x128xf32, #tpu.memory_space<vmem>>, vector<16xf32>,
      %parallel_loop3A_273 = arith.index_cast %parallel_loop3A_217 : i32 to index
      %parallel_loop3A_274 = arith.constant 64 : index
      %parallel_loop3A_275 = tpu.vector_load %arg17[%parallel_loop3A_273, %parallel_loop3A_274] {strides = array<i32>} : memref<40x128xf32, #tpu.memory_space<vmem>>, vector<16xf32>,
      %parallel_loop3A_276 = arith.addf %parallel_loop3A_272, %parallel_loop3A_275 : vector<16xf32>
      %parallel_loop3A_277 = arith.constant 0.000000e+00 : f32
      %parallel_loop3A_278 = vector.broadcast %parallel_loop3A_277 : f32 to vector<16xf32>
      %parallel_loop3A_279 = arith.maximumf %parallel_loop3A_276, %parallel_loop3A_278 : vector<16xf32>
      %parallel_loop3A_280 = arith.index_cast %parallel_loop3A_217 : i32 to index
      %parallel_loop3A_281 = arith.constant 64 : index
      %parallel_loop3A_282 = tpu.vector_load %arg15[%parallel_loop3A_280, %parallel_loop3A_281] {strides = array<i32>} : memref<40x128xf32, #tpu.memory_space<vmem>>, vector<16xf32>,
      tpu.vector_store %arg15[%parallel_loop3A_280, %parallel_loop3A_281], %parallel_loop3A_279 {strides = array<i32>} : memref<40x128xf32, #tpu.memory_space<vmem>>, vector<16xf32>,
      %parallel_loop3A_283 = arith.index_cast %parallel_loop3A_217 : i32 to index
      %parallel_loop3A_284 = arith.constant 80 : index
      %parallel_loop3A_285 = tpu.vector_load %arg15[%parallel_loop3A_283, %parallel_loop3A_284] {strides = array<i32>} : memref<40x128xf32, #tpu.memory_space<vmem>>, vector<16xf32>,
      %parallel_loop3A_286 = arith.index_cast %parallel_loop3A_217 : i32 to index
      %parallel_loop3A_287 = arith.constant 80 : index
      %parallel_loop3A_288 = tpu.vector_load %arg17[%parallel_loop3A_286, %parallel_loop3A_287] {strides = array<i32>} : memref<40x128xf32, #tpu.memory_space<vmem>>, vector<16xf32>,
      %parallel_loop3A_289 = arith.addf %parallel_loop3A_285, %parallel_loop3A_288 : vector<16xf32>
      %parallel_loop3A_290 = arith.constant 0.000000e+00 : f32
      %parallel_loop3A_291 = vector.broadcast %parallel_loop3A_290 : f32 to vector<16xf32>
      %parallel_loop3A_292 = arith.maximumf %parallel_loop3A_289, %parallel_loop3A_291 : vector<16xf32>
      %parallel_loop3A_293 = arith.index_cast %parallel_loop3A_217 : i32 to index
      %parallel_loop3A_294 = arith.constant 80 : index
      %parallel_loop3A_295 = tpu.vector_load %arg15[%parallel_loop3A_293, %parallel_loop3A_294] {strides = array<i32>} : memref<40x128xf32, #tpu.memory_space<vmem>>, vector<16xf32>,
      tpu.vector_store %arg15[%parallel_loop3A_293, %parallel_loop3A_294], %parallel_loop3A_292 {strides = array<i32>} : memref<40x128xf32, #tpu.memory_space<vmem>>, vector<16xf32>,
      %parallel_loop3A_296 = arith.index_cast %parallel_loop3A_217 : i32 to index
      %parallel_loop3A_297 = arith.constant 96 : index
      %parallel_loop3A_298 = tpu.vector_load %arg15[%parallel_loop3A_296, %parallel_loop3A_297] {strides = array<i32>} : memref<40x128xf32, #tpu.memory_space<vmem>>, vector<16xf32>,
      %parallel_loop3A_299 = arith.index_cast %parallel_loop3A_217 : i32 to index
      %parallel_loop3A_300 = arith.constant 96 : index
      %parallel_loop3A_301 = tpu.vector_load %arg17[%parallel_loop3A_299, %parallel_loop3A_300] {strides = array<i32>} : memref<40x128xf32, #tpu.memory_space<vmem>>, vector<16xf32>,
      %parallel_loop3A_302 = arith.addf %parallel_loop3A_298, %parallel_loop3A_301 : vector<16xf32>
      %parallel_loop3A_303 = arith.constant 0.000000e+00 : f32
      %parallel_loop3A_304 = vector.broadcast %parallel_loop3A_303 : f32 to vector<16xf32>
      %parallel_loop3A_305 = arith.maximumf %parallel_loop3A_302, %parallel_loop3A_304 : vector<16xf32>
      %parallel_loop3A_306 = arith.index_cast %parallel_loop3A_217 : i32 to index
      %parallel_loop3A_307 = arith.constant 96 : index
      %parallel_loop3A_308 = tpu.vector_load %arg15[%parallel_loop3A_306, %parallel_loop3A_307] {strides = array<i32>} : memref<40x128xf32, #tpu.memory_space<vmem>>, vector<16xf32>,
      tpu.vector_store %arg15[%parallel_loop3A_306, %parallel_loop3A_307], %parallel_loop3A_305 {strides = array<i32>} : memref<40x128xf32, #tpu.memory_space<vmem>>, vector<16xf32>,
      %parallel_loop3A_309 = arith.index_cast %parallel_loop3A_217 : i32 to index
      %parallel_loop3A_310 = arith.constant 112 : index
      %parallel_loop3A_311 = tpu.vector_load %arg15[%parallel_loop3A_309, %parallel_loop3A_310] {strides = array<i32>} : memref<40x128xf32, #tpu.memory_space<vmem>>, vector<16xf32>,
      %parallel_loop3A_312 = arith.index_cast %parallel_loop3A_217 : i32 to index
      %parallel_loop3A_313 = arith.constant 112 : index
      %parallel_loop3A_314 = tpu.vector_load %arg17[%parallel_loop3A_312, %parallel_loop3A_313] {strides = array<i32>} : memref<40x128xf32, #tpu.memory_space<vmem>>, vector<16xf32>,
      %parallel_loop3A_315 = arith.addf %parallel_loop3A_311, %parallel_loop3A_314 : vector<16xf32>
      %parallel_loop3A_316 = arith.constant 0.000000e+00 : f32
      %parallel_loop3A_317 = vector.broadcast %parallel_loop3A_316 : f32 to vector<16xf32>
      %parallel_loop3A_318 = arith.maximumf %parallel_loop3A_315, %parallel_loop3A_317 : vector<16xf32>
      %parallel_loop3A_319 = arith.index_cast %parallel_loop3A_217 : i32 to index
      %parallel_loop3A_320 = arith.constant 112 : index
      %parallel_loop3A_321 = tpu.vector_load %arg15[%parallel_loop3A_319, %parallel_loop3A_320] {strides = array<i32>} : memref<40x128xf32, #tpu.memory_space<vmem>>, vector<16xf32>,
      tpu.vector_store %arg15[%parallel_loop3A_319, %parallel_loop3A_320], %parallel_loop3A_318 {strides = array<i32>} : memref<40x128xf32, #tpu.memory_space<vmem>>, vector<16xf32>,
    } {sc.loop_unroll_factor = 4 : i64, sc.parallel_access}
    %get3A = arith.constant 0 : index
    %get3A_117 = tpu.vector_load %arg11[%get3A] {strides = array<i32>} : memref<40xi32, #tpu.memory_space<vmem>>, vector<16xi32>,
    %shift_right_logical3A = arith.constant 7 : i32
    %shift_right_logical3A_118 = vector.broadcast %shift_right_logical3A : i32 to vector<16xi32>
    %shift_right_logical3A_119 = arith.shrui %get3A_117, %shift_right_logical3A_118 : vector<16xi32>
    %and3A = arith.constant 127 : i32
    %and3A_120 = vector.broadcast %and3A : i32 to vector<16xi32>
    %and3A_121 = arith.andi %get3A_117, %and3A_120 : vector<16xi32>
    tpu.vector_store_idx %arg19[%shift_right_logical3A_119, %and3A_121], %broadcast_in_dim3A_3 {add = true} : memref<80x128xf32, #tpu.memory_space<vmem>>[vector<16xi32>, vector<16xi32>], vector<16xf32>,
    %get3A_122 = arith.constant 16 : index
    %get3A_123 = tpu.vector_load %arg11[%get3A_122] {strides = array<i32>} : memref<40xi32, #tpu.memory_space<vmem>>, vector<16xi32>,
    %shift_right_logical3A_124 = arith.constant 7 : i32
    %shift_right_logical3A_125 = vector.broadcast %shift_right_logical3A_124 : i32 to vector<16xi32>
    %shift_right_logical3A_126 = arith.shrui %get3A_123, %shift_right_logical3A_125 : vector<16xi32>
    %and3A_127 = arith.constant 127 : i32
    %and3A_128 = vector.broadcast %and3A_127 : i32 to vector<16xi32>
    %and3A_129 = arith.andi %get3A_123, %and3A_128 : vector<16xi32>
    tpu.vector_store_idx %arg19[%shift_right_logical3A_126, %and3A_129], %broadcast_in_dim3A_3 {add = true} : memref<80x128xf32, #tpu.memory_space<vmem>>[vector<16xi32>, vector<16xi32>], vector<16xf32>,
    %get3A_130 = arith.constant 24 : index
    %get3A_131 = tpu.vector_load %arg11[%get3A_130] {strides = array<i32>} : memref<40xi32, #tpu.memory_space<vmem>>, vector<16xi32>,
    %shift_right_logical3A_132 = arith.constant 7 : i32
    %shift_right_logical3A_133 = vector.broadcast %shift_right_logical3A_132 : i32 to vector<16xi32>
    %shift_right_logical3A_134 = arith.shrui %get3A_131, %shift_right_logical3A_133 : vector<16xi32>
    %and3A_135 = arith.constant 127 : i32
    %and3A_136 = vector.broadcast %and3A_135 : i32 to vector<16xi32>
    %and3A_137 = arith.andi %get3A_131, %and3A_136 : vector<16xi32>
    %ge3A = arith.constant 8 : i32
    %ge3A_138 = vector.broadcast %ge3A : i32 to vector<16xi32>
    %ge3A_139 = arith.cmpi sge, %iota3A, %ge3A_138 : vector<16xi32>
    tpu.vector_store_idx %arg19[%shift_right_logical3A_134, %and3A_137], %broadcast_in_dim3A_3 masked %ge3A_139 {add = true} : memref<80x128xf32, #tpu.memory_space<vmem>>[vector<16xi32>, vector<16xi32>], vector<16xf32>, vector<16xi1>
    %dma_start3A_140 = arith.constant 0 : i32
    %dma_start3A_141 = arith.constant 0 : i32
    %dma_start3A_142 = tpu.memref_slice %arg29[%dma_start3A_140, %dma_start3A_141] : memref<10240x128xf32, #tpu.memory_space<vmem_shared>> -> memref<10240x128xf32, #tpu.memory_space<vmem_shared>>
    tpu.enqueue_indirect_dma source(%arg15 : memref<40x128xf32, #tpu.memory_space<vmem>>) target(%dma_start3A_142 : memref<10240x128xf32, #tpu.memory_space<vmem_shared>>) offsets(%arg11 : memref<40xi32, #tpu.memory_space<vmem>>) semaphore(%arg27 : memref<!tpu.dma_semaphore, #tpu.memory_space<semaphore_mem>>) {add = true}
    %add3A_143 = arith.constant 7968 : i32
    %add3A_144 = arith.addi %add3A, %add3A_143 : i32
    %dma_wait3A_145 = arith.constant 0 : i32
    %dma_wait3A_146 = arith.constant 0 : i32
    %dma_wait3A_147 = tpu.memref_slice %arg2[%dma_wait3A_145, %dma_wait3A_146] : memref<10000x128xf32, #tpu.memory_space<hbm>> -> memref<10000x128xf32, #tpu.memory_space<hbm>>
    tpu.wait_indirect_dma semaphore(%arg22 : memref<!tpu.dma_semaphore, #tpu.memory_space<semaphore_mem>>) src(%dma_wait3A_147 : memref<10000x128xf32, #tpu.memory_space<hbm>>) dst(%arg16 : memref<40x128xf32, #tpu.memory_space<vmem>>)
    %dma_wait3A_148 = arith.constant 0 : i32
    %dma_wait3A_149 = arith.constant 0 : i32
    %dma_wait3A_150 = tpu.memref_slice %arg3[%dma_wait3A_148, %dma_wait3A_149] : memref<320000x128xf32, #tpu.memory_space<hbm>> -> memref<40x128xf32, #tpu.memory_space<hbm>>
    %dma_wait3A_151 = arith.constant 0 : i32
    %dma_wait3A_152 = arith.constant 0 : i32
    %dma_wait3A_153 = tpu.memref_slice %arg3[%dma_wait3A_151, %dma_wait3A_152] : memref<320000x128xf32, #tpu.memory_space<hbm>> -> memref<40x128xf32, #tpu.memory_space<hbm>>
    tpu.wait_dma2 semaphore(%arg22 : memref<!tpu.dma_semaphore, #tpu.memory_space<semaphore_mem>>) src(%dma_wait3A_153 : memref<40x128xf32, #tpu.memory_space<hbm>>) dst(%arg18 : memref<40x128xf32, #tpu.memory_space<vmem>>)
    %dma_wait3A_154 = arith.constant 0 : i32
    %dma_wait3A_155 = arith.constant 0 : i32
    %dma_wait3A_156 = tpu.memref_slice %arg29[%dma_wait3A_154, %dma_wait3A_155] : memref<10240x128xf32, #tpu.memory_space<vmem_shared>> -> memref<10240x128xf32, #tpu.memory_space<vmem_shared>>
    tpu.wait_indirect_dma semaphore(%arg27 : memref<!tpu.dma_semaphore, #tpu.memory_space<semaphore_mem>>) src(%arg15 : memref<40x128xf32, #tpu.memory_space<vmem>>) dst(%dma_wait3A_156 : memref<10240x128xf32, #tpu.memory_space<vmem_shared>>)
    %parallel_loop3A_157 = arith.constant 0 : i32
    %parallel_loop3A_158 = arith.constant 40 : i32
    %parallel_loop3A_159 = arith.constant 1 : i32
    scf.for %parallel_loop3A_217 = %parallel_loop3A_157 to %parallel_loop3A_158 step %parallel_loop3A_159  : i32 {
      %parallel_loop3A_218 = arith.index_cast %parallel_loop3A_217 : i32 to index
      %parallel_loop3A_219 = arith.constant 0 : index
      %parallel_loop3A_220 = tpu.vector_load %arg16[%parallel_loop3A_218, %parallel_loop3A_219] {strides = array<i32>} : memref<40x128xf32, #tpu.memory_space<vmem>>, vector<16xf32>,
      %parallel_loop3A_221 = arith.index_cast %parallel_loop3A_217 : i32 to index
      %parallel_loop3A_222 = arith.constant 0 : index
      %parallel_loop3A_223 = tpu.vector_load %arg18[%parallel_loop3A_221, %parallel_loop3A_222] {strides = array<i32>} : memref<40x128xf32, #tpu.memory_space<vmem>>, vector<16xf32>,
      %parallel_loop3A_224 = arith.addf %parallel_loop3A_220, %parallel_loop3A_223 : vector<16xf32>
      %parallel_loop3A_225 = arith.constant 0.000000e+00 : f32
      %parallel_loop3A_226 = vector.broadcast %parallel_loop3A_225 : f32 to vector<16xf32>
      %parallel_loop3A_227 = arith.maximumf %parallel_loop3A_224, %parallel_loop3A_226 : vector<16xf32>
      %parallel_loop3A_228 = arith.index_cast %parallel_loop3A_217 : i32 to index
      %parallel_loop3A_229 = arith.constant 0 : index
      %parallel_loop3A_230 = tpu.vector_load %arg16[%parallel_loop3A_228, %parallel_loop3A_229] {strides = array<i32>} : memref<40x128xf32, #tpu.memory_space<vmem>>, vector<16xf32>,
      tpu.vector_store %arg16[%parallel_loop3A_228, %parallel_loop3A_229], %parallel_loop3A_227 {strides = array<i32>} : memref<40x128xf32, #tpu.memory_space<vmem>>, vector<16xf32>,
      %parallel_loop3A_231 = arith.index_cast %parallel_loop3A_217 : i32 to index
      %parallel_loop3A_232 = arith.constant 16 : index
      %parallel_loop3A_233 = tpu.vector_load %arg16[%parallel_loop3A_231, %parallel_loop3A_232] {strides = array<i32>} : memref<40x128xf32, #tpu.memory_space<vmem>>, vector<16xf32>,
      %parallel_loop3A_234 = arith.index_cast %parallel_loop3A_217 : i32 to index
      %parallel_loop3A_235 = arith.constant 16 : index
      %parallel_loop3A_236 = tpu.vector_load %arg18[%parallel_loop3A_234, %parallel_loop3A_235] {strides = array<i32>} : memref<40x128xf32, #tpu.memory_space<vmem>>, vector<16xf32>,
      %parallel_loop3A_237 = arith.addf %parallel_loop3A_233, %parallel_loop3A_236 : vector<16xf32>
      %parallel_loop3A_238 = arith.constant 0.000000e+00 : f32
      %parallel_loop3A_239 = vector.broadcast %parallel_loop3A_238 : f32 to vector<16xf32>
      %parallel_loop3A_240 = arith.maximumf %parallel_loop3A_237, %parallel_loop3A_239 : vector<16xf32>
      %parallel_loop3A_241 = arith.index_cast %parallel_loop3A_217 : i32 to index
      %parallel_loop3A_242 = arith.constant 16 : index
      %parallel_loop3A_243 = tpu.vector_load %arg16[%parallel_loop3A_241, %parallel_loop3A_242] {strides = array<i32>} : memref<40x128xf32, #tpu.memory_space<vmem>>, vector<16xf32>,
      tpu.vector_store %arg16[%parallel_loop3A_241, %parallel_loop3A_242], %parallel_loop3A_240 {strides = array<i32>} : memref<40x128xf32, #tpu.memory_space<vmem>>, vector<16xf32>,
      %parallel_loop3A_244 = arith.index_cast %parallel_loop3A_217 : i32 to index
      %parallel_loop3A_245 = arith.constant 32 : index
      %parallel_loop3A_246 = tpu.vector_load %arg16[%parallel_loop3A_244, %parallel_loop3A_245] {strides = array<i32>} : memref<40x128xf32, #tpu.memory_space<vmem>>, vector<16xf32>,
      %parallel_loop3A_247 = arith.index_cast %parallel_loop3A_217 : i32 to index
      %parallel_loop3A_248 = arith.constant 32 : index
      %parallel_loop3A_249 = tpu.vector_load %arg18[%parallel_loop3A_247, %parallel_loop3A_248] {strides = array<i32>} : memref<40x128xf32, #tpu.memory_space<vmem>>, vector<16xf32>,
      %parallel_loop3A_250 = arith.addf %parallel_loop3A_246, %parallel_loop3A_249 : vector<16xf32>
      %parallel_loop3A_251 = arith.constant 0.000000e+00 : f32
      %parallel_loop3A_252 = vector.broadcast %parallel_loop3A_251 : f32 to vector<16xf32>
      %parallel_loop3A_253 = arith.maximumf %parallel_loop3A_250, %parallel_loop3A_252 : vector<16xf32>
      %parallel_loop3A_254 = arith.index_cast %parallel_loop3A_217 : i32 to index
      %parallel_loop3A_255 = arith.constant 32 : index
      %parallel_loop3A_256 = tpu.vector_load %arg16[%parallel_loop3A_254, %parallel_loop3A_255] {strides = array<i32>} : memref<40x128xf32, #tpu.memory_space<vmem>>, vector<16xf32>,
      tpu.vector_store %arg16[%parallel_loop3A_254, %parallel_loop3A_255], %parallel_loop3A_253 {strides = array<i32>} : memref<40x128xf32, #tpu.memory_space<vmem>>, vector<16xf32>,
      %parallel_loop3A_257 = arith.index_cast %parallel_loop3A_217 : i32 to index
      %parallel_loop3A_258 = arith.constant 48 : index
      %parallel_loop3A_259 = tpu.vector_load %arg16[%parallel_loop3A_257, %parallel_loop3A_258] {strides = array<i32>} : memref<40x128xf32, #tpu.memory_space<vmem>>, vector<16xf32>,
      %parallel_loop3A_260 = arith.index_cast %parallel_loop3A_217 : i32 to index
      %parallel_loop3A_261 = arith.constant 48 : index
      %parallel_loop3A_262 = tpu.vector_load %arg18[%parallel_loop3A_260, %parallel_loop3A_261] {strides = array<i32>} : memref<40x128xf32, #tpu.memory_space<vmem>>, vector<16xf32>,
      %parallel_loop3A_263 = arith.addf %parallel_loop3A_259, %parallel_loop3A_262 : vector<16xf32>
      %parallel_loop3A_264 = arith.constant 0.000000e+00 : f32
      %parallel_loop3A_265 = vector.broadcast %parallel_loop3A_264 : f32 to vector<16xf32>
      %parallel_loop3A_266 = arith.maximumf %parallel_loop3A_263, %parallel_loop3A_265 : vector<16xf32>
      %parallel_loop3A_267 = arith.index_cast %parallel_loop3A_217 : i32 to index
      %parallel_loop3A_268 = arith.constant 48 : index
      %parallel_loop3A_269 = tpu.vector_load %arg16[%parallel_loop3A_267, %parallel_loop3A_268] {strides = array<i32>} : memref<40x128xf32, #tpu.memory_space<vmem>>, vector<16xf32>,
      tpu.vector_store %arg16[%parallel_loop3A_267, %parallel_loop3A_268], %parallel_loop3A_266 {strides = array<i32>} : memref<40x128xf32, #tpu.memory_space<vmem>>, vector<16xf32>,
      %parallel_loop3A_270 = arith.index_cast %parallel_loop3A_217 : i32 to index
      %parallel_loop3A_271 = arith.constant 64 : index
      %parallel_loop3A_272 = tpu.vector_load %arg16[%parallel_loop3A_270, %parallel_loop3A_271] {strides = array<i32>} : memref<40x128xf32, #tpu.memory_space<vmem>>, vector<16xf32>,
      %parallel_loop3A_273 = arith.index_cast %parallel_loop3A_217 : i32 to index
      %parallel_loop3A_274 = arith.constant 64 : index
      %parallel_loop3A_275 = tpu.vector_load %arg18[%parallel_loop3A_273, %parallel_loop3A_274] {strides = array<i32>} : memref<40x128xf32, #tpu.memory_space<vmem>>, vector<16xf32>,
      %parallel_loop3A_276 = arith.addf %parallel_loop3A_272, %parallel_loop3A_275 : vector<16xf32>
      %parallel_loop3A_277 = arith.constant 0.000000e+00 : f32
      %parallel_loop3A_278 = vector.broadcast %parallel_loop3A_277 : f32 to vector<16xf32>
      %parallel_loop3A_279 = arith.maximumf %parallel_loop3A_276, %parallel_loop3A_278 : vector<16xf32>
      %parallel_loop3A_280 = arith.index_cast %parallel_loop3A_217 : i32 to index
      %parallel_loop3A_281 = arith.constant 64 : index
      %parallel_loop3A_282 = tpu.vector_load %arg16[%parallel_loop3A_280, %parallel_loop3A_281] {strides = array<i32>} : memref<40x128xf32, #tpu.memory_space<vmem>>, vector<16xf32>,
      tpu.vector_store %arg16[%parallel_loop3A_280, %parallel_loop3A_281], %parallel_loop3A_279 {strides = array<i32>} : memref<40x128xf32, #tpu.memory_space<vmem>>, vector<16xf32>,
      %parallel_loop3A_283 = arith.index_cast %parallel_loop3A_217 : i32 to index
      %parallel_loop3A_284 = arith.constant 80 : index
      %parallel_loop3A_285 = tpu.vector_load %arg16[%parallel_loop3A_283, %parallel_loop3A_284] {strides = array<i32>} : memref<40x128xf32, #tpu.memory_space<vmem>>, vector<16xf32>,
      %parallel_loop3A_286 = arith.index_cast %parallel_loop3A_217 : i32 to index
      %parallel_loop3A_287 = arith.constant 80 : index
      %parallel_loop3A_288 = tpu.vector_load %arg18[%parallel_loop3A_286, %parallel_loop3A_287] {strides = array<i32>} : memref<40x128xf32, #tpu.memory_space<vmem>>, vector<16xf32>,
      %parallel_loop3A_289 = arith.addf %parallel_loop3A_285, %parallel_loop3A_288 : vector<16xf32>
      %parallel_loop3A_290 = arith.constant 0.000000e+00 : f32
      %parallel_loop3A_291 = vector.broadcast %parallel_loop3A_290 : f32 to vector<16xf32>
      %parallel_loop3A_292 = arith.maximumf %parallel_loop3A_289, %parallel_loop3A_291 : vector<16xf32>
      %parallel_loop3A_293 = arith.index_cast %parallel_loop3A_217 : i32 to index
      %parallel_loop3A_294 = arith.constant 80 : index
      %parallel_loop3A_295 = tpu.vector_load %arg16[%parallel_loop3A_293, %parallel_loop3A_294] {strides = array<i32>} : memref<40x128xf32, #tpu.memory_space<vmem>>, vector<16xf32>,
      tpu.vector_store %arg16[%parallel_loop3A_293, %parallel_loop3A_294], %parallel_loop3A_292 {strides = array<i32>} : memref<40x128xf32, #tpu.memory_space<vmem>>, vector<16xf32>,
      %parallel_loop3A_296 = arith.index_cast %parallel_loop3A_217 : i32 to index
      %parallel_loop3A_297 = arith.constant 96 : index
      %parallel_loop3A_298 = tpu.vector_load %arg16[%parallel_loop3A_296, %parallel_loop3A_297] {strides = array<i32>} : memref<40x128xf32, #tpu.memory_space<vmem>>, vector<16xf32>,
      %parallel_loop3A_299 = arith.index_cast %parallel_loop3A_217 : i32 to index
      %parallel_loop3A_300 = arith.constant 96 : index
      %parallel_loop3A_301 = tpu.vector_load %arg18[%parallel_loop3A_299, %parallel_loop3A_300] {strides = array<i32>} : memref<40x128xf32, #tpu.memory_space<vmem>>, vector<16xf32>,
      %parallel_loop3A_302 = arith.addf %parallel_loop3A_298, %parallel_loop3A_301 : vector<16xf32>
      %parallel_loop3A_303 = arith.constant 0.000000e+00 : f32
      %parallel_loop3A_304 = vector.broadcast %parallel_loop3A_303 : f32 to vector<16xf32>
      %parallel_loop3A_305 = arith.maximumf %parallel_loop3A_302, %parallel_loop3A_304 : vector<16xf32>
      %parallel_loop3A_306 = arith.index_cast %parallel_loop3A_217 : i32 to index
      %parallel_loop3A_307 = arith.constant 96 : index
      %parallel_loop3A_308 = tpu.vector_load %arg16[%parallel_loop3A_306, %parallel_loop3A_307] {strides = array<i32>} : memref<40x128xf32, #tpu.memory_space<vmem>>, vector<16xf32>,
      tpu.vector_store %arg16[%parallel_loop3A_306, %parallel_loop3A_307], %parallel_loop3A_305 {strides = array<i32>} : memref<40x128xf32, #tpu.memory_space<vmem>>, vector<16xf32>,
      %parallel_loop3A_309 = arith.index_cast %parallel_loop3A_217 : i32 to index
      %parallel_loop3A_310 = arith.constant 112 : index
      %parallel_loop3A_311 = tpu.vector_load %arg16[%parallel_loop3A_309, %parallel_loop3A_310] {strides = array<i32>} : memref<40x128xf32, #tpu.memory_space<vmem>>, vector<16xf32>,
      %parallel_loop3A_312 = arith.index_cast %parallel_loop3A_217 : i32 to index
      %parallel_loop3A_313 = arith.constant 112 : index
      %parallel_loop3A_314 = tpu.vector_load %arg18[%parallel_loop3A_312, %parallel_loop3A_313] {strides = array<i32>} : memref<40x128xf32, #tpu.memory_space<vmem>>, vector<16xf32>,
      %parallel_loop3A_315 = arith.addf %parallel_loop3A_311, %parallel_loop3A_314 : vector<16xf32>
      %parallel_loop3A_316 = arith.constant 0.000000e+00 : f32
      %parallel_loop3A_317 = vector.broadcast %parallel_loop3A_316 : f32 to vector<16xf32>
      %parallel_loop3A_318 = arith.maximumf %parallel_loop3A_315, %parallel_loop3A_317 : vector<16xf32>
      %parallel_loop3A_319 = arith.index_cast %parallel_loop3A_217 : i32 to index
      %parallel_loop3A_320 = arith.constant 112 : index
      %parallel_loop3A_321 = tpu.vector_load %arg16[%parallel_loop3A_319, %parallel_loop3A_320] {strides = array<i32>} : memref<40x128xf32, #tpu.memory_space<vmem>>, vector<16xf32>,
      tpu.vector_store %arg16[%parallel_loop3A_319, %parallel_loop3A_320], %parallel_loop3A_318 {strides = array<i32>} : memref<40x128xf32, #tpu.memory_space<vmem>>, vector<16xf32>,
    } {sc.loop_unroll_factor = 4 : i64, sc.parallel_access}
    %get3A_160 = arith.constant 0 : index
    %get3A_161 = tpu.vector_load %arg12[%get3A_160] {strides = array<i32>} : memref<40xi32, #tpu.memory_space<vmem>>, vector<16xi32>,
    %shift_right_logical3A_162 = arith.constant 7 : i32
    %shift_right_logical3A_163 = vector.broadcast %shift_right_logical3A_162 : i32 to vector<16xi32>
    %shift_right_logical3A_164 = arith.shrui %get3A_161, %shift_right_logical3A_163 : vector<16xi32>
    %and3A_165 = arith.constant 127 : i32
    %and3A_166 = vector.broadcast %and3A_165 : i32 to vector<16xi32>
    %and3A_167 = arith.andi %get3A_161, %and3A_166 : vector<16xi32>
    tpu.vector_store_idx %arg19[%shift_right_logical3A_164, %and3A_167], %broadcast_in_dim3A_3 {add = true} : memref<80x128xf32, #tpu.memory_space<vmem>>[vector<16xi32>, vector<16xi32>], vector<16xf32>,
    %get3A_168 = arith.constant 16 : index
    %get3A_169 = tpu.vector_load %arg12[%get3A_168] {strides = array<i32>} : memref<40xi32, #tpu.memory_space<vmem>>, vector<16xi32>,
    %shift_right_logical3A_170 = arith.constant 7 : i32
    %shift_right_logical3A_171 = vector.broadcast %shift_right_logical3A_170 : i32 to vector<16xi32>
    %shift_right_logical3A_172 = arith.shrui %get3A_169, %shift_right_logical3A_171 : vector<16xi32>
    %and3A_173 = arith.constant 127 : i32
    %and3A_174 = vector.broadcast %and3A_173 : i32 to vector<16xi32>
    %and3A_175 = arith.andi %get3A_169, %and3A_174 : vector<16xi32>
    tpu.vector_store_idx %arg19[%shift_right_logical3A_172, %and3A_175], %broadcast_in_dim3A_3 {add = true} : memref<80x128xf32, #tpu.memory_space<vmem>>[vector<16xi32>, vector<16xi32>], vector<16xf32>,
    %get3A_176 = arith.constant 24 : index
    %get3A_177 = tpu.vector_load %arg12[%get3A_176] {strides = array<i32>} : memref<40xi32, #tpu.memory_space<vmem>>, vector<16xi32>,
    %shift_right_logical3A_178 = arith.constant 7 : i32
    %shift_right_logical3A_179 = vector.broadcast %shift_right_logical3A_178 : i32 to vector<16xi32>
    %shift_right_logical3A_180 = arith.shrui %get3A_177, %shift_right_logical3A_179 : vector<16xi32>
    %and3A_181 = arith.constant 127 : i32
    %and3A_182 = vector.broadcast %and3A_181 : i32 to vector<16xi32>
    %and3A_183 = arith.andi %get3A_177, %and3A_182 : vector<16xi32>
    %ge3A_184 = arith.constant 8 : i32
    %ge3A_185 = vector.broadcast %ge3A_184 : i32 to vector<16xi32>
    %ge3A_186 = arith.cmpi sge, %iota3A, %ge3A_185 : vector<16xi32>
    tpu.vector_store_idx %arg19[%shift_right_logical3A_180, %and3A_183], %broadcast_in_dim3A_3 masked %ge3A_186 {add = true} : memref<80x128xf32, #tpu.memory_space<vmem>>[vector<16xi32>, vector<16xi32>], vector<16xf32>, vector<16xi1>
    %dma_start3A_187 = arith.constant 0 : i32
    %dma_start3A_188 = arith.constant 0 : i32
    %dma_start3A_189 = tpu.memref_slice %arg29[%dma_start3A_187, %dma_start3A_188] : memref<10240x128xf32, #tpu.memory_space<vmem_shared>> -> memref<10240x128xf32, #tpu.memory_space<vmem_shared>>
    tpu.enqueue_indirect_dma source(%arg16 : memref<40x128xf32, #tpu.memory_space<vmem>>) target(%dma_start3A_189 : memref<10240x128xf32, #tpu.memory_space<vmem_shared>>) offsets(%arg12 : memref<40xi32, #tpu.memory_space<vmem>>) semaphore(%arg28 : memref<!tpu.dma_semaphore, #tpu.memory_space<semaphore_mem>>) {add = true}
    %dma_wait3A_190 = arith.constant 0 : i32
    %dma_wait3A_191 = arith.constant 0 : i32
    %dma_wait3A_192 = tpu.memref_slice %arg29[%dma_wait3A_190, %dma_wait3A_191] : memref<10240x128xf32, #tpu.memory_space<vmem_shared>> -> memref<10240x128xf32, #tpu.memory_space<vmem_shared>>
    tpu.wait_indirect_dma semaphore(%arg28 : memref<!tpu.dma_semaphore, #tpu.memory_space<semaphore_mem>>) src(%arg16 : memref<40x128xf32, #tpu.memory_space<vmem>>) dst(%dma_wait3A_192 : memref<10240x128xf32, #tpu.memory_space<vmem_shared>>)
    "tpu.region"() ({
      %run_scoped3A = tpu.sem_alloc : memref<!tpu.dma_semaphore, #tpu.memory_space<semaphore_mem>>
      %dma_start3A_217 = arith.constant 0 : i32
      %dma_start3A_218 = arith.constant 0 : i32
      %dma_start3A_219 = tpu.memref_slice %arg30[%dma_start3A_217, %dma_start3A_218] : memref<80x128xf32, #tpu.memory_space<vmem_shared>> -> memref<80x128xf32, #tpu.memory_space<vmem_shared>>
      tpu.enqueue_indirect_dma source(%arg19 : memref<80x128xf32, #tpu.memory_space<vmem>>) target(%dma_start3A_219 : memref<80x128xf32, #tpu.memory_space<vmem_shared>>) offsets(%arg20 : memref<80xi32, #tpu.memory_space<vmem>>) semaphore(%run_scoped3A : memref<!tpu.dma_semaphore, #tpu.memory_space<semaphore_mem>>) {add = true}
      %dma_wait3A_220 = arith.constant 0 : i32
      %dma_wait3A_221 = arith.constant 0 : i32
      %dma_wait3A_222 = tpu.memref_slice %arg30[%dma_wait3A_220, %dma_wait3A_221] : memref<80x128xf32, #tpu.memory_space<vmem_shared>> -> memref<80x128xf32, #tpu.memory_space<vmem_shared>>
      tpu.wait_indirect_dma semaphore(%run_scoped3A : memref<!tpu.dma_semaphore, #tpu.memory_space<semaphore_mem>>) src(%arg19 : memref<80x128xf32, #tpu.memory_space<vmem>>) dst(%dma_wait3A_222 : memref<80x128xf32, #tpu.memory_space<vmem_shared>>)
      tpu.yield
    }) : () -> ()
    %barrier3A_193 = arith.constant 0 : index
    tpu.barrier barrier_id(%barrier3A_193)
    %sub3A_194 = arith.constant 256 : i32
    %sub3A_195 = arith.subi %sub3A_194, %arg1 : i32
    %sub3A_196 = arith.constant 16 : i32
    %sub3A_197 = arith.constant 1 : i32
    %sub3A_198 = arith.subi %sub3A_196, %sub3A_197 : i32
    %add3A_199 = arith.addi %sub3A_195, %sub3A_198 : i32
    %div3A_200 = arith.constant 16 : i32
    %div3A_201 = arith.divsi %add3A_199, %div3A_200 : i32
    %while3A_202 = arith.constant 16 : i32
    %while3A_203 = arith.constant 0 : i32
    %while3A_204 = arith.subi %div3A_201, %while3A_203 : i32
    %while3A_205 = arith.addi %while3A_203, %while3A_204 : i32
    %while3A_206 = arith.constant 1 : i32
    %while3A_207 = arith.divsi %while3A_204, %while3A_206 : i32
    %while3A_208 = arith.muli %while3A_207, %while3A_206 : i32
    %while3A_209 = arith.addi %while3A_203, %while3A_208 : i32
    %while3A_210 = arith.constant 1 : i32
    scf.for %while3A_217 = %while3A_203 to %while3A_209 step %while3A_210  : i32 {
      %mul3A_218 = arith.muli %while3A_217, %while3A_202 : i32
      %add3A_219 = arith.addi %arg1, %mul3A_218 : i32
      %mul3A_220 = arith.constant 40 : i32
      %mul3A_221 = arith.muli %add3A_219, %mul3A_220 : i32
      %mul3A_222 = arith.constant 40 : i32
      %mul3A_223 = arith.muli %add3A_219, %mul3A_222 : i32
      "tpu.region"() ({
        %run_scoped3A = tpu.sem_alloc : memref<!tpu.dma_semaphore, #tpu.memory_space<semaphore_mem>>
        %dma_start3A_224 = arith.constant 0 : i32
        %dma_start3A_225 = arith.constant 0 : i32
        %dma_start3A_226 = tpu.memref_slice %arg5[%arg0, %dma_start3A_224, %dma_start3A_225] : memref<2x10240x128xf32, #tpu.memory_space<hbm>> -> memref<1x10240x128xf32, #tpu.memory_space<hbm>>
        %dma_start3A_227 = tpu.memref_squeeze %dma_start3A_226 : memref<1x10240x128xf32, #tpu.memory_space<hbm>> -> memref<10240x128xf32, #tpu.memory_space<hbm>>
        %dma_start3A_228 = arith.constant 0 : i32
        %dma_start3A_229 = tpu.memref_slice %dma_start3A_227[%mul3A_223, %dma_start3A_228] : memref<10240x128xf32, #tpu.memory_space<hbm>> -> memref<40x128xf32, #tpu.memory_space<hbm>>
        %dma_start3A_230 = arith.constant 0 : i32
        %dma_start3A_231 = tpu.memref_slice %arg29[%mul3A_221, %dma_start3A_230] : memref<10240x128xf32, #tpu.memory_space<vmem_shared>> -> memref<40x128xf32, #tpu.memory_space<vmem_shared>>
        tpu.enqueue_dma source(%dma_start3A_231 : memref<40x128xf32, #tpu.memory_space<vmem_shared>>) target(%dma_start3A_229 : memref<40x128xf32, #tpu.memory_space<hbm>>) target_semaphore(%run_scoped3A : memref<!tpu.dma_semaphore, #tpu.memory_space<semaphore_mem>>)
        %dma_wait3A_232 = arith.constant 0 : i32
        %dma_wait3A_233 = arith.constant 0 : i32
        %dma_wait3A_234 = tpu.memref_slice %arg5[%arg0, %dma_wait3A_232, %dma_wait3A_233] : memref<2x10240x128xf32, #tpu.memory_space<hbm>> -> memref<1x10240x128xf32, #tpu.memory_space<hbm>>
        %dma_wait3A_235 = tpu.memref_squeeze %dma_wait3A_234 : memref<1x10240x128xf32, #tpu.memory_space<hbm>> -> memref<10240x128xf32, #tpu.memory_space<hbm>>
        %dma_wait3A_236 = arith.constant 0 : i32
        %dma_wait3A_237 = tpu.memref_slice %dma_wait3A_235[%mul3A_223, %dma_wait3A_236] : memref<10240x128xf32, #tpu.memory_space<hbm>> -> memref<40x128xf32, #tpu.memory_space<hbm>>
        %dma_wait3A_238 = arith.constant 0 : i32
        %dma_wait3A_239 = tpu.memref_slice %arg29[%mul3A_221, %dma_wait3A_238] : memref<10240x128xf32, #tpu.memory_space<vmem_shared>> -> memref<40x128xf32, #tpu.memory_space<vmem_shared>>
        tpu.wait_dma2 semaphore(%run_scoped3A : memref<!tpu.dma_semaphore, #tpu.memory_space<semaphore_mem>>) src(%dma_wait3A_239 : memref<40x128xf32, #tpu.memory_space<vmem_shared>>) dst(%dma_wait3A_237 : memref<40x128xf32, #tpu.memory_space<hbm>>)
        tpu.yield
      }) : () -> ()
    }
    %while3A_211 = arith.constant 1 : i32
    scf.for %while3A_217 = %while3A_209 to %while3A_205 step %while3A_211  : i32 {
      %mul3A_218 = arith.muli %while3A_217, %while3A_202 : i32
      %add3A_219 = arith.addi %arg1, %mul3A_218 : i32
      %mul3A_220 = arith.constant 40 : i32
      %mul3A_221 = arith.muli %add3A_219, %mul3A_220 : i32
      %mul3A_222 = arith.constant 40 : i32
      %mul3A_223 = arith.muli %add3A_219, %mul3A_222 : i32
      "tpu.region"() ({
        %run_scoped3A = tpu.sem_alloc : memref<!tpu.dma_semaphore, #tpu.memory_space<semaphore_mem>>
        %dma_start3A_224 = arith.constant 0 : i32
        %dma_start3A_225 = arith.constant 0 : i32
        %dma_start3A_226 = tpu.memref_slice %arg5[%arg0, %dma_start3A_224, %dma_start3A_225] : memref<2x10240x128xf32, #tpu.memory_space<hbm>> -> memref<1x10240x128xf32, #tpu.memory_space<hbm>>
        %dma_start3A_227 = tpu.memref_squeeze %dma_start3A_226 : memref<1x10240x128xf32, #tpu.memory_space<hbm>> -> memref<10240x128xf32, #tpu.memory_space<hbm>>
        %dma_start3A_228 = arith.constant 0 : i32
        %dma_start3A_229 = tpu.memref_slice %dma_start3A_227[%mul3A_223, %dma_start3A_228] : memref<10240x128xf32, #tpu.memory_space<hbm>> -> memref<40x128xf32, #tpu.memory_space<hbm>>
        %dma_start3A_230 = arith.constant 0 : i32
        %dma_start3A_231 = tpu.memref_slice %arg29[%mul3A_221, %dma_start3A_230] : memref<10240x128xf32, #tpu.memory_space<vmem_shared>> -> memref<40x128xf32, #tpu.memory_space<vmem_shared>>
        tpu.enqueue_dma source(%dma_start3A_231 : memref<40x128xf32, #tpu.memory_space<vmem_shared>>) target(%dma_start3A_229 : memref<40x128xf32, #tpu.memory_space<hbm>>) target_semaphore(%run_scoped3A : memref<!tpu.dma_semaphore, #tpu.memory_space<semaphore_mem>>)
        %dma_wait3A_232 = arith.constant 0 : i32
        %dma_wait3A_233 = arith.constant 0 : i32
        %dma_wait3A_234 = tpu.memref_slice %arg5[%arg0, %dma_wait3A_232, %dma_wait3A_233] : memref<2x10240x128xf32, #tpu.memory_space<hbm>> -> memref<1x10240x128xf32, #tpu.memory_space<hbm>>
        %dma_wait3A_235 = tpu.memref_squeeze %dma_wait3A_234 : memref<1x10240x128xf32, #tpu.memory_space<hbm>> -> memref<10240x128xf32, #tpu.memory_space<hbm>>
        %dma_wait3A_236 = arith.constant 0 : i32
        %dma_wait3A_237 = tpu.memref_slice %dma_wait3A_235[%mul3A_223, %dma_wait3A_236] : memref<10240x128xf32, #tpu.memory_space<hbm>> -> memref<40x128xf32, #tpu.memory_space<hbm>>
        %dma_wait3A_238 = arith.constant 0 : i32
        %dma_wait3A_239 = tpu.memref_slice %arg29[%mul3A_221, %dma_wait3A_238] : memref<10240x128xf32, #tpu.memory_space<vmem_shared>> -> memref<40x128xf32, #tpu.memory_space<vmem_shared>>
        tpu.wait_dma2 semaphore(%run_scoped3A : memref<!tpu.dma_semaphore, #tpu.memory_space<semaphore_mem>>) src(%dma_wait3A_239 : memref<40x128xf32, #tpu.memory_space<vmem_shared>>) dst(%dma_wait3A_237 : memref<40x128xf32, #tpu.memory_space<hbm>>)
        tpu.yield
      }) : () -> ()
    }
    %eq3A_212 = arith.constant 1 : i32
    %eq3A_213 = arith.cmpi eq, %arg1, %eq3A_212 : i32
    %convert_element_type3A_214 = arith.extui %eq3A_213 : i1 to i32
    %cond3A_215 = arith.constant 0 : i32
    %cond3A_216 = arith.cmpi ne, %convert_element_type3A_214, %cond3A_215 : i32
    scf.if %cond3A_216 {
      "tpu.region"() ({
        %run_scoped3A = tpu.sem_alloc : memref<!tpu.dma_semaphore, #tpu.memory_space<semaphore_mem>>
        %dma_start3A_217 = arith.constant 0 : i32
        %dma_start3A_218 = arith.constant 0 : i32
        %dma_start3A_219 = tpu.memref_slice %arg6[%arg0, %dma_start3A_217, %dma_start3A_218] : memref<2x80x128xf32, #tpu.memory_space<hbm>> -> memref<1x80x128xf32, #tpu.memory_space<hbm>>
        %dma_start3A_220 = tpu.memref_squeeze %dma_start3A_219 : memref<1x80x128xf32, #tpu.memory_space<hbm>> -> memref<80x128xf32, #tpu.memory_space<hbm>>
        tpu.enqueue_dma source(%arg30 : memref<80x128xf32, #tpu.memory_space<vmem_shared>>) target(%dma_start3A_220 : memref<80x128xf32, #tpu.memory_space<hbm>>) target_semaphore(%run_scoped3A : memref<!tpu.dma_semaphore, #tpu.memory_space<semaphore_mem>>)
        %dma_wait3A_221 = arith.constant 0 : i32
        %dma_wait3A_222 = arith.constant 0 : i32
        %dma_wait3A_223 = tpu.memref_slice %arg6[%arg0, %dma_wait3A_221, %dma_wait3A_222] : memref<2x80x128xf32, #tpu.memory_space<hbm>> -> memref<1x80x128xf32, #tpu.memory_space<hbm>>
        %dma_wait3A_224 = tpu.memref_squeeze %dma_wait3A_223 : memref<1x80x128xf32, #tpu.memory_space<hbm>> -> memref<80x128xf32, #tpu.memory_space<hbm>>
        tpu.wait_dma2 semaphore(%run_scoped3A : memref<!tpu.dma_semaphore, #tpu.memory_space<semaphore_mem>>) src(%arg30 : memref<80x128xf32, #tpu.memory_space<vmem_shared>>) dst(%dma_wait3A_224 : memref<80x128xf32, #tpu.memory_space<hbm>>)
        tpu.yield
      }) : () -> ()
    } else {
    }
    return
  }
}

module attributes {stable_mosaic.version = 14 : i64} {
  func.func @_edge_proj_body(%arg0: i32, %arg1: memref<16x12800xf32, #tpu.memory_space<vmem>>, %arg2: memref<16x128xf32, #tpu.memory_space<vmem>>, %arg3: memref<12800x128xf32, #tpu.memory_space<vmem>>) attributes {dimension_semantics = [#tpu.dimension_semantics<arbitrary>], iteration_bounds = array<i64: 25>, scalar_prefetch = 0 : i64, scratch_operands = 0 : i64, tpu.core_type = #tpu.core_type<tc>, window_params = [{transform_indices = @transform_0, window_bounds = array<i64: 16, 12800>}, {pipeline_mode = #tpu.pipeline_mode<synchronous>, transform_indices = @transform_1, window_bounds = array<i64: 16, 128>}, {transform_indices = @transform_2, window_bounds = array<i64: 12800, 128>}]} {
    %get3A = arith.constant 0 : index
    %get3A_0 = arith.constant 0 : index
    %get3A_1 = vector.load %arg1[%get3A, %get3A_0] : memref<16x12800xf32, #tpu.memory_space<vmem>>, vector<16x12800xf32>
    %convert_element_type3A = arith.truncf %get3A_1 : vector<16x12800xf32> to vector<16x12800xbf16>
    %get3A_2 = arith.constant 0 : index
    %get3A_3 = arith.constant 0 : index
    %get3A_4 = vector.load %arg2[%get3A_2, %get3A_3] : memref<16x128xf32, #tpu.memory_space<vmem>>, vector<16x128xf32>
    %convert_element_type3A_5 = arith.truncf %get3A_4 : vector<16x128xf32> to vector<16x128xbf16>
    %dot_general3A = arith.constant dense<0.000000e+00> : vector<12800x128xf32>
    %dot_general3A_6 = tpu.matmul %convert_element_type3A, %convert_element_type3A_5, %dot_general3A {dimension_numbers = #tpu.dot_dimension_numbers<[0], [0], [1], [1], [0, 1, 1, 1], [], []>, transpose_lhs_hint = false} : vector<16x12800xbf16>, vector<16x128xbf16>, vector<12800x128xf32> -> vector<12800x128xf32>
    %swap3A = arith.constant 0 : index
    %swap3A_7 = arith.constant 0 : index
    %swap3A_8 = vector.load %arg3[%swap3A, %swap3A_7] : memref<12800x128xf32, #tpu.memory_space<vmem>>, vector<12800x128xf32>
    tpu.vector_store %arg3[%swap3A, %swap3A_7], %dot_general3A_6 {strides = array<i32>} : memref<12800x128xf32, #tpu.memory_space<vmem>>, vector<12800x128xf32>,
    return
  }
  func.func @transform_0(%arg0: i32) -> (i32, i32) {
    %c0_i32 = arith.constant 0 : i32
    %c0_i32_0 = arith.constant 0 : i32
    return %c0_i32, %arg0 : i32, i32
  }
  func.func @transform_1(%arg0: i32) -> (i32, i32) {
    %c0_i32 = arith.constant 0 : i32
    %c0_i32_0 = arith.constant 0 : i32
    %c0_i32_1 = arith.constant 0 : i32
    return %c0_i32, %c0_i32_0 : i32, i32
  }
  func.func @transform_2(%arg0: i32) -> (i32, i32) {
    %c0_i32 = arith.constant 0 : i32
    %c0_i32_0 = arith.constant 0 : i32
    return %arg0, %c0_i32 : i32, i32
  }
}

module attributes {stable_mosaic.version = 14 : i64} {
  func.func @_node_proj_body(%arg0: memref<10000x128xf32, #tpu.memory_space<vmem>>, %arg1: memref<128x128xf32, #tpu.memory_space<vmem>>, %arg2: memref<1x128xf32, #tpu.memory_space<vmem>>, %arg3: memref<10000x128xf32, #tpu.memory_space<vmem>>) attributes {dimension_semantics = [], scalar_prefetch = 0 : i64, scratch_operands = 0 : i64, tpu.core_type = #tpu.core_type<tc>} {
    %get3A = arith.constant 0 : index
    %get3A_0 = arith.constant 0 : index
    %get3A_1 = vector.load %arg0[%get3A, %get3A_0] : memref<10000x128xf32, #tpu.memory_space<vmem>>, vector<10000x128xf32>
    %get3A_2 = arith.constant 0 : index
    %get3A_3 = arith.constant 0 : index
    %get3A_4 = vector.load %arg1[%get3A_2, %get3A_3] : memref<128x128xf32, #tpu.memory_space<vmem>>, vector<128x128xf32>
    %dot_general3A = arith.constant dense<0.000000e+00> : vector<10000x128xf32>
    %dot_general3A_5 = tpu.matmul %get3A_1, %get3A_4, %dot_general3A {dimension_numbers = #tpu.dot_dimension_numbers<[1], [0], [0], [1], [0, 0, 1, 1], [], []>, transpose_lhs_hint = false} : vector<10000x128xf32>, vector<128x128xf32>, vector<10000x128xf32> -> vector<10000x128xf32>
    %get3A_6 = arith.constant 0 : index
    %get3A_7 = arith.constant 0 : index
    %get3A_8 = vector.load %arg2[%get3A_6, %get3A_7] : memref<1x128xf32, #tpu.memory_space<vmem>>, vector<1x128xf32>
    %add3A = vector.broadcast %get3A_8 : vector<1x128xf32> to vector<10000x128xf32>
    %add3A_9 = arith.addf %dot_general3A_5, %add3A : vector<10000x128xf32>
    %swap3A = arith.constant 0 : index
    %swap3A_10 = arith.constant 0 : index
    %swap3A_11 = vector.load %arg3[%swap3A, %swap3A_10] : memref<10000x128xf32, #tpu.memory_space<vmem>>, vector<10000x128xf32>
    tpu.vector_store %arg3[%swap3A, %swap3A_10], %add3A_9 {strides = array<i32>} : memref<10000x128xf32, #tpu.memory_space<vmem>>, vector<10000x128xf32>,
    return
  }
}

module attributes {stable_mosaic.version = 14 : i64} {
  func.func @_final_body(%arg0: i32, %arg1: memref<1x1024x128xf32, #tpu.memory_space<vmem>>, %arg2: memref<1x1024x128xf32, #tpu.memory_space<vmem>>, %arg3: memref<1x8x128xf32, #tpu.memory_space<vmem>>, %arg4: memref<1x8x128xf32, #tpu.memory_space<vmem>>, %arg5: memref<1024x128xf32, #tpu.memory_space<vmem>>, %arg6: memref<128x128xf32, #tpu.memory_space<vmem>>, %arg7: memref<1x128xf32, #tpu.memory_space<vmem>>, %arg8: memref<128x128xf32, #tpu.memory_space<vmem>>, %arg9: memref<128x128xf32, #tpu.memory_space<vmem>>, %arg10: memref<1x128xf32, #tpu.memory_space<vmem>>, %arg11: memref<128x128xf32, #tpu.memory_space<vmem>>, %arg12: memref<1x128xf32, #tpu.memory_space<vmem>>, %arg13: memref<1024x128xf32, #tpu.memory_space<vmem>>) attributes {dimension_semantics = [#tpu.dimension_semantics<arbitrary>], iteration_bounds = array<i64: 10>, scalar_prefetch = 0 : i64, scratch_operands = 0 : i64, tpu.core_type = #tpu.core_type<tc>, window_params = [{transform_indices = @transform_0, window_bounds = array<i64: 1, 1024, 128>}, {transform_indices = @transform_1, window_bounds = array<i64: 1, 1024, 128>}, {transform_indices = @transform_2, window_bounds = array<i64: 1, 8, 128>}, {transform_indices = @transform_3, window_bounds = array<i64: 1, 8, 128>}, {transform_indices = @transform_4, window_bounds = array<i64: 1024, 128>}, {pipeline_mode = #tpu.pipeline_mode<synchronous>, transform_indices = @transform_5, window_bounds = array<i64: 128, 128>}, {pipeline_mode = #tpu.pipeline_mode<synchronous>, transform_indices = @transform_6, window_bounds = array<i64: 1, 128>}, {pipeline_mode = #tpu.pipeline_mode<synchronous>, transform_indices = @transform_7, window_bounds = array<i64: 128, 128>}, {pipeline_mode = #tpu.pipeline_mode<synchronous>, transform_indices = @transform_8, window_bounds = array<i64: 128, 128>}, {pipeline_mode = #tpu.pipeline_mode<synchronous>, transform_indices = @transform_9, window_bounds = array<i64: 1, 128>}, {pipeline_mode = #tpu.pipeline_mode<synchronous>, transform_indices = @transform_10, window_bounds = array<i64: 128, 128>}, {pipeline_mode = #tpu.pipeline_mode<synchronous>, transform_indices = @transform_11, window_bounds = array<i64: 1, 128>}, {transform_indices = @transform_12, window_bounds = array<i64: 1024, 128>}]} {
    %get3A = arith.constant 0 : index
    %get3A_0 = arith.constant 0 : index
    %get3A_1 = arith.constant 0 : index
    %get3A_2 = vector.load %arg1[%get3A, %get3A_0, %get3A_1] : memref<1x1024x128xf32, #tpu.memory_space<vmem>>, vector<1x1024x128xf32>
    %get3A_3 = vector.shape_cast %get3A_2 : vector<1x1024x128xf32> to vector<1024x128xf32>
    %get3A_4 = arith.constant 0 : index
    %get3A_5 = arith.constant 0 : index
    %get3A_6 = arith.constant 0 : index
    %get3A_7 = vector.load %arg2[%get3A_4, %get3A_5, %get3A_6] : memref<1x1024x128xf32, #tpu.memory_space<vmem>>, vector<1x1024x128xf32>
    %get3A_8 = vector.shape_cast %get3A_7 : vector<1x1024x128xf32> to vector<1024x128xf32>
    %add3A = arith.addf %get3A_3, %get3A_8 : vector<1024x128xf32>
    %get3A_9 = arith.constant 0 : index
    %get3A_10 = arith.constant 0 : index
    %get3A_11 = arith.constant 0 : index
    %get3A_12 = vector.load %arg3[%get3A_9, %get3A_10, %get3A_11] : memref<1x8x128xf32, #tpu.memory_space<vmem>>, vector<1x8x128xf32>
    %get3A_13 = vector.shape_cast %get3A_12 : vector<1x8x128xf32> to vector<8x128xf32>
    %get3A_14 = arith.constant 0 : index
    %get3A_15 = arith.constant 0 : index
    %get3A_16 = arith.constant 0 : index
    %get3A_17 = vector.load %arg4[%get3A_14, %get3A_15, %get3A_16] : memref<1x8x128xf32, #tpu.memory_space<vmem>>, vector<1x8x128xf32>
    %get3A_18 = vector.shape_cast %get3A_17 : vector<1x8x128xf32> to vector<8x128xf32>
    %add3A_19 = arith.addf %get3A_13, %get3A_18 : vector<8x128xf32>
    %iota3A = tpu.iota {dimensions = array<i32: 0>} : vector<1024x8xi32>
    %jit3A = arith.constant 128 : i32
    %div3A = vector.broadcast %jit3A : i32 to vector<1024x8xi32>
    %div3A_20 = arith.divsi %iota3A, %div3A : vector<1024x8xi32>
    %sign3A = arith.constant 0 : i32
    %sign3A_21 = vector.broadcast %sign3A : i32 to vector<1024x8xi32>
    %sign3A_22 = arith.cmpi sgt, %iota3A, %sign3A_21 : vector<1024x8xi32>
    %sign3A_23 = arith.extui %sign3A_22 : vector<1024x8xi1> to vector<1024x8xi32>
    %sign3A_24 = arith.constant 0 : i32
    %sign3A_25 = vector.broadcast %sign3A_24 : i32 to vector<1024x8xi32>
    %sign3A_26 = arith.cmpi slt, %iota3A, %sign3A_25 : vector<1024x8xi32>
    %sign3A_27 = arith.extui %sign3A_26 : vector<1024x8xi1> to vector<1024x8xi32>
    %sign3A_28 = arith.subi %sign3A_23, %sign3A_27 : vector<1024x8xi32>
    %sign3A_29 = arith.constant 0 : i32
    %sign3A_30 = arith.cmpi sgt, %jit3A, %sign3A_29 : i32
    %sign3A_31 = arith.extui %sign3A_30 : i1 to i32
    %sign3A_32 = arith.constant 0 : i32
    %sign3A_33 = arith.cmpi slt, %jit3A, %sign3A_32 : i32
    %sign3A_34 = arith.extui %sign3A_33 : i1 to i32
    %sign3A_35 = arith.subi %sign3A_31, %sign3A_34 : i32
    %ne3A = vector.broadcast %sign3A_35 : i32 to vector<1024x8xi32>
    %ne3A_36 = arith.cmpi ne, %sign3A_28, %ne3A : vector<1024x8xi32>
    %rem3A = vector.broadcast %jit3A : i32 to vector<1024x8xi32>
    %rem3A_37 = arith.remsi %iota3A, %rem3A : vector<1024x8xi32>
    %ne3A_38 = arith.constant 0 : i32
    %ne3A_39 = vector.broadcast %ne3A_38 : i32 to vector<1024x8xi32>
    %ne3A_40 = arith.cmpi ne, %rem3A_37, %ne3A_39 : vector<1024x8xi32>
    %and3A = arith.andi %ne3A_36, %ne3A_40 : vector<1024x8xi1>
    %sub3A = arith.constant 1 : i32
    %sub3A_41 = vector.broadcast %sub3A : i32 to vector<1024x8xi32>
    %sub3A_42 = arith.subi %div3A_20, %sub3A_41 : vector<1024x8xi32>
    %select_n3A = arith.select %and3A, %sub3A_42, %div3A_20 : vector<1024x8xi1>, vector<1024x8xi32>
    %iota3A_43 = tpu.iota {dimensions = array<i32: 1>} : vector<1024x8xi32>
    %eq3A = arith.cmpi eq, %select_n3A, %iota3A_43 : vector<1024x8xi32>
    %convert_element_type3A = arith.extui %eq3A : vector<1024x8xi1> to vector<1024x8xi32>
    %convert_element_type3A_44 = arith.sitofp %convert_element_type3A : vector<1024x8xi32> to vector<1024x8xf32>
    %dot_general3A = arith.constant dense<0.000000e+00> : vector<1024x128xf32>
    %dot_general3A_45 = tpu.matmul %convert_element_type3A_44, %add3A_19, %dot_general3A {dimension_numbers = #tpu.dot_dimension_numbers<[1], [0], [0], [1], [0, 0, 1, 1], [], []>, precision = #tpu.contract_precision<fp32>, transpose_lhs_hint = false} : vector<1024x8xf32>, vector<8x128xf32>, vector<1024x128xf32> -> vector<1024x128xf32>
    %iota3A_46 = tpu.iota {dimensions = array<i32: 1>} : vector<1024x128xi32>
    %iota3A_47 = tpu.iota {dimensions = array<i32: 0>} : vector<1024x128xi32>
    %jit3A_48 = arith.constant 128 : i32
    %eq3A_49 = arith.constant 0 : i32
    %eq3A_50 = arith.cmpi eq, %jit3A_48, %eq3A_49 : i32
    %jit3A_51 = arith.constant 1 : i32
    %select_n3A_52 = arith.select %eq3A_50, %jit3A_51, %jit3A_48 : i32
    %rem3A_53 = vector.broadcast %select_n3A_52 : i32 to vector<1024x128xi32>
    %rem3A_54 = arith.remsi %iota3A_47, %rem3A_53 : vector<1024x128xi32>
    %ne3A_55 = arith.constant 0 : i32
    %ne3A_56 = vector.broadcast %ne3A_55 : i32 to vector<1024x128xi32>
    %ne3A_57 = arith.cmpi ne, %rem3A_54, %ne3A_56 : vector<1024x128xi32>
    %lt3A = arith.constant 0 : i32
    %lt3A_58 = vector.broadcast %lt3A : i32 to vector<1024x128xi32>
    %lt3A_59 = arith.cmpi slt, %rem3A_54, %lt3A_58 : vector<1024x128xi32>
    %lt3A_60 = arith.constant 0 : i32
    %lt3A_61 = arith.cmpi slt, %select_n3A_52, %lt3A_60 : i32
    %ne3A_62 = vector.broadcast %lt3A_61 : i1 to vector<1024x128xi1>
    %ne3A_63 = vector.broadcast %ne3A_62 : vector<1024x128xi1> to vector<1024x128xi1>
    %ne3A_64 = arith.xori %lt3A_59, %ne3A_63 : vector<1024x128xi1>
    %and3A_65 = arith.andi %ne3A_64, %ne3A_57 : vector<1024x128xi1>
    %add3A_66 = vector.broadcast %select_n3A_52 : i32 to vector<1024x128xi32>
    %add3A_67 = arith.addi %rem3A_54, %add3A_66 : vector<1024x128xi32>
    %select_n3A_68 = arith.select %and3A_65, %add3A_67, %rem3A_54 : vector<1024x128xi1>, vector<1024x128xi32>
    %eq3A_69 = arith.cmpi eq, %iota3A_46, %select_n3A_68 : vector<1024x128xi32>
    %jit3A_70 = arith.constant 0.000000e+00 : f32
    %broadcast_in_dim3A = vector.broadcast %jit3A_70 : f32 to vector<1024x128xf32>
    %select_n3A_71 = arith.select %eq3A_69, %dot_general3A_45, %broadcast_in_dim3A : vector<1024x128xi1>, vector<1024x128xf32>
    %reduce_sum3A = arith.constant dense<0.000000e+00> : vector<1024xf32>
    %reduce_sum3A_72 = vector.multi_reduction <add>, %select_n3A_71, %reduce_sum3A [1] : vector<1024x128xf32> to vector<1024xf32>
    %broadcast_in_dim3A_73 = vector.shape_cast %reduce_sum3A_72 : vector<1024xf32> to vector<1024x1xf32>
    %get3A_74 = arith.constant 0 : index
    %get3A_75 = arith.constant 0 : index
    %get3A_76 = vector.load %arg6[%get3A_74, %get3A_75] : memref<128x128xf32, #tpu.memory_space<vmem>>, vector<128x128xf32>
    %dot_general3A_77 = arith.constant dense<0.000000e+00> : vector<1024x128xf32>
    %dot_general3A_78 = tpu.matmul %add3A, %get3A_76, %dot_general3A_77 {dimension_numbers = #tpu.dot_dimension_numbers<[1], [0], [0], [1], [0, 0, 1, 1], [], []>, transpose_lhs_hint = false} : vector<1024x128xf32>, vector<128x128xf32>, vector<1024x128xf32> -> vector<1024x128xf32>
    %get3A_79 = arith.constant 0 : index
    %get3A_80 = arith.constant 0 : index
    %get3A_81 = vector.load %arg7[%get3A_79, %get3A_80] : memref<1x128xf32, #tpu.memory_space<vmem>>, vector<1x128xf32>
    %mul3A = vector.broadcast %broadcast_in_dim3A_73 : vector<1024x1xf32> to vector<1024x128xf32>
    %mul3A_82 = vector.broadcast %get3A_81 : vector<1x128xf32> to vector<1024x128xf32>
    %mul3A_83 = arith.mulf %mul3A, %mul3A_82 : vector<1024x128xf32>
    %add3A_84 = arith.addf %dot_general3A_78, %mul3A_83 : vector<1024x128xf32>
    %max3A = arith.constant 1.000000e+00 : f32
    %max3A_85 = vector.broadcast %max3A : f32 to vector<1024x1xf32>
    %max3A_86 = arith.maximumf %broadcast_in_dim3A_73, %max3A_85 : vector<1024x1xf32>
    %div3A_87 = vector.broadcast %max3A_86 : vector<1024x1xf32> to vector<1024x128xf32>
    %div3A_88 = arith.divf %add3A_84, %div3A_87 : vector<1024x128xf32>
    %get3A_89 = arith.constant 0 : index
    %get3A_90 = arith.constant 0 : index
    %get3A_91 = vector.load %arg5[%get3A_89, %get3A_90] : memref<1024x128xf32, #tpu.memory_space<vmem>>, vector<1024x128xf32>
    %get3A_92 = arith.constant 0 : index
    %get3A_93 = arith.constant 0 : index
    %get3A_94 = vector.load %arg8[%get3A_92, %get3A_93] : memref<128x128xf32, #tpu.memory_space<vmem>>, vector<128x128xf32>
    %dot_general3A_95 = arith.constant dense<0.000000e+00> : vector<1024x128xf32>
    %dot_general3A_96 = tpu.matmul %get3A_91, %get3A_94, %dot_general3A_95 {dimension_numbers = #tpu.dot_dimension_numbers<[1], [0], [0], [1], [0, 0, 1, 1], [], []>, transpose_lhs_hint = false} : vector<1024x128xf32>, vector<128x128xf32>, vector<1024x128xf32> -> vector<1024x128xf32>
    %get3A_97 = arith.constant 0 : index
    %get3A_98 = arith.constant 0 : index
    %get3A_99 = vector.load %arg9[%get3A_97, %get3A_98] : memref<128x128xf32, #tpu.memory_space<vmem>>, vector<128x128xf32>
    %dot_general3A_100 = arith.constant dense<0.000000e+00> : vector<1024x128xf32>
    %dot_general3A_101 = tpu.matmul %div3A_88, %get3A_99, %dot_general3A_100 {dimension_numbers = #tpu.dot_dimension_numbers<[1], [0], [0], [1], [0, 0, 1, 1], [], []>, transpose_lhs_hint = false} : vector<1024x128xf32>, vector<128x128xf32>, vector<1024x128xf32> -> vector<1024x128xf32>
    %add3A_102 = arith.addf %dot_general3A_96, %dot_general3A_101 : vector<1024x128xf32>
    %get3A_103 = arith.constant 0 : index
    %get3A_104 = arith.constant 0 : index
    %get3A_105 = vector.load %arg10[%get3A_103, %get3A_104] : memref<1x128xf32, #tpu.memory_space<vmem>>, vector<1x128xf32>
    %add3A_106 = vector.broadcast %get3A_105 : vector<1x128xf32> to vector<1024x128xf32>
    %add3A_107 = arith.addf %add3A_102, %add3A_106 : vector<1024x128xf32>
    %max3A_108 = arith.constant 0.000000e+00 : f32
    %max3A_109 = vector.broadcast %max3A_108 : f32 to vector<1024x128xf32>
    %max3A_110 = arith.maximumf %add3A_107, %max3A_109 : vector<1024x128xf32>
    %get3A_111 = arith.constant 0 : index
    %get3A_112 = arith.constant 0 : index
    %get3A_113 = vector.load %arg11[%get3A_111, %get3A_112] : memref<128x128xf32, #tpu.memory_space<vmem>>, vector<128x128xf32>
    %dot_general3A_114 = arith.constant dense<0.000000e+00> : vector<1024x128xf32>
    %dot_general3A_115 = tpu.matmul %max3A_110, %get3A_113, %dot_general3A_114 {dimension_numbers = #tpu.dot_dimension_numbers<[1], [0], [0], [1], [0, 0, 1, 1], [], []>, transpose_lhs_hint = false} : vector<1024x128xf32>, vector<128x128xf32>, vector<1024x128xf32> -> vector<1024x128xf32>
    %get3A_116 = arith.constant 0 : index
    %get3A_117 = arith.constant 0 : index
    %get3A_118 = vector.load %arg12[%get3A_116, %get3A_117] : memref<1x128xf32, #tpu.memory_space<vmem>>, vector<1x128xf32>
    %add3A_119 = vector.broadcast %get3A_118 : vector<1x128xf32> to vector<1024x128xf32>
    %add3A_120 = arith.addf %dot_general3A_115, %add3A_119 : vector<1024x128xf32>
    %swap3A = arith.constant 0 : index
    %swap3A_121 = arith.constant 0 : index
    %swap3A_122 = vector.load %arg13[%swap3A, %swap3A_121] : memref<1024x128xf32, #tpu.memory_space<vmem>>, vector<1024x128xf32>
    tpu.vector_store %arg13[%swap3A, %swap3A_121], %add3A_120 {strides = array<i32>} : memref<1024x128xf32, #tpu.memory_space<vmem>>, vector<1024x128xf32>,
    return
  }
  func.func @transform_0(%arg0: i32) -> (i32, i32, i32) {
    %c0_i32 = arith.constant 0 : i32
    %c0_i32_0 = arith.constant 0 : i32
    %c0_i32_1 = arith.constant 0 : i32
    return %c0_i32, %arg0, %c0_i32_0 : i32, i32, i32
  }
  func.func @transform_1(%arg0: i32) -> (i32, i32, i32) {
    %c1_i32 = arith.constant 1 : i32
    %c0_i32 = arith.constant 0 : i32
    %c0_i32_0 = arith.constant 0 : i32
    return %c1_i32, %arg0, %c0_i32 : i32, i32, i32
  }
  func.func @transform_2(%arg0: i32) -> (i32, i32, i32) {
    %c0_i32 = arith.constant 0 : i32
    %c0_i32_0 = arith.constant 0 : i32
    %c0_i32_1 = arith.constant 0 : i32
    return %c0_i32, %arg0, %c0_i32_0 : i32, i32, i32
  }
  func.func @transform_3(%arg0: i32) -> (i32, i32, i32) {
    %c1_i32 = arith.constant 1 : i32
    %c0_i32 = arith.constant 0 : i32
    %c0_i32_0 = arith.constant 0 : i32
    return %c1_i32, %arg0, %c0_i32 : i32, i32, i32
  }
  func.func @transform_4(%arg0: i32) -> (i32, i32) {
    %c0_i32 = arith.constant 0 : i32
    %c0_i32_0 = arith.constant 0 : i32
    return %arg0, %c0_i32 : i32, i32
  }
  func.func @transform_5(%arg0: i32) -> (i32, i32) {
    %c0_i32 = arith.constant 0 : i32
    %c0_i32_0 = arith.constant 0 : i32
    %c0_i32_1 = arith.constant 0 : i32
    return %c0_i32, %c0_i32_0 : i32, i32
  }
  func.func @transform_6(%arg0: i32) -> (i32, i32) {
    %c0_i32 = arith.constant 0 : i32
    %c0_i32_0 = arith.constant 0 : i32
    %c0_i32_1 = arith.constant 0 : i32
    return %c0_i32, %c0_i32_0 : i32, i32
  }
  func.func @transform_7(%arg0: i32) -> (i32, i32) {
    %c0_i32 = arith.constant 0 : i32
    %c0_i32_0 = arith.constant 0 : i32
    %c0_i32_1 = arith.constant 0 : i32
    return %c0_i32, %c0_i32_0 : i32, i32
  }
  func.func @transform_8(%arg0: i32) -> (i32, i32) {
    %c0_i32 = arith.constant 0 : i32
    %c0_i32_0 = arith.constant 0 : i32
    %c0_i32_1 = arith.constant 0 : i32
    return %c0_i32, %c0_i32_0 : i32, i32
  }
  func.func @transform_9(%arg0: i32) -> (i32, i32) {
    %c0_i32 = arith.constant 0 : i32
    %c0_i32_0 = arith.constant 0 : i32
    %c0_i32_1 = arith.constant 0 : i32
    return %c0_i32, %c0_i32_0 : i32, i32
  }
  func.func @transform_10(%arg0: i32) -> (i32, i32) {
    %c0_i32 = arith.constant 0 : i32
    %c0_i32_0 = arith.constant 0 : i32
    %c0_i32_1 = arith.constant 0 : i32
    return %c0_i32, %c0_i32_0 : i32, i32
  }
  func.func @transform_11(%arg0: i32) -> (i32, i32) {
    %c0_i32 = arith.constant 0 : i32
    %c0_i32_0 = arith.constant 0 : i32
    %c0_i32_1 = arith.constant 0 : i32
    return %c0_i32, %c0_i32_0 : i32, i32
  }
  func.func @transform_12(%arg0: i32) -> (i32, i32) {
    %c0_i32 = arith.constant 0 : i32
    %c0_i32_0 = arith.constant 0 : i32
    return %arg0, %c0_i32 : i32, i32
  }
}

</mosaic_0001>

<sc_bundles>
// kernel: kernel.6.cloned.1.call-start
scs
__scs_entry_jumppad:
0x0: {  	(pc) =	sbr.rel $0x88, $3  }
0x1: {  	(tag) =	ssettag $0x0;
	lr =	simm.s32 $0x1  }
0x2: {  	[smem:$0x3F96] =	sst lr;
	_ =	strace $0xD0000000  }
0x3: {  	_ = 	snop  }
0x4: {  	_ = 	snop  }
0x5: {  	_ = 	snop  }
0x6: {  	_ = 	snop  }
0x7: {  	_ = 	snop  }
__scs_overlays_trampoline_lowered:
0x8: {  	[smem:$0x3FA5] =	sst s0  }
0x9: {  	[smem:$0x3FA6] =	sst s1  }
0xa: {  	[smem:$0x3FA7] =	sst s2  }
0xb: {  	[smem:$0x3FA8] =	sst s3  }
0xc: {  	[smem:$0x3FA9] =	sst s4  }
0xd: {  	[smem:$0x3FAA] =	sst s5  }
0xe: {  	[smem:$0x3FAB] =	sst s6  }
0xf: {  	[smem:$0x3FAC] =	sst s7  }
0x10: {  	[smem:$0x3FAD] =	sst s8  }
0x11: {  	[smem:$0x3FAE] =	sst s9;
	s0 =	simm.s32 @!p0 $0x0  }
0x12: {  	s1 =	sld [smem:$0x3F94];
	s0 =	simm.s32 @p0 $0x1  }
0x13: {  	[smem:$0x3FAF] =	sst s0;
	s0 =	simm.s32 @!p1 $0x0  }
0x14: {  	s2 =	sld [smem:$0x3F93];
	s0 =	simm.s32 @p1 $0x1  }
0x15: {  	[smem:$0x3FB0] =	sst s0;
	s0 =	simm.s32 @!p2 $0x0  }
0x16: {  	s3 =	sld [smem:$0x3FDB];
	s0 =	simm.s32 @p2 $0x1  }
0x17: {  	s4 =	simm.s32 $0x1BF5;
	[smem:$0x3FB2] =	sst s0  }
0x18: {  	s0 =	sld [smem:$0x3F95];
	_ =	swait.ge [sflag:s4], $0x0  }
0x19: {  	s7 =	sld [smem:$0x3F96]  }
0x1a: {  	s8 =	sadd.s32 $0xFFFFE003, lr  }
0x1b: {  	s9 =	sadd.s32 $0xFFFFFEF7, lr;
	s5 =	simm.s32 $0xFFFFFFFF;
	p2 =	slt.u32 s8, $0xFFFFF086  }
0x1c: {  	p1 =	slt.u32 s9, $0xF7A;
	s5 =	simm.s32 @!p2 $0x0  }
0x1d: {  	s5 =	simm.s32 @p1 $0x1;
	p0 =	seq.s32 s7, s2  }
0x1e: {  	s7 =	smul.u32 @!p0 $0xF7A, s2;
	p2 =	seq.s32 @!p0 s5, $0x0  }
0x1f: {  	s9 =	smul.u32 $0xF7A, s1;
	s8 =	simm.s32 @!p0 $0x1BF5;
	p2 =	por !p2, p0  }
0x20: {  	[sflag:s8] =	ssyncset.s32 @!p0 $0xFFFFF086;
	s6 =	sadd.s32 @!p0 s3, s7;
	s7 =	simm.s32 @!p0 $0x108  }
0x21: {  	s3 =	sadd.s32 s3, s9;
	s6 =	sadd.s32 @!p0 $0x88, s6;
	s7 =	simm.s32 @p2 $0x1082  }
0x22: {  	[simem:s7], [sflag:s8] =	dma.local @!p0 [hbm:s6], $0xF7A  }
0x23: {  	s9 =	sor.u32 $0xD0000000, s2;
	s6 =	simm.s32 $0x108;
	_ =	swait.ge @!p0 [sflag:s8], $0x0  }
0x24: {  	s3 =	sadd.s32 $0x88, s3;
	s6 =	simm.s32 @!p1 $0x1082;
	[sflag:s4] =	ssyncset.s32 $0xFFFFF086  }
0x25: {  	[simem:s6], [sflag:s4] =	dma.local [hbm:s3], $0xF7A  }
0x26: {  	[smem:$0x3F96] =	sst s1;
	(tag) =	ssettag s2;
	_ =	strace s9  }
0x27: {  	s1 =	sld [smem:$0x3FA6]  }
0x28: {  	s2 =	sld [smem:$0x3FA7]  }
0x29: {  	s4 =	sld [smem:$0x3FA9]  }
0x2a: {  	p0 =	seq.s32 s5, $0x0;
	s5 =	sld [smem:$0x3FAA]  }
0x2b: {  	s6 =	sld [smem:$0x3FAB]  }
0x2c: {  	s7 =	sld [smem:$0x3FAC]  }
0x2d: {  	s3 =	simm.s32 $0x108;
	s8 =	sld [smem:$0x3FAD]  }
0x2e: {  	s3 =	simm.s32 @!p0 $0x1082;
	s9 =	sld [smem:$0x3FAE]  }
0x2f: {  	lr =	sadd.s32 s0, s3;
	s0 =	sld [smem:$0x3FA5]  }
0x30: {  	s3 =	sld [smem:$0x3FA8]  }
0x31: {  	[smem:$0x3FB1] =	sst s10  }
0x32: {  	s10 =	sld [smem:$0x3FAF];
	_ =	sdelay $0x3  }
0x33: {  	p0 =	seq.s32 s10, $0x1;
	s10 =	sld [smem:$0x3FB1];
	_ =	sdelay $0x3  }
0x34: {  	[smem:$0x3FB1] =	sst s10  }
0x35: {  	s10 =	sld [smem:$0x3FB0];
	_ =	sdelay $0x3  }
0x36: {  	p1 =	seq.s32 s10, $0x1;
	s10 =	sld [smem:$0x3FB1];
	_ =	sdelay $0x3  }
0x37: {  	[smem:$0x3FB1] =	sst s10  }
0x38: {  	s10 =	sld [smem:$0x3FB2]  }
0x39: {  	_ = 	snop;
	(pc) =	sbr.ind lr, $3  }
0x3a: {  	_ = 	snop  }
0x3b: {  	_ = 	snop  }
0x3c: {  	p2 =	seq.s32 s10, $0x1;
	s10 =	sld [smem:$0x3FB1]  }
0x3d: {  	_ =	shalt  }
0x3e: {  	_ =	shalt  }
0x3f: {  	_ =	shalt  }
0x40: {  	_ =	shalt  }
0x41: {  	_ =	shalt  }
0x42: {  	_ =	shalt  }
0x43: {  	_ =	shalt  }
0x44: {  	_ =	shalt  }
0x45: {  	_ =	shalt  }
0x46: {  	_ =	shalt  }
0x47: {  	_ =	shalt  }
0x48: {  	_ =	shalt  }
0x49: {  	_ =	shalt  }
0x4a: {  	_ =	shalt  }
0x4b: {  	_ =	shalt  }
0x4c: {  	_ =	shalt  }
0x4d: {  	_ =	shalt  }
0x4e: {  	_ =	shalt  }
0x4f: {  	_ =	shalt  }
0x50: {  	_ =	shalt  }
0x51: {  	_ =	shalt  }
0x52: {  	_ =	shalt  }
0x53: {  	_ =	shalt  }
0x54: {  	_ =	shalt  }
0x55: {  	_ =	shalt  }
0x56: {  	_ =	shalt  }
0x57: {  	_ =	shalt  }
0x58: {  	_ =	shalt  }
0x59: {  	_ =	shalt  }
0x5a: {  	_ =	shalt  }
0x5b: {  	_ =	shalt  }
0x5c: {  	_ =	shalt  }
0x5d: {  	_ =	shalt  }
0x5e: {  	_ =	shalt  }
0x5f: {  	_ =	shalt  }
0x60: {  	_ =	shalt  }
0x61: {  	_ =	shalt  }
0x62: {  	_ =	shalt  }
0x63: {  	_ =	shalt  }
0x64: {  	_ =	shalt  }
0x65: {  	_ =	shalt  }
0x66: {  	_ =	shalt  }
0x67: {  	_ =	shalt  }
0x68: {  	_ =	shalt  }
0x69: {  	_ =	shalt  }
0x6a: {  	_ =	shalt  }
0x6b: {  	_ =	shalt  }
0x6c: {  	_ =	shalt  }
0x6d: {  	_ =	shalt  }
0x6e: {  	_ =	shalt  }
0x6f: {  	_ =	shalt  }
0x70: {  	_ =	shalt  }
0x71: {  	_ =	shalt  }
0x72: {  	_ =	shalt  }
0x73: {  	_ =	shalt  }
0x74: {  	_ =	shalt  }
0x75: {  	_ =	shalt  }
0x76: {  	_ =	shalt  }
0x77: {  	_ =	shalt  }
0x78: {  	_ =	shalt  }
0x79: {  	_ =	shalt  }
0x7a: {  	_ =	shalt  }
0x7b: {  	_ =	shalt  }
0x7c: {  	_ =	shalt  }
0x7d: {  	_ =	shalt  }
0x7e: {  	_ =	shalt  }
0x7f: {  	_ =	shalt  }
0x80: {  	_ =	shalt  }
0x81: {  	_ =	shalt  }
0x82: {  	_ =	shalt  }
0x83: {  	_ =	shalt  }
0x84: {  	_ =	shalt  }
0x85: {  	_ =	shalt  }
0x86: {  	_ =	shalt  }
0x87: {  	_ =	shalt  }
.Lfunc_end0:
.L_simem_size_0:
called_computation_lowered:
.L_overlay_start_0:
0x88: {  	s2 =	sld [smem:$0x3FD9]  }
0x89: {  	s3 =	sld [smem:$0x3FFE];
	_ =	sdelay $0x1  }
0x8a: {  	s1 =	srdreg.scid  }
0x8b: {  	s0 =	sand.u32 $0x1, s1  }
0x8c: {  	s17 =	sshll.u32 s0, $0xA;
	s2 =	sadd.s32 s3, s2  }
0x8d: {  	s2 =	sadd.s32 s2, s17  }
0x8e: {  	[smem:$0x3FBD] =	sst s2  }
0x8f: {  	_ = 	snop  }
0x90: {  	s2 =	sld [smem:$0x3FD0];
	(tm) =	ssettm $0x1  }
0x91: {  	s18 =	sld [smem:$0x3FFB];
	_ =	sdelay $0x3  }
0x92: {  	_ =	strace s18  }
0x93: {  	s3 =	sld [smem:$0x3FFC];
	_ =	sdelay $0x3  }
0x94: {  	_ =	strace s3  }
0x95: {  	s3 =	sld [smem:$0x3FFD];
	_ =	sdelay $0x3  }
0x96: {  	_ =	strace s3  }
0x97: {  	_ =	strace $0x8FFFFFFF  }
0x98: {  	s19 =	sld [smem:$0x3FDB];
	_ =	sdelay $0x1  }
0x99: {  	s4 =	simm.s32 $_scs_section_size  }
0x9a: {  	s5 =	simm.s32 $_size__tile_overlayer_lowered;
	s6 =	simm.s32 $_tile_overlayer_lowered  }
0x9b: {  	s22 =	simm.s32 $0x1BFF;
	s21 =	sshll.u32 s6, $0x1;
	s3 =	sadd.s32 s4, s19  }
0x9c: {  	s7 =	simm.s32 $0x0;
	s20 =	sshll.u32 s5, $0x1;
	s5 =	sadd.s32 s21, s3  }
0x9d: {  	[timem:s7], [sflag:s22] =	dma.local [hbm:s5], s20  }
0x9e: {  	_ =	swait.ge [sflag:s22], s20  }
0x9f: {  	s4 =	ssub.s32 $0x0, s20;
	[sflag:s22] =	ssyncset.done $0x0  }
0xa0: {  	[sflag:s22] =	ssyncadd.s32 s4;
	_ =	sdelay $0x1  }
0xa1: {  	s23 =	simm.s32 $0x1B8B  }
0xa2: {  	_ =	swait.ge [sflag:s23], $0x1  }
0xa3: {  	[sflag:s23] =	ssyncset.done $0x0  }
0xa4: {  	s25 =	simm.s32 $0x1B8E;
	s24 =	sld [smem:$0x3FFE];
	[sflag:s23] =	ssyncadd.s32 $0xFFFFFFFF  }
0xa5: {  	s26 =	simm.s32 $execute0_lowered;
	[smem:$0x3FD2] =	sst s25  }
0xa6: {  	s5 =	sshll.u32 s26, $0x1;
	_ =	strace $0x80000046;
	[dreg:$0x1] =	wrdreg $0xFFFFFFFF  }
0xa7: {  	s28 =	simm.s32 $_size_execute0_lowered;
	s3 =	sadd.s32 s3, s5;
	[dreg:$0x0] =	wrdreg $0x0  }
0xa8: {  	s5 =	sshll.u32 s28, $0x1;
	[dreg:$0x2] =	wrdreg s3  }
0xa9: {  	[dreg:$0x3] =	wrdreg s5  }
0xaa: {  	[dreg:$0x4] =	wrdreg $0xC0  }
0xab: {  	_ =	task [dreg:s7], $0x5FFFF  }
0xac: {  	[dreg:$0x1] =	wrdreg $0xFFFFFFFF  }
0xad: {  	[dreg:$0x0] =	wrdreg $0x60  }
0xae: {  	[dreg:$0x2] =	wrdreg s2  }
0xaf: {  	[dreg:$0x3] =	wrdreg s24  }
0xb0: {  	[dreg:$0x4] =	wrdreg $0x7C800  }
0xb1: {  	[dreg:$0x5] =	wrdreg $0x1BC800  }
0xb2: {  	[dreg:$0x6] =	wrdreg $0x9  }
0xb3: {  	_ =	task.clear_ibuf [dreg:s7], $0x7FFFF;
	_ =	strace $0x90000046  }
0xb4: {  	s29 =	simm.s32 $0x9;
	_ =	strace $0x80000048  }
0xb5: {  	_ =	swait.ge [sflag:s29], $0x1  }
0xb6: {  	[sflag:s29] =	ssyncadd.s32 $0xFFFFFFFF  }
0xb7: {  	_ =	strace $0x90000048  }
0xb8: {  	_ =	sfence  }
0xb9: {  	s30 =	sld [smem:$0x0];
	_ =	sdelay $0x2  }
0xba: {  	s31 =	sshll.u32 s1, $0xD;
	s1 =	sshrl.u32 s1, $0x2  }
0xbb: {  	s3 =	sand.u32 $0x4000, s31;
	s1 =	sadd.s32 s1, s30  }
0xbc: {  	s0 =	sor.u32 s3, s0;
	s1 =	sshll.u32 s1, $0x11  }
0xbd: {  	s0 =	sor.u32 s1, s0  }
0xbe: {  	s0 =	sadd.s32 $0x8F2B, s0  }
0xbf: {  	[sflag:s0] =	ssyncadd.remote.s32 $0x1  }
0xc0: {  	_ =	sfence.sel $0xFFFF  }
0xc1: {  	[dreg:$0x0] =	wrdreg $0xFFFFFFFF;
	(pc) =	sbr.abs _section_cstart, $3  }
0xc2: {  	[dreg:$0x1] =	wrdreg $0xFFFFFFFF  }
0xc3: {  	_ =	task.clear_ibuf [dreg:s7], $0x2FFFF;
	_ =	strace $0x9FFFFFFF  }
0xc4: {  	(tm) =	ssettm $0x7FFFFFFF  }
0xc5: {  	_ =	shalt  }
tec
execute0_lowered:
.L_overlay_start_1:
0x0: {  	(tag) =	ssettag $0x1  }
0x1: {  	s1 =	rddreg [dreg:$0x0]  }
0x2: {  	s0 =	rddreg [dreg:$0x1]  }
0x3: {  	s2 =	rddreg [dreg:$0x2]  }
0x4: {  	s18 =	rddreg [dreg:$0x3];
	s3 =	srdreg.scid  }
0x5: {  	s5 =	simm.s32 $0x0;
	s13 =	stileid.u32;
	s3 =	sand.u32 $0x1, s3  }
0x6: {  	[smem:$0x7FF] =	sst s5;
	s6 =	sshll.u32 s13, $0x1;
	s23 =	smul.u32 $0x5000, s13  }
0x7: {  	s7 =	sadd.s32 $0x15C00, s0;
	s8 =	sadd.s32 $0x2200, s0;
	s4 =	smul.u32 $0x28000, s3  }
0x8: {  	s9 =	smul.u32 $0x500, s3;
	s14 =	sor.u32 s3, s6;
	s3 =	ssub.s32 $0x2, s3  }
0x9: {  	_ =	strace $0x80000047;
	s10 =	smul.u32 $0x280, s14;
	s11 =	sshrl.u32 s3, $0x1  }
0xa: {  	[dreg:$0x5] =	wrdreg s14;
	s25 =	sor.u32 $0x40, s14;
	s26 =	sshrl.u32 s23, $0x2  }
0xb: {  	s4 =	sadd.s32 s4, s0;
	[dreg:$0xb] =	wrdreg s25;
	s28 =	sadd.s32 s26, s2  }
0xc: {  	s0 =	sadd.s32 s9, s0;
	s20 =	sadd.s32 s7, s10;
	[dreg:$0xf] =	wrdreg s28  }
0xd: {  	s3 =	ssub.s32 s3, s11;
	s0 =	sadd.s32 $0x547C00, s0;
	[dreg:$0x8] =	wrdreg s20  }
0xe: {  	s3 =	smax.u32 s3, $0x1;
	[dreg:$0xd] =	wrdreg s0  }
0xf: {  	s29 =	simm.s32 $0x300;
	s9 =	sadd.s32 $0x14000, s28;
	[dreg:$0xe] =	wrdreg s3  }
0x10: {  	s12 =	smul.u32 $0x1400, s14;
	s10 =	sadd.s32 $0x28000, s28;
	[dreg:$0x10] =	wrdreg s9  }
0x11: {  	s30 =	simm.s32 $0x5400;
	s11 =	sadd.s32 $0x3C000, s28;
	[dreg:$0x11] =	wrdreg s10  }
0x12: {  	s21 =	sshrl.u32 s12, $0x3;
	s12 =	sadd.s32 $0x50000, s28;
	[dreg:$0x12] =	wrdreg s11  }
0x13: {  	s6 =	smul.u32 $0x28, s14;
	s14 =	sadd.s32 $0x64000, s28;
	[dreg:$0x13] =	wrdreg s12  }
0x14: {  	s31 =	simm.s32 $0x2;
	s15 =	sadd.s32 $0x78000, s28;
	[dreg:$0x14] =	wrdreg s14  }
0x15: {  	p0 =	sne.s32 s13, $0x1;
	s16 =	sadd.s32 $0x8C000, s28;
	[dreg:$0x15] =	wrdreg s15  }
0x16: {  	s6 =	sshrl.u32 s6, $0x3;
	s17 =	sadd.s32 $0xA0000, s28;
	[dreg:$0x16] =	wrdreg s16  }
0x17: {  	s4 =	sadd.s32 $0x4F7C00, s4;
	s23 =	sadd.s32 $0x104000, s28;
	[dreg:$0x17] =	wrdreg s17  }
0x18: {  	s25 =	sadd.s32 $0x118000, s28;
	s26 =	sadd.s32 $0x12C000, s28;
	[dreg:$0x1c] =	wrdreg s23  }
0x19: {  	s19 =	sadd.s32 s8, s6;
	s20 =	sadd.s32 $0xC8000, s28;
	[dreg:$0x1d] =	wrdreg s25  }
0x1a: {  	[dreg:$0x1e] =	wrdreg s26;
	s12 =	simm.s32 $0x400;
	s15 =	simm.s32 $0x200  }
0x1b: {  	s16 =	simm.s32 $0x28;
	s23 =	simm.s32 $0x4;
	s25 =	simm.s32 $0x1800  }
0x1c: {  	s26 =	simm.s32 $0x4000;
	s0 =	simm.s32 $0x7;
	[dreg:$0x6] =	wrdreg s19  }
0x1d: {  	s9 =	simm.s32 $0x8;
	s6 =	sadd.s32 $0x9C40, s19;
	[dreg:$0x19] =	wrdreg s20  }
0x1e: {  	s3 =	simm.s32 $0x6;
	s22 =	sadd.s32 $0x9CE0, s19;
	[dreg:$0x7] =	wrdreg s6  }
0x1f: {  	s11 =	simm.s32 $0x0;
	s24 =	sadd.s32 $0xA0, s19;
	[dreg:$0x9] =	wrdreg s22  }
0x20: {  	s19 =	sadd.s32 $0xB4000, s28;
	s20 =	simm.s32 $0x80;
	[dreg:$0xa] =	wrdreg s24  }
0x21: {  	s6 =	sadd.s32 s7, s21;
	[dreg:$0x18] =	wrdreg s19;
	s21 =	sadd.s32 $0xDC000, s28  }
0x22: {  	s22 =	sadd.s32 $0xF0000, s28;
	s6 =	sadd.s32 $0x4DD000, s6;
	[dreg:$0x1a] =	wrdreg s21  }
0x23: {  	v0 =	vimm.f32 $0.0e+00;
	v1 =	vlaneseq.u32;
	s19 =	simm.s32 $0x3;
	[dreg:$0xc] =	wrdreg s6;
	s6 =	smul.u32 $0x280, s13  }
0x24: {  	v6 =	vimm.f32 $1.000000000e+00;
	vm0 =	vcmask $0x3F20;
	v2 =	vor.u32 $0x10, v1;
	[dreg:$0x1b] =	wrdreg s22;
	s21 =	simm.s32 $0x280;
	s22 =	simm.s32 $0x1  }
0x25: {  	v3 =	vor.u32 $0x20, v1;
	v4 =	vor.u32 $0x30, v1;
	v5 =	vor.u32 $0x40, v1;
	s13 =	simm.s32 $0x9;
	s24 =	sadd.s32 s4, s6;
	s4 =	simm.s32 $0x5  }
.LBB2_1:
0x26: {  	s6 =	simm.s32 $0x0;
	s10 =	simm.s32 $0x200  }
.LBB2_2:
0x27: {  	p1 =	sne.s32 s10, $0x4E00;
	[tilespmem:s6+$0x470] =	vst v0  }
0x28: {  	[tilespmem:s6+$0x400] =	vst v0  }
0x29: {  	[tilespmem:s6+$0x410] =	vst v0  }
.Ltmp0:
0x2a: {  	[tilespmem:s6+$0x420] =	vst v0;
	(pc) =	sbr.rel @p1 .LBB2_2-.Ltmp0, $4  }
0x2b: {  	[tilespmem:s6+$0x430] =	vst v0  }
0x2c: {  	[tilespmem:s6+$0x440] =	vst v0  }
0x2d: {  	[tilespmem:s6+$0x450] =	vst v0  }
0x2e: {  	[tilespmem:s6+$0x460] =	vst v0;
	s6 =	sshra.s32 s10, $0x2;
	s10 =	sadd.s32 $0x200, s10  }
0x2f: {  	[tilespmem:s6+$0x470] =	vst v0  }
0x30: {  	[tilespmem:s6+$0x400] =	vst v0  }
0x31: {  	[tilespmem:s6+$0x410] =	vst v0  }
0x32: {  	[tilespmem:s6+$0x420] =	vst v0  }
0x33: {  	[tilespmem:s6+$0x430] =	vst v0  }
0x34: {  	[tilespmem:s6+$0x440] =	vst v0  }
0x35: {  	[tilespmem:s6+$0x450] =	vst v0  }
0x36: {  	[tilespmem:s6+$0x460] =	vst v0;
	s6 =	simm.s32 $0x0;
	s10 =	simm.s32 $0x200  }
.LBB2_4:
0x37: {  	p1 =	sne.s32 s10, $0x9E00;
	[tilespmem:s6+$0x5470] =	vst v0  }
0x38: {  	[tilespmem:s6+$0x5400] =	vst v0  }
0x39: {  	[tilespmem:s6+$0x5410] =	vst v0  }
.Ltmp1:
0x3a: {  	[tilespmem:s6+$0x5420] =	vst v0;
	(pc) =	sbr.rel @p1 .LBB2_4-.Ltmp1, $4  }
0x3b: {  	[tilespmem:s6+$0x5430] =	vst v0  }
0x3c: {  	[tilespmem:s6+$0x5440] =	vst v0  }
0x3d: {  	[tilespmem:s6+$0x5450] =	vst v0  }
0x3e: {  	[tilespmem:s6+$0x5460] =	vst v0;
	s6 =	sshra.s32 s10, $0x2;
	s10 =	sadd.s32 $0x200, s10  }
0x3f: {  	[tilespmem:s6+$0x5470] =	vst v0  }
0x40: {  	[tilespmem:s6+$0x5400] =	vst v0  }
0x41: {  	[tilespmem:s6+$0x5410] =	vst v0  }
0x42: {  	[tilespmem:s6+$0x5420] =	vst v0  }
0x43: {  	[tilespmem:s6+$0x5430] =	vst v0  }
0x44: {  	[tilespmem:s6+$0x5440] =	vst v0  }
0x45: {  	[tilespmem:s6+$0x5450] =	vst v0  }
0x46: {  	[tilespmem:s6+$0x5460] =	vst v0  }
0x47: {  	[tilespmem:$0x7C00] =	vst v1  }
0x48: {  	[tilespmem:$0x7C10] =	vst v2  }
0x49: {  	[tilespmem:$0x7C20] =	vst v3  }
0x4a: {  	[tilespmem:$0x7C30] =	vst v4  }
0x4b: {  	[dreg:$0x1f] =	wrdreg s11;
	[tilespmem:$0x7C40] =	vst v5  }
0x4c: {  	[spmem:s28] =	stream.linear.scatter [tilespmem:s12], [sflag:$0x9], $0x1400, $0x38;
	[tilespmem:$0x1BF00] =	vst v63  }
0x4d: {  	_ =	swait.ge [sflag:s13], $0x1400  }
0x4e: {  	[sflag:s13] =	ssyncset.done $0x0  }
0x4f: {  	s10 =	rddreg [dreg:$0x10];
	[sflag:s13] =	ssyncadd.s32 $0xFFFFEC00  }
0x50: {  	[spmem:s10] =	stream.linear.scatter [tilespmem:s12], [sflag:$0x9], $0x1400, $0x38;
	[tilespmem:$0x1BF00] =	vst v63  }
0x51: {  	_ =	swait.ge [sflag:s13], $0x1400  }
0x52: {  	[sflag:s13] =	ssyncset.done $0x0  }
0x53: {  	s11 =	rddreg [dreg:$0x11];
	[sflag:s13] =	ssyncadd.s32 $0xFFFFEC00  }
0x54: {  	[spmem:s11] =	stream.linear.scatter [tilespmem:s12], [sflag:$0x9], $0x1400, $0x38;
	[tilespmem:$0x1BF00] =	vst v63  }
0x55: {  	_ =	swait.ge [sflag:s13], $0x1400  }
0x56: {  	[sflag:s13] =	ssyncset.done $0x0  }
0x57: {  	s14 =	rddreg [dreg:$0x12];
	[sflag:s13] =	ssyncadd.s32 $0xFFFFEC00  }
0x58: {  	[spmem:s14] =	stream.linear.scatter [tilespmem:s12], [sflag:$0x9], $0x1400, $0x38;
	[tilespmem:$0x1BF00] =	vst v63  }
0x59: {  	_ =	swait.ge [sflag:s13], $0x1400  }
0x5a: {  	[sflag:s13] =	ssyncset.done $0x0  }
0x5b: {  	s17 =	rddreg [dreg:$0x13];
	[sflag:s13] =	ssyncadd.s32 $0xFFFFEC00  }
0x5c: {  	[spmem:s17] =	stream.linear.scatter [tilespmem:s12], [sflag:$0x9], $0x1400, $0x38;
	[tilespmem:$0x1BF00] =	vst v63  }
0x5d: {  	_ =	swait.ge [sflag:s13], $0x1400  }
0x5e: {  	[sflag:s13] =	ssyncset.done $0x0  }
0x5f: {  	s28 =	rddreg [dreg:$0x14];
	[sflag:s13] =	ssyncadd.s32 $0xFFFFEC00  }
0x60: {  	[spmem:s28] =	stream.linear.scatter [tilespmem:s12], [sflag:$0x9], $0x1400, $0x38;
	[tilespmem:$0x1BF00] =	vst v63  }
0x61: {  	_ =	swait.ge [sflag:s13], $0x1400  }
0x62: {  	[sflag:s13] =	ssyncset.done $0x0  }
0x63: {  	s10 =	rddreg [dreg:$0x15];
	[sflag:s13] =	ssyncadd.s32 $0xFFFFEC00  }
0x64: {  	[spmem:s10] =	stream.linear.scatter [tilespmem:s12], [sflag:$0x9], $0x1400, $0x38;
	[tilespmem:$0x1BF00] =	vst v63  }
0x65: {  	_ =	swait.ge [sflag:s13], $0x1400  }
0x66: {  	[sflag:s13] =	ssyncset.done $0x0  }
0x67: {  	s11 =	rddreg [dreg:$0x16];
	[sflag:s13] =	ssyncadd.s32 $0xFFFFEC00  }
0x68: {  	[spmem:s11] =	stream.linear.scatter [tilespmem:s12], [sflag:$0x9], $0x1400, $0x38;
	[tilespmem:$0x1BF00] =	vst v63  }
0x69: {  	_ =	swait.ge [sflag:s13], $0x1400  }
0x6a: {  	[sflag:s13] =	ssyncset.done $0x0  }
0x6b: {  	s14 =	rddreg [dreg:$0x17];
	[sflag:s13] =	ssyncadd.s32 $0xFFFFEC00  }
0x6c: {  	[spmem:s14] =	stream.linear.scatter [tilespmem:s12], [sflag:$0x9], $0x1400, $0x38;
	[tilespmem:$0x1BF00] =	vst v63  }
0x6d: {  	_ =	swait.ge [sflag:s13], $0x1400  }
0x6e: {  	[sflag:s13] =	ssyncset.done $0x0  }
0x6f: {  	s17 =	rddreg [dreg:$0x18];
	[sflag:s13] =	ssyncadd.s32 $0xFFFFEC00  }
0x70: {  	[spmem:s17] =	stream.linear.scatter [tilespmem:s12], [sflag:$0x9], $0x1400, $0x38;
	[tilespmem:$0x1BF00] =	vst v63  }
0x71: {  	_ =	swait.ge [sflag:s13], $0x1400  }
0x72: {  	[sflag:s13] =	ssyncset.done $0x0  }
0x73: {  	s28 =	rddreg [dreg:$0x19];
	[sflag:s13] =	ssyncadd.s32 $0xFFFFEC00  }
0x74: {  	[spmem:s28] =	stream.linear.scatter [tilespmem:s12], [sflag:$0x9], $0x1400, $0x38;
	[tilespmem:$0x1BF00] =	vst v63  }
0x75: {  	_ =	swait.ge [sflag:s13], $0x1400  }
0x76: {  	[sflag:s13] =	ssyncset.done $0x0  }
0x77: {  	s10 =	rddreg [dreg:$0x1a];
	[sflag:s13] =	ssyncadd.s32 $0xFFFFEC00  }
0x78: {  	[spmem:s10] =	stream.linear.scatter [tilespmem:s12], [sflag:$0x9], $0x1400, $0x38;
	[tilespmem:$0x1BF00] =	vst v63  }
0x79: {  	_ =	swait.ge [sflag:s13], $0x1400  }
0x7a: {  	[sflag:s13] =	ssyncset.done $0x0  }
0x7b: {  	s11 =	rddreg [dreg:$0x1b];
	[sflag:s13] =	ssyncadd.s32 $0xFFFFEC00  }
0x7c: {  	[spmem:s11] =	stream.linear.scatter [tilespmem:s12], [sflag:$0x9], $0x1400, $0x38;
	[tilespmem:$0x1BF00] =	vst v63  }
0x7d: {  	_ =	swait.ge [sflag:s13], $0x1400  }
0x7e: {  	[sflag:s13] =	ssyncset.done $0x0  }
0x7f: {  	s14 =	rddreg [dreg:$0x1c];
	[sflag:s13] =	ssyncadd.s32 $0xFFFFEC00  }
0x80: {  	[spmem:s14] =	stream.linear.scatter [tilespmem:s12], [sflag:$0x9], $0x1400, $0x38;
	[tilespmem:$0x1BF00] =	vst v63  }
0x81: {  	_ =	swait.ge [sflag:s13], $0x1400  }
0x82: {  	[sflag:s13] =	ssyncset.done $0x0  }
0x83: {  	s17 =	rddreg [dreg:$0x1d];
	[sflag:s13] =	ssyncadd.s32 $0xFFFFEC00  }
0x84: {  	[spmem:s17] =	stream.linear.scatter [tilespmem:s12], [sflag:$0x9], $0x1400, $0x38;
	[tilespmem:$0x1BF00] =	vst v63  }
0x85: {  	_ =	swait.ge [sflag:s13], $0x1400  }
0x86: {  	[sflag:s13] =	ssyncset.done $0x0  }
0x87: {  	s28 =	rddreg [dreg:$0x1e];
	[sflag:s13] =	ssyncadd.s32 $0xFFFFEC00  }
0x88: {  	[spmem:s28] =	stream.linear.scatter [tilespmem:s12], [sflag:$0x9], $0x1400, $0x38;
	[tilespmem:$0x1BF00] =	vst v63  }
0x89: {  	_ =	swait.ge [sflag:s13], $0x1400  }
0x8a: {  	[sflag:s13] =	ssyncset.done $0x0  }
0x8b: {  	s6 =	simm.s32 @!p0 $0x5400;
	[sflag:s13] =	ssyncadd.s32 $0xFFFFEC00  }
0x8c: {  	[spmem:s18] =	stream.linear.scatter @!p0 [tilespmem:s6], [sflag:$0x9], $0x2800, $0x38;
	[tilespmem:$0x1BF00] =	vst v63  }
0x8d: {  	s6 =	simm.s32 @!p0 $0x9  }
0x8e: {  	_ =	swait.ge @!p0 [sflag:s6], $0x2800  }
0x8f: {  	[sflag:s6] =	ssyncset.done @!p0 $0x0  }
0x90: {  	[sflag:s6] =	ssyncadd.s32 @!p0 $0xFFFFD800  }
0x91: {  	[bflag:$0x0] =	sbarrier.arrive $0xFFFF  }
0x92: {  	s18 =	simm.s32 $0x0;
	s10 =	rddreg [dreg:$0x7]  }
0x93: {  	[tilespmem:s18], [sflag:$0x9] =	stream.linear.gather [hbm4b:s10+s18], $0x28, $0x38;
	[tilespmem:$0x1BF00] =	vst v63  }
0x94: {  	_ =	swait.ge [sflag:s13], $0x28  }
0x95: {  	[sflag:s13] =	ssyncset.done $0x0  }
0x96: {  	s11 =	rddreg [dreg:$0x6];
	[sflag:s13] =	ssyncadd.s32 $0xFFFFFFD8  }
0x97: {  	[tilespmem:s15], [sflag:$0x9] =	stream.linear.gather [hbm4b:s11+s18], $0x28, $0x38;
	[tilespmem:$0x1BF00] =	vst v63  }
0x98: {  	_ =	swait.ge [sflag:s13], $0x28  }
0x99: {  	[sflag:s13] =	ssyncset.done $0x0  }
0x9a: {  	[sflag:s13] =	ssyncadd.s32 $0xFFFFFFD8  }
0x9b: {  	[tilespmem:s12], [sflag:$0x1] =	stream.indirect.gather [hbm4b:s1+s16], $0x80, s18, s16, $0xb8;
	[tilespmem:$0x1BF00] =	vst v63  }
0x9c: {  	s10 =	simm.s32 $0x2C00;
	s14 =	rddreg [dreg:$0x8]  }
0x9d: {  	[tilespmem:s10], [sflag:$0x1] =	stream.linear.gather [hbm4b:s14+s18], $0x1400, $0x38;
	[tilespmem:$0x1BF00] =	vst v63  }
0x9e: {  	s17 =	rddreg [dreg:$0x9]  }
0x9f: {  	[tilespmem:s20], [sflag:$0x4] =	stream.linear.gather [hbm4b:s17+s18], $0x28, $0x38;
	[tilespmem:$0x1BF00] =	vst v63  }
0xa0: {  	s28 =	rddreg [dreg:$0xa]  }
0xa1: {  	[tilespmem:s21], [sflag:$0x4] =	stream.linear.gather [hbm4b:s28+s18], $0x28, $0x38;
	[tilespmem:$0x1BF00] =	vst v63  }
.LBB2_6:
0xa2: {  	_ =	swait.ge [sflag:s22], $0x1400  }
0xa3: {  	[sflag:s22] =	ssyncset.done $0x0  }
0xa4: {  	[sflag:s22] =	ssyncadd.s32 $0xFFFFEC00  }
0xa5: {  	_ =	swait.ge [sflag:s22], $0x1400  }
0xa6: {  	p1 =	seq.s32 s18, $0x0;
	[sflag:s22] =	ssyncset.done $0x0  }
0xa7: {  	s6 =	simm.s32 @!p1 $0x8;
	[sflag:s22] =	ssyncadd.s32 $0xFFFFEC00  }
0xa8: {  	_ =	swait.ge @!p1 [sflag:s6], $0x1400  }
0xa9: {  	[sflag:s6] =	ssyncset.done @!p1 $0x0  }
0xaa: {  	[sflag:s6] =	ssyncadd.s32 @!p1 $0xFFFFEC00  }
0xab: {  	_ =	swait.ge [sflag:s23], $0x28  }
0xac: {  	[sflag:s23] =	ssyncset.done $0x0  }
0xad: {  	[sflag:s23] =	ssyncadd.s32 $0xFFFFFFD8  }
0xae: {  	_ =	swait.ge [sflag:s23], $0x28  }
0xaf: {  	s14 =	sshll.u32 s18, $0x7;
	s11 =	rddreg [dreg:$0x5]  }
0xb0: {  	[sflag:s23] =	ssyncset.done $0x0;
	s6 =	sor.u32 s11, s14  }
0xb1: {  	[sflag:s23] =	ssyncadd.s32 $0xFFFFFFD8;
	s10 =	smul.u32 $0x1400, s6  }
0xb2: {  	[tilespmem:s25], [sflag:$0x2] =	stream.indirect.gather [hbm4b:s1+s16], $0x80, s20, s16, $0xb8;
	[tilespmem:$0x1BF00] =	vst v63  }
0xb3: {  	s11 =	smul.u32 $0x28, s6;
	s10 =	sshrl.u32 s10, $0x3  }
0xb4: {  	s10 =	sadd.s32 s7, s10  }
0xb5: {  	s17 =	sshrl.u32 s11, $0x3;
	s10 =	sadd.s32 $0x5000, s10  }
0xb6: {  	[tilespmem:s26], [sflag:$0x2] =	stream.linear.gather [hbm4b:s10+s5], $0x1400, $0x38;
	[tilespmem:$0x1BF00] =	vst v63  }
0xb7: {  	s10 =	sadd.s32 s8, s17  }
0xb8: {  	s17 =	simm.s32 $0x100;
	s11 =	sadd.s32 $0x9D80, s10  }
0xb9: {  	[tilespmem:s17], [sflag:$0x5] =	stream.linear.gather [hbm4b:s11+s5], $0x28, $0x38;
	[tilespmem:$0x1BF00] =	vst v63  }
0xba: {  	s28 =	simm.s32 $0x500;
	s10 =	sadd.s32 $0x140, s10  }
0xbb: {  	[tilespmem:s29], [sflag:$0x5] =	stream.linear.gather [hbm4b:s10+s5], $0x28, $0x38;
	[tilespmem:$0x1BF00] =	vst v63  }
0xbc: {  	s29 =	simm.s32 $0x2D00;
	v7 =	vld [tilespmem:s28+$0x80]  }
0xbd: {  	v8 =	vld [tilespmem:s29+$0x80]  }
0xbe: {  	v9 =	vld [tilespmem:s29+$0xFFFFFF00]  }
0xbf: {  	v10 =	vld [tilespmem:s28+$0xFFFFFF80]  }
0xc0: {  	v11 =	vld [tilespmem:s29+$0xFFFFFF80]  }
0xc1: {  	v12 =	vld [tilespmem:s29+$0x0]  }
0xc2: {  	v7 =	vadd.f32 v8, v7;
	v8 =	vld [tilespmem:s28+$0x0]  }
0xc3: {  	v13 =	vld [tilespmem:s28+$0xFFFFFF00]  }
0xc4: {  	v7 =	vmax.f32 v7, $0.0e+00  }
0xc5: {  	v10 =	vadd.f32 v11, v10;
	[tilespmem:s28+$0x80] =	vst v7;
	v7 =	vld [tilespmem:s28+$0x90]  }
0xc6: {  	v14 =	vld [tilespmem:s29+$0x90]  }
0xc7: {  	v15 =	vld [tilespmem:s28+$0xFFFFFF90];
	v10 =	vmax.f32 v10, $0.0e+00;
	v8 =	vadd.f32 v12, v8  }
0xc8: {  	v11 =	vld [tilespmem:s28+$0xFFFFFF10];
	v9 =	vadd.f32 v9, v13;
	[tilespmem:s28+$0xFFFFFF80] =	vst v10  }
0xc9: {  	v12 =	vld [tilespmem:s29+$0xFFFFFF90];
	v8 =	vmax.f32 v8, $0.0e+00  }
0xca: {  	v9 =	vmax.f32 v9, $0.0e+00;
	v10 =	vld [tilespmem:s28+$0x10];
	[tilespmem:s28+$0x0] =	vst v8  }
0xcb: {  	[tilespmem:s28+$0xFFFFFF00] =	vst v9;
	v7 =	vadd.f32 v14, v7;
	v8 =	vld [tilespmem:s29+$0x10]  }
0xcc: {  	v9 =	vld [tilespmem:s29+$0xFFFFFF10]  }
0xcd: {  	v7 =	vmax.f32 v7, $0.0e+00  }
0xce: {  	v12 =	vadd.f32 v12, v15;
	[tilespmem:s28+$0x90] =	vst v7;
	v7 =	vld [tilespmem:s28+$0xA0]  }
0xcf: {  	v14 =	vld [tilespmem:s29+$0xA0]  }
0xd0: {  	v13 =	vld [tilespmem:s28+$0xFFFFFF20];
	v12 =	vmax.f32 v12, $0.0e+00;
	v8 =	vadd.f32 v8, v10  }
0xd1: {  	v9 =	vadd.f32 v9, v11;
	v15 =	vld [tilespmem:s28+$0xFFFFFFA0];
	[tilespmem:s28+$0xFFFFFF90] =	vst v12  }
0xd2: {  	v11 =	vld [tilespmem:s29+$0xFFFFFFA0];
	v8 =	vmax.f32 v8, $0.0e+00  }
0xd3: {  	v9 =	vmax.f32 v9, $0.0e+00;
	v10 =	vld [tilespmem:s28+$0x20];
	[tilespmem:s28+$0x10] =	vst v8  }
0xd4: {  	[tilespmem:s28+$0xFFFFFF10] =	vst v9;
	v7 =	vadd.f32 v14, v7;
	v8 =	vld [tilespmem:s29+$0x20]  }
0xd5: {  	v9 =	vld [tilespmem:s29+$0xFFFFFF20]  }
0xd6: {  	v7 =	vmax.f32 v7, $0.0e+00  }
0xd7: {  	v11 =	vadd.f32 v11, v15;
	[tilespmem:s28+$0xA0] =	vst v7;
	v7 =	vld [tilespmem:s28+$0xB0]  }
0xd8: {  	v14 =	vld [tilespmem:s29+$0xB0]  }
0xd9: {  	v16 =	vld [tilespmem:s28+$0x30];
	v11 =	vmax.f32 v11, $0.0e+00;
	v8 =	vadd.f32 v8, v10  }
0xda: {  	v9 =	vadd.f32 v9, v13;
	v15 =	vld [tilespmem:s28+$0xFFFFFFB0];
	[tilespmem:s28+$0xFFFFFFA0] =	vst v11  }
0xdb: {  	v10 =	vld [tilespmem:s29+$0xFFFFFFB0];
	v8 =	vmax.f32 v8, $0.0e+00  }
0xdc: {  	v12 =	vld [tilespmem:s28+$0xFFFFFF30];
	[tilespmem:s28+$0x20] =	vst v8;
	v8 =	vmax.f32 v9, $0.0e+00  }
0xdd: {  	v7 =	vadd.f32 v14, v7;
	[tilespmem:s28+$0xFFFFFF20] =	vst v8;
	v8 =	vld [tilespmem:s29+$0x30]  }
0xde: {  	v13 =	vld [tilespmem:s29+$0xFFFFFF30]  }
0xdf: {  	v17 =	vld [tilespmem:s28+$0xFFFFFF40];
	v7 =	vmax.f32 v7, $0.0e+00  }
0xe0: {  	v10 =	vadd.f32 v10, v15;
	[tilespmem:s28+$0xB0] =	vst v7;
	v7 =	vld [tilespmem:s28+$0xC0]  }
0xe1: {  	v14 =	vld [tilespmem:s29+$0xC0]  }
0xe2: {  	v18 =	vld [tilespmem:s28+$0xFFFFFFD0];
	v10 =	vmax.f32 v10, $0.0e+00;
	v8 =	vadd.f32 v8, v16  }
0xe3: {  	v11 =	vld [tilespmem:s28+$0xFFFFFFC0];
	[tilespmem:s28+$0xFFFFFFB0] =	vst v10;
	v12 =	vadd.f32 v13, v12  }
0xe4: {  	v13 =	vld [tilespmem:s29+$0xFFFFFFC0];
	v8 =	vmax.f32 v8, $0.0e+00  }
0xe5: {  	v9 =	vld [tilespmem:s28+$0x40];
	[tilespmem:s28+$0x30] =	vst v8;
	v8 =	vmax.f32 v12, $0.0e+00  }
0xe6: {  	v7 =	vadd.f32 v14, v7;
	v12 =	vld [tilespmem:s29+$0x40];
	[tilespmem:s28+$0xFFFFFF30] =	vst v8  }
0xe7: {  	v8 =	vld [tilespmem:s29+$0xFFFFFF40]  }
0xe8: {  	v15 =	vld [tilespmem:s28+$0xFFFFFF50];
	v7 =	vmax.f32 v7, $0.0e+00  }
0xe9: {  	[tilespmem:s28+$0xC0] =	vst v7;
	v7 =	vadd.f32 v13, v11;
	v13 =	vld [tilespmem:s28+$0xD0]  }
0xea: {  	v14 =	vld [tilespmem:s29+$0xD0]  }
0xeb: {  	v10 =	vld [tilespmem:s28+$0xFFFFFF60];
	v7 =	vmax.f32 v7, $0.0e+00;
	v9 =	vadd.f32 v12, v9  }
0xec: {  	v16 =	vld [tilespmem:s28+$0x50];
	[tilespmem:s28+$0xFFFFFFC0] =	vst v7;
	v7 =	vadd.f32 v8, v17  }
0xed: {  	v8 =	vld [tilespmem:s29+$0xFFFFFFD0];
	v9 =	vmax.f32 v9, $0.0e+00  }
0xee: {  	v11 =	vld [tilespmem:s28+$0xFFFFFFE0];
	[tilespmem:s28+$0x40] =	vst v9;
	v7 =	vmax.f32 v7, $0.0e+00  }
0xef: {  	v9 =	vld [tilespmem:s29+$0x50];
	v13 =	vadd.f32 v14, v13;
	[tilespmem:s28+$0xFFFFFF40] =	vst v7  }
0xf0: {  	v7 =	vld [tilespmem:s29+$0xFFFFFF50]  }
0xf1: {  	v12 =	vld [tilespmem:s28+$0x60];
	v13 =	vmax.f32 v13, $0.0e+00  }
0xf2: {  	v8 =	vadd.f32 v8, v18;
	[tilespmem:s28+$0xD0] =	vst v13;
	v13 =	vld [tilespmem:s28+$0xE0]  }
0xf3: {  	v17 =	vld [tilespmem:s29+$0xE0]  }
0xf4: {  	v8 =	vmax.f32 v8, $0.0e+00;
	v14 =	vadd.f32 v9, v16;
	v9 =	vld [tilespmem:s28+$0xFFFFFF70]  }
0xf5: {  	[tilespmem:s28+$0xFFFFFFD0] =	vst v8;
	v7 =	vadd.f32 v7, v15;
	v8 =	vld [tilespmem:s28+$0xFFFFFFF0]  }
0xf6: {  	v15 =	vmax.f32 v14, $0.0e+00;
	v14 =	vld [tilespmem:s29+$0xFFFFFFE0]  }
0xf7: {  	[tilespmem:s28+$0x50] =	vst v15;
	v15 =	vmax.f32 v7, $0.0e+00;
	v7 =	vld [tilespmem:s28+$0x70]  }
0xf8: {  	[tilespmem:s28+$0xFFFFFF50] =	vst v15;
	v15 =	vld [tilespmem:s29+$0x60];
	v13 =	vadd.f32 v17, v13  }
0xf9: {  	v16 =	vld [tilespmem:s29+$0xFFFFFF60]  }
0xfa: {  	s11 =	simm.s32 $0x700;
	s17 =	simm.s32 $0x2D00;
	s10 =	simm.s32 $0x0;
	v17 =	vmax.f32 v13, $0.0e+00;
	v13 =	vld [tilespmem:s28+$0xF0]  }
.LBB2_7:
0xfb: {  	v18 =	vld [tilespmem:s11+$0x80];
	v11 =	vadd.f32 v14, v11;
	[tilespmem:s28+$0xE0] =	vst v17  }
0xfc: {  	s17 =	sadd.s32 $0x200, s17;
	v14 =	vld [tilespmem:s29+$0xF0]  }
0xfd: {  	s10 =	sadd.s32 $0x4, s10;
	v17 =	vld [tilespmem:s17+$0x80];
	v11 =	vmax.f32 v11, $0.0e+00;
	v12 =	vadd.f32 v15, v12  }
0xfe: {  	p1 =	slt.u32 s10, $0x24;
	v15 =	vld [tilespmem:s17+$0xFFFFFF00];
	v10 =	vadd.f32 v16, v10;
	[tilespmem:s28+$0xFFFFFFE0] =	vst v11  }
0xff: {  	v11 =	vld [tilespmem:s11+$0xFFFFFF80];
	v12 =	vmax.f32 v12, $0.0e+00  }
0x100: {  	v16 =	vld [tilespmem:s17+$0xFFFFFF80];
	v10 =	vmax.f32 v10, $0.0e+00;
	[tilespmem:s28+$0x60] =	vst v12  }
0x101: {  	v12 =	vld [tilespmem:s11+$0x0];
	[tilespmem:s28+$0xFFFFFF60] =	vst v10;
	v10 =	vadd.f32 v14, v13  }
0x102: {  	v13 =	vld [tilespmem:s17+$0x0];
	v14 =	vadd.f32 v17, v18  }
0x103: {  	v17 =	vld [tilespmem:s11+$0xFFFFFF00];
	v10 =	vmax.f32 v10, $0.0e+00  }
0x104: {  	v18 =	vld [tilespmem:s11+$0xFFFFFF10];
	v14 =	vmax.f32 v14, $0.0e+00;
	[tilespmem:s28+$0xF0] =	vst v10  }
0x105: {  	v10 =	vadd.f32 v16, v11;
	[tilespmem:s11+$0x80] =	vst v14;
	v11 =	vld [tilespmem:s11+$0x90]  }
0x106: {  	v14 =	vld [tilespmem:s17+$0x90]  }
0x107: {  	v10 =	vmax.f32 v10, $0.0e+00;
	v16 =	vld [tilespmem:s11+$0xFFFFFF90];
	v12 =	vadd.f32 v13, v12  }
0x108: {  	v13 =	vadd.f32 v15, v17;
	[tilespmem:s11+$0xFFFFFF80] =	vst v10;
	v10 =	vld [tilespmem:s11+$0x10]  }
0x109: {  	v15 =	vld [tilespmem:s17+$0xFFFFFF90];
	v12 =	vmax.f32 v12, $0.0e+00  }
0x10a: {  	v13 =	vmax.f32 v13, $0.0e+00;
	v17 =	vld [tilespmem:s11+$0xFFFFFF20];
	[tilespmem:s11+$0x0] =	vst v12  }
0x10b: {  	[tilespmem:s11+$0xFFFFFF00] =	vst v13;
	v12 =	vld [tilespmem:s17+$0x10];
	v11 =	vadd.f32 v14, v11  }
0x10c: {  	v13 =	vld [tilespmem:s17+$0xFFFFFF10]  }
0x10d: {  	v14 =	vld [tilespmem:s11+$0xFFFFFFA0];
	v11 =	vmax.f32 v11, $0.0e+00  }
0x10e: {  	v15 =	vadd.f32 v15, v16;
	[tilespmem:s11+$0x90] =	vst v11;
	v11 =	vld [tilespmem:s11+$0xA0]  }
0x10f: {  	v16 =	vld [tilespmem:s17+$0xA0]  }
0x110: {  	v15 =	vmax.f32 v15, $0.0e+00;
	v10 =	vadd.f32 v12, v10;
	v12 =	vld [tilespmem:s11+$0x20]  }
0x111: {  	v13 =	vadd.f32 v13, v18;
	v18 =	vld [tilespmem:s11+$0xFFFFFF30];
	[tilespmem:s11+$0xFFFFFF90] =	vst v15  }
0x112: {  	v15 =	vld [tilespmem:s17+$0xFFFFFFA0];
	v10 =	vmax.f32 v10, $0.0e+00  }
0x113: {  	v13 =	vmax.f32 v13, $0.0e+00;
	v19 =	vld [tilespmem:s11+$0xFFFFFFB0];
	[tilespmem:s11+$0x10] =	vst v10  }
0x114: {  	[tilespmem:s11+$0xFFFFFF10] =	vst v13;
	v10 =	vld [tilespmem:s17+$0x20];
	v11 =	vadd.f32 v16, v11  }
0x115: {  	v13 =	vld [tilespmem:s17+$0xFFFFFF20]  }
0x116: {  	v16 =	vld [tilespmem:s11+$0x30];
	v11 =	vmax.f32 v11, $0.0e+00  }
0x117: {  	v14 =	vadd.f32 v15, v14;
	[tilespmem:s11+$0xA0] =	vst v11;
	v11 =	vld [tilespmem:s11+$0xB0]  }
0x118: {  	v15 =	vld [tilespmem:s17+$0xB0]  }
0x119: {  	v20 =	vld [tilespmem:s11+$0xFFFFFF40];
	v14 =	vmax.f32 v14, $0.0e+00;
	v10 =	vadd.f32 v10, v12  }
0x11a: {  	v12 =	vadd.f32 v13, v17;
	[tilespmem:s11+$0xFFFFFFA0] =	vst v14;
	v13 =	vld [tilespmem:s11+$0xFFFFFFC0]  }
0x11b: {  	v14 =	vld [tilespmem:s17+$0xFFFFFFB0];
	v10 =	vmax.f32 v10, $0.0e+00  }
0x11c: {  	v12 =	vmax.f32 v12, $0.0e+00;
	[tilespmem:s11+$0x20] =	vst v10;
	v17 =	vld [tilespmem:s11+$0x40]  }
0x11d: {  	[tilespmem:s11+$0xFFFFFF20] =	vst v12;
	v10 =	vld [tilespmem:s17+$0x30];
	v11 =	vadd.f32 v15, v11  }
0x11e: {  	v12 =	vld [tilespmem:s17+$0xFFFFFF30]  }
0x11f: {  	v15 =	vld [tilespmem:s11+$0xFFFFFF50];
	v11 =	vmax.f32 v11, $0.0e+00  }
0x120: {  	v14 =	vadd.f32 v14, v19;
	[tilespmem:s11+$0xB0] =	vst v11;
	v11 =	vld [tilespmem:s11+$0xC0]  }
0x121: {  	v19 =	vld [tilespmem:s17+$0xC0]  }
0x122: {  	v14 =	vmax.f32 v14, $0.0e+00;
	v21 =	vld [tilespmem:s11+$0xFFFFFFD0];
	v10 =	vadd.f32 v10, v16  }
0x123: {  	v12 =	vadd.f32 v12, v18;
	[tilespmem:s11+$0xFFFFFFB0] =	vst v14;
	v14 =	vld [tilespmem:s11+$0x50]  }
0x124: {  	v16 =	vld [tilespmem:s17+$0xFFFFFFC0];
	v18 =	vmax.f32 v10, $0.0e+00  }
0x125: {  	v12 =	vmax.f32 v12, $0.0e+00;
	v10 =	vld [tilespmem:s11+$0xFFFFFF60];
	[tilespmem:s11+$0x30] =	vst v18  }
0x126: {  	[tilespmem:s11+$0xFFFFFF30] =	vst v12;
	v12 =	vld [tilespmem:s17+$0x40];
	v18 =	vadd.f32 v19, v11  }
0x127: {  	v19 =	vld [tilespmem:s17+$0xFFFFFF40]  }
0x128: {  	v11 =	vld [tilespmem:s11+$0xFFFFFFE0];
	v18 =	vmax.f32 v18, $0.0e+00  }
0x129: {  	v13 =	vadd.f32 v16, v13;
	[tilespmem:s11+$0xC0] =	vst v18;
	v16 =	vld [tilespmem:s11+$0xD0]  }
0x12a: {  	v18 =	vld [tilespmem:s17+$0xD0]  }
0x12b: {  	v13 =	vmax.f32 v13, $0.0e+00;
	v17 =	vadd.f32 v12, v17;
	v12 =	vld [tilespmem:s11+$0x60]  }
0x12c: {  	v19 =	vadd.f32 v19, v20;
	[tilespmem:s11+$0xFFFFFFC0] =	vst v13;
	v13 =	vld [tilespmem:s29+$0xFFFFFF70]  }
0x12d: {  	v20 =	vld [tilespmem:s17+$0xFFFFFFD0];
	v17 =	vmax.f32 v17, $0.0e+00  }
0x12e: {  	v19 =	vmax.f32 v19, $0.0e+00;
	[tilespmem:s11+$0x40] =	vst v17;
	v17 =	vld [tilespmem:s29+$0xFFFFFFF0]  }
0x12f: {  	[tilespmem:s11+$0xFFFFFF40] =	vst v19;
	v19 =	vld [tilespmem:s17+$0x50];
	v16 =	vadd.f32 v18, v16  }
0x130: {  	v18 =	vld [tilespmem:s17+$0xFFFFFF50]  }
0x131: {  	v16 =	vmax.f32 v16, $0.0e+00;
	v9 =	vadd.f32 v13, v9;
	v13 =	vld [tilespmem:s29+$0x70];
	s29 =	smov.u32 s17  }
0x132: {  	v20 =	vadd.f32 v20, v21;
	[tilespmem:s11+$0xD0] =	vst v16;
	v16 =	vld [tilespmem:s11+$0xE0]  }
0x133: {  	v21 =	vld [tilespmem:s17+$0xE0];
	v22 =	vmax.f32 v9, $0.0e+00;
	v17 =	vadd.f32 v17, v8  }
0x134: {  	v9 =	vld [tilespmem:s11+$0xFFFFFF70];
	v8 =	vmax.f32 v20, $0.0e+00;
	v19 =	vadd.f32 v19, v14;
	[tilespmem:s28+$0xFFFFFF70] =	vst v22  }
0x135: {  	v15 =	vadd.f32 v18, v15;
	[tilespmem:s11+$0xFFFFFFD0] =	vst v8;
	v8 =	vld [tilespmem:s11+$0xFFFFFFF0];
	v17 =	vmax.f32 v17, $0.0e+00  }
.Ltmp2:
0x136: {  	v14 =	vld [tilespmem:s17+$0xFFFFFFE0];
	v18 =	vmax.f32 v19, $0.0e+00;
	[tilespmem:s28+$0xFFFFFFF0] =	vst v17;
	v13 =	vadd.f32 v13, v7;
	(pc) =	sbr.rel @p1 .LBB2_7-.Ltmp2, $4  }
0x137: {  	v15 =	vmax.f32 v15, $0.0e+00;
	[tilespmem:s11+$0x50] =	vst v18;
	v7 =	vld [tilespmem:s11+$0x70]  }
0x138: {  	[tilespmem:s11+$0xFFFFFF50] =	vst v15;
	v15 =	vld [tilespmem:s17+$0x60];
	v17 =	vadd.f32 v21, v16;
	v13 =	vmax.f32 v13, $0.0e+00  }
0x139: {  	v16 =	vld [tilespmem:s17+$0xFFFFFF60];
	[tilespmem:s28+$0x70] =	vst v13;
	s28 =	smov.u32 s11  }
0x13a: {  	s11 =	sadd.s32 $0x200, s11;
	v17 =	vmax.f32 v17, $0.0e+00;
	v13 =	vld [tilespmem:s28+$0xF0]  }
0x13b: {  	_ =	sdelay $0x2  }
0x13c: {  	v10 =	vadd.f32 v16, v10  }
0x13d: {  	v11 =	vadd.f32 v14, v11  }
0x13e: {  	[tilespmem:s28+$0xE0] =	vst v17;
	v12 =	vadd.f32 v15, v12;
	v10 =	vmax.f32 v10, $0.0e+00  }
0x13f: {  	v14 =	vld [tilespmem:s29+$0xF0];
	v11 =	vmax.f32 v11, $0.0e+00;
	[tilespmem:s28+$0xFFFFFF60] =	vst v10  }
0x140: {  	[tilespmem:s28+$0xFFFFFFE0] =	vst v11;
	v10 =	vmax.f32 v12, $0.0e+00;
	v11 =	vld [tilespmem:s29+$0xFFFFFF70]  }
0x141: {  	[tilespmem:s28+$0x60] =	vst v10;
	v10 =	vld [tilespmem:s29+$0xFFFFFFF0]  }
0x142: {  	v12 =	vld [tilespmem:s29+$0x70];
	_ =	sdelay $0x1  }
0x143: {  	v13 =	vadd.f32 v14, v13  }
0x144: {  	v9 =	vadd.f32 v11, v9  }
0x145: {  	v11 =	vmax.f32 v13, $0.0e+00;
	v8 =	vadd.f32 v10, v8  }
0x146: {  	[tilespmem:s28+$0xF0] =	vst v11;
	v7 =	vadd.f32 v12, v7;
	v9 =	vmax.f32 v9, $0.0e+00  }
0x147: {  	v8 =	vmax.f32 v8, $0.0e+00;
	[tilespmem:s28+$0xFFFFFF70] =	vst v9  }
0x148: {  	[tilespmem:s28+$0xFFFFFFF0] =	vst v8;
	v7 =	vmax.f32 v7, $0.0e+00  }
0x149: {  	[tilespmem:s28+$0x70] =	vst v7  }
0x14a: {  	v7 =	vld [tilespmem:$0x200];
	_ =	sdelay $0x7  }
0x14b: {  	[tilespmem:v7+s30+$0x0] =	vst.idx.add.f32.msk $0xffff, v6  }
0x14c: {  	v7 =	vld [tilespmem:$0x210];
	_ =	sdelay $0x7  }
0x14d: {  	[tilespmem:v7+s30+$0x0] =	vst.idx.add.f32.msk $0xffff, v6  }
0x14e: {  	v7 =	vld [tilespmem:$0x218];
	_ =	sdelay $0x7  }
0x14f: {  	[tilespmem:v7+s30+$0x0] =	vst.idx.add.f32.msk vm0, v6  }
0x150: {  	[spmem:s2] =	stream.indirect.scatter.add.f32 [tilespmem:s12], [sflag:$0x7], $0x80, s15, s16, $0xb8;
	[tilespmem:$0x1BF00] =	vst v63  }
0x151: {  	_ =	swait.ge [sflag:s31], $0x1400  }
0x152: {  	[sflag:s31] =	ssyncset.done $0x0  }
0x153: {  	[sflag:s31] =	ssyncadd.s32 $0xFFFFEC00  }
0x154: {  	_ =	swait.ge [sflag:s31], $0x1400  }
0x155: {  	[sflag:s31] =	ssyncset.done $0x0  }
0x156: {  	[sflag:s31] =	ssyncadd.s32 $0xFFFFEC00  }
0x157: {  	_ =	swait.ge [sflag:s0], $0x1400  }
0x158: {  	[sflag:s0] =	ssyncset.done $0x0  }
0x159: {  	[sflag:s0] =	ssyncadd.s32 $0xFFFFEC00  }
0x15a: {  	_ =	swait.ge [sflag:s4], $0x28  }
0x15b: {  	s10 =	sor.u32 $0x20, s6;
	[sflag:s4] =	ssyncset.done $0x0  }
0x15c: {  	s11 =	smul.u32 $0x1400, s10;
	[sflag:s4] =	ssyncadd.s32 $0xFFFFFFD8  }
0x15d: {  	s10 =	smul.u32 $0x28, s10;
	_ =	swait.ge [sflag:s4], $0x28  }
0x15e: {  	s17 =	simm.s32 $0x100;
	s11 =	sshrl.u32 s11, $0x3;
	[sflag:s4] =	ssyncset.done $0x0  }
0x15f: {  	s10 =	sshrl.u32 s10, $0x3;
	s11 =	sadd.s32 s7, s11;
	[sflag:s4] =	ssyncadd.s32 $0xFFFFFFD8  }
0x160: {  	[tilespmem:s12], [sflag:$0x1] =	stream.indirect.gather [hbm4b:s1+s16], $0x80, s17, s16, $0xb8;
	[tilespmem:$0x1BF00] =	vst v63  }
0x161: {  	s10 =	sadd.s32 s8, s10;
	s11 =	sadd.s32 $0x5000, s11;
	s17 =	simm.s32 $0x2C00  }
0x162: {  	[tilespmem:s17], [sflag:$0x1] =	stream.linear.gather [hbm4b:s11+s5], $0x1400, $0x38;
	[tilespmem:$0x1BF00] =	vst v63  }
0x163: {  	s11 =	sadd.s32 $0x9D80, s10;
	s17 =	simm.s32 $0x180  }
0x164: {  	[tilespmem:s17], [sflag:$0x6] =	stream.linear.gather [hbm4b:s11+s5], $0x28, $0x38;
	[tilespmem:$0x1BF00] =	vst v63  }
0x165: {  	s28 =	simm.s32 $0x1900;
	s10 =	sadd.s32 $0x140, s10;
	s17 =	simm.s32 $0x380  }
0x166: {  	[tilespmem:s17], [sflag:$0x6] =	stream.linear.gather [hbm4b:s10+s5], $0x28, $0x38;
	[tilespmem:$0x1BF00] =	vst v63  }
0x167: {  	s29 =	simm.s32 $0x4100;
	v7 =	vld [tilespmem:s28+$0x80]  }
0x168: {  	v8 =	vld [tilespmem:s29+$0x80]  }
0x169: {  	v9 =	vld [tilespmem:s29+$0xFFFFFF00]  }
0x16a: {  	v10 =	vld [tilespmem:s28+$0xFFFFFF80]  }
0x16b: {  	v11 =	vld [tilespmem:s29+$0xFFFFFF80]  }
0x16c: {  	v12 =	vld [tilespmem:s29+$0x0]  }
0x16d: {  	v7 =	vadd.f32 v8, v7;
	v8 =	vld [tilespmem:s28+$0x0]  }
0x16e: {  	v13 =	vld [tilespmem:s28+$0xFFFFFF00]  }
0x16f: {  	v7 =	vmax.f32 v7, $0.0e+00  }
0x170: {  	v10 =	vadd.f32 v11, v10;
	[tilespmem:s28+$0x80] =	vst v7;
	v7 =	vld [tilespmem:s28+$0x90]  }
0x171: {  	v14 =	vld [tilespmem:s29+$0x90]  }
0x172: {  	v15 =	vld [tilespmem:s28+$0xFFFFFF90];
	v10 =	vmax.f32 v10, $0.0e+00;
	v8 =	vadd.f32 v12, v8  }
0x173: {  	v11 =	vld [tilespmem:s28+$0xFFFFFF10];
	v9 =	vadd.f32 v9, v13;
	[tilespmem:s28+$0xFFFFFF80] =	vst v10  }
0x174: {  	v12 =	vld [tilespmem:s29+$0xFFFFFF90];
	v8 =	vmax.f32 v8, $0.0e+00  }
0x175: {  	v9 =	vmax.f32 v9, $0.0e+00;
	v10 =	vld [tilespmem:s28+$0x10];
	[tilespmem:s28+$0x0] =	vst v8  }
0x176: {  	[tilespmem:s28+$0xFFFFFF00] =	vst v9;
	v7 =	vadd.f32 v14, v7;
	v8 =	vld [tilespmem:s29+$0x10]  }
0x177: {  	v9 =	vld [tilespmem:s29+$0xFFFFFF10]  }
0x178: {  	v7 =	vmax.f32 v7, $0.0e+00  }
0x179: {  	v12 =	vadd.f32 v12, v15;
	[tilespmem:s28+$0x90] =	vst v7;
	v7 =	vld [tilespmem:s28+$0xA0]  }
0x17a: {  	v14 =	vld [tilespmem:s29+$0xA0]  }
0x17b: {  	v13 =	vld [tilespmem:s28+$0xFFFFFF20];
	v12 =	vmax.f32 v12, $0.0e+00;
	v8 =	vadd.f32 v8, v10  }
0x17c: {  	v9 =	vadd.f32 v9, v11;
	v15 =	vld [tilespmem:s28+$0xFFFFFFA0];
	[tilespmem:s28+$0xFFFFFF90] =	vst v12  }
0x17d: {  	v11 =	vld [tilespmem:s29+$0xFFFFFFA0];
	v8 =	vmax.f32 v8, $0.0e+00  }
0x17e: {  	v9 =	vmax.f32 v9, $0.0e+00;
	v10 =	vld [tilespmem:s28+$0x20];
	[tilespmem:s28+$0x10] =	vst v8  }
0x17f: {  	[tilespmem:s28+$0xFFFFFF10] =	vst v9;
	v7 =	vadd.f32 v14, v7;
	v8 =	vld [tilespmem:s29+$0x20]  }
0x180: {  	v9 =	vld [tilespmem:s29+$0xFFFFFF20]  }
0x181: {  	v7 =	vmax.f32 v7, $0.0e+00  }
0x182: {  	v11 =	vadd.f32 v11, v15;
	[tilespmem:s28+$0xA0] =	vst v7;
	v7 =	vld [tilespmem:s28+$0xB0]  }
0x183: {  	v14 =	vld [tilespmem:s29+$0xB0]  }
0x184: {  	v16 =	vld [tilespmem:s28+$0x30];
	v11 =	vmax.f32 v11, $0.0e+00;
	v8 =	vadd.f32 v8, v10  }
0x185: {  	v9 =	vadd.f32 v9, v13;
	v15 =	vld [tilespmem:s28+$0xFFFFFFB0];
	[tilespmem:s28+$0xFFFFFFA0] =	vst v11  }
0x186: {  	v10 =	vld [tilespmem:s29+$0xFFFFFFB0];
	v8 =	vmax.f32 v8, $0.0e+00  }
0x187: {  	v12 =	vld [tilespmem:s28+$0xFFFFFF30];
	[tilespmem:s28+$0x20] =	vst v8;
	v8 =	vmax.f32 v9, $0.0e+00  }
0x188: {  	v7 =	vadd.f32 v14, v7;
	[tilespmem:s28+$0xFFFFFF20] =	vst v8;
	v8 =	vld [tilespmem:s29+$0x30]  }
0x189: {  	v13 =	vld [tilespmem:s29+$0xFFFFFF30]  }
0x18a: {  	v17 =	vld [tilespmem:s28+$0xFFFFFF40];
	v7 =	vmax.f32 v7, $0.0e+00  }
0x18b: {  	v10 =	vadd.f32 v10, v15;
	[tilespmem:s28+$0xB0] =	vst v7;
	v7 =	vld [tilespmem:s28+$0xC0]  }
0x18c: {  	v14 =	vld [tilespmem:s29+$0xC0]  }
0x18d: {  	v18 =	vld [tilespmem:s28+$0xFFFFFFD0];
	v10 =	vmax.f32 v10, $0.0e+00;
	v8 =	vadd.f32 v8, v16  }
0x18e: {  	v11 =	vld [tilespmem:s28+$0xFFFFFFC0];
	[tilespmem:s28+$0xFFFFFFB0] =	vst v10;
	v12 =	vadd.f32 v13, v12  }
0x18f: {  	v13 =	vld [tilespmem:s29+$0xFFFFFFC0];
	v8 =	vmax.f32 v8, $0.0e+00  }
0x190: {  	v9 =	vld [tilespmem:s28+$0x40];
	[tilespmem:s28+$0x30] =	vst v8;
	v8 =	vmax.f32 v12, $0.0e+00  }
0x191: {  	v7 =	vadd.f32 v14, v7;
	v12 =	vld [tilespmem:s29+$0x40];
	[tilespmem:s28+$0xFFFFFF30] =	vst v8  }
0x192: {  	v8 =	vld [tilespmem:s29+$0xFFFFFF40]  }
0x193: {  	v15 =	vld [tilespmem:s28+$0xFFFFFF50];
	v7 =	vmax.f32 v7, $0.0e+00  }
0x194: {  	[tilespmem:s28+$0xC0] =	vst v7;
	v7 =	vadd.f32 v13, v11;
	v13 =	vld [tilespmem:s28+$0xD0]  }
0x195: {  	v14 =	vld [tilespmem:s29+$0xD0]  }
0x196: {  	v10 =	vld [tilespmem:s28+$0xFFFFFF60];
	v7 =	vmax.f32 v7, $0.0e+00;
	v9 =	vadd.f32 v12, v9  }
0x197: {  	v16 =	vld [tilespmem:s28+$0x50];
	[tilespmem:s28+$0xFFFFFFC0] =	vst v7;
	v7 =	vadd.f32 v8, v17  }
0x198: {  	v8 =	vld [tilespmem:s29+$0xFFFFFFD0];
	v9 =	vmax.f32 v9, $0.0e+00  }
0x199: {  	v11 =	vld [tilespmem:s28+$0xFFFFFFE0];
	[tilespmem:s28+$0x40] =	vst v9;
	v7 =	vmax.f32 v7, $0.0e+00  }
0x19a: {  	v9 =	vld [tilespmem:s29+$0x50];
	v13 =	vadd.f32 v14, v13;
	[tilespmem:s28+$0xFFFFFF40] =	vst v7  }
0x19b: {  	v7 =	vld [tilespmem:s29+$0xFFFFFF50]  }
0x19c: {  	v12 =	vld [tilespmem:s28+$0x60];
	v13 =	vmax.f32 v13, $0.0e+00  }
0x19d: {  	v8 =	vadd.f32 v8, v18;
	[tilespmem:s28+$0xD0] =	vst v13;
	v13 =	vld [tilespmem:s28+$0xE0]  }
0x19e: {  	v17 =	vld [tilespmem:s29+$0xE0]  }
0x19f: {  	v8 =	vmax.f32 v8, $0.0e+00;
	v14 =	vadd.f32 v9, v16;
	v9 =	vld [tilespmem:s28+$0xFFFFFF70]  }
0x1a0: {  	[tilespmem:s28+$0xFFFFFFD0] =	vst v8;
	v7 =	vadd.f32 v7, v15;
	v8 =	vld [tilespmem:s28+$0xFFFFFFF0]  }
0x1a1: {  	v15 =	vmax.f32 v14, $0.0e+00;
	v14 =	vld [tilespmem:s29+$0xFFFFFFE0]  }
0x1a2: {  	[tilespmem:s28+$0x50] =	vst v15;
	v15 =	vmax.f32 v7, $0.0e+00;
	v7 =	vld [tilespmem:s28+$0x70]  }
0x1a3: {  	[tilespmem:s28+$0xFFFFFF50] =	vst v15;
	v15 =	vld [tilespmem:s29+$0x60];
	v13 =	vadd.f32 v17, v13  }
0x1a4: {  	v16 =	vld [tilespmem:s29+$0xFFFFFF60]  }
0x1a5: {  	s11 =	simm.s32 $0x1B00;
	s10 =	simm.s32 $0x0;
	s17 =	simm.s32 $0x4100;
	v17 =	vmax.f32 v13, $0.0e+00;
	v13 =	vld [tilespmem:s28+$0xF0]  }
.LBB2_9:
0x1a6: {  	v18 =	vld [tilespmem:s11+$0x80];
	v11 =	vadd.f32 v14, v11;
	[tilespmem:s28+$0xE0] =	vst v17  }
0x1a7: {  	s17 =	sadd.s32 $0x200, s17;
	v14 =	vld [tilespmem:s29+$0xF0]  }
0x1a8: {  	s10 =	sadd.s32 $0x4, s10;
	v17 =	vld [tilespmem:s17+$0x80];
	v11 =	vmax.f32 v11, $0.0e+00;
	v12 =	vadd.f32 v15, v12  }
0x1a9: {  	p1 =	slt.u32 s10, $0x24;
	v15 =	vld [tilespmem:s17+$0xFFFFFF00];
	v10 =	vadd.f32 v16, v10;
	[tilespmem:s28+$0xFFFFFFE0] =	vst v11  }
0x1aa: {  	v11 =	vld [tilespmem:s11+$0xFFFFFF80];
	v12 =	vmax.f32 v12, $0.0e+00  }
0x1ab: {  	v16 =	vld [tilespmem:s17+$0xFFFFFF80];
	v10 =	vmax.f32 v10, $0.0e+00;
	[tilespmem:s28+$0x60] =	vst v12  }
0x1ac: {  	v12 =	vld [tilespmem:s11+$0x0];
	[tilespmem:s28+$0xFFFFFF60] =	vst v10;
	v10 =	vadd.f32 v14, v13  }
0x1ad: {  	v13 =	vld [tilespmem:s17+$0x0];
	v14 =	vadd.f32 v17, v18  }
0x1ae: {  	v17 =	vld [tilespmem:s11+$0xFFFFFF00];
	v10 =	vmax.f32 v10, $0.0e+00  }
0x1af: {  	v18 =	vld [tilespmem:s11+$0xFFFFFF10];
	v14 =	vmax.f32 v14, $0.0e+00;
	[tilespmem:s28+$0xF0] =	vst v10  }
0x1b0: {  	v10 =	vadd.f32 v16, v11;
	[tilespmem:s11+$0x80] =	vst v14;
	v11 =	vld [tilespmem:s11+$0x90]  }
0x1b1: {  	v14 =	vld [tilespmem:s17+$0x90]  }
0x1b2: {  	v10 =	vmax.f32 v10, $0.0e+00;
	v16 =	vld [tilespmem:s11+$0xFFFFFF90];
	v12 =	vadd.f32 v13, v12  }
0x1b3: {  	v13 =	vadd.f32 v15, v17;
	[tilespmem:s11+$0xFFFFFF80] =	vst v10;
	v10 =	vld [tilespmem:s11+$0x10]  }
0x1b4: {  	v15 =	vld [tilespmem:s17+$0xFFFFFF90];
	v12 =	vmax.f32 v12, $0.0e+00  }
0x1b5: {  	v13 =	vmax.f32 v13, $0.0e+00;
	v17 =	vld [tilespmem:s11+$0xFFFFFF20];
	[tilespmem:s11+$0x0] =	vst v12  }
0x1b6: {  	[tilespmem:s11+$0xFFFFFF00] =	vst v13;
	v12 =	vld [tilespmem:s17+$0x10];
	v11 =	vadd.f32 v14, v11  }
0x1b7: {  	v13 =	vld [tilespmem:s17+$0xFFFFFF10]  }
0x1b8: {  	v14 =	vld [tilespmem:s11+$0xFFFFFFA0];
	v11 =	vmax.f32 v11, $0.0e+00  }
0x1b9: {  	v15 =	vadd.f32 v15, v16;
	[tilespmem:s11+$0x90] =	vst v11;
	v11 =	vld [tilespmem:s11+$0xA0]  }
0x1ba: {  	v16 =	vld [tilespmem:s17+$0xA0]  }
0x1bb: {  	v15 =	vmax.f32 v15, $0.0e+00;
	v10 =	vadd.f32 v12, v10;
	v12 =	vld [tilespmem:s11+$0x20]  }
0x1bc: {  	v13 =	vadd.f32 v13, v18;
	v18 =	vld [tilespmem:s11+$0xFFFFFF30];
	[tilespmem:s11+$0xFFFFFF90] =	vst v15  }
0x1bd: {  	v15 =	vld [tilespmem:s17+$0xFFFFFFA0];
	v10 =	vmax.f32 v10, $0.0e+00  }
0x1be: {  	v13 =	vmax.f32 v13, $0.0e+00;
	v19 =	vld [tilespmem:s11+$0xFFFFFFB0];
	[tilespmem:s11+$0x10] =	vst v10  }
0x1bf: {  	[tilespmem:s11+$0xFFFFFF10] =	vst v13;
	v10 =	vld [tilespmem:s17+$0x20];
	v11 =	vadd.f32 v16, v11  }
0x1c0: {  	v13 =	vld [tilespmem:s17+$0xFFFFFF20]  }
0x1c1: {  	v16 =	vld [tilespmem:s11+$0x30];
	v11 =	vmax.f32 v11, $0.0e+00  }
0x1c2: {  	v14 =	vadd.f32 v15, v14;
	[tilespmem:s11+$0xA0] =	vst v11;
	v11 =	vld [tilespmem:s11+$0xB0]  }
0x1c3: {  	v15 =	vld [tilespmem:s17+$0xB0]  }
0x1c4: {  	v20 =	vld [tilespmem:s11+$0xFFFFFF40];
	v14 =	vmax.f32 v14, $0.0e+00;
	v10 =	vadd.f32 v10, v12  }
0x1c5: {  	v12 =	vadd.f32 v13, v17;
	[tilespmem:s11+$0xFFFFFFA0] =	vst v14;
	v13 =	vld [tilespmem:s11+$0xFFFFFFC0]  }
0x1c6: {  	v14 =	vld [tilespmem:s17+$0xFFFFFFB0];
	v10 =	vmax.f32 v10, $0.0e+00  }
0x1c7: {  	v12 =	vmax.f32 v12, $0.0e+00;
	[tilespmem:s11+$0x20] =	vst v10;
	v17 =	vld [tilespmem:s11+$0x40]  }
0x1c8: {  	[tilespmem:s11+$0xFFFFFF20] =	vst v12;
	v10 =	vld [tilespmem:s17+$0x30];
	v11 =	vadd.f32 v15, v11  }
0x1c9: {  	v12 =	vld [tilespmem:s17+$0xFFFFFF30]  }
0x1ca: {  	v15 =	vld [tilespmem:s11+$0xFFFFFF50];
	v11 =	vmax.f32 v11, $0.0e+00  }
0x1cb: {  	v14 =	vadd.f32 v14, v19;
	[tilespmem:s11+$0xB0] =	vst v11;
	v11 =	vld [tilespmem:s11+$0xC0]  }
0x1cc: {  	v19 =	vld [tilespmem:s17+$0xC0]  }
0x1cd: {  	v14 =	vmax.f32 v14, $0.0e+00;
	v21 =	vld [tilespmem:s11+$0xFFFFFFD0];
	v10 =	vadd.f32 v10, v16  }
0x1ce: {  	v12 =	vadd.f32 v12, v18;
	[tilespmem:s11+$0xFFFFFFB0] =	vst v14;
	v14 =	vld [tilespmem:s11+$0x50]  }
0x1cf: {  	v16 =	vld [tilespmem:s17+$0xFFFFFFC0];
	v18 =	vmax.f32 v10, $0.0e+00  }
0x1d0: {  	v12 =	vmax.f32 v12, $0.0e+00;
	v10 =	vld [tilespmem:s11+$0xFFFFFF60];
	[tilespmem:s11+$0x30] =	vst v18  }
0x1d1: {  	[tilespmem:s11+$0xFFFFFF30] =	vst v12;
	v12 =	vld [tilespmem:s17+$0x40];
	v18 =	vadd.f32 v19, v11  }
0x1d2: {  	v19 =	vld [tilespmem:s17+$0xFFFFFF40]  }
0x1d3: {  	v11 =	vld [tilespmem:s11+$0xFFFFFFE0];
	v18 =	vmax.f32 v18, $0.0e+00  }
0x1d4: {  	v13 =	vadd.f32 v16, v13;
	[tilespmem:s11+$0xC0] =	vst v18;
	v16 =	vld [tilespmem:s11+$0xD0]  }
0x1d5: {  	v18 =	vld [tilespmem:s17+$0xD0]  }
0x1d6: {  	v13 =	vmax.f32 v13, $0.0e+00;
	v17 =	vadd.f32 v12, v17;
	v12 =	vld [tilespmem:s11+$0x60]  }
0x1d7: {  	v19 =	vadd.f32 v19, v20;
	[tilespmem:s11+$0xFFFFFFC0] =	vst v13;
	v13 =	vld [tilespmem:s29+$0xFFFFFF70]  }
0x1d8: {  	v20 =	vld [tilespmem:s17+$0xFFFFFFD0];
	v17 =	vmax.f32 v17, $0.0e+00  }
0x1d9: {  	v19 =	vmax.f32 v19, $0.0e+00;
	[tilespmem:s11+$0x40] =	vst v17;
	v17 =	vld [tilespmem:s29+$0xFFFFFFF0]  }
0x1da: {  	[tilespmem:s11+$0xFFFFFF40] =	vst v19;
	v19 =	vld [tilespmem:s17+$0x50];
	v16 =	vadd.f32 v18, v16  }
0x1db: {  	v18 =	vld [tilespmem:s17+$0xFFFFFF50]  }
0x1dc: {  	v16 =	vmax.f32 v16, $0.0e+00;
	v9 =	vadd.f32 v13, v9;
	v13 =	vld [tilespmem:s29+$0x70];
	s29 =	smov.u32 s17  }
0x1dd: {  	v20 =	vadd.f32 v20, v21;
	[tilespmem:s11+$0xD0] =	vst v16;
	v16 =	vld [tilespmem:s11+$0xE0]  }
0x1de: {  	v21 =	vld [tilespmem:s17+$0xE0];
	v22 =	vmax.f32 v9, $0.0e+00;
	v17 =	vadd.f32 v17, v8  }
0x1df: {  	v9 =	vld [tilespmem:s11+$0xFFFFFF70];
	v8 =	vmax.f32 v20, $0.0e+00;
	v19 =	vadd.f32 v19, v14;
	[tilespmem:s28+$0xFFFFFF70] =	vst v22  }
0x1e0: {  	v15 =	vadd.f32 v18, v15;
	[tilespmem:s11+$0xFFFFFFD0] =	vst v8;
	v8 =	vld [tilespmem:s11+$0xFFFFFFF0];
	v17 =	vmax.f32 v17, $0.0e+00  }
.Ltmp3:
0x1e1: {  	v14 =	vld [tilespmem:s17+$0xFFFFFFE0];
	v18 =	vmax.f32 v19, $0.0e+00;
	[tilespmem:s28+$0xFFFFFFF0] =	vst v17;
	v13 =	vadd.f32 v13, v7;
	(pc) =	sbr.rel @p1 .LBB2_9-.Ltmp3, $4  }
0x1e2: {  	v15 =	vmax.f32 v15, $0.0e+00;
	[tilespmem:s11+$0x50] =	vst v18;
	v7 =	vld [tilespmem:s11+$0x70]  }
0x1e3: {  	[tilespmem:s11+$0xFFFFFF50] =	vst v15;
	v15 =	vld [tilespmem:s17+$0x60];
	v17 =	vadd.f32 v21, v16;
	v13 =	vmax.f32 v13, $0.0e+00  }
0x1e4: {  	v16 =	vld [tilespmem:s17+$0xFFFFFF60];
	[tilespmem:s28+$0x70] =	vst v13;
	s28 =	smov.u32 s11  }
0x1e5: {  	s11 =	sadd.s32 $0x200, s11;
	v17 =	vmax.f32 v17, $0.0e+00;
	v13 =	vld [tilespmem:s28+$0xF0]  }
0x1e6: {  	_ =	sdelay $0x2  }
0x1e7: {  	v10 =	vadd.f32 v16, v10  }
0x1e8: {  	v11 =	vadd.f32 v14, v11  }
0x1e9: {  	[tilespmem:s28+$0xE0] =	vst v17;
	v12 =	vadd.f32 v15, v12;
	v10 =	vmax.f32 v10, $0.0e+00  }
0x1ea: {  	v14 =	vld [tilespmem:s29+$0xF0];
	v11 =	vmax.f32 v11, $0.0e+00;
	[tilespmem:s28+$0xFFFFFF60] =	vst v10  }
0x1eb: {  	[tilespmem:s28+$0xFFFFFFE0] =	vst v11;
	v10 =	vmax.f32 v12, $0.0e+00;
	v11 =	vld [tilespmem:s29+$0xFFFFFF70]  }
0x1ec: {  	[tilespmem:s28+$0x60] =	vst v10;
	v10 =	vld [tilespmem:s29+$0xFFFFFFF0]  }
0x1ed: {  	v12 =	vld [tilespmem:s29+$0x70];
	_ =	sdelay $0x1  }
0x1ee: {  	v13 =	vadd.f32 v14, v13  }
0x1ef: {  	v9 =	vadd.f32 v11, v9  }
0x1f0: {  	v11 =	vmax.f32 v13, $0.0e+00;
	v8 =	vadd.f32 v10, v8  }
0x1f1: {  	[tilespmem:s28+$0xF0] =	vst v11;
	v7 =	vadd.f32 v12, v7;
	v9 =	vmax.f32 v9, $0.0e+00  }
0x1f2: {  	v8 =	vmax.f32 v8, $0.0e+00;
	[tilespmem:s28+$0xFFFFFF70] =	vst v9  }
0x1f3: {  	[tilespmem:s28+$0xFFFFFFF0] =	vst v8;
	v7 =	vmax.f32 v7, $0.0e+00  }
0x1f4: {  	[tilespmem:s28+$0x70] =	vst v7  }
0x1f5: {  	v7 =	vld [tilespmem:$0x280];
	_ =	sdelay $0x7  }
0x1f6: {  	[tilespmem:v7+s30+$0x0] =	vst.idx.add.f32.msk $0xffff, v6  }
0x1f7: {  	v7 =	vld [tilespmem:$0x290];
	_ =	sdelay $0x7  }
0x1f8: {  	[tilespmem:v7+s30+$0x0] =	vst.idx.add.f32.msk $0xffff, v6  }
0x1f9: {  	v7 =	vld [tilespmem:$0x298];
	_ =	sdelay $0x7  }
0x1fa: {  	[tilespmem:v7+s30+$0x0] =	vst.idx.add.f32.msk vm0, v6  }
0x1fb: {  	[spmem:s2] =	stream.indirect.scatter.add.f32 [tilespmem:s25], [sflag:$0x8], $0x80, s21, s16, $0xb8;
	[tilespmem:$0x1BF00] =	vst v63  }
0x1fc: {  	_ =	swait.ge [sflag:s22], $0x1400  }
0x1fd: {  	[sflag:s22] =	ssyncset.done $0x0  }
0x1fe: {  	[sflag:s22] =	ssyncadd.s32 $0xFFFFEC00  }
0x1ff: {  	_ =	swait.ge [sflag:s22], $0x1400  }
0x200: {  	[sflag:s22] =	ssyncset.done $0x0  }
0x201: {  	[sflag:s22] =	ssyncadd.s32 $0xFFFFEC00  }
0x202: {  	_ =	swait.ge [sflag:s9], $0x1400  }
0x203: {  	[sflag:s9] =	ssyncset.done $0x0  }
0x204: {  	[sflag:s9] =	ssyncadd.s32 $0xFFFFEC00  }
0x205: {  	_ =	swait.ge [sflag:s3], $0x28  }
0x206: {  	[sflag:s3] =	ssyncset.done $0x0  }
0x207: {  	[sflag:s3] =	ssyncadd.s32 $0xFFFFFFD8  }
0x208: {  	_ =	swait.ge [sflag:s3], $0x28  }
0x209: {  	s10 =	rddreg [dreg:$0xb]  }
0x20a: {  	[sflag:s3] =	ssyncset.done $0x0;
	s10 =	sor.u32 s10, s14  }
0x20b: {  	s17 =	simm.s32 $0x180;
	[sflag:s3] =	ssyncadd.s32 $0xFFFFFFD8;
	s11 =	smul.u32 $0x1400, s10  }
0x20c: {  	[tilespmem:s25], [sflag:$0x2] =	stream.indirect.gather [hbm4b:s1+s16], $0x80, s17, s16, $0xb8;
	[tilespmem:$0x1BF00] =	vst v63  }
0x20d: {  	s10 =	smul.u32 $0x28, s10  }
0x20e: {  	s11 =	sshrl.u32 s11, $0x3  }
0x20f: {  	s10 =	sshrl.u32 s10, $0x3;
	s11 =	sadd.s32 s7, s11  }
0x210: {  	s10 =	sadd.s32 s8, s10;
	s11 =	sadd.s32 $0x5000, s11  }
0x211: {  	[tilespmem:s26], [sflag:$0x2] =	stream.linear.gather [hbm4b:s11+s5], $0x1400, $0x38;
	[tilespmem:$0x1BF00] =	vst v63  }
0x212: {  	s29 =	sadd.s32 $0x9D80, s10  }
0x213: {  	[tilespmem:s5], [sflag:$0x3] =	stream.linear.gather [hbm4b:s29+s5], $0x28, $0x38;
	[tilespmem:$0x1BF00] =	vst v63  }
0x214: {  	s14 =	simm.s32 $0x500;
	s10 =	sadd.s32 $0x140, s10  }
0x215: {  	[tilespmem:s15], [sflag:$0x3] =	stream.linear.gather [hbm4b:s10+s5], $0x28, $0x38;
	[tilespmem:$0x1BF00] =	vst v63  }
0x216: {  	s28 =	simm.s32 $0x2D00;
	v7 =	vld [tilespmem:s14+$0x80]  }
0x217: {  	v8 =	vld [tilespmem:s28+$0x80]  }
0x218: {  	v9 =	vld [tilespmem:s28+$0xFFFFFF00]  }
0x219: {  	v10 =	vld [tilespmem:s14+$0xFFFFFF80]  }
0x21a: {  	v11 =	vld [tilespmem:s28+$0xFFFFFF80]  }
0x21b: {  	v12 =	vld [tilespmem:s28+$0x0]  }
0x21c: {  	v7 =	vadd.f32 v8, v7;
	v8 =	vld [tilespmem:s14+$0x0]  }
0x21d: {  	v13 =	vld [tilespmem:s14+$0xFFFFFF00]  }
0x21e: {  	v7 =	vmax.f32 v7, $0.0e+00  }
0x21f: {  	v10 =	vadd.f32 v11, v10;
	[tilespmem:s14+$0x80] =	vst v7;
	v7 =	vld [tilespmem:s14+$0x90]  }
0x220: {  	v14 =	vld [tilespmem:s28+$0x90]  }
0x221: {  	v15 =	vld [tilespmem:s14+$0xFFFFFF90];
	v10 =	vmax.f32 v10, $0.0e+00;
	v8 =	vadd.f32 v12, v8  }
0x222: {  	v11 =	vld [tilespmem:s14+$0xFFFFFF10];
	v9 =	vadd.f32 v9, v13;
	[tilespmem:s14+$0xFFFFFF80] =	vst v10  }
0x223: {  	v12 =	vld [tilespmem:s28+$0xFFFFFF90];
	v8 =	vmax.f32 v8, $0.0e+00  }
0x224: {  	v9 =	vmax.f32 v9, $0.0e+00;
	v10 =	vld [tilespmem:s14+$0x10];
	[tilespmem:s14+$0x0] =	vst v8  }
0x225: {  	[tilespmem:s14+$0xFFFFFF00] =	vst v9;
	v7 =	vadd.f32 v14, v7;
	v8 =	vld [tilespmem:s28+$0x10]  }
0x226: {  	v9 =	vld [tilespmem:s28+$0xFFFFFF10]  }
0x227: {  	v7 =	vmax.f32 v7, $0.0e+00  }
0x228: {  	v12 =	vadd.f32 v12, v15;
	[tilespmem:s14+$0x90] =	vst v7;
	v7 =	vld [tilespmem:s14+$0xA0]  }
0x229: {  	v14 =	vld [tilespmem:s28+$0xA0]  }
0x22a: {  	v13 =	vld [tilespmem:s14+$0xFFFFFF20];
	v12 =	vmax.f32 v12, $0.0e+00;
	v8 =	vadd.f32 v8, v10  }
0x22b: {  	v9 =	vadd.f32 v9, v11;
	v15 =	vld [tilespmem:s14+$0xFFFFFFA0];
	[tilespmem:s14+$0xFFFFFF90] =	vst v12  }
0x22c: {  	v11 =	vld [tilespmem:s28+$0xFFFFFFA0];
	v8 =	vmax.f32 v8, $0.0e+00  }
0x22d: {  	v9 =	vmax.f32 v9, $0.0e+00;
	v10 =	vld [tilespmem:s14+$0x20];
	[tilespmem:s14+$0x10] =	vst v8  }
0x22e: {  	[tilespmem:s14+$0xFFFFFF10] =	vst v9;
	v7 =	vadd.f32 v14, v7;
	v8 =	vld [tilespmem:s28+$0x20]  }
0x22f: {  	v9 =	vld [tilespmem:s28+$0xFFFFFF20]  }
0x230: {  	v7 =	vmax.f32 v7, $0.0e+00  }
0x231: {  	v11 =	vadd.f32 v11, v15;
	[tilespmem:s14+$0xA0] =	vst v7;
	v7 =	vld [tilespmem:s14+$0xB0]  }
0x232: {  	v14 =	vld [tilespmem:s28+$0xB0]  }
0x233: {  	v16 =	vld [tilespmem:s14+$0x30];
	v11 =	vmax.f32 v11, $0.0e+00;
	v8 =	vadd.f32 v8, v10  }
0x234: {  	v9 =	vadd.f32 v9, v13;
	v15 =	vld [tilespmem:s14+$0xFFFFFFB0];
	[tilespmem:s14+$0xFFFFFFA0] =	vst v11  }
0x235: {  	v10 =	vld [tilespmem:s28+$0xFFFFFFB0];
	v8 =	vmax.f32 v8, $0.0e+00  }
0x236: {  	v12 =	vld [tilespmem:s14+$0xFFFFFF30];
	[tilespmem:s14+$0x20] =	vst v8;
	v8 =	vmax.f32 v9, $0.0e+00  }
0x237: {  	v7 =	vadd.f32 v14, v7;
	[tilespmem:s14+$0xFFFFFF20] =	vst v8;
	v8 =	vld [tilespmem:s28+$0x30]  }
0x238: {  	v13 =	vld [tilespmem:s28+$0xFFFFFF30]  }
0x239: {  	v17 =	vld [tilespmem:s14+$0xFFFFFF40];
	v7 =	vmax.f32 v7, $0.0e+00  }
0x23a: {  	v10 =	vadd.f32 v10, v15;
	[tilespmem:s14+$0xB0] =	vst v7;
	v7 =	vld [tilespmem:s14+$0xC0]  }
0x23b: {  	v14 =	vld [tilespmem:s28+$0xC0]  }
0x23c: {  	v18 =	vld [tilespmem:s14+$0xFFFFFFD0];
	v10 =	vmax.f32 v10, $0.0e+00;
	v8 =	vadd.f32 v8, v16  }
0x23d: {  	v11 =	vld [tilespmem:s14+$0xFFFFFFC0];
	[tilespmem:s14+$0xFFFFFFB0] =	vst v10;
	v12 =	vadd.f32 v13, v12  }
0x23e: {  	v13 =	vld [tilespmem:s28+$0xFFFFFFC0];
	v8 =	vmax.f32 v8, $0.0e+00  }
0x23f: {  	v9 =	vld [tilespmem:s14+$0x40];
	[tilespmem:s14+$0x30] =	vst v8;
	v8 =	vmax.f32 v12, $0.0e+00  }
0x240: {  	v7 =	vadd.f32 v14, v7;
	v12 =	vld [tilespmem:s28+$0x40];
	[tilespmem:s14+$0xFFFFFF30] =	vst v8  }
0x241: {  	v8 =	vld [tilespmem:s28+$0xFFFFFF40]  }
0x242: {  	v15 =	vld [tilespmem:s14+$0xFFFFFF50];
	v7 =	vmax.f32 v7, $0.0e+00  }
0x243: {  	[tilespmem:s14+$0xC0] =	vst v7;
	v7 =	vadd.f32 v13, v11;
	v13 =	vld [tilespmem:s14+$0xD0]  }
0x244: {  	v14 =	vld [tilespmem:s28+$0xD0]  }
0x245: {  	v10 =	vld [tilespmem:s14+$0xFFFFFF60];
	v7 =	vmax.f32 v7, $0.0e+00;
	v9 =	vadd.f32 v12, v9  }
0x246: {  	v16 =	vld [tilespmem:s14+$0x50];
	[tilespmem:s14+$0xFFFFFFC0] =	vst v7;
	v7 =	vadd.f32 v8, v17  }
0x247: {  	v8 =	vld [tilespmem:s28+$0xFFFFFFD0];
	v9 =	vmax.f32 v9, $0.0e+00  }
0x248: {  	v11 =	vld [tilespmem:s14+$0xFFFFFFE0];
	[tilespmem:s14+$0x40] =	vst v9;
	v7 =	vmax.f32 v7, $0.0e+00  }
0x249: {  	v9 =	vld [tilespmem:s28+$0x50];
	v13 =	vadd.f32 v14, v13;
	[tilespmem:s14+$0xFFFFFF40] =	vst v7  }
0x24a: {  	v7 =	vld [tilespmem:s28+$0xFFFFFF50]  }
0x24b: {  	v12 =	vld [tilespmem:s14+$0x60];
	v13 =	vmax.f32 v13, $0.0e+00  }
0x24c: {  	v8 =	vadd.f32 v8, v18;
	[tilespmem:s14+$0xD0] =	vst v13;
	v13 =	vld [tilespmem:s14+$0xE0]  }
0x24d: {  	v17 =	vld [tilespmem:s28+$0xE0]  }
0x24e: {  	v8 =	vmax.f32 v8, $0.0e+00;
	v14 =	vadd.f32 v9, v16;
	v9 =	vld [tilespmem:s14+$0xFFFFFF70]  }
0x24f: {  	[tilespmem:s14+$0xFFFFFFD0] =	vst v8;
	v7 =	vadd.f32 v7, v15;
	v8 =	vld [tilespmem:s14+$0xFFFFFFF0]  }
0x250: {  	v15 =	vmax.f32 v14, $0.0e+00;
	v14 =	vld [tilespmem:s28+$0xFFFFFFE0]  }
0x251: {  	[tilespmem:s14+$0x50] =	vst v15;
	v15 =	vmax.f32 v7, $0.0e+00;
	v7 =	vld [tilespmem:s14+$0x70]  }
0x252: {  	[tilespmem:s14+$0xFFFFFF50] =	vst v15;
	v15 =	vld [tilespmem:s28+$0x60];
	v13 =	vadd.f32 v17, v13  }
0x253: {  	v16 =	vld [tilespmem:s28+$0xFFFFFF60]  }
0x254: {  	s17 =	simm.s32 $0x2D00;
	s11 =	simm.s32 $0x700;
	s10 =	simm.s32 $0x0;
	v17 =	vmax.f32 v13, $0.0e+00;
	v13 =	vld [tilespmem:s14+$0xF0]  }
.LBB2_11:
0x255: {  	v18 =	vld [tilespmem:s11+$0x80];
	v11 =	vadd.f32 v14, v11;
	[tilespmem:s14+$0xE0] =	vst v17  }
0x256: {  	s17 =	sadd.s32 $0x200, s17;
	v14 =	vld [tilespmem:s28+$0xF0]  }
0x257: {  	s10 =	sadd.s32 $0x4, s10;
	v17 =	vld [tilespmem:s17+$0x80];
	v11 =	vmax.f32 v11, $0.0e+00;
	v12 =	vadd.f32 v15, v12  }
0x258: {  	p1 =	slt.u32 s10, $0x24;
	v15 =	vld [tilespmem:s17+$0xFFFFFF00];
	v10 =	vadd.f32 v16, v10;
	[tilespmem:s14+$0xFFFFFFE0] =	vst v11  }
0x259: {  	v11 =	vld [tilespmem:s11+$0xFFFFFF80];
	v12 =	vmax.f32 v12, $0.0e+00  }
0x25a: {  	v16 =	vld [tilespmem:s17+$0xFFFFFF80];
	v10 =	vmax.f32 v10, $0.0e+00;
	[tilespmem:s14+$0x60] =	vst v12  }
0x25b: {  	v12 =	vld [tilespmem:s11+$0x0];
	[tilespmem:s14+$0xFFFFFF60] =	vst v10;
	v10 =	vadd.f32 v14, v13  }
0x25c: {  	v13 =	vld [tilespmem:s17+$0x0];
	v14 =	vadd.f32 v17, v18  }
0x25d: {  	v17 =	vld [tilespmem:s11+$0xFFFFFF00];
	v10 =	vmax.f32 v10, $0.0e+00  }
0x25e: {  	v18 =	vld [tilespmem:s11+$0xFFFFFF10];
	v14 =	vmax.f32 v14, $0.0e+00;
	[tilespmem:s14+$0xF0] =	vst v10  }
0x25f: {  	v10 =	vadd.f32 v16, v11;
	[tilespmem:s11+$0x80] =	vst v14;
	v11 =	vld [tilespmem:s11+$0x90]  }
0x260: {  	v14 =	vld [tilespmem:s17+$0x90]  }
0x261: {  	v10 =	vmax.f32 v10, $0.0e+00;
	v16 =	vld [tilespmem:s11+$0xFFFFFF90];
	v12 =	vadd.f32 v13, v12  }
0x262: {  	v13 =	vadd.f32 v15, v17;
	[tilespmem:s11+$0xFFFFFF80] =	vst v10;
	v10 =	vld [tilespmem:s11+$0x10]  }
0x263: {  	v15 =	vld [tilespmem:s17+$0xFFFFFF90];
	v12 =	vmax.f32 v12, $0.0e+00  }
0x264: {  	v13 =	vmax.f32 v13, $0.0e+00;
	v17 =	vld [tilespmem:s11+$0xFFFFFF20];
	[tilespmem:s11+$0x0] =	vst v12  }
0x265: {  	[tilespmem:s11+$0xFFFFFF00] =	vst v13;
	v12 =	vld [tilespmem:s17+$0x10];
	v11 =	vadd.f32 v14, v11  }
0x266: {  	v13 =	vld [tilespmem:s17+$0xFFFFFF10]  }
0x267: {  	v14 =	vld [tilespmem:s11+$0xFFFFFFA0];
	v11 =	vmax.f32 v11, $0.0e+00  }
0x268: {  	v15 =	vadd.f32 v15, v16;
	[tilespmem:s11+$0x90] =	vst v11;
	v11 =	vld [tilespmem:s11+$0xA0]  }
0x269: {  	v16 =	vld [tilespmem:s17+$0xA0]  }
0x26a: {  	v15 =	vmax.f32 v15, $0.0e+00;
	v10 =	vadd.f32 v12, v10;
	v12 =	vld [tilespmem:s11+$0x20]  }
0x26b: {  	v13 =	vadd.f32 v13, v18;
	v18 =	vld [tilespmem:s11+$0xFFFFFF30];
	[tilespmem:s11+$0xFFFFFF90] =	vst v15  }
0x26c: {  	v15 =	vld [tilespmem:s17+$0xFFFFFFA0];
	v10 =	vmax.f32 v10, $0.0e+00  }
0x26d: {  	v13 =	vmax.f32 v13, $0.0e+00;
	v19 =	vld [tilespmem:s11+$0xFFFFFFB0];
	[tilespmem:s11+$0x10] =	vst v10  }
0x26e: {  	[tilespmem:s11+$0xFFFFFF10] =	vst v13;
	v10 =	vld [tilespmem:s17+$0x20];
	v11 =	vadd.f32 v16, v11  }
0x26f: {  	v13 =	vld [tilespmem:s17+$0xFFFFFF20]  }
0x270: {  	v16 =	vld [tilespmem:s11+$0x30];
	v11 =	vmax.f32 v11, $0.0e+00  }
0x271: {  	v14 =	vadd.f32 v15, v14;
	[tilespmem:s11+$0xA0] =	vst v11;
	v11 =	vld [tilespmem:s11+$0xB0]  }
0x272: {  	v15 =	vld [tilespmem:s17+$0xB0]  }
0x273: {  	v20 =	vld [tilespmem:s11+$0xFFFFFF40];
	v14 =	vmax.f32 v14, $0.0e+00;
	v10 =	vadd.f32 v10, v12  }
0x274: {  	v12 =	vadd.f32 v13, v17;
	[tilespmem:s11+$0xFFFFFFA0] =	vst v14;
	v13 =	vld [tilespmem:s11+$0xFFFFFFC0]  }
0x275: {  	v14 =	vld [tilespmem:s17+$0xFFFFFFB0];
	v10 =	vmax.f32 v10, $0.0e+00  }
0x276: {  	v12 =	vmax.f32 v12, $0.0e+00;
	[tilespmem:s11+$0x20] =	vst v10;
	v17 =	vld [tilespmem:s11+$0x40]  }
0x277: {  	[tilespmem:s11+$0xFFFFFF20] =	vst v12;
	v10 =	vld [tilespmem:s17+$0x30];
	v11 =	vadd.f32 v15, v11  }
0x278: {  	v12 =	vld [tilespmem:s17+$0xFFFFFF30]  }
0x279: {  	v15 =	vld [tilespmem:s11+$0xFFFFFF50];
	v11 =	vmax.f32 v11, $0.0e+00  }
0x27a: {  	v14 =	vadd.f32 v14, v19;
	[tilespmem:s11+$0xB0] =	vst v11;
	v11 =	vld [tilespmem:s11+$0xC0]  }
0x27b: {  	v19 =	vld [tilespmem:s17+$0xC0]  }
0x27c: {  	v14 =	vmax.f32 v14, $0.0e+00;
	v21 =	vld [tilespmem:s11+$0xFFFFFFD0];
	v10 =	vadd.f32 v10, v16  }
0x27d: {  	v12 =	vadd.f32 v12, v18;
	[tilespmem:s11+$0xFFFFFFB0] =	vst v14;
	v14 =	vld [tilespmem:s11+$0x50]  }
0x27e: {  	v16 =	vld [tilespmem:s17+$0xFFFFFFC0];
	v18 =	vmax.f32 v10, $0.0e+00  }
0x27f: {  	v12 =	vmax.f32 v12, $0.0e+00;
	v10 =	vld [tilespmem:s11+$0xFFFFFF60];
	[tilespmem:s11+$0x30] =	vst v18  }
0x280: {  	[tilespmem:s11+$0xFFFFFF30] =	vst v12;
	v12 =	vld [tilespmem:s17+$0x40];
	v18 =	vadd.f32 v19, v11  }
0x281: {  	v19 =	vld [tilespmem:s17+$0xFFFFFF40]  }
0x282: {  	v11 =	vld [tilespmem:s11+$0xFFFFFFE0];
	v18 =	vmax.f32 v18, $0.0e+00  }
0x283: {  	v13 =	vadd.f32 v16, v13;
	[tilespmem:s11+$0xC0] =	vst v18;
	v16 =	vld [tilespmem:s11+$0xD0]  }
0x284: {  	v18 =	vld [tilespmem:s17+$0xD0]  }
0x285: {  	v13 =	vmax.f32 v13, $0.0e+00;
	v17 =	vadd.f32 v12, v17;
	v12 =	vld [tilespmem:s11+$0x60]  }
0x286: {  	v19 =	vadd.f32 v19, v20;
	[tilespmem:s11+$0xFFFFFFC0] =	vst v13;
	v13 =	vld [tilespmem:s28+$0xFFFFFF70]  }
0x287: {  	v20 =	vld [tilespmem:s17+$0xFFFFFFD0];
	v17 =	vmax.f32 v17, $0.0e+00  }
0x288: {  	v19 =	vmax.f32 v19, $0.0e+00;
	[tilespmem:s11+$0x40] =	vst v17;
	v17 =	vld [tilespmem:s28+$0xFFFFFFF0]  }
0x289: {  	[tilespmem:s11+$0xFFFFFF40] =	vst v19;
	v19 =	vld [tilespmem:s17+$0x50];
	v16 =	vadd.f32 v18, v16  }
0x28a: {  	v18 =	vld [tilespmem:s17+$0xFFFFFF50]  }
0x28b: {  	v16 =	vmax.f32 v16, $0.0e+00;
	v9 =	vadd.f32 v13, v9;
	v13 =	vld [tilespmem:s28+$0x70];
	s28 =	smov.u32 s17  }
0x28c: {  	v20 =	vadd.f32 v20, v21;
	[tilespmem:s11+$0xD0] =	vst v16;
	v16 =	vld [tilespmem:s11+$0xE0]  }
0x28d: {  	v21 =	vld [tilespmem:s17+$0xE0];
	v22 =	vmax.f32 v9, $0.0e+00;
	v17 =	vadd.f32 v17, v8  }
0x28e: {  	v9 =	vld [tilespmem:s11+$0xFFFFFF70];
	v8 =	vmax.f32 v20, $0.0e+00;
	v19 =	vadd.f32 v19, v14;
	[tilespmem:s14+$0xFFFFFF70] =	vst v22  }
0x28f: {  	v15 =	vadd.f32 v18, v15;
	[tilespmem:s11+$0xFFFFFFD0] =	vst v8;
	v8 =	vld [tilespmem:s11+$0xFFFFFFF0];
	v17 =	vmax.f32 v17, $0.0e+00  }
.Ltmp4:
0x290: {  	v14 =	vld [tilespmem:s17+$0xFFFFFFE0];
	v18 =	vmax.f32 v19, $0.0e+00;
	[tilespmem:s14+$0xFFFFFFF0] =	vst v17;
	v13 =	vadd.f32 v13, v7;
	(pc) =	sbr.rel @p1 .LBB2_11-.Ltmp4, $4  }
0x291: {  	v15 =	vmax.f32 v15, $0.0e+00;
	[tilespmem:s11+$0x50] =	vst v18;
	v7 =	vld [tilespmem:s11+$0x70]  }
0x292: {  	[tilespmem:s11+$0xFFFFFF50] =	vst v15;
	v15 =	vld [tilespmem:s17+$0x60];
	v17 =	vadd.f32 v21, v16;
	v13 =	vmax.f32 v13, $0.0e+00  }
0x293: {  	v16 =	vld [tilespmem:s17+$0xFFFFFF60];
	[tilespmem:s14+$0x70] =	vst v13;
	s14 =	smov.u32 s11  }
0x294: {  	s11 =	sadd.s32 $0x200, s11;
	v17 =	vmax.f32 v17, $0.0e+00;
	v13 =	vld [tilespmem:s14+$0xF0]  }
0x295: {  	_ =	sdelay $0x2  }
0x296: {  	v10 =	vadd.f32 v16, v10  }
0x297: {  	v11 =	vadd.f32 v14, v11  }
0x298: {  	[tilespmem:s14+$0xE0] =	vst v17;
	v12 =	vadd.f32 v15, v12;
	v10 =	vmax.f32 v10, $0.0e+00  }
0x299: {  	v14 =	vld [tilespmem:s28+$0xF0];
	v11 =	vmax.f32 v11, $0.0e+00;
	[tilespmem:s14+$0xFFFFFF60] =	vst v10  }
0x29a: {  	[tilespmem:s14+$0xFFFFFFE0] =	vst v11;
	v10 =	vmax.f32 v12, $0.0e+00;
	v11 =	vld [tilespmem:s28+$0xFFFFFF70]  }
0x29b: {  	[tilespmem:s14+$0x60] =	vst v10;
	v10 =	vld [tilespmem:s28+$0xFFFFFFF0]  }
0x29c: {  	v12 =	vld [tilespmem:s28+$0x70];
	_ =	sdelay $0x1  }
0x29d: {  	v13 =	vadd.f32 v14, v13  }
0x29e: {  	v9 =	vadd.f32 v11, v9  }
0x29f: {  	v11 =	vmax.f32 v13, $0.0e+00;
	v8 =	vadd.f32 v10, v8  }
0x2a0: {  	[tilespmem:s14+$0xF0] =	vst v11;
	v7 =	vadd.f32 v12, v7;
	v9 =	vmax.f32 v9, $0.0e+00  }
0x2a1: {  	v8 =	vmax.f32 v8, $0.0e+00;
	[tilespmem:s14+$0xFFFFFF70] =	vst v9  }
0x2a2: {  	[tilespmem:s14+$0xFFFFFFF0] =	vst v8;
	v7 =	vmax.f32 v7, $0.0e+00  }
0x2a3: {  	[tilespmem:s14+$0x70] =	vst v7  }
0x2a4: {  	v7 =	vld [tilespmem:$0x300];
	_ =	sdelay $0x7  }
0x2a5: {  	[tilespmem:v7+s30+$0x0] =	vst.idx.add.f32.msk $0xffff, v6  }
0x2a6: {  	v7 =	vld [tilespmem:$0x310];
	_ =	sdelay $0x7  }
0x2a7: {  	[tilespmem:v7+s30+$0x0] =	vst.idx.add.f32.msk $0xffff, v6  }
0x2a8: {  	v7 =	vld [tilespmem:$0x318];
	_ =	sdelay $0x7  }
0x2a9: {  	s29 =	simm.s32 $0x300;
	[tilespmem:v7+s30+$0x0] =	vst.idx.add.f32.msk vm0, v6  }
0x2aa: {  	[spmem:s2] =	stream.indirect.scatter.add.f32 [tilespmem:s12], [sflag:$0x7], $0x80, s29, s16, $0xb8;
	[tilespmem:$0x1BF00] =	vst v63  }
0x2ab: {  	_ =	swait.ge [sflag:s31], $0x1400  }
0x2ac: {  	[sflag:s31] =	ssyncset.done $0x0  }
0x2ad: {  	[sflag:s31] =	ssyncadd.s32 $0xFFFFEC00  }
0x2ae: {  	_ =	swait.ge [sflag:s31], $0x1400  }
0x2af: {  	[sflag:s31] =	ssyncset.done $0x0  }
0x2b0: {  	[sflag:s31] =	ssyncadd.s32 $0xFFFFEC00  }
0x2b1: {  	_ =	swait.ge [sflag:s0], $0x1400  }
0x2b2: {  	[sflag:s0] =	ssyncset.done $0x0  }
0x2b3: {  	[sflag:s0] =	ssyncadd.s32 $0xFFFFEC00  }
0x2b4: {  	_ =	swait.ge [sflag:s19], $0x28  }
0x2b5: {  	s6 =	sor.u32 $0x60, s6;
	[sflag:s19] =	ssyncset.done $0x0  }
0x2b6: {  	s10 =	smul.u32 $0x1400, s6;
	[sflag:s19] =	ssyncadd.s32 $0xFFFFFFD8  }
0x2b7: {  	s6 =	smul.u32 $0x28, s6;
	_ =	swait.ge [sflag:s19], $0x28  }
0x2b8: {  	s10 =	sshrl.u32 s10, $0x3;
	[sflag:s19] =	ssyncset.done $0x0  }
0x2b9: {  	s6 =	sshrl.u32 s6, $0x3;
	s10 =	sadd.s32 s7, s10;
	[sflag:s19] =	ssyncadd.s32 $0xFFFFFFD8  }
0x2ba: {  	[tilespmem:s12], [sflag:$0x1] =	stream.indirect.gather [hbm4b:s1+s16], $0x80, s5, s16, $0xb8;
	[tilespmem:$0x1BF00] =	vst v63  }
0x2bb: {  	s11 =	simm.s32 $0x2C00;
	s6 =	sadd.s32 s8, s6;
	s10 =	sadd.s32 $0x5000, s10  }
0x2bc: {  	[tilespmem:s11], [sflag:$0x1] =	stream.linear.gather [hbm4b:s10+s5], $0x1400, $0x38;
	[tilespmem:$0x1BF00] =	vst v63  }
0x2bd: {  	s28 =	sadd.s32 $0x9D80, s6  }
0x2be: {  	[tilespmem:s20], [sflag:$0x4] =	stream.linear.gather [hbm4b:s28+s5], $0x28, $0x38;
	[tilespmem:$0x1BF00] =	vst v63  }
0x2bf: {  	s6 =	sadd.s32 $0x140, s6  }
0x2c0: {  	[tilespmem:s21], [sflag:$0x4] =	stream.linear.gather [hbm4b:s6+s5], $0x28, $0x38;
	[tilespmem:$0x1BF00] =	vst v63  }
0x2c1: {  	s6 =	simm.s32 $0x1900  }
0x2c2: {  	s14 =	simm.s32 $0x4100;
	v7 =	vld [tilespmem:s6+$0x80]  }
0x2c3: {  	v8 =	vld [tilespmem:s14+$0x80]  }
0x2c4: {  	v9 =	vld [tilespmem:s14+$0xFFFFFF00]  }
0x2c5: {  	v10 =	vld [tilespmem:s6+$0xFFFFFF80]  }
0x2c6: {  	v11 =	vld [tilespmem:s14+$0xFFFFFF80]  }
0x2c7: {  	v12 =	vld [tilespmem:s14+$0x0]  }
0x2c8: {  	v7 =	vadd.f32 v8, v7;
	v8 =	vld [tilespmem:s6+$0x0]  }
0x2c9: {  	v13 =	vld [tilespmem:s6+$0xFFFFFF00]  }
0x2ca: {  	v7 =	vmax.f32 v7, $0.0e+00  }
0x2cb: {  	v10 =	vadd.f32 v11, v10;
	[tilespmem:s6+$0x80] =	vst v7;
	v7 =	vld [tilespmem:s6+$0x90]  }
0x2cc: {  	v14 =	vld [tilespmem:s14+$0x90]  }
0x2cd: {  	v15 =	vld [tilespmem:s6+$0xFFFFFF90];
	v10 =	vmax.f32 v10, $0.0e+00;
	v8 =	vadd.f32 v12, v8  }
0x2ce: {  	v11 =	vld [tilespmem:s6+$0xFFFFFF10];
	v9 =	vadd.f32 v9, v13;
	[tilespmem:s6+$0xFFFFFF80] =	vst v10  }
0x2cf: {  	v12 =	vld [tilespmem:s14+$0xFFFFFF90];
	v8 =	vmax.f32 v8, $0.0e+00  }
0x2d0: {  	v9 =	vmax.f32 v9, $0.0e+00;
	v10 =	vld [tilespmem:s6+$0x10];
	[tilespmem:s6+$0x0] =	vst v8  }
0x2d1: {  	[tilespmem:s6+$0xFFFFFF00] =	vst v9;
	v7 =	vadd.f32 v14, v7;
	v8 =	vld [tilespmem:s14+$0x10]  }
0x2d2: {  	v9 =	vld [tilespmem:s14+$0xFFFFFF10]  }
0x2d3: {  	v7 =	vmax.f32 v7, $0.0e+00  }
0x2d4: {  	v12 =	vadd.f32 v12, v15;
	[tilespmem:s6+$0x90] =	vst v7;
	v7 =	vld [tilespmem:s6+$0xA0]  }
0x2d5: {  	v14 =	vld [tilespmem:s14+$0xA0]  }
0x2d6: {  	v13 =	vld [tilespmem:s6+$0xFFFFFF20];
	v12 =	vmax.f32 v12, $0.0e+00;
	v8 =	vadd.f32 v8, v10  }
0x2d7: {  	v9 =	vadd.f32 v9, v11;
	v15 =	vld [tilespmem:s6+$0xFFFFFFA0];
	[tilespmem:s6+$0xFFFFFF90] =	vst v12  }
0x2d8: {  	v11 =	vld [tilespmem:s14+$0xFFFFFFA0];
	v8 =	vmax.f32 v8, $0.0e+00  }
0x2d9: {  	v9 =	vmax.f32 v9, $0.0e+00;
	v10 =	vld [tilespmem:s6+$0x20];
	[tilespmem:s6+$0x10] =	vst v8  }
0x2da: {  	[tilespmem:s6+$0xFFFFFF10] =	vst v9;
	v7 =	vadd.f32 v14, v7;
	v8 =	vld [tilespmem:s14+$0x20]  }
0x2db: {  	v9 =	vld [tilespmem:s14+$0xFFFFFF20]  }
0x2dc: {  	v7 =	vmax.f32 v7, $0.0e+00  }
0x2dd: {  	v11 =	vadd.f32 v11, v15;
	[tilespmem:s6+$0xA0] =	vst v7;
	v7 =	vld [tilespmem:s6+$0xB0]  }
0x2de: {  	v14 =	vld [tilespmem:s14+$0xB0]  }
0x2df: {  	v16 =	vld [tilespmem:s6+$0x30];
	v11 =	vmax.f32 v11, $0.0e+00;
	v8 =	vadd.f32 v8, v10  }
0x2e0: {  	v9 =	vadd.f32 v9, v13;
	v15 =	vld [tilespmem:s6+$0xFFFFFFB0];
	[tilespmem:s6+$0xFFFFFFA0] =	vst v11  }
0x2e1: {  	v10 =	vld [tilespmem:s14+$0xFFFFFFB0];
	v8 =	vmax.f32 v8, $0.0e+00  }
0x2e2: {  	v12 =	vld [tilespmem:s6+$0xFFFFFF30];
	[tilespmem:s6+$0x20] =	vst v8;
	v8 =	vmax.f32 v9, $0.0e+00  }
0x2e3: {  	v7 =	vadd.f32 v14, v7;
	[tilespmem:s6+$0xFFFFFF20] =	vst v8;
	v8 =	vld [tilespmem:s14+$0x30]  }
0x2e4: {  	v13 =	vld [tilespmem:s14+$0xFFFFFF30]  }
0x2e5: {  	v17 =	vld [tilespmem:s6+$0xFFFFFF40];
	v7 =	vmax.f32 v7, $0.0e+00  }
0x2e6: {  	v10 =	vadd.f32 v10, v15;
	[tilespmem:s6+$0xB0] =	vst v7;
	v7 =	vld [tilespmem:s6+$0xC0]  }
0x2e7: {  	v14 =	vld [tilespmem:s14+$0xC0]  }
0x2e8: {  	v18 =	vld [tilespmem:s6+$0xFFFFFFD0];
	v10 =	vmax.f32 v10, $0.0e+00;
	v8 =	vadd.f32 v8, v16  }
0x2e9: {  	v11 =	vld [tilespmem:s6+$0xFFFFFFC0];
	[tilespmem:s6+$0xFFFFFFB0] =	vst v10;
	v12 =	vadd.f32 v13, v12  }
0x2ea: {  	v13 =	vld [tilespmem:s14+$0xFFFFFFC0];
	v8 =	vmax.f32 v8, $0.0e+00  }
0x2eb: {  	v9 =	vld [tilespmem:s6+$0x40];
	[tilespmem:s6+$0x30] =	vst v8;
	v8 =	vmax.f32 v12, $0.0e+00  }
0x2ec: {  	v7 =	vadd.f32 v14, v7;
	v12 =	vld [tilespmem:s14+$0x40];
	[tilespmem:s6+$0xFFFFFF30] =	vst v8  }
0x2ed: {  	v8 =	vld [tilespmem:s14+$0xFFFFFF40]  }
0x2ee: {  	v15 =	vld [tilespmem:s6+$0xFFFFFF50];
	v7 =	vmax.f32 v7, $0.0e+00  }
0x2ef: {  	[tilespmem:s6+$0xC0] =	vst v7;
	v7 =	vadd.f32 v13, v11;
	v13 =	vld [tilespmem:s6+$0xD0]  }
0x2f0: {  	v14 =	vld [tilespmem:s14+$0xD0]  }
0x2f1: {  	v10 =	vld [tilespmem:s6+$0xFFFFFF60];
	v7 =	vmax.f32 v7, $0.0e+00;
	v9 =	vadd.f32 v12, v9  }
0x2f2: {  	v16 =	vld [tilespmem:s6+$0x50];
	[tilespmem:s6+$0xFFFFFFC0] =	vst v7;
	v7 =	vadd.f32 v8, v17  }
0x2f3: {  	v8 =	vld [tilespmem:s14+$0xFFFFFFD0];
	v9 =	vmax.f32 v9, $0.0e+00  }
0x2f4: {  	v11 =	vld [tilespmem:s6+$0xFFFFFFE0];
	[tilespmem:s6+$0x40] =	vst v9;
	v7 =	vmax.f32 v7, $0.0e+00  }
0x2f5: {  	v9 =	vld [tilespmem:s14+$0x50];
	v13 =	vadd.f32 v14, v13;
	[tilespmem:s6+$0xFFFFFF40] =	vst v7  }
0x2f6: {  	v7 =	vld [tilespmem:s14+$0xFFFFFF50]  }
0x2f7: {  	v12 =	vld [tilespmem:s6+$0x60];
	v13 =	vmax.f32 v13, $0.0e+00  }
0x2f8: {  	v8 =	vadd.f32 v8, v18;
	[tilespmem:s6+$0xD0] =	vst v13;
	v13 =	vld [tilespmem:s6+$0xE0]  }
0x2f9: {  	v17 =	vld [tilespmem:s14+$0xE0]  }
0x2fa: {  	v8 =	vmax.f32 v8, $0.0e+00;
	v14 =	vadd.f32 v9, v16;
	v9 =	vld [tilespmem:s6+$0xFFFFFF70]  }
0x2fb: {  	[tilespmem:s6+$0xFFFFFFD0] =	vst v8;
	v7 =	vadd.f32 v7, v15;
	v8 =	vld [tilespmem:s6+$0xFFFFFFF0]  }
0x2fc: {  	v15 =	vmax.f32 v14, $0.0e+00;
	v14 =	vld [tilespmem:s14+$0xFFFFFFE0]  }
0x2fd: {  	[tilespmem:s6+$0x50] =	vst v15;
	v15 =	vmax.f32 v7, $0.0e+00;
	v7 =	vld [tilespmem:s6+$0x70]  }
0x2fe: {  	[tilespmem:s6+$0xFFFFFF50] =	vst v15;
	v15 =	vld [tilespmem:s14+$0x60];
	v13 =	vadd.f32 v17, v13  }
0x2ff: {  	v16 =	vld [tilespmem:s14+$0xFFFFFF60]  }
0x300: {  	s17 =	simm.s32 $0x4100;
	s10 =	simm.s32 $0x0;
	s11 =	simm.s32 $0x1B00;
	v17 =	vmax.f32 v13, $0.0e+00;
	v13 =	vld [tilespmem:s6+$0xF0]  }
.LBB2_13:
0x301: {  	v18 =	vld [tilespmem:s11+$0x80];
	v11 =	vadd.f32 v14, v11;
	[tilespmem:s6+$0xE0] =	vst v17  }
0x302: {  	s17 =	sadd.s32 $0x200, s17;
	v14 =	vld [tilespmem:s14+$0xF0]  }
0x303: {  	s10 =	sadd.s32 $0x4, s10;
	v17 =	vld [tilespmem:s17+$0x80];
	v11 =	vmax.f32 v11, $0.0e+00;
	v12 =	vadd.f32 v15, v12  }
0x304: {  	p1 =	slt.u32 s10, $0x24;
	v15 =	vld [tilespmem:s17+$0xFFFFFF00];
	v10 =	vadd.f32 v16, v10;
	[tilespmem:s6+$0xFFFFFFE0] =	vst v11  }
0x305: {  	v11 =	vld [tilespmem:s11+$0xFFFFFF80];
	v12 =	vmax.f32 v12, $0.0e+00  }
0x306: {  	v16 =	vld [tilespmem:s17+$0xFFFFFF80];
	v10 =	vmax.f32 v10, $0.0e+00;
	[tilespmem:s6+$0x60] =	vst v12  }
0x307: {  	v12 =	vld [tilespmem:s11+$0x0];
	[tilespmem:s6+$0xFFFFFF60] =	vst v10;
	v10 =	vadd.f32 v14, v13  }
0x308: {  	v13 =	vld [tilespmem:s17+$0x0];
	v14 =	vadd.f32 v17, v18  }
0x309: {  	v17 =	vld [tilespmem:s11+$0xFFFFFF00];
	v10 =	vmax.f32 v10, $0.0e+00  }
0x30a: {  	v18 =	vld [tilespmem:s11+$0xFFFFFF10];
	v14 =	vmax.f32 v14, $0.0e+00;
	[tilespmem:s6+$0xF0] =	vst v10  }
0x30b: {  	v10 =	vadd.f32 v16, v11;
	[tilespmem:s11+$0x80] =	vst v14;
	v11 =	vld [tilespmem:s11+$0x90]  }
0x30c: {  	v14 =	vld [tilespmem:s17+$0x90]  }
0x30d: {  	v10 =	vmax.f32 v10, $0.0e+00;
	v16 =	vld [tilespmem:s11+$0xFFFFFF90];
	v12 =	vadd.f32 v13, v12  }
0x30e: {  	v13 =	vadd.f32 v15, v17;
	[tilespmem:s11+$0xFFFFFF80] =	vst v10;
	v10 =	vld [tilespmem:s11+$0x10]  }
0x30f: {  	v15 =	vld [tilespmem:s17+$0xFFFFFF90];
	v12 =	vmax.f32 v12, $0.0e+00  }
0x310: {  	v13 =	vmax.f32 v13, $0.0e+00;
	v17 =	vld [tilespmem:s11+$0xFFFFFF20];
	[tilespmem:s11+$0x0] =	vst v12  }
0x311: {  	[tilespmem:s11+$0xFFFFFF00] =	vst v13;
	v12 =	vld [tilespmem:s17+$0x10];
	v11 =	vadd.f32 v14, v11  }
0x312: {  	v13 =	vld [tilespmem:s17+$0xFFFFFF10]  }
0x313: {  	v14 =	vld [tilespmem:s11+$0xFFFFFFA0];
	v11 =	vmax.f32 v11, $0.0e+00  }
0x314: {  	v15 =	vadd.f32 v15, v16;
	[tilespmem:s11+$0x90] =	vst v11;
	v11 =	vld [tilespmem:s11+$0xA0]  }
0x315: {  	v16 =	vld [tilespmem:s17+$0xA0]  }
0x316: {  	v15 =	vmax.f32 v15, $0.0e+00;
	v10 =	vadd.f32 v12, v10;
	v12 =	vld [tilespmem:s11+$0x20]  }
0x317: {  	v13 =	vadd.f32 v13, v18;
	v18 =	vld [tilespmem:s11+$0xFFFFFF30];
	[tilespmem:s11+$0xFFFFFF90] =	vst v15  }
0x318: {  	v15 =	vld [tilespmem:s17+$0xFFFFFFA0];
	v10 =	vmax.f32 v10, $0.0e+00  }
0x319: {  	v13 =	vmax.f32 v13, $0.0e+00;
	v19 =	vld [tilespmem:s11+$0xFFFFFFB0];
	[tilespmem:s11+$0x10] =	vst v10  }
0x31a: {  	[tilespmem:s11+$0xFFFFFF10] =	vst v13;
	v10 =	vld [tilespmem:s17+$0x20];
	v11 =	vadd.f32 v16, v11  }
0x31b: {  	v13 =	vld [tilespmem:s17+$0xFFFFFF20]  }
0x31c: {  	v16 =	vld [tilespmem:s11+$0x30];
	v11 =	vmax.f32 v11, $0.0e+00  }
0x31d: {  	v14 =	vadd.f32 v15, v14;
	[tilespmem:s11+$0xA0] =	vst v11;
	v11 =	vld [tilespmem:s11+$0xB0]  }
0x31e: {  	v15 =	vld [tilespmem:s17+$0xB0]  }
0x31f: {  	v20 =	vld [tilespmem:s11+$0xFFFFFF40];
	v14 =	vmax.f32 v14, $0.0e+00;
	v10 =	vadd.f32 v10, v12  }
0x320: {  	v12 =	vadd.f32 v13, v17;
	[tilespmem:s11+$0xFFFFFFA0] =	vst v14;
	v13 =	vld [tilespmem:s11+$0xFFFFFFC0]  }
0x321: {  	v14 =	vld [tilespmem:s17+$0xFFFFFFB0];
	v10 =	vmax.f32 v10, $0.0e+00  }
0x322: {  	v12 =	vmax.f32 v12, $0.0e+00;
	[tilespmem:s11+$0x20] =	vst v10;
	v17 =	vld [tilespmem:s11+$0x40]  }
0x323: {  	[tilespmem:s11+$0xFFFFFF20] =	vst v12;
	v10 =	vld [tilespmem:s17+$0x30];
	v11 =	vadd.f32 v15, v11  }
0x324: {  	v12 =	vld [tilespmem:s17+$0xFFFFFF30]  }
0x325: {  	v15 =	vld [tilespmem:s11+$0xFFFFFF50];
	v11 =	vmax.f32 v11, $0.0e+00  }
0x326: {  	v14 =	vadd.f32 v14, v19;
	[tilespmem:s11+$0xB0] =	vst v11;
	v11 =	vld [tilespmem:s11+$0xC0]  }
0x327: {  	v19 =	vld [tilespmem:s17+$0xC0]  }
0x328: {  	v14 =	vmax.f32 v14, $0.0e+00;
	v21 =	vld [tilespmem:s11+$0xFFFFFFD0];
	v10 =	vadd.f32 v10, v16  }
0x329: {  	v12 =	vadd.f32 v12, v18;
	[tilespmem:s11+$0xFFFFFFB0] =	vst v14;
	v14 =	vld [tilespmem:s11+$0x50]  }
0x32a: {  	v16 =	vld [tilespmem:s17+$0xFFFFFFC0];
	v18 =	vmax.f32 v10, $0.0e+00  }
0x32b: {  	v12 =	vmax.f32 v12, $0.0e+00;
	v10 =	vld [tilespmem:s11+$0xFFFFFF60];
	[tilespmem:s11+$0x30] =	vst v18  }
0x32c: {  	[tilespmem:s11+$0xFFFFFF30] =	vst v12;
	v12 =	vld [tilespmem:s17+$0x40];
	v18 =	vadd.f32 v19, v11  }
0x32d: {  	v19 =	vld [tilespmem:s17+$0xFFFFFF40]  }
0x32e: {  	v11 =	vld [tilespmem:s11+$0xFFFFFFE0];
	v18 =	vmax.f32 v18, $0.0e+00  }
0x32f: {  	v13 =	vadd.f32 v16, v13;
	[tilespmem:s11+$0xC0] =	vst v18;
	v16 =	vld [tilespmem:s11+$0xD0]  }
0x330: {  	v18 =	vld [tilespmem:s17+$0xD0]  }
0x331: {  	v13 =	vmax.f32 v13, $0.0e+00;
	v17 =	vadd.f32 v12, v17;
	v12 =	vld [tilespmem:s11+$0x60]  }
0x332: {  	v19 =	vadd.f32 v19, v20;
	[tilespmem:s11+$0xFFFFFFC0] =	vst v13;
	v13 =	vld [tilespmem:s14+$0xFFFFFF70]  }
0x333: {  	v20 =	vld [tilespmem:s17+$0xFFFFFFD0];
	v17 =	vmax.f32 v17, $0.0e+00  }
0x334: {  	v19 =	vmax.f32 v19, $0.0e+00;
	[tilespmem:s11+$0x40] =	vst v17;
	v17 =	vld [tilespmem:s14+$0xFFFFFFF0]  }
0x335: {  	[tilespmem:s11+$0xFFFFFF40] =	vst v19;
	v19 =	vld [tilespmem:s17+$0x50];
	v16 =	vadd.f32 v18, v16  }
0x336: {  	v18 =	vld [tilespmem:s17+$0xFFFFFF50]  }
0x337: {  	v16 =	vmax.f32 v16, $0.0e+00;
	v9 =	vadd.f32 v13, v9;
	v13 =	vld [tilespmem:s14+$0x70];
	s14 =	smov.u32 s17  }
0x338: {  	v20 =	vadd.f32 v20, v21;
	[tilespmem:s11+$0xD0] =	vst v16;
	v16 =	vld [tilespmem:s11+$0xE0]  }
0x339: {  	v21 =	vld [tilespmem:s17+$0xE0];
	v22 =	vmax.f32 v9, $0.0e+00;
	v17 =	vadd.f32 v17, v8  }
0x33a: {  	v9 =	vld [tilespmem:s11+$0xFFFFFF70];
	v8 =	vmax.f32 v20, $0.0e+00;
	v19 =	vadd.f32 v19, v14;
	[tilespmem:s6+$0xFFFFFF70] =	vst v22  }
0x33b: {  	v15 =	vadd.f32 v18, v15;
	[tilespmem:s11+$0xFFFFFFD0] =	vst v8;
	v8 =	vld [tilespmem:s11+$0xFFFFFFF0];
	v17 =	vmax.f32 v17, $0.0e+00  }
.Ltmp5:
0x33c: {  	v14 =	vld [tilespmem:s17+$0xFFFFFFE0];
	v18 =	vmax.f32 v19, $0.0e+00;
	[tilespmem:s6+$0xFFFFFFF0] =	vst v17;
	v13 =	vadd.f32 v13, v7;
	(pc) =	sbr.rel @p1 .LBB2_13-.Ltmp5, $4  }
0x33d: {  	v15 =	vmax.f32 v15, $0.0e+00;
	[tilespmem:s11+$0x50] =	vst v18;
	v7 =	vld [tilespmem:s11+$0x70]  }
0x33e: {  	[tilespmem:s11+$0xFFFFFF50] =	vst v15;
	v15 =	vld [tilespmem:s17+$0x60];
	v17 =	vadd.f32 v21, v16;
	v13 =	vmax.f32 v13, $0.0e+00  }
0x33f: {  	v16 =	vld [tilespmem:s17+$0xFFFFFF60];
	[tilespmem:s6+$0x70] =	vst v13;
	s6 =	smov.u32 s11  }
0x340: {  	s11 =	sadd.s32 $0x200, s11;
	v17 =	vmax.f32 v17, $0.0e+00;
	v13 =	vld [tilespmem:s6+$0xF0]  }
0x341: {  	_ = 	snop  }
0x342: {  	v11 =	vadd.f32 v14, v11  }
0x343: {  	v12 =	vadd.f32 v15, v12  }
0x344: {  	[tilespmem:s6+$0xE0] =	vst v17;
	v11 =	vmax.f32 v11, $0.0e+00;
	v10 =	vadd.f32 v16, v10  }
0x345: {  	v58 =	vld [tilespmem:s14+$0xF0];
	[tilespmem:s6+$0xFFFFFFE0] =	vst v11;
	v59 =	vmax.f32 v12, $0.0e+00  }
0x346: {  	v61 =	vld [tilespmem:s14+$0xFFFFFFF0];
	v10 =	vmax.f32 v10, $0.0e+00;
	[tilespmem:s6+$0x60] =	vst v59  }
0x347: {  	[tilespmem:s6+$0xFFFFFF60] =	vst v10;
	v62 =	vld [tilespmem:s14+$0x70]  }
0x348: {  	v60 =	vld [tilespmem:s14+$0xFFFFFF70];
	_ =	sdelay $0x1  }
0x349: {  	v13 =	vadd.f32 v58, v13  }
0x34a: {  	v8 =	vadd.f32 v61, v8  }
0x34b: {  	v63 =	vmax.f32 v13, $0.0e+00;
	v7 =	vadd.f32 v62, v7  }
0x34c: {  	[tilespmem:s6+$0xF0] =	vst v63;
	v8 =	vmax.f32 v8, $0.0e+00;
	v9 =	vadd.f32 v60, v9  }
0x34d: {  	[tilespmem:s6+$0xFFFFFFF0] =	vst v8;
	v7 =	vmax.f32 v7, $0.0e+00  }
0x34e: {  	v9 =	vmax.f32 v9, $0.0e+00;
	[tilespmem:s6+$0x70] =	vst v7  }
0x34f: {  	[tilespmem:s6+$0xFFFFFF70] =	vst v9  }
0x350: {  	v7 =	vld [tilespmem:$0x380];
	_ =	sdelay $0x7  }
0x351: {  	[tilespmem:v7+s30+$0x0] =	vst.idx.add.f32.msk $0xffff, v6  }
0x352: {  	v7 =	vld [tilespmem:$0x390];
	_ =	sdelay $0x7  }
0x353: {  	[tilespmem:v7+s30+$0x0] =	vst.idx.add.f32.msk $0xffff, v6  }
0x354: {  	v7 =	vld [tilespmem:$0x398];
	_ =	sdelay $0x2  }
0x355: {  	s18 =	sadd.s32 $0x1, s18  }
0x356: {  	p1 =	sne.s32 s18, $0x3E  }
.Ltmp6:
0x357: {  	_ = 	snop;
	(pc) =	sbr.rel @p1 .LBB2_6-.Ltmp6, $3  }
0x358: {  	_ =	sdelay $0x1  }
0x359: {  	s28 =	simm.s32 $0x380;
	[tilespmem:v7+s30+$0x0] =	vst.idx.add.f32.msk vm0, v6  }
0x35a: {  	[spmem:s2] =	stream.indirect.scatter.add.f32 [tilespmem:s25], [sflag:$0x8], $0x80, s28, s16, $0xb8;
	[tilespmem:$0x1BF00] =	vst v63  }
0x35b: {  	_ =	swait.ge [sflag:s22], $0x1400  }
0x35c: {  	[sflag:s22] =	ssyncset.done $0x0  }
0x35d: {  	[sflag:s22] =	ssyncadd.s32 $0xFFFFEC00  }
0x35e: {  	_ =	swait.ge [sflag:s22], $0x1400  }
0x35f: {  	[sflag:s22] =	ssyncset.done $0x0  }
0x360: {  	[sflag:s22] =	ssyncadd.s32 $0xFFFFEC00  }
0x361: {  	_ =	swait.ge [sflag:s9], $0x1400  }
0x362: {  	[sflag:s9] =	ssyncset.done $0x0  }
0x363: {  	[sflag:s9] =	ssyncadd.s32 $0xFFFFEC00  }
0x364: {  	_ =	swait.ge [sflag:s23], $0x28  }
0x365: {  	[sflag:s23] =	ssyncset.done $0x0  }
0x366: {  	[sflag:s23] =	ssyncadd.s32 $0xFFFFFFD8  }
0x367: {  	_ =	swait.ge [sflag:s23], $0x28  }
0x368: {  	[sflag:s23] =	ssyncset.done $0x0  }
0x369: {  	[sflag:s23] =	ssyncadd.s32 $0xFFFFFFD8  }
0x36a: {  	[tilespmem:s25], [sflag:$0x2] =	stream.indirect.gather [hbm4b:s1+s16], $0x80, s20, s16, $0xb8;
	[tilespmem:$0x1BF00] =	vst v63  }
0x36b: {  	s6 =	rddreg [dreg:$0xc]  }
0x36c: {  	[tilespmem:s26], [sflag:$0x2] =	stream.linear.gather [hbm4b:s6+s5], $0x1400, $0x38;
	[tilespmem:$0x1BF00] =	vst v63  }
0x36d: {  	s6 =	simm.s32 $0x500  }
0x36e: {  	s14 =	simm.s32 $0x2D00;
	v7 =	vld [tilespmem:s6+$0x80]  }
0x36f: {  	v8 =	vld [tilespmem:s14+$0x80]  }
0x370: {  	v9 =	vld [tilespmem:s14+$0xFFFFFF00]  }
0x371: {  	v10 =	vld [tilespmem:s6+$0xFFFFFF80]  }
0x372: {  	v11 =	vld [tilespmem:s14+$0xFFFFFF80]  }
0x373: {  	v12 =	vld [tilespmem:s14+$0x0]  }
0x374: {  	v7 =	vadd.f32 v8, v7;
	v8 =	vld [tilespmem:s6+$0x0]  }
0x375: {  	v13 =	vld [tilespmem:s6+$0xFFFFFF00]  }
0x376: {  	v7 =	vmax.f32 v7, $0.0e+00  }
0x377: {  	v10 =	vadd.f32 v11, v10;
	[tilespmem:s6+$0x80] =	vst v7;
	v7 =	vld [tilespmem:s6+$0x90]  }
0x378: {  	v14 =	vld [tilespmem:s14+$0x90]  }
0x379: {  	v15 =	vld [tilespmem:s6+$0xFFFFFF90];
	v10 =	vmax.f32 v10, $0.0e+00;
	v8 =	vadd.f32 v12, v8  }
0x37a: {  	v11 =	vld [tilespmem:s6+$0xFFFFFF10];
	v9 =	vadd.f32 v9, v13;
	[tilespmem:s6+$0xFFFFFF80] =	vst v10  }
0x37b: {  	v12 =	vld [tilespmem:s14+$0xFFFFFF90];
	v8 =	vmax.f32 v8, $0.0e+00  }
0x37c: {  	v9 =	vmax.f32 v9, $0.0e+00;
	v10 =	vld [tilespmem:s6+$0x10];
	[tilespmem:s6+$0x0] =	vst v8  }
0x37d: {  	[tilespmem:s6+$0xFFFFFF00] =	vst v9;
	v7 =	vadd.f32 v14, v7;
	v8 =	vld [tilespmem:s14+$0x10]  }
0x37e: {  	v9 =	vld [tilespmem:s14+$0xFFFFFF10]  }
0x37f: {  	v7 =	vmax.f32 v7, $0.0e+00  }
0x380: {  	v12 =	vadd.f32 v12, v15;
	[tilespmem:s6+$0x90] =	vst v7;
	v7 =	vld [tilespmem:s6+$0xA0]  }
0x381: {  	v14 =	vld [tilespmem:s14+$0xA0]  }
0x382: {  	v13 =	vld [tilespmem:s6+$0xFFFFFF20];
	v12 =	vmax.f32 v12, $0.0e+00;
	v8 =	vadd.f32 v8, v10  }
0x383: {  	v9 =	vadd.f32 v9, v11;
	v15 =	vld [tilespmem:s6+$0xFFFFFFA0];
	[tilespmem:s6+$0xFFFFFF90] =	vst v12  }
0x384: {  	v11 =	vld [tilespmem:s14+$0xFFFFFFA0];
	v8 =	vmax.f32 v8, $0.0e+00  }
0x385: {  	v9 =	vmax.f32 v9, $0.0e+00;
	v10 =	vld [tilespmem:s6+$0x20];
	[tilespmem:s6+$0x10] =	vst v8  }
0x386: {  	[tilespmem:s6+$0xFFFFFF10] =	vst v9;
	v7 =	vadd.f32 v14, v7;
	v8 =	vld [tilespmem:s14+$0x20]  }
0x387: {  	v9 =	vld [tilespmem:s14+$0xFFFFFF20]  }
0x388: {  	v7 =	vmax.f32 v7, $0.0e+00  }
0x389: {  	v11 =	vadd.f32 v11, v15;
	[tilespmem:s6+$0xA0] =	vst v7;
	v7 =	vld [tilespmem:s6+$0xB0]  }
0x38a: {  	v14 =	vld [tilespmem:s14+$0xB0]  }
0x38b: {  	v16 =	vld [tilespmem:s6+$0x30];
	v11 =	vmax.f32 v11, $0.0e+00;
	v8 =	vadd.f32 v8, v10  }
0x38c: {  	v9 =	vadd.f32 v9, v13;
	v15 =	vld [tilespmem:s6+$0xFFFFFFB0];
	[tilespmem:s6+$0xFFFFFFA0] =	vst v11  }
0x38d: {  	v10 =	vld [tilespmem:s14+$0xFFFFFFB0];
	v8 =	vmax.f32 v8, $0.0e+00  }
0x38e: {  	v12 =	vld [tilespmem:s6+$0xFFFFFF30];
	[tilespmem:s6+$0x20] =	vst v8;
	v8 =	vmax.f32 v9, $0.0e+00  }
0x38f: {  	v7 =	vadd.f32 v14, v7;
	[tilespmem:s6+$0xFFFFFF20] =	vst v8;
	v8 =	vld [tilespmem:s14+$0x30]  }
0x390: {  	v13 =	vld [tilespmem:s14+$0xFFFFFF30]  }
0x391: {  	v17 =	vld [tilespmem:s6+$0xFFFFFF40];
	v7 =	vmax.f32 v7, $0.0e+00  }
0x392: {  	v10 =	vadd.f32 v10, v15;
	[tilespmem:s6+$0xB0] =	vst v7;
	v7 =	vld [tilespmem:s6+$0xC0]  }
0x393: {  	v14 =	vld [tilespmem:s14+$0xC0]  }
0x394: {  	v18 =	vld [tilespmem:s6+$0xFFFFFFD0];
	v10 =	vmax.f32 v10, $0.0e+00;
	v8 =	vadd.f32 v8, v16  }
0x395: {  	v11 =	vld [tilespmem:s6+$0xFFFFFFC0];
	[tilespmem:s6+$0xFFFFFFB0] =	vst v10;
	v12 =	vadd.f32 v13, v12  }
0x396: {  	v13 =	vld [tilespmem:s14+$0xFFFFFFC0];
	v8 =	vmax.f32 v8, $0.0e+00  }
0x397: {  	v9 =	vld [tilespmem:s6+$0x40];
	[tilespmem:s6+$0x30] =	vst v8;
	v8 =	vmax.f32 v12, $0.0e+00  }
0x398: {  	v7 =	vadd.f32 v14, v7;
	v12 =	vld [tilespmem:s14+$0x40];
	[tilespmem:s6+$0xFFFFFF30] =	vst v8  }
0x399: {  	v8 =	vld [tilespmem:s14+$0xFFFFFF40]  }
0x39a: {  	v15 =	vld [tilespmem:s6+$0xFFFFFF50];
	v7 =	vmax.f32 v7, $0.0e+00  }
0x39b: {  	[tilespmem:s6+$0xC0] =	vst v7;
	v7 =	vadd.f32 v13, v11;
	v13 =	vld [tilespmem:s6+$0xD0]  }
0x39c: {  	v14 =	vld [tilespmem:s14+$0xD0]  }
0x39d: {  	v10 =	vld [tilespmem:s6+$0xFFFFFF60];
	v7 =	vmax.f32 v7, $0.0e+00;
	v9 =	vadd.f32 v12, v9  }
0x39e: {  	v16 =	vld [tilespmem:s6+$0x50];
	[tilespmem:s6+$0xFFFFFFC0] =	vst v7;
	v7 =	vadd.f32 v8, v17  }
0x39f: {  	v8 =	vld [tilespmem:s14+$0xFFFFFFD0];
	v9 =	vmax.f32 v9, $0.0e+00  }
0x3a0: {  	v11 =	vld [tilespmem:s6+$0xFFFFFFE0];
	[tilespmem:s6+$0x40] =	vst v9;
	v7 =	vmax.f32 v7, $0.0e+00  }
0x3a1: {  	v9 =	vld [tilespmem:s14+$0x50];
	v13 =	vadd.f32 v14, v13;
	[tilespmem:s6+$0xFFFFFF40] =	vst v7  }
0x3a2: {  	v7 =	vld [tilespmem:s14+$0xFFFFFF50]  }
0x3a3: {  	v12 =	vld [tilespmem:s6+$0x60];
	v13 =	vmax.f32 v13, $0.0e+00  }
0x3a4: {  	v8 =	vadd.f32 v8, v18;
	[tilespmem:s6+$0xD0] =	vst v13;
	v13 =	vld [tilespmem:s6+$0xE0]  }
0x3a5: {  	v17 =	vld [tilespmem:s14+$0xE0]  }
0x3a6: {  	v8 =	vmax.f32 v8, $0.0e+00;
	v14 =	vadd.f32 v9, v16;
	v9 =	vld [tilespmem:s6+$0xFFFFFF70]  }
0x3a7: {  	[tilespmem:s6+$0xFFFFFFD0] =	vst v8;
	v7 =	vadd.f32 v7, v15;
	v8 =	vld [tilespmem:s6+$0xFFFFFFF0]  }
0x3a8: {  	v15 =	vmax.f32 v14, $0.0e+00;
	v14 =	vld [tilespmem:s14+$0xFFFFFFE0]  }
0x3a9: {  	[tilespmem:s6+$0x50] =	vst v15;
	v15 =	vmax.f32 v7, $0.0e+00;
	v7 =	vld [tilespmem:s6+$0x70]  }
0x3aa: {  	[tilespmem:s6+$0xFFFFFF50] =	vst v15;
	v15 =	vld [tilespmem:s14+$0x60];
	v13 =	vadd.f32 v17, v13  }
0x3ab: {  	v16 =	vld [tilespmem:s14+$0xFFFFFF60]  }
0x3ac: {  	s10 =	simm.s32 $0x0;
	s11 =	simm.s32 $0x700;
	s17 =	simm.s32 $0x2D00;
	v17 =	vmax.f32 v13, $0.0e+00;
	v13 =	vld [tilespmem:s6+$0xF0]  }
.LBB2_16:
0x3ad: {  	v18 =	vld [tilespmem:s11+$0x80];
	v11 =	vadd.f32 v14, v11;
	[tilespmem:s6+$0xE0] =	vst v17  }
0x3ae: {  	s17 =	sadd.s32 $0x200, s17;
	v14 =	vld [tilespmem:s14+$0xF0]  }
0x3af: {  	s10 =	sadd.s32 $0x4, s10;
	v17 =	vld [tilespmem:s17+$0x80];
	v11 =	vmax.f32 v11, $0.0e+00;
	v12 =	vadd.f32 v15, v12  }
0x3b0: {  	p1 =	slt.u32 s10, $0x24;
	v15 =	vld [tilespmem:s17+$0xFFFFFF00];
	v10 =	vadd.f32 v16, v10;
	[tilespmem:s6+$0xFFFFFFE0] =	vst v11  }
0x3b1: {  	v11 =	vld [tilespmem:s11+$0xFFFFFF80];
	v12 =	vmax.f32 v12, $0.0e+00  }
0x3b2: {  	v16 =	vld [tilespmem:s17+$0xFFFFFF80];
	v10 =	vmax.f32 v10, $0.0e+00;
	[tilespmem:s6+$0x60] =	vst v12  }
0x3b3: {  	v12 =	vld [tilespmem:s11+$0x0];
	[tilespmem:s6+$0xFFFFFF60] =	vst v10;
	v10 =	vadd.f32 v14, v13  }
0x3b4: {  	v13 =	vld [tilespmem:s17+$0x0];
	v14 =	vadd.f32 v17, v18  }
0x3b5: {  	v17 =	vld [tilespmem:s11+$0xFFFFFF00];
	v10 =	vmax.f32 v10, $0.0e+00  }
0x3b6: {  	v18 =	vld [tilespmem:s11+$0xFFFFFF10];
	v14 =	vmax.f32 v14, $0.0e+00;
	[tilespmem:s6+$0xF0] =	vst v10  }
0x3b7: {  	v10 =	vadd.f32 v16, v11;
	[tilespmem:s11+$0x80] =	vst v14;
	v11 =	vld [tilespmem:s11+$0x90]  }
0x3b8: {  	v14 =	vld [tilespmem:s17+$0x90]  }
0x3b9: {  	v10 =	vmax.f32 v10, $0.0e+00;
	v16 =	vld [tilespmem:s11+$0xFFFFFF90];
	v12 =	vadd.f32 v13, v12  }
0x3ba: {  	v13 =	vadd.f32 v15, v17;
	[tilespmem:s11+$0xFFFFFF80] =	vst v10;
	v10 =	vld [tilespmem:s11+$0x10]  }
0x3bb: {  	v15 =	vld [tilespmem:s17+$0xFFFFFF90];
	v12 =	vmax.f32 v12, $0.0e+00  }
0x3bc: {  	v13 =	vmax.f32 v13, $0.0e+00;
	v17 =	vld [tilespmem:s11+$0xFFFFFF20];
	[tilespmem:s11+$0x0] =	vst v12  }
0x3bd: {  	[tilespmem:s11+$0xFFFFFF00] =	vst v13;
	v12 =	vld [tilespmem:s17+$0x10];
	v11 =	vadd.f32 v14, v11  }
0x3be: {  	v13 =	vld [tilespmem:s17+$0xFFFFFF10]  }
0x3bf: {  	v14 =	vld [tilespmem:s11+$0xFFFFFFA0];
	v11 =	vmax.f32 v11, $0.0e+00  }
0x3c0: {  	v15 =	vadd.f32 v15, v16;
	[tilespmem:s11+$0x90] =	vst v11;
	v11 =	vld [tilespmem:s11+$0xA0]  }
0x3c1: {  	v16 =	vld [tilespmem:s17+$0xA0]  }
0x3c2: {  	v15 =	vmax.f32 v15, $0.0e+00;
	v10 =	vadd.f32 v12, v10;
	v12 =	vld [tilespmem:s11+$0x20]  }
0x3c3: {  	v13 =	vadd.f32 v13, v18;
	v18 =	vld [tilespmem:s11+$0xFFFFFF30];
	[tilespmem:s11+$0xFFFFFF90] =	vst v15  }
0x3c4: {  	v15 =	vld [tilespmem:s17+$0xFFFFFFA0];
	v10 =	vmax.f32 v10, $0.0e+00  }
0x3c5: {  	v13 =	vmax.f32 v13, $0.0e+00;
	v19 =	vld [tilespmem:s11+$0xFFFFFFB0];
	[tilespmem:s11+$0x10] =	vst v10  }
0x3c6: {  	[tilespmem:s11+$0xFFFFFF10] =	vst v13;
	v10 =	vld [tilespmem:s17+$0x20];
	v11 =	vadd.f32 v16, v11  }
0x3c7: {  	v13 =	vld [tilespmem:s17+$0xFFFFFF20]  }
0x3c8: {  	v16 =	vld [tilespmem:s11+$0x30];
	v11 =	vmax.f32 v11, $0.0e+00  }
0x3c9: {  	v14 =	vadd.f32 v15, v14;
	[tilespmem:s11+$0xA0] =	vst v11;
	v11 =	vld [tilespmem:s11+$0xB0]  }
0x3ca: {  	v15 =	vld [tilespmem:s17+$0xB0]  }
0x3cb: {  	v20 =	vld [tilespmem:s11+$0xFFFFFF40];
	v14 =	vmax.f32 v14, $0.0e+00;
	v10 =	vadd.f32 v10, v12  }
0x3cc: {  	v12 =	vadd.f32 v13, v17;
	[tilespmem:s11+$0xFFFFFFA0] =	vst v14;
	v13 =	vld [tilespmem:s11+$0xFFFFFFC0]  }
0x3cd: {  	v14 =	vld [tilespmem:s17+$0xFFFFFFB0];
	v10 =	vmax.f32 v10, $0.0e+00  }
0x3ce: {  	v12 =	vmax.f32 v12, $0.0e+00;
	[tilespmem:s11+$0x20] =	vst v10;
	v17 =	vld [tilespmem:s11+$0x40]  }
0x3cf: {  	[tilespmem:s11+$0xFFFFFF20] =	vst v12;
	v10 =	vld [tilespmem:s17+$0x30];
	v11 =	vadd.f32 v15, v11  }
0x3d0: {  	v12 =	vld [tilespmem:s17+$0xFFFFFF30]  }
0x3d1: {  	v15 =	vld [tilespmem:s11+$0xFFFFFF50];
	v11 =	vmax.f32 v11, $0.0e+00  }
0x3d2: {  	v14 =	vadd.f32 v14, v19;
	[tilespmem:s11+$0xB0] =	vst v11;
	v11 =	vld [tilespmem:s11+$0xC0]  }
0x3d3: {  	v19 =	vld [tilespmem:s17+$0xC0]  }
0x3d4: {  	v14 =	vmax.f32 v14, $0.0e+00;
	v21 =	vld [tilespmem:s11+$0xFFFFFFD0];
	v10 =	vadd.f32 v10, v16  }
0x3d5: {  	v12 =	vadd.f32 v12, v18;
	[tilespmem:s11+$0xFFFFFFB0] =	vst v14;
	v14 =	vld [tilespmem:s11+$0x50]  }
0x3d6: {  	v16 =	vld [tilespmem:s17+$0xFFFFFFC0];
	v18 =	vmax.f32 v10, $0.0e+00  }
0x3d7: {  	v12 =	vmax.f32 v12, $0.0e+00;
	v10 =	vld [tilespmem:s11+$0xFFFFFF60];
	[tilespmem:s11+$0x30] =	vst v18  }
0x3d8: {  	[tilespmem:s11+$0xFFFFFF30] =	vst v12;
	v12 =	vld [tilespmem:s17+$0x40];
	v18 =	vadd.f32 v19, v11  }
0x3d9: {  	v19 =	vld [tilespmem:s17+$0xFFFFFF40]  }
0x3da: {  	v11 =	vld [tilespmem:s11+$0xFFFFFFE0];
	v18 =	vmax.f32 v18, $0.0e+00  }
0x3db: {  	v13 =	vadd.f32 v16, v13;
	[tilespmem:s11+$0xC0] =	vst v18;
	v16 =	vld [tilespmem:s11+$0xD0]  }
0x3dc: {  	v18 =	vld [tilespmem:s17+$0xD0]  }
0x3dd: {  	v13 =	vmax.f32 v13, $0.0e+00;
	v17 =	vadd.f32 v12, v17;
	v12 =	vld [tilespmem:s11+$0x60]  }
0x3de: {  	v19 =	vadd.f32 v19, v20;
	[tilespmem:s11+$0xFFFFFFC0] =	vst v13;
	v13 =	vld [tilespmem:s14+$0xFFFFFF70]  }
0x3df: {  	v20 =	vld [tilespmem:s17+$0xFFFFFFD0];
	v17 =	vmax.f32 v17, $0.0e+00  }
0x3e0: {  	v19 =	vmax.f32 v19, $0.0e+00;
	[tilespmem:s11+$0x40] =	vst v17;
	v17 =	vld [tilespmem:s14+$0xFFFFFFF0]  }
0x3e1: {  	[tilespmem:s11+$0xFFFFFF40] =	vst v19;
	v19 =	vld [tilespmem:s17+$0x50];
	v16 =	vadd.f32 v18, v16  }
0x3e2: {  	v18 =	vld [tilespmem:s17+$0xFFFFFF50]  }
0x3e3: {  	v16 =	vmax.f32 v16, $0.0e+00;
	v9 =	vadd.f32 v13, v9;
	v13 =	vld [tilespmem:s14+$0x70];
	s14 =	smov.u32 s17  }
0x3e4: {  	v20 =	vadd.f32 v20, v21;
	[tilespmem:s11+$0xD0] =	vst v16;
	v16 =	vld [tilespmem:s11+$0xE0]  }
0x3e5: {  	v21 =	vld [tilespmem:s17+$0xE0];
	v22 =	vmax.f32 v9, $0.0e+00;
	v17 =	vadd.f32 v17, v8  }
0x3e6: {  	v9 =	vld [tilespmem:s11+$0xFFFFFF70];
	v8 =	vmax.f32 v20, $0.0e+00;
	v19 =	vadd.f32 v19, v14;
	[tilespmem:s6+$0xFFFFFF70] =	vst v22  }
0x3e7: {  	v15 =	vadd.f32 v18, v15;
	[tilespmem:s11+$0xFFFFFFD0] =	vst v8;
	v8 =	vld [tilespmem:s11+$0xFFFFFFF0];
	v17 =	vmax.f32 v17, $0.0e+00  }
.Ltmp7:
0x3e8: {  	v14 =	vld [tilespmem:s17+$0xFFFFFFE0];
	v18 =	vmax.f32 v19, $0.0e+00;
	[tilespmem:s6+$0xFFFFFFF0] =	vst v17;
	v13 =	vadd.f32 v13, v7;
	(pc) =	sbr.rel @p1 .LBB2_16-.Ltmp7, $4  }
0x3e9: {  	v15 =	vmax.f32 v15, $0.0e+00;
	[tilespmem:s11+$0x50] =	vst v18;
	v7 =	vld [tilespmem:s11+$0x70]  }
0x3ea: {  	[tilespmem:s11+$0xFFFFFF50] =	vst v15;
	v15 =	vld [tilespmem:s17+$0x60];
	v17 =	vadd.f32 v21, v16;
	v13 =	vmax.f32 v13, $0.0e+00  }
0x3eb: {  	v16 =	vld [tilespmem:s17+$0xFFFFFF60];
	[tilespmem:s6+$0x70] =	vst v13;
	s6 =	smov.u32 s11  }
0x3ec: {  	s11 =	sadd.s32 $0x200, s11;
	v17 =	vmax.f32 v17, $0.0e+00;
	v13 =	vld [tilespmem:s6+$0xF0]  }
0x3ed: {  	_ =	sdelay $0x2  }
0x3ee: {  	v10 =	vadd.f32 v16, v10  }
0x3ef: {  	v11 =	vadd.f32 v14, v11  }
0x3f0: {  	[tilespmem:s6+$0xE0] =	vst v17;
	v12 =	vadd.f32 v15, v12;
	v10 =	vmax.f32 v10, $0.0e+00  }
0x3f1: {  	v14 =	vld [tilespmem:s14+$0xF0];
	v11 =	vmax.f32 v11, $0.0e+00;
	[tilespmem:s6+$0xFFFFFF60] =	vst v10  }
0x3f2: {  	[tilespmem:s6+$0xFFFFFFE0] =	vst v11;
	v10 =	vmax.f32 v12, $0.0e+00;
	v11 =	vld [tilespmem:s14+$0xFFFFFF70]  }
0x3f3: {  	[tilespmem:s6+$0x60] =	vst v10;
	v10 =	vld [tilespmem:s14+$0xFFFFFFF0]  }
0x3f4: {  	v12 =	vld [tilespmem:s14+$0x70];
	_ =	sdelay $0x1  }
0x3f5: {  	v13 =	vadd.f32 v14, v13  }
0x3f6: {  	v9 =	vadd.f32 v11, v9  }
0x3f7: {  	v11 =	vmax.f32 v13, $0.0e+00;
	v8 =	vadd.f32 v10, v8  }
0x3f8: {  	[tilespmem:s6+$0xF0] =	vst v11;
	v7 =	vadd.f32 v12, v7;
	v9 =	vmax.f32 v9, $0.0e+00  }
0x3f9: {  	v8 =	vmax.f32 v8, $0.0e+00;
	[tilespmem:s6+$0xFFFFFF70] =	vst v9  }
0x3fa: {  	[tilespmem:s6+$0xFFFFFFF0] =	vst v8;
	v7 =	vmax.f32 v7, $0.0e+00  }
0x3fb: {  	[tilespmem:s6+$0x70] =	vst v7  }
0x3fc: {  	v7 =	vld [tilespmem:$0x200];
	_ =	sdelay $0x7  }
0x3fd: {  	[tilespmem:v7+s30+$0x0] =	vst.idx.add.f32.msk $0xffff, v6  }
0x3fe: {  	v7 =	vld [tilespmem:$0x210];
	_ =	sdelay $0x7  }
0x3ff: {  	[tilespmem:v7+s30+$0x0] =	vst.idx.add.f32.msk $0xffff, v6  }
0x400: {  	v7 =	vld [tilespmem:$0x218];
	_ =	sdelay $0x7  }
0x401: {  	[tilespmem:v7+s30+$0x0] =	vst.idx.add.f32.msk vm0, v6  }
0x402: {  	[spmem:s2] =	stream.indirect.scatter.add.f32 [tilespmem:s12], [sflag:$0x7], $0x80, s15, s16, $0xb8;
	[tilespmem:$0x1BF00] =	vst v63  }
0x403: {  	_ =	swait.ge [sflag:s31], $0x1400  }
0x404: {  	[sflag:s31] =	ssyncset.done $0x0  }
0x405: {  	[sflag:s31] =	ssyncadd.s32 $0xFFFFEC00  }
0x406: {  	_ =	swait.ge [sflag:s31], $0x1400  }
0x407: {  	[sflag:s31] =	ssyncset.done $0x0  }
0x408: {  	[sflag:s31] =	ssyncadd.s32 $0xFFFFEC00  }
0x409: {  	_ =	swait.ge [sflag:s0], $0x1400  }
0x40a: {  	[sflag:s0] =	ssyncset.done $0x0  }
0x40b: {  	s6 =	simm.s32 $0x1900;
	[sflag:s0] =	ssyncadd.s32 $0xFFFFEC00  }
0x40c: {  	s14 =	simm.s32 $0x4100;
	v7 =	vld [tilespmem:s6+$0x80]  }
0x40d: {  	v8 =	vld [tilespmem:s14+$0x80]  }
0x40e: {  	v9 =	vld [tilespmem:s14+$0xFFFFFF00]  }
0x40f: {  	v10 =	vld [tilespmem:s6+$0xFFFFFF80]  }
0x410: {  	v11 =	vld [tilespmem:s14+$0xFFFFFF80]  }
0x411: {  	v12 =	vld [tilespmem:s14+$0x0]  }
0x412: {  	v7 =	vadd.f32 v8, v7;
	v8 =	vld [tilespmem:s6+$0x0]  }
0x413: {  	v13 =	vld [tilespmem:s6+$0xFFFFFF00]  }
0x414: {  	v7 =	vmax.f32 v7, $0.0e+00  }
0x415: {  	v10 =	vadd.f32 v11, v10;
	[tilespmem:s6+$0x80] =	vst v7;
	v7 =	vld [tilespmem:s6+$0x90]  }
0x416: {  	v14 =	vld [tilespmem:s14+$0x90]  }
0x417: {  	v15 =	vld [tilespmem:s6+$0xFFFFFF90];
	v10 =	vmax.f32 v10, $0.0e+00;
	v8 =	vadd.f32 v12, v8  }
0x418: {  	v11 =	vld [tilespmem:s6+$0xFFFFFF10];
	v9 =	vadd.f32 v9, v13;
	[tilespmem:s6+$0xFFFFFF80] =	vst v10  }
0x419: {  	v12 =	vld [tilespmem:s14+$0xFFFFFF90];
	v8 =	vmax.f32 v8, $0.0e+00  }
0x41a: {  	v9 =	vmax.f32 v9, $0.0e+00;
	v10 =	vld [tilespmem:s6+$0x10];
	[tilespmem:s6+$0x0] =	vst v8  }
0x41b: {  	[tilespmem:s6+$0xFFFFFF00] =	vst v9;
	v7 =	vadd.f32 v14, v7;
	v8 =	vld [tilespmem:s14+$0x10]  }
0x41c: {  	v9 =	vld [tilespmem:s14+$0xFFFFFF10]  }
0x41d: {  	v7 =	vmax.f32 v7, $0.0e+00  }
0x41e: {  	v12 =	vadd.f32 v12, v15;
	[tilespmem:s6+$0x90] =	vst v7;
	v7 =	vld [tilespmem:s6+$0xA0]  }
0x41f: {  	v14 =	vld [tilespmem:s14+$0xA0]  }
0x420: {  	v13 =	vld [tilespmem:s6+$0xFFFFFF20];
	v12 =	vmax.f32 v12, $0.0e+00;
	v8 =	vadd.f32 v8, v10  }
0x421: {  	v9 =	vadd.f32 v9, v11;
	v15 =	vld [tilespmem:s6+$0xFFFFFFA0];
	[tilespmem:s6+$0xFFFFFF90] =	vst v12  }
0x422: {  	v11 =	vld [tilespmem:s14+$0xFFFFFFA0];
	v8 =	vmax.f32 v8, $0.0e+00  }
0x423: {  	v9 =	vmax.f32 v9, $0.0e+00;
	v10 =	vld [tilespmem:s6+$0x20];
	[tilespmem:s6+$0x10] =	vst v8  }
0x424: {  	[tilespmem:s6+$0xFFFFFF10] =	vst v9;
	v7 =	vadd.f32 v14, v7;
	v8 =	vld [tilespmem:s14+$0x20]  }
0x425: {  	v9 =	vld [tilespmem:s14+$0xFFFFFF20]  }
0x426: {  	v7 =	vmax.f32 v7, $0.0e+00  }
0x427: {  	v11 =	vadd.f32 v11, v15;
	[tilespmem:s6+$0xA0] =	vst v7;
	v7 =	vld [tilespmem:s6+$0xB0]  }
0x428: {  	v14 =	vld [tilespmem:s14+$0xB0]  }
0x429: {  	v16 =	vld [tilespmem:s6+$0x30];
	v11 =	vmax.f32 v11, $0.0e+00;
	v8 =	vadd.f32 v8, v10  }
0x42a: {  	v9 =	vadd.f32 v9, v13;
	v15 =	vld [tilespmem:s6+$0xFFFFFFB0];
	[tilespmem:s6+$0xFFFFFFA0] =	vst v11  }
0x42b: {  	v10 =	vld [tilespmem:s14+$0xFFFFFFB0];
	v8 =	vmax.f32 v8, $0.0e+00  }
0x42c: {  	v12 =	vld [tilespmem:s6+$0xFFFFFF30];
	[tilespmem:s6+$0x20] =	vst v8;
	v8 =	vmax.f32 v9, $0.0e+00  }
0x42d: {  	v7 =	vadd.f32 v14, v7;
	[tilespmem:s6+$0xFFFFFF20] =	vst v8;
	v8 =	vld [tilespmem:s14+$0x30]  }
0x42e: {  	v13 =	vld [tilespmem:s14+$0xFFFFFF30]  }
0x42f: {  	v17 =	vld [tilespmem:s6+$0xFFFFFF40];
	v7 =	vmax.f32 v7, $0.0e+00  }
0x430: {  	v10 =	vadd.f32 v10, v15;
	[tilespmem:s6+$0xB0] =	vst v7;
	v7 =	vld [tilespmem:s6+$0xC0]  }
0x431: {  	v14 =	vld [tilespmem:s14+$0xC0]  }
0x432: {  	v18 =	vld [tilespmem:s6+$0xFFFFFFD0];
	v10 =	vmax.f32 v10, $0.0e+00;
	v8 =	vadd.f32 v8, v16  }
0x433: {  	v11 =	vld [tilespmem:s6+$0xFFFFFFC0];
	[tilespmem:s6+$0xFFFFFFB0] =	vst v10;
	v12 =	vadd.f32 v13, v12  }
0x434: {  	v13 =	vld [tilespmem:s14+$0xFFFFFFC0];
	v8 =	vmax.f32 v8, $0.0e+00  }
0x435: {  	v9 =	vld [tilespmem:s6+$0x40];
	[tilespmem:s6+$0x30] =	vst v8;
	v8 =	vmax.f32 v12, $0.0e+00  }
0x436: {  	v7 =	vadd.f32 v14, v7;
	v12 =	vld [tilespmem:s14+$0x40];
	[tilespmem:s6+$0xFFFFFF30] =	vst v8  }
0x437: {  	v8 =	vld [tilespmem:s14+$0xFFFFFF40]  }
0x438: {  	v15 =	vld [tilespmem:s6+$0xFFFFFF50];
	v7 =	vmax.f32 v7, $0.0e+00  }
0x439: {  	[tilespmem:s6+$0xC0] =	vst v7;
	v7 =	vadd.f32 v13, v11;
	v13 =	vld [tilespmem:s6+$0xD0]  }
0x43a: {  	v14 =	vld [tilespmem:s14+$0xD0]  }
0x43b: {  	v10 =	vld [tilespmem:s6+$0xFFFFFF60];
	v7 =	vmax.f32 v7, $0.0e+00;
	v9 =	vadd.f32 v12, v9  }
0x43c: {  	v16 =	vld [tilespmem:s6+$0x50];
	[tilespmem:s6+$0xFFFFFFC0] =	vst v7;
	v7 =	vadd.f32 v8, v17  }
0x43d: {  	v8 =	vld [tilespmem:s14+$0xFFFFFFD0];
	v9 =	vmax.f32 v9, $0.0e+00  }
0x43e: {  	v11 =	vld [tilespmem:s6+$0xFFFFFFE0];
	[tilespmem:s6+$0x40] =	vst v9;
	v7 =	vmax.f32 v7, $0.0e+00  }
0x43f: {  	v9 =	vld [tilespmem:s14+$0x50];
	v13 =	vadd.f32 v14, v13;
	[tilespmem:s6+$0xFFFFFF40] =	vst v7  }
0x440: {  	v7 =	vld [tilespmem:s14+$0xFFFFFF50]  }
0x441: {  	v12 =	vld [tilespmem:s6+$0x60];
	v13 =	vmax.f32 v13, $0.0e+00  }
0x442: {  	v8 =	vadd.f32 v8, v18;
	[tilespmem:s6+$0xD0] =	vst v13;
	v13 =	vld [tilespmem:s6+$0xE0]  }
0x443: {  	v17 =	vld [tilespmem:s14+$0xE0]  }
0x444: {  	v8 =	vmax.f32 v8, $0.0e+00;
	v14 =	vadd.f32 v9, v16;
	v9 =	vld [tilespmem:s6+$0xFFFFFF70]  }
0x445: {  	[tilespmem:s6+$0xFFFFFFD0] =	vst v8;
	v7 =	vadd.f32 v7, v15;
	v8 =	vld [tilespmem:s6+$0xFFFFFFF0]  }
0x446: {  	v15 =	vmax.f32 v14, $0.0e+00;
	v14 =	vld [tilespmem:s14+$0xFFFFFFE0]  }
0x447: {  	[tilespmem:s6+$0x50] =	vst v15;
	v15 =	vmax.f32 v7, $0.0e+00;
	v7 =	vld [tilespmem:s6+$0x70]  }
0x448: {  	[tilespmem:s6+$0xFFFFFF50] =	vst v15;
	v15 =	vld [tilespmem:s14+$0x60];
	v13 =	vadd.f32 v17, v13  }
0x449: {  	s10 =	simm.s32 $0x0;
	s18 =	rddreg [dreg:$0x3];
	v16 =	vld [tilespmem:s14+$0xFFFFFF60]  }
0x44a: {  	s11 =	simm.s32 $0x1B00;
	s17 =	simm.s32 $0x4100;
	s28 =	rddreg [dreg:$0xf];
	v17 =	vmax.f32 v13, $0.0e+00;
	v13 =	vld [tilespmem:s6+$0xF0]  }
.LBB2_18:
0x44b: {  	v18 =	vld [tilespmem:s11+$0x80];
	v11 =	vadd.f32 v14, v11;
	[tilespmem:s6+$0xE0] =	vst v17  }
0x44c: {  	s17 =	sadd.s32 $0x200, s17;
	v14 =	vld [tilespmem:s14+$0xF0]  }
0x44d: {  	s10 =	sadd.s32 $0x4, s10;
	v17 =	vld [tilespmem:s17+$0x80];
	v11 =	vmax.f32 v11, $0.0e+00;
	v12 =	vadd.f32 v15, v12  }
0x44e: {  	p1 =	slt.u32 s10, $0x24;
	v15 =	vld [tilespmem:s17+$0xFFFFFF00];
	v10 =	vadd.f32 v16, v10;
	[tilespmem:s6+$0xFFFFFFE0] =	vst v11  }
0x44f: {  	v11 =	vld [tilespmem:s11+$0xFFFFFF80];
	v12 =	vmax.f32 v12, $0.0e+00  }
0x450: {  	v16 =	vld [tilespmem:s17+$0xFFFFFF80];
	v10 =	vmax.f32 v10, $0.0e+00;
	[tilespmem:s6+$0x60] =	vst v12  }
0x451: {  	v12 =	vld [tilespmem:s11+$0x0];
	[tilespmem:s6+$0xFFFFFF60] =	vst v10;
	v10 =	vadd.f32 v14, v13  }
0x452: {  	v13 =	vld [tilespmem:s17+$0x0];
	v14 =	vadd.f32 v17, v18  }
0x453: {  	v17 =	vld [tilespmem:s11+$0xFFFFFF00];
	v10 =	vmax.f32 v10, $0.0e+00  }
0x454: {  	v18 =	vld [tilespmem:s11+$0xFFFFFF10];
	v14 =	vmax.f32 v14, $0.0e+00;
	[tilespmem:s6+$0xF0] =	vst v10  }
0x455: {  	v10 =	vadd.f32 v16, v11;
	[tilespmem:s11+$0x80] =	vst v14;
	v11 =	vld [tilespmem:s11+$0x90]  }
0x456: {  	v14 =	vld [tilespmem:s17+$0x90]  }
0x457: {  	v10 =	vmax.f32 v10, $0.0e+00;
	v16 =	vld [tilespmem:s11+$0xFFFFFF90];
	v12 =	vadd.f32 v13, v12  }
0x458: {  	v13 =	vadd.f32 v15, v17;
	[tilespmem:s11+$0xFFFFFF80] =	vst v10;
	v10 =	vld [tilespmem:s11+$0x10]  }
0x459: {  	v15 =	vld [tilespmem:s17+$0xFFFFFF90];
	v12 =	vmax.f32 v12, $0.0e+00  }
0x45a: {  	v13 =	vmax.f32 v13, $0.0e+00;
	v17 =	vld [tilespmem:s11+$0xFFFFFF20];
	[tilespmem:s11+$0x0] =	vst v12  }
0x45b: {  	[tilespmem:s11+$0xFFFFFF00] =	vst v13;
	v12 =	vld [tilespmem:s17+$0x10];
	v11 =	vadd.f32 v14, v11  }
0x45c: {  	v13 =	vld [tilespmem:s17+$0xFFFFFF10]  }
0x45d: {  	v14 =	vld [tilespmem:s11+$0xFFFFFFA0];
	v11 =	vmax.f32 v11, $0.0e+00  }
0x45e: {  	v15 =	vadd.f32 v15, v16;
	[tilespmem:s11+$0x90] =	vst v11;
	v11 =	vld [tilespmem:s11+$0xA0]  }
0x45f: {  	v16 =	vld [tilespmem:s17+$0xA0]  }
0x460: {  	v15 =	vmax.f32 v15, $0.0e+00;
	v10 =	vadd.f32 v12, v10;
	v12 =	vld [tilespmem:s11+$0x20]  }
0x461: {  	v13 =	vadd.f32 v13, v18;
	v18 =	vld [tilespmem:s11+$0xFFFFFF30];
	[tilespmem:s11+$0xFFFFFF90] =	vst v15  }
0x462: {  	v15 =	vld [tilespmem:s17+$0xFFFFFFA0];
	v10 =	vmax.f32 v10, $0.0e+00  }
0x463: {  	v13 =	vmax.f32 v13, $0.0e+00;
	v19 =	vld [tilespmem:s11+$0xFFFFFFB0];
	[tilespmem:s11+$0x10] =	vst v10  }
0x464: {  	[tilespmem:s11+$0xFFFFFF10] =	vst v13;
	v10 =	vld [tilespmem:s17+$0x20];
	v11 =	vadd.f32 v16, v11  }
0x465: {  	v13 =	vld [tilespmem:s17+$0xFFFFFF20]  }
0x466: {  	v16 =	vld [tilespmem:s11+$0x30];
	v11 =	vmax.f32 v11, $0.0e+00  }
0x467: {  	v14 =	vadd.f32 v15, v14;
	[tilespmem:s11+$0xA0] =	vst v11;
	v11 =	vld [tilespmem:s11+$0xB0]  }
0x468: {  	v15 =	vld [tilespmem:s17+$0xB0]  }
0x469: {  	v20 =	vld [tilespmem:s11+$0xFFFFFF40];
	v14 =	vmax.f32 v14, $0.0e+00;
	v10 =	vadd.f32 v10, v12  }
0x46a: {  	v12 =	vadd.f32 v13, v17;
	[tilespmem:s11+$0xFFFFFFA0] =	vst v14;
	v13 =	vld [tilespmem:s11+$0xFFFFFFC0]  }
0x46b: {  	v14 =	vld [tilespmem:s17+$0xFFFFFFB0];
	v10 =	vmax.f32 v10, $0.0e+00  }
0x46c: {  	v12 =	vmax.f32 v12, $0.0e+00;
	[tilespmem:s11+$0x20] =	vst v10;
	v17 =	vld [tilespmem:s11+$0x40]  }
0x46d: {  	[tilespmem:s11+$0xFFFFFF20] =	vst v12;
	v10 =	vld [tilespmem:s17+$0x30];
	v11 =	vadd.f32 v15, v11  }
0x46e: {  	v12 =	vld [tilespmem:s17+$0xFFFFFF30]  }
0x46f: {  	v15 =	vld [tilespmem:s11+$0xFFFFFF50];
	v11 =	vmax.f32 v11, $0.0e+00  }
0x470: {  	v14 =	vadd.f32 v14, v19;
	[tilespmem:s11+$0xB0] =	vst v11;
	v11 =	vld [tilespmem:s11+$0xC0]  }
0x471: {  	v19 =	vld [tilespmem:s17+$0xC0]  }
0x472: {  	v14 =	vmax.f32 v14, $0.0e+00;
	v21 =	vld [tilespmem:s11+$0xFFFFFFD0];
	v10 =	vadd.f32 v10, v16  }
0x473: {  	v12 =	vadd.f32 v12, v18;
	[tilespmem:s11+$0xFFFFFFB0] =	vst v14;
	v14 =	vld [tilespmem:s11+$0x50]  }
0x474: {  	v16 =	vld [tilespmem:s17+$0xFFFFFFC0];
	v18 =	vmax.f32 v10, $0.0e+00  }
0x475: {  	v12 =	vmax.f32 v12, $0.0e+00;
	v10 =	vld [tilespmem:s11+$0xFFFFFF60];
	[tilespmem:s11+$0x30] =	vst v18  }
0x476: {  	[tilespmem:s11+$0xFFFFFF30] =	vst v12;
	v12 =	vld [tilespmem:s17+$0x40];
	v18 =	vadd.f32 v19, v11  }
0x477: {  	v19 =	vld [tilespmem:s17+$0xFFFFFF40]  }
0x478: {  	v11 =	vld [tilespmem:s11+$0xFFFFFFE0];
	v18 =	vmax.f32 v18, $0.0e+00  }
0x479: {  	v13 =	vadd.f32 v16, v13;
	[tilespmem:s11+$0xC0] =	vst v18;
	v16 =	vld [tilespmem:s11+$0xD0]  }
0x47a: {  	v18 =	vld [tilespmem:s17+$0xD0]  }
0x47b: {  	v13 =	vmax.f32 v13, $0.0e+00;
	v17 =	vadd.f32 v12, v17;
	v12 =	vld [tilespmem:s11+$0x60]  }
0x47c: {  	v19 =	vadd.f32 v19, v20;
	[tilespmem:s11+$0xFFFFFFC0] =	vst v13;
	v13 =	vld [tilespmem:s14+$0xFFFFFF70]  }
0x47d: {  	v20 =	vld [tilespmem:s17+$0xFFFFFFD0];
	v17 =	vmax.f32 v17, $0.0e+00  }
0x47e: {  	v19 =	vmax.f32 v19, $0.0e+00;
	[tilespmem:s11+$0x40] =	vst v17;
	v17 =	vld [tilespmem:s14+$0xFFFFFFF0]  }
0x47f: {  	[tilespmem:s11+$0xFFFFFF40] =	vst v19;
	v19 =	vld [tilespmem:s17+$0x50];
	v16 =	vadd.f32 v18, v16  }
0x480: {  	v18 =	vld [tilespmem:s17+$0xFFFFFF50]  }
0x481: {  	v16 =	vmax.f32 v16, $0.0e+00;
	v9 =	vadd.f32 v13, v9;
	v13 =	vld [tilespmem:s14+$0x70];
	s14 =	smov.u32 s17  }
0x482: {  	v20 =	vadd.f32 v20, v21;
	[tilespmem:s11+$0xD0] =	vst v16;
	v16 =	vld [tilespmem:s11+$0xE0]  }
0x483: {  	v21 =	vld [tilespmem:s17+$0xE0];
	v22 =	vmax.f32 v9, $0.0e+00;
	v17 =	vadd.f32 v17, v8  }
0x484: {  	v9 =	vld [tilespmem:s11+$0xFFFFFF70];
	v8 =	vmax.f32 v20, $0.0e+00;
	v19 =	vadd.f32 v19, v14;
	[tilespmem:s6+$0xFFFFFF70] =	vst v22  }
0x485: {  	v15 =	vadd.f32 v18, v15;
	[tilespmem:s11+$0xFFFFFFD0] =	vst v8;
	v8 =	vld [tilespmem:s11+$0xFFFFFFF0];
	v17 =	vmax.f32 v17, $0.0e+00  }
.Ltmp8:
0x486: {  	v14 =	vld [tilespmem:s17+$0xFFFFFFE0];
	v18 =	vmax.f32 v19, $0.0e+00;
	[tilespmem:s6+$0xFFFFFFF0] =	vst v17;
	v13 =	vadd.f32 v13, v7;
	(pc) =	sbr.rel @p1 .LBB2_18-.Ltmp8, $4  }
0x487: {  	v15 =	vmax.f32 v15, $0.0e+00;
	[tilespmem:s11+$0x50] =	vst v18;
	v7 =	vld [tilespmem:s11+$0x70]  }
0x488: {  	[tilespmem:s11+$0xFFFFFF50] =	vst v15;
	v15 =	vld [tilespmem:s17+$0x60];
	v17 =	vadd.f32 v21, v16;
	v13 =	vmax.f32 v13, $0.0e+00  }
0x489: {  	v16 =	vld [tilespmem:s17+$0xFFFFFF60];
	[tilespmem:s6+$0x70] =	vst v13;
	s6 =	smov.u32 s11  }
0x48a: {  	s11 =	sadd.s32 $0x200, s11;
	v17 =	vmax.f32 v17, $0.0e+00;
	v13 =	vld [tilespmem:s6+$0xF0]  }
0x48b: {  	_ = 	snop  }
0x48c: {  	v11 =	vadd.f32 v14, v11  }
0x48d: {  	v12 =	vadd.f32 v15, v12  }
0x48e: {  	[tilespmem:s6+$0xE0] =	vst v17;
	v11 =	vmax.f32 v11, $0.0e+00;
	v10 =	vadd.f32 v16, v10  }
0x48f: {  	v58 =	vld [tilespmem:s14+$0xF0];
	[tilespmem:s6+$0xFFFFFFE0] =	vst v11;
	v59 =	vmax.f32 v12, $0.0e+00  }
0x490: {  	v61 =	vld [tilespmem:s14+$0xFFFFFFF0];
	v10 =	vmax.f32 v10, $0.0e+00;
	[tilespmem:s6+$0x60] =	vst v59  }
0x491: {  	[tilespmem:s6+$0xFFFFFF60] =	vst v10;
	v62 =	vld [tilespmem:s14+$0x70]  }
0x492: {  	v60 =	vld [tilespmem:s14+$0xFFFFFF70];
	_ =	sdelay $0x1  }
0x493: {  	v13 =	vadd.f32 v58, v13  }
0x494: {  	v8 =	vadd.f32 v61, v8  }
0x495: {  	v63 =	vmax.f32 v13, $0.0e+00;
	v7 =	vadd.f32 v62, v7  }
0x496: {  	[tilespmem:s6+$0xF0] =	vst v63;
	v8 =	vmax.f32 v8, $0.0e+00;
	v9 =	vadd.f32 v60, v9  }
0x497: {  	[tilespmem:s6+$0xFFFFFFF0] =	vst v8;
	v7 =	vmax.f32 v7, $0.0e+00  }
0x498: {  	v9 =	vmax.f32 v9, $0.0e+00;
	[tilespmem:s6+$0x70] =	vst v7  }
0x499: {  	[tilespmem:s6+$0xFFFFFF70] =	vst v9  }
0x49a: {  	v7 =	vld [tilespmem:$0x280];
	_ =	sdelay $0x7  }
0x49b: {  	[tilespmem:v7+s30+$0x0] =	vst.idx.add.f32.msk $0xffff, v6  }
0x49c: {  	v7 =	vld [tilespmem:$0x290];
	_ =	sdelay $0x7  }
0x49d: {  	[tilespmem:v7+s30+$0x0] =	vst.idx.add.f32.msk $0xffff, v6  }
0x49e: {  	v7 =	vld [tilespmem:$0x298];
	_ =	sdelay $0x7  }
0x49f: {  	[tilespmem:v7+s30+$0x0] =	vst.idx.add.f32.msk vm0, v6  }
0x4a0: {  	[spmem:s2] =	stream.indirect.scatter.add.f32 [tilespmem:s25], [sflag:$0x8], $0x80, s21, s16, $0xb8;
	[tilespmem:$0x1BF00] =	vst v63  }
0x4a1: {  	_ =	swait.ge [sflag:s9], $0x1400  }
0x4a2: {  	[sflag:s9] =	ssyncset.done $0x0  }
0x4a3: {  	s11 =	simm.s32 $0x50;
	s10 =	simm.s32 $0x7C00;
	[sflag:s9] =	ssyncadd.s32 $0xFFFFEC00  }
0x4a4: {  	[spmem:s18] =	stream.indirect.scatter.add.f32 [tilespmem:s30], [sflag:$0x9], $0x80, s10, s11, $0xb8;
	[tilespmem:$0x1BF00] =	vst v63  }
0x4a5: {  	_ =	swait.ge [sflag:s13], $0x2800  }
0x4a6: {  	s14 =	stileid.u32;
	[sflag:s13] =	ssyncset.done $0x0  }
0x4a7: {  	s17 =	sadd.s32 $0x0, s24;
	s6 =	sshll.u32 s14, $0x6;
	[sflag:s13] =	ssyncadd.s32 $0xFFFFD800  }
0x4a8: {  	s6 =	sor.u32 $0x1C09, s6;
	s11 =	sshrl.u32 s28, $0x3;
	[bflag:$0x0] =	sbarrier.arrive $0xFFFF  }
0x4a9: {  	[hbm:s17], [sflag:s6] =	dma.local [spmem:s11], $0x280  }
0x4aa: {  	_ =	swait.ge [sflag:s13], $0x280  }
0x4ab: {  	s10 =	simm.s32 $0x2800;
	s11 =	rddreg [dreg:$0x10]  }
.LBB2_20:
0x4ac: {  	s14 =	sadd.s32 s10, s24;
	[sflag:s13] =	ssyncset.done $0x0;
	p1 =	sne.s32 s10, $0x25800  }
.Ltmp9:
0x4ad: {  	s17 =	sshrl.u32 s11, $0x3;
	[sflag:s13] =	ssyncadd.s32 $0xFFFFFD80;
	(pc) =	sbr.rel @p1 .LBB2_20-.Ltmp9, $3  }
0x4ae: {  	[hbm:s14], [sflag:s6] =	dma.local [spmem:s17], $0x280  }
0x4af: {  	s10 =	sadd.s32 $0x2800, s10;
	_ =	sdelay $0x1  }
0x4b0: {  	s11 =	sadd.s32 $0x14000, s11;
	_ =	swait.ge [sflag:s13], $0x280  }
0x4b1: {  	[sflag:s13] =	ssyncset.done $0x0;
	s6 =	sshrl.u32 @!p0 s18, $0x3  }
0x4b2: {  	s10 =	simm.s32 @!p0 $0x1C49;
	s11 =	rddreg [dreg:$0xd];
	[sflag:s13] =	ssyncadd.s32 $0xFFFFFD80  }
0x4b3: {  	[hbm:s11], [sflag:s10] =	dma.local @!p0 [spmem:s6], $0x500  }
0x4b4: {  	s6 =	simm.s32 @!p0 $0x9  }
0x4b5: {  	_ =	swait.ge @!p0 [sflag:s6], $0x500  }
0x4b6: {  	s14 =	rddreg [dreg:$0x1f]  }
0x4b7: {  	s17 =	rddreg [dreg:$0xe];
	s11 =	sadd.s32 $0x1, s14  }
0x4b8: {  	p1 =	sne.s32 s11, s17  }
.Ltmp10:
0x4b9: {  	_ = 	snop;
	(pc) =	sbr.rel @p1 .LBB2_1-.Ltmp10, $3  }
0x4ba: {  	_ =	sdelay $0x1  }
0x4bb: {  	[sflag:s6] =	ssyncset.done @!p0 $0x0  }
0x4bc: {  	[sflag:s6] =	ssyncadd.s32 @!p0 $0xFFFFFB00  }
0x4bd: {  	_ =	sfence.sel $0x180000  }
0x4be: {  	[bflag:$0x0] =	sbarrier.arrive $0xFFFF  }
0x4bf: {  	_ =	strace $0x90000047  }
0x4c0: {  	s0 =	stileid.u32;
	[bflag:$0x2] =	sbarrier.arrive $0xFFFF  }
0x4c1: {  	p0 =	sne.s32 s0, $0x0;
	s0 =	rddreg [dreg:$0x4]  }
0x4c2: {  	s0 =	sadd.s32 @!p0 $0x100000, s0  }
0x4c3: {  	[sflag:s0] =	ssyncadd.tile.s32 @!p0 $0x1;
	_ =	shalt  }
.Lfunc_end2:
_tile_overlayer_lowered:
.L_overlay_start_2:
0x4c4: {  	(tag) =	ssettag $0x2  }
0x4c5: {  	s0 =	rddreg [dreg:$0x0];
	s2 =	stileid.u32  }
0x4c6: {  	s1 =	rddreg [dreg:$0x1];
	p0 =	sne.s32 s2, $0x0  }
0x4c7: {  	s3 =	rddreg [dreg:$0x2];
	[bflag:$0x3] =	sbarrier.arrive $0xFFFF;
	s2 =	simm.s32 @!p0 $0x1C09  }
0x4c8: {  	[timem:s3], [sflag:s2] =	dma.local @!p0 [hbm:s0], s1  }
0x4c9: {  	s0 =	simm.s32 @!p0 $0x9  }
0x4ca: {  	_ =	swait.ge @!p0 [sflag:s0], s1  }
0x4cb: {  	s1 =	ssub.s32 @!p0 $0x0, s1;
	[sflag:s0] =	ssyncset.done @!p0 $0x0  }
0x4cc: {  	[sflag:s0] =	ssyncadd.s32 @!p0 s1  }
0x4cd: {  	[bflag:$0x3] =	sbarrier.arrive $0xFFFF  }
0x4ce: {  	_ =	shalt  }

</sc_bundles>
